<compile_context>
chip_gen: v7x
topology: tpu7x:2x2x1
jax: 0.10.2.dev20260603
libtpu: 0.0.44.dev20260713+nightly
codegen_flags: <defaults>
</compile_context>

<pallas_src>
import jax
import jax.numpy as jnp
import numpy as np
from jax import lax
from jax.experimental import pallas as pl
from jax.experimental.pallas import tpu as pltpu
from jax.experimental.pallas import tpu_sc as plsc

N = 10000
E = 320000
D = 128
DA = D + 16
MAXD = 4

NC = 2
NS = 16
NW = NC * NS
CH = 128
CPT = 80
EPT = CPT * CH
EPAD = NW * EPT
RPT = 640
NPAD = NS * RPT
DUMMY = NPAD - 1

GSPLIT = 4

BLK = 512


def _sc_body(x_hbm, row_hbm, col_hbm, sums_hbm, cnt_hbm,
             shared_acc, row_v, col_v, buf_a, buf_b,
             gsem0, gsem1, gsem2, gsem3, gsem4, gsem5, gsem6, gsem7,
             ssem_a, ssem_b):
    c = lax.axis_index("c")
    s = lax.axis_index("s")
    wid = c * NS + s
    zero16 = jnp.zeros((16,), jnp.float32)
    ones16 = jnp.ones((16,), jnp.float32)
    NG = CPT // 8

    def fill(ref, val16):
        def body(i, carry):
            for k in range(D // 16):
                ref[i, pl.ds(k * 16, 16)] = val16
            return carry
        lax.fori_loop(0, CH, body, 0)

    def zero_my_slice(src):
        for k in range(RPT // CH):
            pltpu.sync_copy(src, shared_acc.at[pl.ds(s * RPT + k * CH, CH)])

    def read_my_slice(out_hbm, stage):
        for k in range(RPT // CH):
            off = s * RPT + k * CH
            pltpu.sync_copy(shared_acc.at[pl.ds(off, CH)], stage)
            pltpu.sync_copy(stage, out_hbm.at[c, pl.ds(off, CH)])

    def load_idx(g, slot, rows=True):
        dst = pl.ds(slot * 8, 8)
        src = pl.ds(wid * CPT + g * 8, 8)
        if rows:
            pltpu.sync_copy(row_hbm.at[src], row_v.at[dst])
        pltpu.sync_copy(col_hbm.at[src], col_v.at[dst])

    bufs = (buf_a, buf_b)
    gsems = ((gsem0, gsem1, gsem2, gsem3), (gsem4, gsem5, gsem6, gsem7))
    ssems = (ssem_a, ssem_b)

    GH = CH // GSPLIT

    def gather(g, slot, j):
        for h in range(GSPLIT):
            pltpu.async_copy(
                x_hbm.at[row_v.at[slot * 8 + j, pl.ds(h * GH, GH)]],
                bufs[j % 2].at[pl.ds(h * GH, GH)], gsems[j % 2][h])

    def gwait(j):
        for h in range(GSPLIT):
            pltpu.make_async_copy(x_hbm.at[row_v.at[0, pl.ds(0, GH)]],
                                  bufs[j % 2].at[pl.ds(0, GH)],
                                  gsems[j % 2][h]).wait()

    def scatter(slot, j):
        pltpu.async_copy(bufs[j % 2],
                         shared_acc.at[col_v.at[slot * 8 + j]],
                         ssems[j % 2], add=True)

    def sdrain(sem, n=1):
        for _ in range(n):
            pltpu.make_async_copy(buf_a, shared_acc.at[pl.ds(0, CH)],
                                  sem).wait()

    fill(buf_a, zero16)
    zero_my_slice(buf_a)
    plsc.subcore_barrier()


    load_idx(0, 0)
    gather(0, 0, 0)
    for j in range(8):
        if j >= 1:
            sdrain(ssems[(j + 1) % 2])
        if j < 7:
            gather(0, 0, j + 1)
        else:
            load_idx(1, 1)
            gather(1, 1, 0)
        gwait(j)
        scatter(0, j)

    def group_a(g, carry):
        slot = lax.rem(g, 2)
        for j in range(8):
            sdrain(ssems[(j + 1) % 2])
            if j < 7:
                gather(g, slot, j + 1)
            else:
                @pl.when(g < NG - 1)
                def _():
                    load_idx(g + 1, 1 - slot)
                    gather(g + 1, 1 - slot, 0)
            gwait(j)
            scatter(slot, j)
        return carry
    lax.fori_loop(1, NG, group_a, 0)
    sdrain(ssems[7 % 2])

    plsc.subcore_barrier()
    read_my_slice(sums_hbm, buf_a)

    fill(buf_a, zero16)
    zero_my_slice(buf_a)
    fill(buf_a, ones16)
    plsc.subcore_barrier()

    def fire8(slot):
        for j in range(8):
            pltpu.async_copy(buf_a, shared_acc.at[col_v.at[slot * 8 + j]],
                             gsem0, add=True)

    load_idx(0, 0, rows=False)
    fire8(0)

    def group_b(g, carry):
        slot = lax.rem(g, 2)

        @pl.when(g >= 2)
        def _():
            sdrain(gsem0, 8)
        load_idx(g, slot, rows=False)
        fire8(slot)
        return carry
    lax.fori_loop(1, NG, group_b, 0)
    sdrain(gsem0, 16)

    plsc.subcore_barrier()
    read_my_slice(cnt_hbm, buf_b)


def _segment_sum_sc(x, row2d, col2d, interpret=False):
    mesh = plsc.VectorSubcoreMesh(core_axis_name="c", subcore_axis_name="s")
    return pl.kernel(
        _sc_body,
        out_type=[
            jax.ShapeDtypeStruct((NC, NPAD, D), jnp.float32),
            jax.ShapeDtypeStruct((NC, NPAD, D), jnp.float32),
        ],
        mesh=mesh,
        scratch_types=[
            pltpu.VMEM_SHARED((NPAD, D), jnp.float32),
            pltpu.VMEM((16, CH), jnp.int32),
            pltpu.VMEM((16, CH), jnp.int32),
            pltpu.VMEM((CH, D), jnp.float32),
            pltpu.VMEM((CH, D), jnp.float32),
        ] + [pltpu.SemaphoreType.DMA] * 10,
        interpret=interpret,
    )(x, row2d, col2d)


def _tc_body(x_ref, sums_ref, cnt_ref, w_ref, b_ref, out_ref):
    sums = sums_ref[0] + sums_ref[1]
    cnt = cnt_ref[0, :, 0:1] + cnt_ref[1, :, 0:1]
    neigh = jnp.where(cnt > 0, sums / jnp.maximum(cnt, 1.0), 0.0)
    deg = jnp.minimum(cnt, np.float32(MAXD))
    h = jnp.concatenate([neigh, x_ref[...]], axis=1)
    acc = jnp.zeros((BLK, D), jnp.float32)
    for b in range(MAXD + 1):
        vals = jnp.dot(h, w_ref[b], preferred_element_type=jnp.float32)
        vals = vals + b_ref[b][None, :]
        acc = acc + jnp.where(deg == np.float32(b), vals, 0.0)
    out_ref[...] = acc


def _bucket_mm(x, sums, cnt, w_cat, bias, interpret=False):
    return pl.pallas_call(
        _tc_body,
        grid=(NPAD // BLK,),
        in_specs=[
            pl.BlockSpec((BLK, D), lambda i: (i, 0)),
            pl.BlockSpec((NC, BLK, D), lambda i: (0, i, 0)),
            pl.BlockSpec((NC, BLK, D), lambda i: (0, i, 0)),
            pl.BlockSpec((MAXD + 1, 2 * D, D), lambda i: (0, 0, 0)),
            pl.BlockSpec((MAXD + 1, D), lambda i: (0, 0)),
        ],
        out_specs=pl.BlockSpec((BLK, D), lambda i: (i, 0)),
        out_shape=jax.ShapeDtypeStruct((N, D), jnp.float32),
        interpret=interpret,
    )(x, sums, cnt, w_cat, bias)


@jax.jit
def kernel(x, edge_index, neigh_W, neigh_b, root_W, root_b):
    row, col = edge_index[0], edge_index[1]
    pad = EPAD - E
    row_p = jnp.concatenate(
        [row, jnp.zeros((pad,), jnp.int32)]).reshape(EPAD // CH, CH)
    col_p = jnp.concatenate(
        [col, jnp.full((pad,), DUMMY, jnp.int32)]).reshape(EPAD // CH, CH)
    sums, cnt = _segment_sum_sc(x, row_p, col_p)
    w_cat = jnp.concatenate([neigh_W, root_W], axis=1)
    bias = neigh_b + root_b
    return _bucket_mm(x, sums, cnt, w_cat, bias)

# --- scband reference (transcript-rebuilt; emitter-appended) ---
"""Pipeline reference for scband-mfconv-936302871077 (READ-ONLY COPY).

The authoritative reference and input builder live on the scoring server;
editing this copy changes nothing except your own understanding.
"""

import jax, jax.numpy as jnp
import numpy as np

N = 10000
E = 320000
D_IN = 128
D_OUT = 128
MAX_DEGREE = 4


def setup_inputs(seed: int = 0) -> dict:
    key = jax.random.key(seed)
    k1, k2, k3, k4, k5, k6 = jax.random.split(key, 6)
    x = jax.random.normal(k1, (N, D_IN), dtype=jnp.float32)
    edge_index = jax.random.randint(k2, (2, E), 0, N, dtype=jnp.int32)
    scale = 1.0 / np.sqrt(D_IN)
    neigh_W = jax.random.normal(k3, (MAX_DEGREE + 1, D_IN, D_OUT), dtype=jnp.float32) * scale
    neigh_b = jax.random.normal(k4, (MAX_DEGREE + 1, D_OUT), dtype=jnp.float32) * scale
    root_W = jax.random.normal(k5, (MAX_DEGREE + 1, D_IN, D_OUT), dtype=jnp.float32) * scale
    root_b = jax.random.normal(k6, (MAX_DEGREE + 1, D_OUT), dtype=jnp.float32) * scale
    return {"x": x, "edge_index": edge_index, "neigh_W": neigh_W, "neigh_b": neigh_b, "root_W": root_W, "root_b": root_b}


def reference(x, edge_index, neigh_W, neigh_b, root_W, root_b):
    row, col = edge_index[0], edge_index[1]
    n = x.shape[0]
    # mean_propagate: mean of source-node features over incoming edges (grouped by col)
    msgs = jnp.take(x, row, axis=0)
    sums = jax.ops.segment_sum(msgs, col, num_segments=n)
    counts = jax.ops.segment_sum(jnp.ones((col.shape[0],), dtype=x.dtype), col, num_segments=n)
    neigh = jnp.where(counts[:, None] > 0, sums / jnp.maximum(counts[:, None], 1.0), 0.0)
    # degree = in-degree per node (index_add of ones on col), clamped to max_degree
    degree = jnp.minimum(counts.astype(jnp.int32), MAX_DEGREE)
    out = jnp.zeros((n, neigh_W.shape[2]), dtype=x.dtype)
    for b in range(MAX_DEGREE + 1):
        mask = (degree == b)[:, None]
        vals = neigh @ neigh_W[b] + neigh_b[b] + x @ root_W[b] + root_b[b]
        out = out + jnp.where(mask, vals, jnp.zeros_like(vals))
    return out

if __name__ == "__main__":
    import jax
    _d = setup_inputs()
    print(jax.jit(kernel)(*tuple(_d.values())))

</pallas_src>

<mosaic_0001>
#map = affine_map<(d0, d1) -> (0, 0)>
#map1 = affine_map<(d0, d1) -> (0, 0, 0)>
module attributes {stable_mosaic.version = 14 : i64} {
  func.func @_sc_body(%arg0: i32, %arg1: i32, %arg2: memref<10000x128xf32, #tpu.memory_space<hbm>>, %arg3: memref<2560x128xi32, #tpu.memory_space<hbm>>, %arg4: memref<2560x128xi32, #tpu.memory_space<hbm>>, %arg5: memref<2x10240x128xf32, #tpu.memory_space<hbm>>, %arg6: memref<2x10240x128xf32, #tpu.memory_space<hbm>>, %arg7: memref<10240x128xf32, #tpu.memory_space<vmem_shared>>, %arg8: memref<16x128xi32, #tpu.memory_space<vmem>>, %arg9: memref<16x128xi32, #tpu.memory_space<vmem>>, %arg10: memref<128x128xf32, #tpu.memory_space<vmem>>, %arg11: memref<128x128xf32, #tpu.memory_space<vmem>>, %arg12: memref<!tpu.dma_semaphore, #tpu.memory_space<semaphore_mem>>, %arg13: memref<!tpu.dma_semaphore, #tpu.memory_space<semaphore_mem>>, %arg14: memref<!tpu.dma_semaphore, #tpu.memory_space<semaphore_mem>>, %arg15: memref<!tpu.dma_semaphore, #tpu.memory_space<semaphore_mem>>, %arg16: memref<!tpu.dma_semaphore, #tpu.memory_space<semaphore_mem>>, %arg17: memref<!tpu.dma_semaphore, #tpu.memory_space<semaphore_mem>>, %arg18: memref<!tpu.dma_semaphore, #tpu.memory_space<semaphore_mem>>, %arg19: memref<!tpu.dma_semaphore, #tpu.memory_space<semaphore_mem>>, %arg20: memref<!tpu.dma_semaphore, #tpu.memory_space<semaphore_mem>>, %arg21: memref<!tpu.dma_semaphore, #tpu.memory_space<semaphore_mem>>) attributes {dimension_semantics = [#tpu.dimension_semantics<core_parallel>, #tpu.dimension_semantics<subcore_parallel>], iteration_bounds = array<i64: 2, 16>, scalar_prefetch = 0 : i64, scratch_operands = 15 : i64, tpu.core_type = #tpu.core_type<sc_vector_subcore>, window_params = [{transform_indices = #map}, {transform_indices = #map}, {transform_indices = #map}, {transform_indices = #map1}, {transform_indices = #map1}]} {
    %mul3A = arith.constant 16 : i32
    %mul3A_0 = arith.muli %arg0, %mul3A : i32
    %add3A = arith.addi %mul3A_0, %arg1 : i32
    %broadcast_in_dim3A = arith.constant 0.000000e+00 : f32
    %broadcast_in_dim3A_1 = vector.broadcast %broadcast_in_dim3A : f32 to vector<16xf32>
    %broadcast_in_dim3A_2 = arith.constant 1.000000e+00 : f32
    %broadcast_in_dim3A_3 = vector.broadcast %broadcast_in_dim3A_2 : f32 to vector<16xf32>
    %scan3A = arith.constant 0 : i32
    %scan3A_4 = arith.constant 0 : i32
    %scan3A_5 = arith.constant 128 : i32
    %scan3A_6 = arith.addi %scan3A_4, %scan3A_5 : i32
    %scan3A_7 = arith.constant 1 : i32
    scf.for %scan3A_1062 = %scan3A_4 to %scan3A_6 step %scan3A_7  : i32 {
      %swap3A = arith.index_cast %scan3A_1062 : i32 to index
      %swap3A_1063 = arith.constant 0 : index
      %swap3A_1064 = tpu.vector_load %arg10[%swap3A, %swap3A_1063] {strides = array<i32>} : memref<128x128xf32, #tpu.memory_space<vmem>>, vector<1x16xf32>,
      %swap3A_1065 = vector.shape_cast %swap3A_1064 : vector<1x16xf32> to vector<16xf32>
      %swap3A_1066 = vector.shape_cast %broadcast_in_dim3A_1 : vector<16xf32> to vector<1x16xf32>
      tpu.vector_store %arg10[%swap3A, %swap3A_1063], %swap3A_1066 {strides = array<i32>} : memref<128x128xf32, #tpu.memory_space<vmem>>, vector<1x16xf32>,
      %swap3A_1067 = arith.index_cast %scan3A_1062 : i32 to index
      %swap3A_1068 = arith.constant 16 : index
      %swap3A_1069 = tpu.vector_load %arg10[%swap3A_1067, %swap3A_1068] {strides = array<i32>} : memref<128x128xf32, #tpu.memory_space<vmem>>, vector<1x16xf32>,
      %swap3A_1070 = vector.shape_cast %swap3A_1069 : vector<1x16xf32> to vector<16xf32>
      %swap3A_1071 = vector.shape_cast %broadcast_in_dim3A_1 : vector<16xf32> to vector<1x16xf32>
      tpu.vector_store %arg10[%swap3A_1067, %swap3A_1068], %swap3A_1071 {strides = array<i32>} : memref<128x128xf32, #tpu.memory_space<vmem>>, vector<1x16xf32>,
      %swap3A_1072 = arith.index_cast %scan3A_1062 : i32 to index
      %swap3A_1073 = arith.constant 32 : index
      %swap3A_1074 = tpu.vector_load %arg10[%swap3A_1072, %swap3A_1073] {strides = array<i32>} : memref<128x128xf32, #tpu.memory_space<vmem>>, vector<1x16xf32>,
      %swap3A_1075 = vector.shape_cast %swap3A_1074 : vector<1x16xf32> to vector<16xf32>
      %swap3A_1076 = vector.shape_cast %broadcast_in_dim3A_1 : vector<16xf32> to vector<1x16xf32>
      tpu.vector_store %arg10[%swap3A_1072, %swap3A_1073], %swap3A_1076 {strides = array<i32>} : memref<128x128xf32, #tpu.memory_space<vmem>>, vector<1x16xf32>,
      %swap3A_1077 = arith.index_cast %scan3A_1062 : i32 to index
      %swap3A_1078 = arith.constant 48 : index
      %swap3A_1079 = tpu.vector_load %arg10[%swap3A_1077, %swap3A_1078] {strides = array<i32>} : memref<128x128xf32, #tpu.memory_space<vmem>>, vector<1x16xf32>,
      %swap3A_1080 = vector.shape_cast %swap3A_1079 : vector<1x16xf32> to vector<16xf32>
      %swap3A_1081 = vector.shape_cast %broadcast_in_dim3A_1 : vector<16xf32> to vector<1x16xf32>
      tpu.vector_store %arg10[%swap3A_1077, %swap3A_1078], %swap3A_1081 {strides = array<i32>} : memref<128x128xf32, #tpu.memory_space<vmem>>, vector<1x16xf32>,
      %swap3A_1082 = arith.index_cast %scan3A_1062 : i32 to index
      %swap3A_1083 = arith.constant 64 : index
      %swap3A_1084 = tpu.vector_load %arg10[%swap3A_1082, %swap3A_1083] {strides = array<i32>} : memref<128x128xf32, #tpu.memory_space<vmem>>, vector<1x16xf32>,
      %swap3A_1085 = vector.shape_cast %swap3A_1084 : vector<1x16xf32> to vector<16xf32>
      %swap3A_1086 = vector.shape_cast %broadcast_in_dim3A_1 : vector<16xf32> to vector<1x16xf32>
      tpu.vector_store %arg10[%swap3A_1082, %swap3A_1083], %swap3A_1086 {strides = array<i32>} : memref<128x128xf32, #tpu.memory_space<vmem>>, vector<1x16xf32>,
      %swap3A_1087 = arith.index_cast %scan3A_1062 : i32 to index
      %swap3A_1088 = arith.constant 80 : index
      %swap3A_1089 = tpu.vector_load %arg10[%swap3A_1087, %swap3A_1088] {strides = array<i32>} : memref<128x128xf32, #tpu.memory_space<vmem>>, vector<1x16xf32>,
      %swap3A_1090 = vector.shape_cast %swap3A_1089 : vector<1x16xf32> to vector<16xf32>
      %swap3A_1091 = vector.shape_cast %broadcast_in_dim3A_1 : vector<16xf32> to vector<1x16xf32>
      tpu.vector_store %arg10[%swap3A_1087, %swap3A_1088], %swap3A_1091 {strides = array<i32>} : memref<128x128xf32, #tpu.memory_space<vmem>>, vector<1x16xf32>,
      %swap3A_1092 = arith.index_cast %scan3A_1062 : i32 to index
      %swap3A_1093 = arith.constant 96 : index
      %swap3A_1094 = tpu.vector_load %arg10[%swap3A_1092, %swap3A_1093] {strides = array<i32>} : memref<128x128xf32, #tpu.memory_space<vmem>>, vector<1x16xf32>,
      %swap3A_1095 = vector.shape_cast %swap3A_1094 : vector<1x16xf32> to vector<16xf32>
      %swap3A_1096 = vector.shape_cast %broadcast_in_dim3A_1 : vector<16xf32> to vector<1x16xf32>
      tpu.vector_store %arg10[%swap3A_1092, %swap3A_1093], %swap3A_1096 {strides = array<i32>} : memref<128x128xf32, #tpu.memory_space<vmem>>, vector<1x16xf32>,
      %swap3A_1097 = arith.index_cast %scan3A_1062 : i32 to index
      %swap3A_1098 = arith.constant 112 : index
      %swap3A_1099 = tpu.vector_load %arg10[%swap3A_1097, %swap3A_1098] {strides = array<i32>} : memref<128x128xf32, #tpu.memory_space<vmem>>, vector<1x16xf32>,
      %swap3A_1100 = vector.shape_cast %swap3A_1099 : vector<1x16xf32> to vector<16xf32>
      %swap3A_1101 = vector.shape_cast %broadcast_in_dim3A_1 : vector<16xf32> to vector<1x16xf32>
      tpu.vector_store %arg10[%swap3A_1097, %swap3A_1098], %swap3A_1101 {strides = array<i32>} : memref<128x128xf32, #tpu.memory_space<vmem>>, vector<1x16xf32>,
    }
    %scan3A_8 = arith.constant 128 : i32
    %mul3A_9 = arith.constant 640 : i32
    %mul3A_10 = arith.muli %arg1, %mul3A_9 : i32
    %add3A_11 = arith.constant 0 : i32
    %add3A_12 = arith.addi %mul3A_10, %add3A_11 : i32
    "tpu.region"() ({
      %run_scoped3A = tpu.sem_alloc : memref<!tpu.dma_semaphore, #tpu.memory_space<semaphore_mem>>
      %dma_start3A_1062 = arith.constant 0 : i32
      %dma_start3A_1063 = tpu.memref_slice %arg7[%add3A_12, %dma_start3A_1062] : memref<10240x128xf32, #tpu.memory_space<vmem_shared>> -> memref<128x128xf32, #tpu.memory_space<vmem_shared>>
      %dma_start3A_1064 = arith.constant 0 : i32
      %dma_start3A_1065 = tpu.memref_slice %arg7[%add3A_12, %dma_start3A_1064] : memref<10240x128xf32, #tpu.memory_space<vmem_shared>> -> memref<128x128xf32, #tpu.memory_space<vmem_shared>>
      tpu.enqueue_dma source(%arg10 : memref<128x128xf32, #tpu.memory_space<vmem>>) target(%dma_start3A_1065 : memref<128x128xf32, #tpu.memory_space<vmem_shared>>) target_semaphore(%run_scoped3A : memref<!tpu.dma_semaphore, #tpu.memory_space<semaphore_mem>>)
      %dma_wait3A_1066 = arith.constant 0 : i32
      %dma_wait3A_1067 = tpu.memref_slice %arg7[%add3A_12, %dma_wait3A_1066] : memref<10240x128xf32, #tpu.memory_space<vmem_shared>> -> memref<128x128xf32, #tpu.memory_space<vmem_shared>>
      %dma_wait3A_1068 = arith.constant 0 : i32
      %dma_wait3A_1069 = tpu.memref_slice %arg7[%add3A_12, %dma_wait3A_1068] : memref<10240x128xf32, #tpu.memory_space<vmem_shared>> -> memref<128x128xf32, #tpu.memory_space<vmem_shared>>
      tpu.wait_dma2 semaphore(%run_scoped3A : memref<!tpu.dma_semaphore, #tpu.memory_space<semaphore_mem>>) src(%arg10 : memref<128x128xf32, #tpu.memory_space<vmem>>) dst(%dma_wait3A_1069 : memref<128x128xf32, #tpu.memory_space<vmem_shared>>)
      tpu.yield
    }) : () -> ()
    %mul3A_13 = arith.constant 640 : i32
    %mul3A_14 = arith.muli %arg1, %mul3A_13 : i32
    %add3A_15 = arith.constant 128 : i32
    %add3A_16 = arith.addi %mul3A_14, %add3A_15 : i32
    "tpu.region"() ({
      %run_scoped3A = tpu.sem_alloc : memref<!tpu.dma_semaphore, #tpu.memory_space<semaphore_mem>>
      %dma_start3A_1062 = arith.constant 0 : i32
      %dma_start3A_1063 = tpu.memref_slice %arg7[%add3A_16, %dma_start3A_1062] : memref<10240x128xf32, #tpu.memory_space<vmem_shared>> -> memref<128x128xf32, #tpu.memory_space<vmem_shared>>
      %dma_start3A_1064 = arith.constant 0 : i32
      %dma_start3A_1065 = tpu.memref_slice %arg7[%add3A_16, %dma_start3A_1064] : memref<10240x128xf32, #tpu.memory_space<vmem_shared>> -> memref<128x128xf32, #tpu.memory_space<vmem_shared>>
      tpu.enqueue_dma source(%arg10 : memref<128x128xf32, #tpu.memory_space<vmem>>) target(%dma_start3A_1065 : memref<128x128xf32, #tpu.memory_space<vmem_shared>>) target_semaphore(%run_scoped3A : memref<!tpu.dma_semaphore, #tpu.memory_space<semaphore_mem>>)
      %dma_wait3A_1066 = arith.constant 0 : i32
      %dma_wait3A_1067 = tpu.memref_slice %arg7[%add3A_16, %dma_wait3A_1066] : memref<10240x128xf32, #tpu.memory_space<vmem_shared>> -> memref<128x128xf32, #tpu.memory_space<vmem_shared>>
      %dma_wait3A_1068 = arith.constant 0 : i32
      %dma_wait3A_1069 = tpu.memref_slice %arg7[%add3A_16, %dma_wait3A_1068] : memref<10240x128xf32, #tpu.memory_space<vmem_shared>> -> memref<128x128xf32, #tpu.memory_space<vmem_shared>>
      tpu.wait_dma2 semaphore(%run_scoped3A : memref<!tpu.dma_semaphore, #tpu.memory_space<semaphore_mem>>) src(%arg10 : memref<128x128xf32, #tpu.memory_space<vmem>>) dst(%dma_wait3A_1069 : memref<128x128xf32, #tpu.memory_space<vmem_shared>>)
      tpu.yield
    }) : () -> ()
    %mul3A_17 = arith.constant 640 : i32
    %mul3A_18 = arith.muli %arg1, %mul3A_17 : i32
    %add3A_19 = arith.constant 256 : i32
    %add3A_20 = arith.addi %mul3A_18, %add3A_19 : i32
    "tpu.region"() ({
      %run_scoped3A = tpu.sem_alloc : memref<!tpu.dma_semaphore, #tpu.memory_space<semaphore_mem>>
      %dma_start3A_1062 = arith.constant 0 : i32
      %dma_start3A_1063 = tpu.memref_slice %arg7[%add3A_20, %dma_start3A_1062] : memref<10240x128xf32, #tpu.memory_space<vmem_shared>> -> memref<128x128xf32, #tpu.memory_space<vmem_shared>>
      %dma_start3A_1064 = arith.constant 0 : i32
      %dma_start3A_1065 = tpu.memref_slice %arg7[%add3A_20, %dma_start3A_1064] : memref<10240x128xf32, #tpu.memory_space<vmem_shared>> -> memref<128x128xf32, #tpu.memory_space<vmem_shared>>
      tpu.enqueue_dma source(%arg10 : memref<128x128xf32, #tpu.memory_space<vmem>>) target(%dma_start3A_1065 : memref<128x128xf32, #tpu.memory_space<vmem_shared>>) target_semaphore(%run_scoped3A : memref<!tpu.dma_semaphore, #tpu.memory_space<semaphore_mem>>)
      %dma_wait3A_1066 = arith.constant 0 : i32
      %dma_wait3A_1067 = tpu.memref_slice %arg7[%add3A_20, %dma_wait3A_1066] : memref<10240x128xf32, #tpu.memory_space<vmem_shared>> -> memref<128x128xf32, #tpu.memory_space<vmem_shared>>
      %dma_wait3A_1068 = arith.constant 0 : i32
      %dma_wait3A_1069 = tpu.memref_slice %arg7[%add3A_20, %dma_wait3A_1068] : memref<10240x128xf32, #tpu.memory_space<vmem_shared>> -> memref<128x128xf32, #tpu.memory_space<vmem_shared>>
      tpu.wait_dma2 semaphore(%run_scoped3A : memref<!tpu.dma_semaphore, #tpu.memory_space<semaphore_mem>>) src(%arg10 : memref<128x128xf32, #tpu.memory_space<vmem>>) dst(%dma_wait3A_1069 : memref<128x128xf32, #tpu.memory_space<vmem_shared>>)
      tpu.yield
    }) : () -> ()
    %mul3A_21 = arith.constant 640 : i32
    %mul3A_22 = arith.muli %arg1, %mul3A_21 : i32
    %add3A_23 = arith.constant 384 : i32
    %add3A_24 = arith.addi %mul3A_22, %add3A_23 : i32
    "tpu.region"() ({
      %run_scoped3A = tpu.sem_alloc : memref<!tpu.dma_semaphore, #tpu.memory_space<semaphore_mem>>
      %dma_start3A_1062 = arith.constant 0 : i32
      %dma_start3A_1063 = tpu.memref_slice %arg7[%add3A_24, %dma_start3A_1062] : memref<10240x128xf32, #tpu.memory_space<vmem_shared>> -> memref<128x128xf32, #tpu.memory_space<vmem_shared>>
      %dma_start3A_1064 = arith.constant 0 : i32
      %dma_start3A_1065 = tpu.memref_slice %arg7[%add3A_24, %dma_start3A_1064] : memref<10240x128xf32, #tpu.memory_space<vmem_shared>> -> memref<128x128xf32, #tpu.memory_space<vmem_shared>>
      tpu.enqueue_dma source(%arg10 : memref<128x128xf32, #tpu.memory_space<vmem>>) target(%dma_start3A_1065 : memref<128x128xf32, #tpu.memory_space<vmem_shared>>) target_semaphore(%run_scoped3A : memref<!tpu.dma_semaphore, #tpu.memory_space<semaphore_mem>>)
      %dma_wait3A_1066 = arith.constant 0 : i32
      %dma_wait3A_1067 = tpu.memref_slice %arg7[%add3A_24, %dma_wait3A_1066] : memref<10240x128xf32, #tpu.memory_space<vmem_shared>> -> memref<128x128xf32, #tpu.memory_space<vmem_shared>>
      %dma_wait3A_1068 = arith.constant 0 : i32
      %dma_wait3A_1069 = tpu.memref_slice %arg7[%add3A_24, %dma_wait3A_1068] : memref<10240x128xf32, #tpu.memory_space<vmem_shared>> -> memref<128x128xf32, #tpu.memory_space<vmem_shared>>
      tpu.wait_dma2 semaphore(%run_scoped3A : memref<!tpu.dma_semaphore, #tpu.memory_space<semaphore_mem>>) src(%arg10 : memref<128x128xf32, #tpu.memory_space<vmem>>) dst(%dma_wait3A_1069 : memref<128x128xf32, #tpu.memory_space<vmem_shared>>)
      tpu.yield
    }) : () -> ()
    %mul3A_25 = arith.constant 640 : i32
    %mul3A_26 = arith.muli %arg1, %mul3A_25 : i32
    %add3A_27 = arith.constant 512 : i32
    %add3A_28 = arith.addi %mul3A_26, %add3A_27 : i32
    "tpu.region"() ({
      %run_scoped3A = tpu.sem_alloc : memref<!tpu.dma_semaphore, #tpu.memory_space<semaphore_mem>>
      %dma_start3A_1062 = arith.constant 0 : i32
      %dma_start3A_1063 = tpu.memref_slice %arg7[%add3A_28, %dma_start3A_1062] : memref<10240x128xf32, #tpu.memory_space<vmem_shared>> -> memref<128x128xf32, #tpu.memory_space<vmem_shared>>
      %dma_start3A_1064 = arith.constant 0 : i32
      %dma_start3A_1065 = tpu.memref_slice %arg7[%add3A_28, %dma_start3A_1064] : memref<10240x128xf32, #tpu.memory_space<vmem_shared>> -> memref<128x128xf32, #tpu.memory_space<vmem_shared>>
      tpu.enqueue_dma source(%arg10 : memref<128x128xf32, #tpu.memory_space<vmem>>) target(%dma_start3A_1065 : memref<128x128xf32, #tpu.memory_space<vmem_shared>>) target_semaphore(%run_scoped3A : memref<!tpu.dma_semaphore, #tpu.memory_space<semaphore_mem>>)
      %dma_wait3A_1066 = arith.constant 0 : i32
      %dma_wait3A_1067 = tpu.memref_slice %arg7[%add3A_28, %dma_wait3A_1066] : memref<10240x128xf32, #tpu.memory_space<vmem_shared>> -> memref<128x128xf32, #tpu.memory_space<vmem_shared>>
      %dma_wait3A_1068 = arith.constant 0 : i32
      %dma_wait3A_1069 = tpu.memref_slice %arg7[%add3A_28, %dma_wait3A_1068] : memref<10240x128xf32, #tpu.memory_space<vmem_shared>> -> memref<128x128xf32, #tpu.memory_space<vmem_shared>>
      tpu.wait_dma2 semaphore(%run_scoped3A : memref<!tpu.dma_semaphore, #tpu.memory_space<semaphore_mem>>) src(%arg10 : memref<128x128xf32, #tpu.memory_space<vmem>>) dst(%dma_wait3A_1069 : memref<128x128xf32, #tpu.memory_space<vmem_shared>>)
      tpu.yield
    }) : () -> ()
    %barrier3A = arith.constant 0 : index
    tpu.barrier barrier_id(%barrier3A)
    %mul3A_29 = arith.constant 80 : i32
    %mul3A_30 = arith.muli %add3A, %mul3A_29 : i32
    %add3A_31 = arith.constant 0 : i32
    %add3A_32 = arith.addi %mul3A_30, %add3A_31 : i32
    "tpu.region"() ({
      %run_scoped3A = tpu.sem_alloc : memref<!tpu.dma_semaphore, #tpu.memory_space<semaphore_mem>>
      %dma_start3A_1062 = arith.constant 0 : i32
      %dma_start3A_1063 = arith.constant 0 : i32
      %dma_start3A_1064 = tpu.memref_slice %arg8[%dma_start3A_1062, %dma_start3A_1063] : memref<16x128xi32, #tpu.memory_space<vmem>> -> memref<8x128xi32, #tpu.memory_space<vmem>>
      %dma_start3A_1065 = arith.constant 0 : i32
      %dma_start3A_1066 = tpu.memref_slice %arg3[%add3A_32, %dma_start3A_1065] : memref<2560x128xi32, #tpu.memory_space<hbm>> -> memref<8x128xi32, #tpu.memory_space<hbm>>
      %dma_start3A_1067 = arith.constant 0 : i32
      %dma_start3A_1068 = arith.constant 0 : i32
      %dma_start3A_1069 = tpu.memref_slice %arg8[%dma_start3A_1067, %dma_start3A_1068] : memref<16x128xi32, #tpu.memory_space<vmem>> -> memref<8x128xi32, #tpu.memory_space<vmem>>
      %dma_start3A_1070 = arith.constant 0 : i32
      %dma_start3A_1071 = tpu.memref_slice %arg3[%add3A_32, %dma_start3A_1070] : memref<2560x128xi32, #tpu.memory_space<hbm>> -> memref<8x128xi32, #tpu.memory_space<hbm>>
      tpu.enqueue_dma source(%dma_start3A_1071 : memref<8x128xi32, #tpu.memory_space<hbm>>) target(%dma_start3A_1069 : memref<8x128xi32, #tpu.memory_space<vmem>>) target_semaphore(%run_scoped3A : memref<!tpu.dma_semaphore, #tpu.memory_space<semaphore_mem>>)
      %dma_wait3A_1072 = arith.constant 0 : i32
      %dma_wait3A_1073 = arith.constant 0 : i32
      %dma_wait3A_1074 = tpu.memref_slice %arg8[%dma_wait3A_1072, %dma_wait3A_1073] : memref<16x128xi32, #tpu.memory_space<vmem>> -> memref<8x128xi32, #tpu.memory_space<vmem>>
      %dma_wait3A_1075 = arith.constant 0 : i32
      %dma_wait3A_1076 = tpu.memref_slice %arg3[%add3A_32, %dma_wait3A_1075] : memref<2560x128xi32, #tpu.memory_space<hbm>> -> memref<8x128xi32, #tpu.memory_space<hbm>>
      %dma_wait3A_1077 = arith.constant 0 : i32
      %dma_wait3A_1078 = arith.constant 0 : i32
      %dma_wait3A_1079 = tpu.memref_slice %arg8[%dma_wait3A_1077, %dma_wait3A_1078] : memref<16x128xi32, #tpu.memory_space<vmem>> -> memref<8x128xi32, #tpu.memory_space<vmem>>
      %dma_wait3A_1080 = arith.constant 0 : i32
      %dma_wait3A_1081 = tpu.memref_slice %arg3[%add3A_32, %dma_wait3A_1080] : memref<2560x128xi32, #tpu.memory_space<hbm>> -> memref<8x128xi32, #tpu.memory_space<hbm>>
      tpu.wait_dma2 semaphore(%run_scoped3A : memref<!tpu.dma_semaphore, #tpu.memory_space<semaphore_mem>>) src(%dma_wait3A_1081 : memref<8x128xi32, #tpu.memory_space<hbm>>) dst(%dma_wait3A_1079 : memref<8x128xi32, #tpu.memory_space<vmem>>)
      tpu.yield
    }) : () -> ()
    "tpu.region"() ({
      %run_scoped3A = tpu.sem_alloc : memref<!tpu.dma_semaphore, #tpu.memory_space<semaphore_mem>>
      %dma_start3A_1062 = arith.constant 0 : i32
      %dma_start3A_1063 = arith.constant 0 : i32
      %dma_start3A_1064 = tpu.memref_slice %arg9[%dma_start3A_1062, %dma_start3A_1063] : memref<16x128xi32, #tpu.memory_space<vmem>> -> memref<8x128xi32, #tpu.memory_space<vmem>>
      %dma_start3A_1065 = arith.constant 0 : i32
      %dma_start3A_1066 = tpu.memref_slice %arg4[%add3A_32, %dma_start3A_1065] : memref<2560x128xi32, #tpu.memory_space<hbm>> -> memref<8x128xi32, #tpu.memory_space<hbm>>
      %dma_start3A_1067 = arith.constant 0 : i32
      %dma_start3A_1068 = arith.constant 0 : i32
      %dma_start3A_1069 = tpu.memref_slice %arg9[%dma_start3A_1067, %dma_start3A_1068] : memref<16x128xi32, #tpu.memory_space<vmem>> -> memref<8x128xi32, #tpu.memory_space<vmem>>
      %dma_start3A_1070 = arith.constant 0 : i32
      %dma_start3A_1071 = tpu.memref_slice %arg4[%add3A_32, %dma_start3A_1070] : memref<2560x128xi32, #tpu.memory_space<hbm>> -> memref<8x128xi32, #tpu.memory_space<hbm>>
      tpu.enqueue_dma source(%dma_start3A_1071 : memref<8x128xi32, #tpu.memory_space<hbm>>) target(%dma_start3A_1069 : memref<8x128xi32, #tpu.memory_space<vmem>>) target_semaphore(%run_scoped3A : memref<!tpu.dma_semaphore, #tpu.memory_space<semaphore_mem>>)
      %dma_wait3A_1072 = arith.constant 0 : i32
      %dma_wait3A_1073 = arith.constant 0 : i32
      %dma_wait3A_1074 = tpu.memref_slice %arg9[%dma_wait3A_1072, %dma_wait3A_1073] : memref<16x128xi32, #tpu.memory_space<vmem>> -> memref<8x128xi32, #tpu.memory_space<vmem>>
      %dma_wait3A_1075 = arith.constant 0 : i32
      %dma_wait3A_1076 = tpu.memref_slice %arg4[%add3A_32, %dma_wait3A_1075] : memref<2560x128xi32, #tpu.memory_space<hbm>> -> memref<8x128xi32, #tpu.memory_space<hbm>>
      %dma_wait3A_1077 = arith.constant 0 : i32
      %dma_wait3A_1078 = arith.constant 0 : i32
      %dma_wait3A_1079 = tpu.memref_slice %arg9[%dma_wait3A_1077, %dma_wait3A_1078] : memref<16x128xi32, #tpu.memory_space<vmem>> -> memref<8x128xi32, #tpu.memory_space<vmem>>
      %dma_wait3A_1080 = arith.constant 0 : i32
      %dma_wait3A_1081 = tpu.memref_slice %arg4[%add3A_32, %dma_wait3A_1080] : memref<2560x128xi32, #tpu.memory_space<hbm>> -> memref<8x128xi32, #tpu.memory_space<hbm>>
      tpu.wait_dma2 semaphore(%run_scoped3A : memref<!tpu.dma_semaphore, #tpu.memory_space<semaphore_mem>>) src(%dma_wait3A_1081 : memref<8x128xi32, #tpu.memory_space<hbm>>) dst(%dma_wait3A_1079 : memref<8x128xi32, #tpu.memory_space<vmem>>)
      tpu.yield
    }) : () -> ()
    %dma_start3A = arith.constant 0 : i32
    %dma_start3A_33 = arith.constant 0 : i32
    %dma_start3A_34 = arith.constant 0 : i32
    %dma_start3A_35 = tpu.memref_slice %arg10[%dma_start3A_33, %dma_start3A_34] : memref<128x128xf32, #tpu.memory_space<vmem>> -> memref<32x128xf32, #tpu.memory_space<vmem>>
    %dma_start3A_36 = arith.constant 0 : i32
    %dma_start3A_37 = tpu.memref_slice %arg8[%dma_start3A, %dma_start3A_36] : memref<16x128xi32, #tpu.memory_space<vmem>> -> memref<1x32xi32, #tpu.memory_space<vmem>>
    %dma_start3A_38 = tpu.memref_squeeze %dma_start3A_37 : memref<1x32xi32, #tpu.memory_space<vmem>> -> memref<32xi32, #tpu.memory_space<vmem>>
    %dma_start3A_39 = arith.constant 0 : i32
    %dma_start3A_40 = arith.constant 0 : i32
    %dma_start3A_41 = tpu.memref_slice %arg2[%dma_start3A_39, %dma_start3A_40] : memref<10000x128xf32, #tpu.memory_space<hbm>> -> memref<10000x128xf32, #tpu.memory_space<hbm>>
    tpu.enqueue_indirect_dma source(%dma_start3A_41 : memref<10000x128xf32, #tpu.memory_space<hbm>>) target(%dma_start3A_35 : memref<32x128xf32, #tpu.memory_space<vmem>>) offsets(%dma_start3A_38 : memref<32xi32, #tpu.memory_space<vmem>>) semaphore(%arg12 : memref<!tpu.dma_semaphore, #tpu.memory_space<semaphore_mem>>)
    %dma_start3A_42 = arith.constant 0 : i32
    %dma_start3A_43 = arith.constant 32 : i32
    %dma_start3A_44 = arith.constant 0 : i32
    %dma_start3A_45 = tpu.memref_slice %arg10[%dma_start3A_43, %dma_start3A_44] : memref<128x128xf32, #tpu.memory_space<vmem>> -> memref<32x128xf32, #tpu.memory_space<vmem>>
    %dma_start3A_46 = arith.constant 32 : i32
    %dma_start3A_47 = tpu.memref_slice %arg8[%dma_start3A_42, %dma_start3A_46] : memref<16x128xi32, #tpu.memory_space<vmem>> -> memref<1x32xi32, #tpu.memory_space<vmem>>
    %dma_start3A_48 = tpu.memref_squeeze %dma_start3A_47 : memref<1x32xi32, #tpu.memory_space<vmem>> -> memref<32xi32, #tpu.memory_space<vmem>>
    %dma_start3A_49 = arith.constant 0 : i32
    %dma_start3A_50 = arith.constant 0 : i32
    %dma_start3A_51 = tpu.memref_slice %arg2[%dma_start3A_49, %dma_start3A_50] : memref<10000x128xf32, #tpu.memory_space<hbm>> -> memref<10000x128xf32, #tpu.memory_space<hbm>>
    tpu.enqueue_indirect_dma source(%dma_start3A_51 : memref<10000x128xf32, #tpu.memory_space<hbm>>) target(%dma_start3A_45 : memref<32x128xf32, #tpu.memory_space<vmem>>) offsets(%dma_start3A_48 : memref<32xi32, #tpu.memory_space<vmem>>) semaphore(%arg13 : memref<!tpu.dma_semaphore, #tpu.memory_space<semaphore_mem>>)
    %dma_start3A_52 = arith.constant 0 : i32
    %dma_start3A_53 = arith.constant 64 : i32
    %dma_start3A_54 = arith.constant 0 : i32
    %dma_start3A_55 = tpu.memref_slice %arg10[%dma_start3A_53, %dma_start3A_54] : memref<128x128xf32, #tpu.memory_space<vmem>> -> memref<32x128xf32, #tpu.memory_space<vmem>>
    %dma_start3A_56 = arith.constant 64 : i32
    %dma_start3A_57 = tpu.memref_slice %arg8[%dma_start3A_52, %dma_start3A_56] : memref<16x128xi32, #tpu.memory_space<vmem>> -> memref<1x32xi32, #tpu.memory_space<vmem>>
    %dma_start3A_58 = tpu.memref_squeeze %dma_start3A_57 : memref<1x32xi32, #tpu.memory_space<vmem>> -> memref<32xi32, #tpu.memory_space<vmem>>
    %dma_start3A_59 = arith.constant 0 : i32
    %dma_start3A_60 = arith.constant 0 : i32
    %dma_start3A_61 = tpu.memref_slice %arg2[%dma_start3A_59, %dma_start3A_60] : memref<10000x128xf32, #tpu.memory_space<hbm>> -> memref<10000x128xf32, #tpu.memory_space<hbm>>
    tpu.enqueue_indirect_dma source(%dma_start3A_61 : memref<10000x128xf32, #tpu.memory_space<hbm>>) target(%dma_start3A_55 : memref<32x128xf32, #tpu.memory_space<vmem>>) offsets(%dma_start3A_58 : memref<32xi32, #tpu.memory_space<vmem>>) semaphore(%arg14 : memref<!tpu.dma_semaphore, #tpu.memory_space<semaphore_mem>>)
    %dma_start3A_62 = arith.constant 0 : i32
    %dma_start3A_63 = arith.constant 96 : i32
    %dma_start3A_64 = arith.constant 0 : i32
    %dma_start3A_65 = tpu.memref_slice %arg10[%dma_start3A_63, %dma_start3A_64] : memref<128x128xf32, #tpu.memory_space<vmem>> -> memref<32x128xf32, #tpu.memory_space<vmem>>
    %dma_start3A_66 = arith.constant 96 : i32
    %dma_start3A_67 = tpu.memref_slice %arg8[%dma_start3A_62, %dma_start3A_66] : memref<16x128xi32, #tpu.memory_space<vmem>> -> memref<1x32xi32, #tpu.memory_space<vmem>>
    %dma_start3A_68 = tpu.memref_squeeze %dma_start3A_67 : memref<1x32xi32, #tpu.memory_space<vmem>> -> memref<32xi32, #tpu.memory_space<vmem>>
    %dma_start3A_69 = arith.constant 0 : i32
    %dma_start3A_70 = arith.constant 0 : i32
    %dma_start3A_71 = tpu.memref_slice %arg2[%dma_start3A_69, %dma_start3A_70] : memref<10000x128xf32, #tpu.memory_space<hbm>> -> memref<10000x128xf32, #tpu.memory_space<hbm>>
    tpu.enqueue_indirect_dma source(%dma_start3A_71 : memref<10000x128xf32, #tpu.memory_space<hbm>>) target(%dma_start3A_65 : memref<32x128xf32, #tpu.memory_space<vmem>>) offsets(%dma_start3A_68 : memref<32xi32, #tpu.memory_space<vmem>>) semaphore(%arg15 : memref<!tpu.dma_semaphore, #tpu.memory_space<semaphore_mem>>)
    %dma_start3A_72 = arith.constant 1 : i32
    %dma_start3A_73 = arith.constant 0 : i32
    %dma_start3A_74 = arith.constant 0 : i32
    %dma_start3A_75 = tpu.memref_slice %arg11[%dma_start3A_73, %dma_start3A_74] : memref<128x128xf32, #tpu.memory_space<vmem>> -> memref<32x128xf32, #tpu.memory_space<vmem>>
    %dma_start3A_76 = arith.constant 0 : i32
    %dma_start3A_77 = tpu.memref_slice %arg8[%dma_start3A_72, %dma_start3A_76] : memref<16x128xi32, #tpu.memory_space<vmem>> -> memref<1x32xi32, #tpu.memory_space<vmem>>
    %dma_start3A_78 = tpu.memref_squeeze %dma_start3A_77 : memref<1x32xi32, #tpu.memory_space<vmem>> -> memref<32xi32, #tpu.memory_space<vmem>>
    %dma_start3A_79 = arith.constant 0 : i32
    %dma_start3A_80 = arith.constant 0 : i32
    %dma_start3A_81 = tpu.memref_slice %arg2[%dma_start3A_79, %dma_start3A_80] : memref<10000x128xf32, #tpu.memory_space<hbm>> -> memref<10000x128xf32, #tpu.memory_space<hbm>>
    tpu.enqueue_indirect_dma source(%dma_start3A_81 : memref<10000x128xf32, #tpu.memory_space<hbm>>) target(%dma_start3A_75 : memref<32x128xf32, #tpu.memory_space<vmem>>) offsets(%dma_start3A_78 : memref<32xi32, #tpu.memory_space<vmem>>) semaphore(%arg16 : memref<!tpu.dma_semaphore, #tpu.memory_space<semaphore_mem>>)
    %dma_start3A_82 = arith.constant 1 : i32
    %dma_start3A_83 = arith.constant 32 : i32
    %dma_start3A_84 = arith.constant 0 : i32
    %dma_start3A_85 = tpu.memref_slice %arg11[%dma_start3A_83, %dma_start3A_84] : memref<128x128xf32, #tpu.memory_space<vmem>> -> memref<32x128xf32, #tpu.memory_space<vmem>>
    %dma_start3A_86 = arith.constant 32 : i32
    %dma_start3A_87 = tpu.memref_slice %arg8[%dma_start3A_82, %dma_start3A_86] : memref<16x128xi32, #tpu.memory_space<vmem>> -> memref<1x32xi32, #tpu.memory_space<vmem>>
    %dma_start3A_88 = tpu.memref_squeeze %dma_start3A_87 : memref<1x32xi32, #tpu.memory_space<vmem>> -> memref<32xi32, #tpu.memory_space<vmem>>
    %dma_start3A_89 = arith.constant 0 : i32
    %dma_start3A_90 = arith.constant 0 : i32
    %dma_start3A_91 = tpu.memref_slice %arg2[%dma_start3A_89, %dma_start3A_90] : memref<10000x128xf32, #tpu.memory_space<hbm>> -> memref<10000x128xf32, #tpu.memory_space<hbm>>
    tpu.enqueue_indirect_dma source(%dma_start3A_91 : memref<10000x128xf32, #tpu.memory_space<hbm>>) target(%dma_start3A_85 : memref<32x128xf32, #tpu.memory_space<vmem>>) offsets(%dma_start3A_88 : memref<32xi32, #tpu.memory_space<vmem>>) semaphore(%arg17 : memref<!tpu.dma_semaphore, #tpu.memory_space<semaphore_mem>>)
    %dma_start3A_92 = arith.constant 1 : i32
    %dma_start3A_93 = arith.constant 64 : i32
    %dma_start3A_94 = arith.constant 0 : i32
    %dma_start3A_95 = tpu.memref_slice %arg11[%dma_start3A_93, %dma_start3A_94] : memref<128x128xf32, #tpu.memory_space<vmem>> -> memref<32x128xf32, #tpu.memory_space<vmem>>
    %dma_start3A_96 = arith.constant 64 : i32
    %dma_start3A_97 = tpu.memref_slice %arg8[%dma_start3A_92, %dma_start3A_96] : memref<16x128xi32, #tpu.memory_space<vmem>> -> memref<1x32xi32, #tpu.memory_space<vmem>>
    %dma_start3A_98 = tpu.memref_squeeze %dma_start3A_97 : memref<1x32xi32, #tpu.memory_space<vmem>> -> memref<32xi32, #tpu.memory_space<vmem>>
    %dma_start3A_99 = arith.constant 0 : i32
    %dma_start3A_100 = arith.constant 0 : i32
    %dma_start3A_101 = tpu.memref_slice %arg2[%dma_start3A_99, %dma_start3A_100] : memref<10000x128xf32, #tpu.memory_space<hbm>> -> memref<10000x128xf32, #tpu.memory_space<hbm>>
    tpu.enqueue_indirect_dma source(%dma_start3A_101 : memref<10000x128xf32, #tpu.memory_space<hbm>>) target(%dma_start3A_95 : memref<32x128xf32, #tpu.memory_space<vmem>>) offsets(%dma_start3A_98 : memref<32xi32, #tpu.memory_space<vmem>>) semaphore(%arg18 : memref<!tpu.dma_semaphore, #tpu.memory_space<semaphore_mem>>)
    %dma_start3A_102 = arith.constant 1 : i32
    %dma_start3A_103 = arith.constant 96 : i32
    %dma_start3A_104 = arith.constant 0 : i32
    %dma_start3A_105 = tpu.memref_slice %arg11[%dma_start3A_103, %dma_start3A_104] : memref<128x128xf32, #tpu.memory_space<vmem>> -> memref<32x128xf32, #tpu.memory_space<vmem>>
    %dma_start3A_106 = arith.constant 96 : i32
    %dma_start3A_107 = tpu.memref_slice %arg8[%dma_start3A_102, %dma_start3A_106] : memref<16x128xi32, #tpu.memory_space<vmem>> -> memref<1x32xi32, #tpu.memory_space<vmem>>
    %dma_start3A_108 = tpu.memref_squeeze %dma_start3A_107 : memref<1x32xi32, #tpu.memory_space<vmem>> -> memref<32xi32, #tpu.memory_space<vmem>>
    %dma_start3A_109 = arith.constant 0 : i32
    %dma_start3A_110 = arith.constant 0 : i32
    %dma_start3A_111 = tpu.memref_slice %arg2[%dma_start3A_109, %dma_start3A_110] : memref<10000x128xf32, #tpu.memory_space<hbm>> -> memref<10000x128xf32, #tpu.memory_space<hbm>>
    tpu.enqueue_indirect_dma source(%dma_start3A_111 : memref<10000x128xf32, #tpu.memory_space<hbm>>) target(%dma_start3A_105 : memref<32x128xf32, #tpu.memory_space<vmem>>) offsets(%dma_start3A_108 : memref<32xi32, #tpu.memory_space<vmem>>) semaphore(%arg19 : memref<!tpu.dma_semaphore, #tpu.memory_space<semaphore_mem>>)
    %dma_wait3A = arith.constant 0 : i32
    %dma_wait3A_112 = arith.constant 0 : i32
    %dma_wait3A_113 = arith.constant 0 : i32
    %dma_wait3A_114 = tpu.memref_slice %arg10[%dma_wait3A_112, %dma_wait3A_113] : memref<128x128xf32, #tpu.memory_space<vmem>> -> memref<32x128xf32, #tpu.memory_space<vmem>>
    %dma_wait3A_115 = arith.constant 0 : i32
    %dma_wait3A_116 = tpu.memref_slice %arg8[%dma_wait3A, %dma_wait3A_115] : memref<16x128xi32, #tpu.memory_space<vmem>> -> memref<1x32xi32, #tpu.memory_space<vmem>>
    %dma_wait3A_117 = tpu.memref_squeeze %dma_wait3A_116 : memref<1x32xi32, #tpu.memory_space<vmem>> -> memref<32xi32, #tpu.memory_space<vmem>>
    %dma_wait3A_118 = arith.constant 0 : i32
    %dma_wait3A_119 = arith.constant 0 : i32
    %dma_wait3A_120 = tpu.memref_slice %arg2[%dma_wait3A_118, %dma_wait3A_119] : memref<10000x128xf32, #tpu.memory_space<hbm>> -> memref<10000x128xf32, #tpu.memory_space<hbm>>
    tpu.wait_indirect_dma semaphore(%arg12 : memref<!tpu.dma_semaphore, #tpu.memory_space<semaphore_mem>>) src(%dma_wait3A_120 : memref<10000x128xf32, #tpu.memory_space<hbm>>) dst(%dma_wait3A_114 : memref<32x128xf32, #tpu.memory_space<vmem>>)
    %dma_wait3A_121 = arith.constant 0 : i32
    %dma_wait3A_122 = arith.constant 0 : i32
    %dma_wait3A_123 = arith.constant 0 : i32
    %dma_wait3A_124 = tpu.memref_slice %arg10[%dma_wait3A_122, %dma_wait3A_123] : memref<128x128xf32, #tpu.memory_space<vmem>> -> memref<32x128xf32, #tpu.memory_space<vmem>>
    %dma_wait3A_125 = arith.constant 0 : i32
    %dma_wait3A_126 = tpu.memref_slice %arg8[%dma_wait3A_121, %dma_wait3A_125] : memref<16x128xi32, #tpu.memory_space<vmem>> -> memref<1x32xi32, #tpu.memory_space<vmem>>
    %dma_wait3A_127 = tpu.memref_squeeze %dma_wait3A_126 : memref<1x32xi32, #tpu.memory_space<vmem>> -> memref<32xi32, #tpu.memory_space<vmem>>
    %dma_wait3A_128 = arith.constant 0 : i32
    %dma_wait3A_129 = arith.constant 0 : i32
    %dma_wait3A_130 = tpu.memref_slice %arg2[%dma_wait3A_128, %dma_wait3A_129] : memref<10000x128xf32, #tpu.memory_space<hbm>> -> memref<10000x128xf32, #tpu.memory_space<hbm>>
    tpu.wait_indirect_dma semaphore(%arg13 : memref<!tpu.dma_semaphore, #tpu.memory_space<semaphore_mem>>) src(%dma_wait3A_130 : memref<10000x128xf32, #tpu.memory_space<hbm>>) dst(%dma_wait3A_124 : memref<32x128xf32, #tpu.memory_space<vmem>>)
    %dma_wait3A_131 = arith.constant 0 : i32
    %dma_wait3A_132 = arith.constant 0 : i32
    %dma_wait3A_133 = arith.constant 0 : i32
    %dma_wait3A_134 = tpu.memref_slice %arg10[%dma_wait3A_132, %dma_wait3A_133] : memref<128x128xf32, #tpu.memory_space<vmem>> -> memref<32x128xf32, #tpu.memory_space<vmem>>
    %dma_wait3A_135 = arith.constant 0 : i32
    %dma_wait3A_136 = tpu.memref_slice %arg8[%dma_wait3A_131, %dma_wait3A_135] : memref<16x128xi32, #tpu.memory_space<vmem>> -> memref<1x32xi32, #tpu.memory_space<vmem>>
    %dma_wait3A_137 = tpu.memref_squeeze %dma_wait3A_136 : memref<1x32xi32, #tpu.memory_space<vmem>> -> memref<32xi32, #tpu.memory_space<vmem>>
    %dma_wait3A_138 = arith.constant 0 : i32
    %dma_wait3A_139 = arith.constant 0 : i32
    %dma_wait3A_140 = tpu.memref_slice %arg2[%dma_wait3A_138, %dma_wait3A_139] : memref<10000x128xf32, #tpu.memory_space<hbm>> -> memref<10000x128xf32, #tpu.memory_space<hbm>>
    tpu.wait_indirect_dma semaphore(%arg14 : memref<!tpu.dma_semaphore, #tpu.memory_space<semaphore_mem>>) src(%dma_wait3A_140 : memref<10000x128xf32, #tpu.memory_space<hbm>>) dst(%dma_wait3A_134 : memref<32x128xf32, #tpu.memory_space<vmem>>)
    %dma_wait3A_141 = arith.constant 0 : i32
    %dma_wait3A_142 = arith.constant 0 : i32
    %dma_wait3A_143 = arith.constant 0 : i32
    %dma_wait3A_144 = tpu.memref_slice %arg10[%dma_wait3A_142, %dma_wait3A_143] : memref<128x128xf32, #tpu.memory_space<vmem>> -> memref<32x128xf32, #tpu.memory_space<vmem>>
    %dma_wait3A_145 = arith.constant 0 : i32
    %dma_wait3A_146 = tpu.memref_slice %arg8[%dma_wait3A_141, %dma_wait3A_145] : memref<16x128xi32, #tpu.memory_space<vmem>> -> memref<1x32xi32, #tpu.memory_space<vmem>>
    %dma_wait3A_147 = tpu.memref_squeeze %dma_wait3A_146 : memref<1x32xi32, #tpu.memory_space<vmem>> -> memref<32xi32, #tpu.memory_space<vmem>>
    %dma_wait3A_148 = arith.constant 0 : i32
    %dma_wait3A_149 = arith.constant 0 : i32
    %dma_wait3A_150 = tpu.memref_slice %arg2[%dma_wait3A_148, %dma_wait3A_149] : memref<10000x128xf32, #tpu.memory_space<hbm>> -> memref<10000x128xf32, #tpu.memory_space<hbm>>
    tpu.wait_indirect_dma semaphore(%arg15 : memref<!tpu.dma_semaphore, #tpu.memory_space<semaphore_mem>>) src(%dma_wait3A_150 : memref<10000x128xf32, #tpu.memory_space<hbm>>) dst(%dma_wait3A_144 : memref<32x128xf32, #tpu.memory_space<vmem>>)
    %dma_start3A_151 = arith.constant 0 : i32
    %dma_start3A_152 = arith.constant 0 : i32
    %dma_start3A_153 = tpu.memref_slice %arg9[%dma_start3A_151, %dma_start3A_152] : memref<16x128xi32, #tpu.memory_space<vmem>> -> memref<1x128xi32, #tpu.memory_space<vmem>>
    %dma_start3A_154 = tpu.memref_squeeze %dma_start3A_153 : memref<1x128xi32, #tpu.memory_space<vmem>> -> memref<128xi32, #tpu.memory_space<vmem>>
    %dma_start3A_155 = arith.constant 0 : i32
    %dma_start3A_156 = arith.constant 0 : i32
    %dma_start3A_157 = tpu.memref_slice %arg7[%dma_start3A_155, %dma_start3A_156] : memref<10240x128xf32, #tpu.memory_space<vmem_shared>> -> memref<10240x128xf32, #tpu.memory_space<vmem_shared>>
    tpu.enqueue_indirect_dma source(%arg10 : memref<128x128xf32, #tpu.memory_space<vmem>>) target(%dma_start3A_157 : memref<10240x128xf32, #tpu.memory_space<vmem_shared>>) offsets(%dma_start3A_154 : memref<128xi32, #tpu.memory_space<vmem>>) semaphore(%arg20 : memref<!tpu.dma_semaphore, #tpu.memory_space<semaphore_mem>>) {add = true}
    %dma_wait3A_158 = arith.constant 0 : i32
    %dma_wait3A_159 = arith.constant 0 : i32
    %dma_wait3A_160 = tpu.memref_slice %arg7[%dma_wait3A_158, %dma_wait3A_159] : memref<10240x128xf32, #tpu.memory_space<vmem_shared>> -> memref<128x128xf32, #tpu.memory_space<vmem_shared>>
    %dma_wait3A_161 = arith.constant 0 : i32
    %dma_wait3A_162 = arith.constant 0 : i32
    %dma_wait3A_163 = tpu.memref_slice %arg7[%dma_wait3A_161, %dma_wait3A_162] : memref<10240x128xf32, #tpu.memory_space<vmem_shared>> -> memref<128x128xf32, #tpu.memory_space<vmem_shared>>
    tpu.wait_dma2 semaphore(%arg20 : memref<!tpu.dma_semaphore, #tpu.memory_space<semaphore_mem>>) src(%arg10 : memref<128x128xf32, #tpu.memory_space<vmem>>) dst(%dma_wait3A_163 : memref<128x128xf32, #tpu.memory_space<vmem_shared>>)
    %dma_start3A_164 = arith.constant 2 : i32
    %dma_start3A_165 = arith.constant 0 : i32
    %dma_start3A_166 = arith.constant 0 : i32
    %dma_start3A_167 = tpu.memref_slice %arg10[%dma_start3A_165, %dma_start3A_166] : memref<128x128xf32, #tpu.memory_space<vmem>> -> memref<32x128xf32, #tpu.memory_space<vmem>>
    %dma_start3A_168 = arith.constant 0 : i32
    %dma_start3A_169 = tpu.memref_slice %arg8[%dma_start3A_164, %dma_start3A_168] : memref<16x128xi32, #tpu.memory_space<vmem>> -> memref<1x32xi32, #tpu.memory_space<vmem>>
    %dma_start3A_170 = tpu.memref_squeeze %dma_start3A_169 : memref<1x32xi32, #tpu.memory_space<vmem>> -> memref<32xi32, #tpu.memory_space<vmem>>
    %dma_start3A_171 = arith.constant 0 : i32
    %dma_start3A_172 = arith.constant 0 : i32
    %dma_start3A_173 = tpu.memref_slice %arg2[%dma_start3A_171, %dma_start3A_172] : memref<10000x128xf32, #tpu.memory_space<hbm>> -> memref<10000x128xf32, #tpu.memory_space<hbm>>
    tpu.enqueue_indirect_dma source(%dma_start3A_173 : memref<10000x128xf32, #tpu.memory_space<hbm>>) target(%dma_start3A_167 : memref<32x128xf32, #tpu.memory_space<vmem>>) offsets(%dma_start3A_170 : memref<32xi32, #tpu.memory_space<vmem>>) semaphore(%arg12 : memref<!tpu.dma_semaphore, #tpu.memory_space<semaphore_mem>>)
    %dma_start3A_174 = arith.constant 2 : i32
    %dma_start3A_175 = arith.constant 32 : i32
    %dma_start3A_176 = arith.constant 0 : i32
    %dma_start3A_177 = tpu.memref_slice %arg10[%dma_start3A_175, %dma_start3A_176] : memref<128x128xf32, #tpu.memory_space<vmem>> -> memref<32x128xf32, #tpu.memory_space<vmem>>
    %dma_start3A_178 = arith.constant 32 : i32
    %dma_start3A_179 = tpu.memref_slice %arg8[%dma_start3A_174, %dma_start3A_178] : memref<16x128xi32, #tpu.memory_space<vmem>> -> memref<1x32xi32, #tpu.memory_space<vmem>>
    %dma_start3A_180 = tpu.memref_squeeze %dma_start3A_179 : memref<1x32xi32, #tpu.memory_space<vmem>> -> memref<32xi32, #tpu.memory_space<vmem>>
    %dma_start3A_181 = arith.constant 0 : i32
    %dma_start3A_182 = arith.constant 0 : i32
    %dma_start3A_183 = tpu.memref_slice %arg2[%dma_start3A_181, %dma_start3A_182] : memref<10000x128xf32, #tpu.memory_space<hbm>> -> memref<10000x128xf32, #tpu.memory_space<hbm>>
    tpu.enqueue_indirect_dma source(%dma_start3A_183 : memref<10000x128xf32, #tpu.memory_space<hbm>>) target(%dma_start3A_177 : memref<32x128xf32, #tpu.memory_space<vmem>>) offsets(%dma_start3A_180 : memref<32xi32, #tpu.memory_space<vmem>>) semaphore(%arg13 : memref<!tpu.dma_semaphore, #tpu.memory_space<semaphore_mem>>)
    %dma_start3A_184 = arith.constant 2 : i32
    %dma_start3A_185 = arith.constant 64 : i32
    %dma_start3A_186 = arith.constant 0 : i32
    %dma_start3A_187 = tpu.memref_slice %arg10[%dma_start3A_185, %dma_start3A_186] : memref<128x128xf32, #tpu.memory_space<vmem>> -> memref<32x128xf32, #tpu.memory_space<vmem>>
    %dma_start3A_188 = arith.constant 64 : i32
    %dma_start3A_189 = tpu.memref_slice %arg8[%dma_start3A_184, %dma_start3A_188] : memref<16x128xi32, #tpu.memory_space<vmem>> -> memref<1x32xi32, #tpu.memory_space<vmem>>
    %dma_start3A_190 = tpu.memref_squeeze %dma_start3A_189 : memref<1x32xi32, #tpu.memory_space<vmem>> -> memref<32xi32, #tpu.memory_space<vmem>>
    %dma_start3A_191 = arith.constant 0 : i32
    %dma_start3A_192 = arith.constant 0 : i32
    %dma_start3A_193 = tpu.memref_slice %arg2[%dma_start3A_191, %dma_start3A_192] : memref<10000x128xf32, #tpu.memory_space<hbm>> -> memref<10000x128xf32, #tpu.memory_space<hbm>>
    tpu.enqueue_indirect_dma source(%dma_start3A_193 : memref<10000x128xf32, #tpu.memory_space<hbm>>) target(%dma_start3A_187 : memref<32x128xf32, #tpu.memory_space<vmem>>) offsets(%dma_start3A_190 : memref<32xi32, #tpu.memory_space<vmem>>) semaphore(%arg14 : memref<!tpu.dma_semaphore, #tpu.memory_space<semaphore_mem>>)
    %dma_start3A_194 = arith.constant 2 : i32
    %dma_start3A_195 = arith.constant 96 : i32
    %dma_start3A_196 = arith.constant 0 : i32
    %dma_start3A_197 = tpu.memref_slice %arg10[%dma_start3A_195, %dma_start3A_196] : memref<128x128xf32, #tpu.memory_space<vmem>> -> memref<32x128xf32, #tpu.memory_space<vmem>>
    %dma_start3A_198 = arith.constant 96 : i32
    %dma_start3A_199 = tpu.memref_slice %arg8[%dma_start3A_194, %dma_start3A_198] : memref<16x128xi32, #tpu.memory_space<vmem>> -> memref<1x32xi32, #tpu.memory_space<vmem>>
    %dma_start3A_200 = tpu.memref_squeeze %dma_start3A_199 : memref<1x32xi32, #tpu.memory_space<vmem>> -> memref<32xi32, #tpu.memory_space<vmem>>
    %dma_start3A_201 = arith.constant 0 : i32
    %dma_start3A_202 = arith.constant 0 : i32
    %dma_start3A_203 = tpu.memref_slice %arg2[%dma_start3A_201, %dma_start3A_202] : memref<10000x128xf32, #tpu.memory_space<hbm>> -> memref<10000x128xf32, #tpu.memory_space<hbm>>
    tpu.enqueue_indirect_dma source(%dma_start3A_203 : memref<10000x128xf32, #tpu.memory_space<hbm>>) target(%dma_start3A_197 : memref<32x128xf32, #tpu.memory_space<vmem>>) offsets(%dma_start3A_200 : memref<32xi32, #tpu.memory_space<vmem>>) semaphore(%arg15 : memref<!tpu.dma_semaphore, #tpu.memory_space<semaphore_mem>>)
    %dma_wait3A_204 = arith.constant 0 : i32
    %dma_wait3A_205 = arith.constant 0 : i32
    %dma_wait3A_206 = arith.constant 0 : i32
    %dma_wait3A_207 = tpu.memref_slice %arg11[%dma_wait3A_205, %dma_wait3A_206] : memref<128x128xf32, #tpu.memory_space<vmem>> -> memref<32x128xf32, #tpu.memory_space<vmem>>
    %dma_wait3A_208 = arith.constant 0 : i32
    %dma_wait3A_209 = tpu.memref_slice %arg8[%dma_wait3A_204, %dma_wait3A_208] : memref<16x128xi32, #tpu.memory_space<vmem>> -> memref<1x32xi32, #tpu.memory_space<vmem>>
    %dma_wait3A_210 = tpu.memref_squeeze %dma_wait3A_209 : memref<1x32xi32, #tpu.memory_space<vmem>> -> memref<32xi32, #tpu.memory_space<vmem>>
    %dma_wait3A_211 = arith.constant 0 : i32
    %dma_wait3A_212 = arith.constant 0 : i32
    %dma_wait3A_213 = tpu.memref_slice %arg2[%dma_wait3A_211, %dma_wait3A_212] : memref<10000x128xf32, #tpu.memory_space<hbm>> -> memref<10000x128xf32, #tpu.memory_space<hbm>>
    tpu.wait_indirect_dma semaphore(%arg16 : memref<!tpu.dma_semaphore, #tpu.memory_space<semaphore_mem>>) src(%dma_wait3A_213 : memref<10000x128xf32, #tpu.memory_space<hbm>>) dst(%dma_wait3A_207 : memref<32x128xf32, #tpu.memory_space<vmem>>)
    %dma_wait3A_214 = arith.constant 0 : i32
    %dma_wait3A_215 = arith.constant 0 : i32
    %dma_wait3A_216 = arith.constant 0 : i32
    %dma_wait3A_217 = tpu.memref_slice %arg11[%dma_wait3A_215, %dma_wait3A_216] : memref<128x128xf32, #tpu.memory_space<vmem>> -> memref<32x128xf32, #tpu.memory_space<vmem>>
    %dma_wait3A_218 = arith.constant 0 : i32
    %dma_wait3A_219 = tpu.memref_slice %arg8[%dma_wait3A_214, %dma_wait3A_218] : memref<16x128xi32, #tpu.memory_space<vmem>> -> memref<1x32xi32, #tpu.memory_space<vmem>>
    %dma_wait3A_220 = tpu.memref_squeeze %dma_wait3A_219 : memref<1x32xi32, #tpu.memory_space<vmem>> -> memref<32xi32, #tpu.memory_space<vmem>>
    %dma_wait3A_221 = arith.constant 0 : i32
    %dma_wait3A_222 = arith.constant 0 : i32
    %dma_wait3A_223 = tpu.memref_slice %arg2[%dma_wait3A_221, %dma_wait3A_222] : memref<10000x128xf32, #tpu.memory_space<hbm>> -> memref<10000x128xf32, #tpu.memory_space<hbm>>
    tpu.wait_indirect_dma semaphore(%arg17 : memref<!tpu.dma_semaphore, #tpu.memory_space<semaphore_mem>>) src(%dma_wait3A_223 : memref<10000x128xf32, #tpu.memory_space<hbm>>) dst(%dma_wait3A_217 : memref<32x128xf32, #tpu.memory_space<vmem>>)
    %dma_wait3A_224 = arith.constant 0 : i32
    %dma_wait3A_225 = arith.constant 0 : i32
    %dma_wait3A_226 = arith.constant 0 : i32
    %dma_wait3A_227 = tpu.memref_slice %arg11[%dma_wait3A_225, %dma_wait3A_226] : memref<128x128xf32, #tpu.memory_space<vmem>> -> memref<32x128xf32, #tpu.memory_space<vmem>>
    %dma_wait3A_228 = arith.constant 0 : i32
    %dma_wait3A_229 = tpu.memref_slice %arg8[%dma_wait3A_224, %dma_wait3A_228] : memref<16x128xi32, #tpu.memory_space<vmem>> -> memref<1x32xi32, #tpu.memory_space<vmem>>
    %dma_wait3A_230 = tpu.memref_squeeze %dma_wait3A_229 : memref<1x32xi32, #tpu.memory_space<vmem>> -> memref<32xi32, #tpu.memory_space<vmem>>
    %dma_wait3A_231 = arith.constant 0 : i32
    %dma_wait3A_232 = arith.constant 0 : i32
    %dma_wait3A_233 = tpu.memref_slice %arg2[%dma_wait3A_231, %dma_wait3A_232] : memref<10000x128xf32, #tpu.memory_space<hbm>> -> memref<10000x128xf32, #tpu.memory_space<hbm>>
    tpu.wait_indirect_dma semaphore(%arg18 : memref<!tpu.dma_semaphore, #tpu.memory_space<semaphore_mem>>) src(%dma_wait3A_233 : memref<10000x128xf32, #tpu.memory_space<hbm>>) dst(%dma_wait3A_227 : memref<32x128xf32, #tpu.memory_space<vmem>>)
    %dma_wait3A_234 = arith.constant 0 : i32
    %dma_wait3A_235 = arith.constant 0 : i32
    %dma_wait3A_236 = arith.constant 0 : i32
    %dma_wait3A_237 = tpu.memref_slice %arg11[%dma_wait3A_235, %dma_wait3A_236] : memref<128x128xf32, #tpu.memory_space<vmem>> -> memref<32x128xf32, #tpu.memory_space<vmem>>
    %dma_wait3A_238 = arith.constant 0 : i32
    %dma_wait3A_239 = tpu.memref_slice %arg8[%dma_wait3A_234, %dma_wait3A_238] : memref<16x128xi32, #tpu.memory_space<vmem>> -> memref<1x32xi32, #tpu.memory_space<vmem>>
    %dma_wait3A_240 = tpu.memref_squeeze %dma_wait3A_239 : memref<1x32xi32, #tpu.memory_space<vmem>> -> memref<32xi32, #tpu.memory_space<vmem>>
    %dma_wait3A_241 = arith.constant 0 : i32
    %dma_wait3A_242 = arith.constant 0 : i32
    %dma_wait3A_243 = tpu.memref_slice %arg2[%dma_wait3A_241, %dma_wait3A_242] : memref<10000x128xf32, #tpu.memory_space<hbm>> -> memref<10000x128xf32, #tpu.memory_space<hbm>>
    tpu.wait_indirect_dma semaphore(%arg19 : memref<!tpu.dma_semaphore, #tpu.memory_space<semaphore_mem>>) src(%dma_wait3A_243 : memref<10000x128xf32, #tpu.memory_space<hbm>>) dst(%dma_wait3A_237 : memref<32x128xf32, #tpu.memory_space<vmem>>)
    %dma_start3A_244 = arith.constant 1 : i32
    %dma_start3A_245 = arith.constant 0 : i32
    %dma_start3A_246 = tpu.memref_slice %arg9[%dma_start3A_244, %dma_start3A_245] : memref<16x128xi32, #tpu.memory_space<vmem>> -> memref<1x128xi32, #tpu.memory_space<vmem>>
    %dma_start3A_247 = tpu.memref_squeeze %dma_start3A_246 : memref<1x128xi32, #tpu.memory_space<vmem>> -> memref<128xi32, #tpu.memory_space<vmem>>
    %dma_start3A_248 = arith.constant 0 : i32
    %dma_start3A_249 = arith.constant 0 : i32
    %dma_start3A_250 = tpu.memref_slice %arg7[%dma_start3A_248, %dma_start3A_249] : memref<10240x128xf32, #tpu.memory_space<vmem_shared>> -> memref<10240x128xf32, #tpu.memory_space<vmem_shared>>
    tpu.enqueue_indirect_dma source(%arg11 : memref<128x128xf32, #tpu.memory_space<vmem>>) target(%dma_start3A_250 : memref<10240x128xf32, #tpu.memory_space<vmem_shared>>) offsets(%dma_start3A_247 : memref<128xi32, #tpu.memory_space<vmem>>) semaphore(%arg21 : memref<!tpu.dma_semaphore, #tpu.memory_space<semaphore_mem>>) {add = true}
    %dma_wait3A_251 = arith.constant 0 : i32
    %dma_wait3A_252 = arith.constant 0 : i32
    %dma_wait3A_253 = tpu.memref_slice %arg7[%dma_wait3A_251, %dma_wait3A_252] : memref<10240x128xf32, #tpu.memory_space<vmem_shared>> -> memref<128x128xf32, #tpu.memory_space<vmem_shared>>
    %dma_wait3A_254 = arith.constant 0 : i32
    %dma_wait3A_255 = arith.constant 0 : i32
    %dma_wait3A_256 = tpu.memref_slice %arg7[%dma_wait3A_254, %dma_wait3A_255] : memref<10240x128xf32, #tpu.memory_space<vmem_shared>> -> memref<128x128xf32, #tpu.memory_space<vmem_shared>>
    tpu.wait_dma2 semaphore(%arg21 : memref<!tpu.dma_semaphore, #tpu.memory_space<semaphore_mem>>) src(%arg10 : memref<128x128xf32, #tpu.memory_space<vmem>>) dst(%dma_wait3A_256 : memref<128x128xf32, #tpu.memory_space<vmem_shared>>)
    %dma_start3A_257 = arith.constant 3 : i32
    %dma_start3A_258 = arith.constant 0 : i32
    %dma_start3A_259 = arith.constant 0 : i32
    %dma_start3A_260 = tpu.memref_slice %arg11[%dma_start3A_258, %dma_start3A_259] : memref<128x128xf32, #tpu.memory_space<vmem>> -> memref<32x128xf32, #tpu.memory_space<vmem>>
    %dma_start3A_261 = arith.constant 0 : i32
    %dma_start3A_262 = tpu.memref_slice %arg8[%dma_start3A_257, %dma_start3A_261] : memref<16x128xi32, #tpu.memory_space<vmem>> -> memref<1x32xi32, #tpu.memory_space<vmem>>
    %dma_start3A_263 = tpu.memref_squeeze %dma_start3A_262 : memref<1x32xi32, #tpu.memory_space<vmem>> -> memref<32xi32, #tpu.memory_space<vmem>>
    %dma_start3A_264 = arith.constant 0 : i32
    %dma_start3A_265 = arith.constant 0 : i32
    %dma_start3A_266 = tpu.memref_slice %arg2[%dma_start3A_264, %dma_start3A_265] : memref<10000x128xf32, #tpu.memory_space<hbm>> -> memref<10000x128xf32, #tpu.memory_space<hbm>>
    tpu.enqueue_indirect_dma source(%dma_start3A_266 : memref<10000x128xf32, #tpu.memory_space<hbm>>) target(%dma_start3A_260 : memref<32x128xf32, #tpu.memory_space<vmem>>) offsets(%dma_start3A_263 : memref<32xi32, #tpu.memory_space<vmem>>) semaphore(%arg16 : memref<!tpu.dma_semaphore, #tpu.memory_space<semaphore_mem>>)
    %dma_start3A_267 = arith.constant 3 : i32
    %dma_start3A_268 = arith.constant 32 : i32
    %dma_start3A_269 = arith.constant 0 : i32
    %dma_start3A_270 = tpu.memref_slice %arg11[%dma_start3A_268, %dma_start3A_269] : memref<128x128xf32, #tpu.memory_space<vmem>> -> memref<32x128xf32, #tpu.memory_space<vmem>>
    %dma_start3A_271 = arith.constant 32 : i32
    %dma_start3A_272 = tpu.memref_slice %arg8[%dma_start3A_267, %dma_start3A_271] : memref<16x128xi32, #tpu.memory_space<vmem>> -> memref<1x32xi32, #tpu.memory_space<vmem>>
    %dma_start3A_273 = tpu.memref_squeeze %dma_start3A_272 : memref<1x32xi32, #tpu.memory_space<vmem>> -> memref<32xi32, #tpu.memory_space<vmem>>
    %dma_start3A_274 = arith.constant 0 : i32
    %dma_start3A_275 = arith.constant 0 : i32
    %dma_start3A_276 = tpu.memref_slice %arg2[%dma_start3A_274, %dma_start3A_275] : memref<10000x128xf32, #tpu.memory_space<hbm>> -> memref<10000x128xf32, #tpu.memory_space<hbm>>
    tpu.enqueue_indirect_dma source(%dma_start3A_276 : memref<10000x128xf32, #tpu.memory_space<hbm>>) target(%dma_start3A_270 : memref<32x128xf32, #tpu.memory_space<vmem>>) offsets(%dma_start3A_273 : memref<32xi32, #tpu.memory_space<vmem>>) semaphore(%arg17 : memref<!tpu.dma_semaphore, #tpu.memory_space<semaphore_mem>>)
    %dma_start3A_277 = arith.constant 3 : i32
    %dma_start3A_278 = arith.constant 64 : i32
    %dma_start3A_279 = arith.constant 0 : i32
    %dma_start3A_280 = tpu.memref_slice %arg11[%dma_start3A_278, %dma_start3A_279] : memref<128x128xf32, #tpu.memory_space<vmem>> -> memref<32x128xf32, #tpu.memory_space<vmem>>
    %dma_start3A_281 = arith.constant 64 : i32
    %dma_start3A_282 = tpu.memref_slice %arg8[%dma_start3A_277, %dma_start3A_281] : memref<16x128xi32, #tpu.memory_space<vmem>> -> memref<1x32xi32, #tpu.memory_space<vmem>>
    %dma_start3A_283 = tpu.memref_squeeze %dma_start3A_282 : memref<1x32xi32, #tpu.memory_space<vmem>> -> memref<32xi32, #tpu.memory_space<vmem>>
    %dma_start3A_284 = arith.constant 0 : i32
    %dma_start3A_285 = arith.constant 0 : i32
    %dma_start3A_286 = tpu.memref_slice %arg2[%dma_start3A_284, %dma_start3A_285] : memref<10000x128xf32, #tpu.memory_space<hbm>> -> memref<10000x128xf32, #tpu.memory_space<hbm>>
    tpu.enqueue_indirect_dma source(%dma_start3A_286 : memref<10000x128xf32, #tpu.memory_space<hbm>>) target(%dma_start3A_280 : memref<32x128xf32, #tpu.memory_space<vmem>>) offsets(%dma_start3A_283 : memref<32xi32, #tpu.memory_space<vmem>>) semaphore(%arg18 : memref<!tpu.dma_semaphore, #tpu.memory_space<semaphore_mem>>)
    %dma_start3A_287 = arith.constant 3 : i32
    %dma_start3A_288 = arith.constant 96 : i32
    %dma_start3A_289 = arith.constant 0 : i32
    %dma_start3A_290 = tpu.memref_slice %arg11[%dma_start3A_288, %dma_start3A_289] : memref<128x128xf32, #tpu.memory_space<vmem>> -> memref<32x128xf32, #tpu.memory_space<vmem>>
    %dma_start3A_291 = arith.constant 96 : i32
    %dma_start3A_292 = tpu.memref_slice %arg8[%dma_start3A_287, %dma_start3A_291] : memref<16x128xi32, #tpu.memory_space<vmem>> -> memref<1x32xi32, #tpu.memory_space<vmem>>
    %dma_start3A_293 = tpu.memref_squeeze %dma_start3A_292 : memref<1x32xi32, #tpu.memory_space<vmem>> -> memref<32xi32, #tpu.memory_space<vmem>>
    %dma_start3A_294 = arith.constant 0 : i32
    %dma_start3A_295 = arith.constant 0 : i32
    %dma_start3A_296 = tpu.memref_slice %arg2[%dma_start3A_294, %dma_start3A_295] : memref<10000x128xf32, #tpu.memory_space<hbm>> -> memref<10000x128xf32, #tpu.memory_space<hbm>>
    tpu.enqueue_indirect_dma source(%dma_start3A_296 : memref<10000x128xf32, #tpu.memory_space<hbm>>) target(%dma_start3A_290 : memref<32x128xf32, #tpu.memory_space<vmem>>) offsets(%dma_start3A_293 : memref<32xi32, #tpu.memory_space<vmem>>) semaphore(%arg19 : memref<!tpu.dma_semaphore, #tpu.memory_space<semaphore_mem>>)
    %dma_wait3A_297 = arith.constant 0 : i32
    %dma_wait3A_298 = arith.constant 0 : i32
    %dma_wait3A_299 = arith.constant 0 : i32
    %dma_wait3A_300 = tpu.memref_slice %arg10[%dma_wait3A_298, %dma_wait3A_299] : memref<128x128xf32, #tpu.memory_space<vmem>> -> memref<32x128xf32, #tpu.memory_space<vmem>>
    %dma_wait3A_301 = arith.constant 0 : i32
    %dma_wait3A_302 = tpu.memref_slice %arg8[%dma_wait3A_297, %dma_wait3A_301] : memref<16x128xi32, #tpu.memory_space<vmem>> -> memref<1x32xi32, #tpu.memory_space<vmem>>
    %dma_wait3A_303 = tpu.memref_squeeze %dma_wait3A_302 : memref<1x32xi32, #tpu.memory_space<vmem>> -> memref<32xi32, #tpu.memory_space<vmem>>
    %dma_wait3A_304 = arith.constant 0 : i32
    %dma_wait3A_305 = arith.constant 0 : i32
    %dma_wait3A_306 = tpu.memref_slice %arg2[%dma_wait3A_304, %dma_wait3A_305] : memref<10000x128xf32, #tpu.memory_space<hbm>> -> memref<10000x128xf32, #tpu.memory_space<hbm>>
    tpu.wait_indirect_dma semaphore(%arg12 : memref<!tpu.dma_semaphore, #tpu.memory_space<semaphore_mem>>) src(%dma_wait3A_306 : memref<10000x128xf32, #tpu.memory_space<hbm>>) dst(%dma_wait3A_300 : memref<32x128xf32, #tpu.memory_space<vmem>>)
    %dma_wait3A_307 = arith.constant 0 : i32
    %dma_wait3A_308 = arith.constant 0 : i32
    %dma_wait3A_309 = arith.constant 0 : i32
    %dma_wait3A_310 = tpu.memref_slice %arg10[%dma_wait3A_308, %dma_wait3A_309] : memref<128x128xf32, #tpu.memory_space<vmem>> -> memref<32x128xf32, #tpu.memory_space<vmem>>
    %dma_wait3A_311 = arith.constant 0 : i32
    %dma_wait3A_312 = tpu.memref_slice %arg8[%dma_wait3A_307, %dma_wait3A_311] : memref<16x128xi32, #tpu.memory_space<vmem>> -> memref<1x32xi32, #tpu.memory_space<vmem>>
    %dma_wait3A_313 = tpu.memref_squeeze %dma_wait3A_312 : memref<1x32xi32, #tpu.memory_space<vmem>> -> memref<32xi32, #tpu.memory_space<vmem>>
    %dma_wait3A_314 = arith.constant 0 : i32
    %dma_wait3A_315 = arith.constant 0 : i32
    %dma_wait3A_316 = tpu.memref_slice %arg2[%dma_wait3A_314, %dma_wait3A_315] : memref<10000x128xf32, #tpu.memory_space<hbm>> -> memref<10000x128xf32, #tpu.memory_space<hbm>>
    tpu.wait_indirect_dma semaphore(%arg13 : memref<!tpu.dma_semaphore, #tpu.memory_space<semaphore_mem>>) src(%dma_wait3A_316 : memref<10000x128xf32, #tpu.memory_space<hbm>>) dst(%dma_wait3A_310 : memref<32x128xf32, #tpu.memory_space<vmem>>)
    %dma_wait3A_317 = arith.constant 0 : i32
    %dma_wait3A_318 = arith.constant 0 : i32
    %dma_wait3A_319 = arith.constant 0 : i32
    %dma_wait3A_320 = tpu.memref_slice %arg10[%dma_wait3A_318, %dma_wait3A_319] : memref<128x128xf32, #tpu.memory_space<vmem>> -> memref<32x128xf32, #tpu.memory_space<vmem>>
    %dma_wait3A_321 = arith.constant 0 : i32
    %dma_wait3A_322 = tpu.memref_slice %arg8[%dma_wait3A_317, %dma_wait3A_321] : memref<16x128xi32, #tpu.memory_space<vmem>> -> memref<1x32xi32, #tpu.memory_space<vmem>>
    %dma_wait3A_323 = tpu.memref_squeeze %dma_wait3A_322 : memref<1x32xi32, #tpu.memory_space<vmem>> -> memref<32xi32, #tpu.memory_space<vmem>>
    %dma_wait3A_324 = arith.constant 0 : i32
    %dma_wait3A_325 = arith.constant 0 : i32
    %dma_wait3A_326 = tpu.memref_slice %arg2[%dma_wait3A_324, %dma_wait3A_325] : memref<10000x128xf32, #tpu.memory_space<hbm>> -> memref<10000x128xf32, #tpu.memory_space<hbm>>
    tpu.wait_indirect_dma semaphore(%arg14 : memref<!tpu.dma_semaphore, #tpu.memory_space<semaphore_mem>>) src(%dma_wait3A_326 : memref<10000x128xf32, #tpu.memory_space<hbm>>) dst(%dma_wait3A_320 : memref<32x128xf32, #tpu.memory_space<vmem>>)
    %dma_wait3A_327 = arith.constant 0 : i32
    %dma_wait3A_328 = arith.constant 0 : i32
    %dma_wait3A_329 = arith.constant 0 : i32
    %dma_wait3A_330 = tpu.memref_slice %arg10[%dma_wait3A_328, %dma_wait3A_329] : memref<128x128xf32, #tpu.memory_space<vmem>> -> memref<32x128xf32, #tpu.memory_space<vmem>>
    %dma_wait3A_331 = arith.constant 0 : i32
    %dma_wait3A_332 = tpu.memref_slice %arg8[%dma_wait3A_327, %dma_wait3A_331] : memref<16x128xi32, #tpu.memory_space<vmem>> -> memref<1x32xi32, #tpu.memory_space<vmem>>
    %dma_wait3A_333 = tpu.memref_squeeze %dma_wait3A_332 : memref<1x32xi32, #tpu.memory_space<vmem>> -> memref<32xi32, #tpu.memory_space<vmem>>
    %dma_wait3A_334 = arith.constant 0 : i32
    %dma_wait3A_335 = arith.constant 0 : i32
    %dma_wait3A_336 = tpu.memref_slice %arg2[%dma_wait3A_334, %dma_wait3A_335] : memref<10000x128xf32, #tpu.memory_space<hbm>> -> memref<10000x128xf32, #tpu.memory_space<hbm>>
    tpu.wait_indirect_dma semaphore(%arg15 : memref<!tpu.dma_semaphore, #tpu.memory_space<semaphore_mem>>) src(%dma_wait3A_336 : memref<10000x128xf32, #tpu.memory_space<hbm>>) dst(%dma_wait3A_330 : memref<32x128xf32, #tpu.memory_space<vmem>>)
    %dma_start3A_337 = arith.constant 2 : i32
    %dma_start3A_338 = arith.constant 0 : i32
    %dma_start3A_339 = tpu.memref_slice %arg9[%dma_start3A_337, %dma_start3A_338] : memref<16x128xi32, #tpu.memory_space<vmem>> -> memref<1x128xi32, #tpu.memory_space<vmem>>
    %dma_start3A_340 = tpu.memref_squeeze %dma_start3A_339 : memref<1x128xi32, #tpu.memory_space<vmem>> -> memref<128xi32, #tpu.memory_space<vmem>>
    %dma_start3A_341 = arith.constant 0 : i32
    %dma_start3A_342 = arith.constant 0 : i32
    %dma_start3A_343 = tpu.memref_slice %arg7[%dma_start3A_341, %dma_start3A_342] : memref<10240x128xf32, #tpu.memory_space<vmem_shared>> -> memref<10240x128xf32, #tpu.memory_space<vmem_shared>>
    tpu.enqueue_indirect_dma source(%arg10 : memref<128x128xf32, #tpu.memory_space<vmem>>) target(%dma_start3A_343 : memref<10240x128xf32, #tpu.memory_space<vmem_shared>>) offsets(%dma_start3A_340 : memref<128xi32, #tpu.memory_space<vmem>>) semaphore(%arg20 : memref<!tpu.dma_semaphore, #tpu.memory_space<semaphore_mem>>) {add = true}
    %dma_wait3A_344 = arith.constant 0 : i32
    %dma_wait3A_345 = arith.constant 0 : i32
    %dma_wait3A_346 = tpu.memref_slice %arg7[%dma_wait3A_344, %dma_wait3A_345] : memref<10240x128xf32, #tpu.memory_space<vmem_shared>> -> memref<128x128xf32, #tpu.memory_space<vmem_shared>>
    %dma_wait3A_347 = arith.constant 0 : i32
    %dma_wait3A_348 = arith.constant 0 : i32
    %dma_wait3A_349 = tpu.memref_slice %arg7[%dma_wait3A_347, %dma_wait3A_348] : memref<10240x128xf32, #tpu.memory_space<vmem_shared>> -> memref<128x128xf32, #tpu.memory_space<vmem_shared>>
    tpu.wait_dma2 semaphore(%arg20 : memref<!tpu.dma_semaphore, #tpu.memory_space<semaphore_mem>>) src(%arg10 : memref<128x128xf32, #tpu.memory_space<vmem>>) dst(%dma_wait3A_349 : memref<128x128xf32, #tpu.memory_space<vmem_shared>>)
    %dma_start3A_350 = arith.constant 4 : i32
    %dma_start3A_351 = arith.constant 0 : i32
    %dma_start3A_352 = arith.constant 0 : i32
    %dma_start3A_353 = tpu.memref_slice %arg10[%dma_start3A_351, %dma_start3A_352] : memref<128x128xf32, #tpu.memory_space<vmem>> -> memref<32x128xf32, #tpu.memory_space<vmem>>
    %dma_start3A_354 = arith.constant 0 : i32
    %dma_start3A_355 = tpu.memref_slice %arg8[%dma_start3A_350, %dma_start3A_354] : memref<16x128xi32, #tpu.memory_space<vmem>> -> memref<1x32xi32, #tpu.memory_space<vmem>>
    %dma_start3A_356 = tpu.memref_squeeze %dma_start3A_355 : memref<1x32xi32, #tpu.memory_space<vmem>> -> memref<32xi32, #tpu.memory_space<vmem>>
    %dma_start3A_357 = arith.constant 0 : i32
    %dma_start3A_358 = arith.constant 0 : i32
    %dma_start3A_359 = tpu.memref_slice %arg2[%dma_start3A_357, %dma_start3A_358] : memref<10000x128xf32, #tpu.memory_space<hbm>> -> memref<10000x128xf32, #tpu.memory_space<hbm>>
    tpu.enqueue_indirect_dma source(%dma_start3A_359 : memref<10000x128xf32, #tpu.memory_space<hbm>>) target(%dma_start3A_353 : memref<32x128xf32, #tpu.memory_space<vmem>>) offsets(%dma_start3A_356 : memref<32xi32, #tpu.memory_space<vmem>>) semaphore(%arg12 : memref<!tpu.dma_semaphore, #tpu.memory_space<semaphore_mem>>)
    %dma_start3A_360 = arith.constant 4 : i32
    %dma_start3A_361 = arith.constant 32 : i32
    %dma_start3A_362 = arith.constant 0 : i32
    %dma_start3A_363 = tpu.memref_slice %arg10[%dma_start3A_361, %dma_start3A_362] : memref<128x128xf32, #tpu.memory_space<vmem>> -> memref<32x128xf32, #tpu.memory_space<vmem>>
    %dma_start3A_364 = arith.constant 32 : i32
    %dma_start3A_365 = tpu.memref_slice %arg8[%dma_start3A_360, %dma_start3A_364] : memref<16x128xi32, #tpu.memory_space<vmem>> -> memref<1x32xi32, #tpu.memory_space<vmem>>
    %dma_start3A_366 = tpu.memref_squeeze %dma_start3A_365 : memref<1x32xi32, #tpu.memory_space<vmem>> -> memref<32xi32, #tpu.memory_space<vmem>>
    %dma_start3A_367 = arith.constant 0 : i32
    %dma_start3A_368 = arith.constant 0 : i32
    %dma_start3A_369 = tpu.memref_slice %arg2[%dma_start3A_367, %dma_start3A_368] : memref<10000x128xf32, #tpu.memory_space<hbm>> -> memref<10000x128xf32, #tpu.memory_space<hbm>>
    tpu.enqueue_indirect_dma source(%dma_start3A_369 : memref<10000x128xf32, #tpu.memory_space<hbm>>) target(%dma_start3A_363 : memref<32x128xf32, #tpu.memory_space<vmem>>) offsets(%dma_start3A_366 : memref<32xi32, #tpu.memory_space<vmem>>) semaphore(%arg13 : memref<!tpu.dma_semaphore, #tpu.memory_space<semaphore_mem>>)
    %dma_start3A_370 = arith.constant 4 : i32
    %dma_start3A_371 = arith.constant 64 : i32
    %dma_start3A_372 = arith.constant 0 : i32
    %dma_start3A_373 = tpu.memref_slice %arg10[%dma_start3A_371, %dma_start3A_372] : memref<128x128xf32, #tpu.memory_space<vmem>> -> memref<32x128xf32, #tpu.memory_space<vmem>>
    %dma_start3A_374 = arith.constant 64 : i32
    %dma_start3A_375 = tpu.memref_slice %arg8[%dma_start3A_370, %dma_start3A_374] : memref<16x128xi32, #tpu.memory_space<vmem>> -> memref<1x32xi32, #tpu.memory_space<vmem>>
    %dma_start3A_376 = tpu.memref_squeeze %dma_start3A_375 : memref<1x32xi32, #tpu.memory_space<vmem>> -> memref<32xi32, #tpu.memory_space<vmem>>
    %dma_start3A_377 = arith.constant 0 : i32
    %dma_start3A_378 = arith.constant 0 : i32
    %dma_start3A_379 = tpu.memref_slice %arg2[%dma_start3A_377, %dma_start3A_378] : memref<10000x128xf32, #tpu.memory_space<hbm>> -> memref<10000x128xf32, #tpu.memory_space<hbm>>
    tpu.enqueue_indirect_dma source(%dma_start3A_379 : memref<10000x128xf32, #tpu.memory_space<hbm>>) target(%dma_start3A_373 : memref<32x128xf32, #tpu.memory_space<vmem>>) offsets(%dma_start3A_376 : memref<32xi32, #tpu.memory_space<vmem>>) semaphore(%arg14 : memref<!tpu.dma_semaphore, #tpu.memory_space<semaphore_mem>>)
    %dma_start3A_380 = arith.constant 4 : i32
    %dma_start3A_381 = arith.constant 96 : i32
    %dma_start3A_382 = arith.constant 0 : i32
    %dma_start3A_383 = tpu.memref_slice %arg10[%dma_start3A_381, %dma_start3A_382] : memref<128x128xf32, #tpu.memory_space<vmem>> -> memref<32x128xf32, #tpu.memory_space<vmem>>
    %dma_start3A_384 = arith.constant 96 : i32
    %dma_start3A_385 = tpu.memref_slice %arg8[%dma_start3A_380, %dma_start3A_384] : memref<16x128xi32, #tpu.memory_space<vmem>> -> memref<1x32xi32, #tpu.memory_space<vmem>>
    %dma_start3A_386 = tpu.memref_squeeze %dma_start3A_385 : memref<1x32xi32, #tpu.memory_space<vmem>> -> memref<32xi32, #tpu.memory_space<vmem>>
    %dma_start3A_387 = arith.constant 0 : i32
    %dma_start3A_388 = arith.constant 0 : i32
    %dma_start3A_389 = tpu.memref_slice %arg2[%dma_start3A_387, %dma_start3A_388] : memref<10000x128xf32, #tpu.memory_space<hbm>> -> memref<10000x128xf32, #tpu.memory_space<hbm>>
    tpu.enqueue_indirect_dma source(%dma_start3A_389 : memref<10000x128xf32, #tpu.memory_space<hbm>>) target(%dma_start3A_383 : memref<32x128xf32, #tpu.memory_space<vmem>>) offsets(%dma_start3A_386 : memref<32xi32, #tpu.memory_space<vmem>>) semaphore(%arg15 : memref<!tpu.dma_semaphore, #tpu.memory_space<semaphore_mem>>)
    %dma_wait3A_390 = arith.constant 0 : i32
    %dma_wait3A_391 = arith.constant 0 : i32
    %dma_wait3A_392 = arith.constant 0 : i32
    %dma_wait3A_393 = tpu.memref_slice %arg11[%dma_wait3A_391, %dma_wait3A_392] : memref<128x128xf32, #tpu.memory_space<vmem>> -> memref<32x128xf32, #tpu.memory_space<vmem>>
    %dma_wait3A_394 = arith.constant 0 : i32
    %dma_wait3A_395 = tpu.memref_slice %arg8[%dma_wait3A_390, %dma_wait3A_394] : memref<16x128xi32, #tpu.memory_space<vmem>> -> memref<1x32xi32, #tpu.memory_space<vmem>>
    %dma_wait3A_396 = tpu.memref_squeeze %dma_wait3A_395 : memref<1x32xi32, #tpu.memory_space<vmem>> -> memref<32xi32, #tpu.memory_space<vmem>>
    %dma_wait3A_397 = arith.constant 0 : i32
    %dma_wait3A_398 = arith.constant 0 : i32
    %dma_wait3A_399 = tpu.memref_slice %arg2[%dma_wait3A_397, %dma_wait3A_398] : memref<10000x128xf32, #tpu.memory_space<hbm>> -> memref<10000x128xf32, #tpu.memory_space<hbm>>
    tpu.wait_indirect_dma semaphore(%arg16 : memref<!tpu.dma_semaphore, #tpu.memory_space<semaphore_mem>>) src(%dma_wait3A_399 : memref<10000x128xf32, #tpu.memory_space<hbm>>) dst(%dma_wait3A_393 : memref<32x128xf32, #tpu.memory_space<vmem>>)
    %dma_wait3A_400 = arith.constant 0 : i32
    %dma_wait3A_401 = arith.constant 0 : i32
    %dma_wait3A_402 = arith.constant 0 : i32
    %dma_wait3A_403 = tpu.memref_slice %arg11[%dma_wait3A_401, %dma_wait3A_402] : memref<128x128xf32, #tpu.memory_space<vmem>> -> memref<32x128xf32, #tpu.memory_space<vmem>>
    %dma_wait3A_404 = arith.constant 0 : i32
    %dma_wait3A_405 = tpu.memref_slice %arg8[%dma_wait3A_400, %dma_wait3A_404] : memref<16x128xi32, #tpu.memory_space<vmem>> -> memref<1x32xi32, #tpu.memory_space<vmem>>
    %dma_wait3A_406 = tpu.memref_squeeze %dma_wait3A_405 : memref<1x32xi32, #tpu.memory_space<vmem>> -> memref<32xi32, #tpu.memory_space<vmem>>
    %dma_wait3A_407 = arith.constant 0 : i32
    %dma_wait3A_408 = arith.constant 0 : i32
    %dma_wait3A_409 = tpu.memref_slice %arg2[%dma_wait3A_407, %dma_wait3A_408] : memref<10000x128xf32, #tpu.memory_space<hbm>> -> memref<10000x128xf32, #tpu.memory_space<hbm>>
    tpu.wait_indirect_dma semaphore(%arg17 : memref<!tpu.dma_semaphore, #tpu.memory_space<semaphore_mem>>) src(%dma_wait3A_409 : memref<10000x128xf32, #tpu.memory_space<hbm>>) dst(%dma_wait3A_403 : memref<32x128xf32, #tpu.memory_space<vmem>>)
    %dma_wait3A_410 = arith.constant 0 : i32
    %dma_wait3A_411 = arith.constant 0 : i32
    %dma_wait3A_412 = arith.constant 0 : i32
    %dma_wait3A_413 = tpu.memref_slice %arg11[%dma_wait3A_411, %dma_wait3A_412] : memref<128x128xf32, #tpu.memory_space<vmem>> -> memref<32x128xf32, #tpu.memory_space<vmem>>
    %dma_wait3A_414 = arith.constant 0 : i32
    %dma_wait3A_415 = tpu.memref_slice %arg8[%dma_wait3A_410, %dma_wait3A_414] : memref<16x128xi32, #tpu.memory_space<vmem>> -> memref<1x32xi32, #tpu.memory_space<vmem>>
    %dma_wait3A_416 = tpu.memref_squeeze %dma_wait3A_415 : memref<1x32xi32, #tpu.memory_space<vmem>> -> memref<32xi32, #tpu.memory_space<vmem>>
    %dma_wait3A_417 = arith.constant 0 : i32
    %dma_wait3A_418 = arith.constant 0 : i32
    %dma_wait3A_419 = tpu.memref_slice %arg2[%dma_wait3A_417, %dma_wait3A_418] : memref<10000x128xf32, #tpu.memory_space<hbm>> -> memref<10000x128xf32, #tpu.memory_space<hbm>>
    tpu.wait_indirect_dma semaphore(%arg18 : memref<!tpu.dma_semaphore, #tpu.memory_space<semaphore_mem>>) src(%dma_wait3A_419 : memref<10000x128xf32, #tpu.memory_space<hbm>>) dst(%dma_wait3A_413 : memref<32x128xf32, #tpu.memory_space<vmem>>)
    %dma_wait3A_420 = arith.constant 0 : i32
    %dma_wait3A_421 = arith.constant 0 : i32
    %dma_wait3A_422 = arith.constant 0 : i32
    %dma_wait3A_423 = tpu.memref_slice %arg11[%dma_wait3A_421, %dma_wait3A_422] : memref<128x128xf32, #tpu.memory_space<vmem>> -> memref<32x128xf32, #tpu.memory_space<vmem>>
    %dma_wait3A_424 = arith.constant 0 : i32
    %dma_wait3A_425 = tpu.memref_slice %arg8[%dma_wait3A_420, %dma_wait3A_424] : memref<16x128xi32, #tpu.memory_space<vmem>> -> memref<1x32xi32, #tpu.memory_space<vmem>>
    %dma_wait3A_426 = tpu.memref_squeeze %dma_wait3A_425 : memref<1x32xi32, #tpu.memory_space<vmem>> -> memref<32xi32, #tpu.memory_space<vmem>>
    %dma_wait3A_427 = arith.constant 0 : i32
    %dma_wait3A_428 = arith.constant 0 : i32
    %dma_wait3A_429 = tpu.memref_slice %arg2[%dma_wait3A_427, %dma_wait3A_428] : memref<10000x128xf32, #tpu.memory_space<hbm>> -> memref<10000x128xf32, #tpu.memory_space<hbm>>
    tpu.wait_indirect_dma semaphore(%arg19 : memref<!tpu.dma_semaphore, #tpu.memory_space<semaphore_mem>>) src(%dma_wait3A_429 : memref<10000x128xf32, #tpu.memory_space<hbm>>) dst(%dma_wait3A_423 : memref<32x128xf32, #tpu.memory_space<vmem>>)
    %dma_start3A_430 = arith.constant 3 : i32
    %dma_start3A_431 = arith.constant 0 : i32
    %dma_start3A_432 = tpu.memref_slice %arg9[%dma_start3A_430, %dma_start3A_431] : memref<16x128xi32, #tpu.memory_space<vmem>> -> memref<1x128xi32, #tpu.memory_space<vmem>>
    %dma_start3A_433 = tpu.memref_squeeze %dma_start3A_432 : memref<1x128xi32, #tpu.memory_space<vmem>> -> memref<128xi32, #tpu.memory_space<vmem>>
    %dma_start3A_434 = arith.constant 0 : i32
    %dma_start3A_435 = arith.constant 0 : i32
    %dma_start3A_436 = tpu.memref_slice %arg7[%dma_start3A_434, %dma_start3A_435] : memref<10240x128xf32, #tpu.memory_space<vmem_shared>> -> memref<10240x128xf32, #tpu.memory_space<vmem_shared>>
    tpu.enqueue_indirect_dma source(%arg11 : memref<128x128xf32, #tpu.memory_space<vmem>>) target(%dma_start3A_436 : memref<10240x128xf32, #tpu.memory_space<vmem_shared>>) offsets(%dma_start3A_433 : memref<128xi32, #tpu.memory_space<vmem>>) semaphore(%arg21 : memref<!tpu.dma_semaphore, #tpu.memory_space<semaphore_mem>>) {add = true}
    %dma_wait3A_437 = arith.constant 0 : i32
    %dma_wait3A_438 = arith.constant 0 : i32
    %dma_wait3A_439 = tpu.memref_slice %arg7[%dma_wait3A_437, %dma_wait3A_438] : memref<10240x128xf32, #tpu.memory_space<vmem_shared>> -> memref<128x128xf32, #tpu.memory_space<vmem_shared>>
    %dma_wait3A_440 = arith.constant 0 : i32
    %dma_wait3A_441 = arith.constant 0 : i32
    %dma_wait3A_442 = tpu.memref_slice %arg7[%dma_wait3A_440, %dma_wait3A_441] : memref<10240x128xf32, #tpu.memory_space<vmem_shared>> -> memref<128x128xf32, #tpu.memory_space<vmem_shared>>
    tpu.wait_dma2 semaphore(%arg21 : memref<!tpu.dma_semaphore, #tpu.memory_space<semaphore_mem>>) src(%arg10 : memref<128x128xf32, #tpu.memory_space<vmem>>) dst(%dma_wait3A_442 : memref<128x128xf32, #tpu.memory_space<vmem_shared>>)
    %dma_start3A_443 = arith.constant 5 : i32
    %dma_start3A_444 = arith.constant 0 : i32
    %dma_start3A_445 = arith.constant 0 : i32
    %dma_start3A_446 = tpu.memref_slice %arg11[%dma_start3A_444, %dma_start3A_445] : memref<128x128xf32, #tpu.memory_space<vmem>> -> memref<32x128xf32, #tpu.memory_space<vmem>>
    %dma_start3A_447 = arith.constant 0 : i32
    %dma_start3A_448 = tpu.memref_slice %arg8[%dma_start3A_443, %dma_start3A_447] : memref<16x128xi32, #tpu.memory_space<vmem>> -> memref<1x32xi32, #tpu.memory_space<vmem>>
    %dma_start3A_449 = tpu.memref_squeeze %dma_start3A_448 : memref<1x32xi32, #tpu.memory_space<vmem>> -> memref<32xi32, #tpu.memory_space<vmem>>
    %dma_start3A_450 = arith.constant 0 : i32
    %dma_start3A_451 = arith.constant 0 : i32
    %dma_start3A_452 = tpu.memref_slice %arg2[%dma_start3A_450, %dma_start3A_451] : memref<10000x128xf32, #tpu.memory_space<hbm>> -> memref<10000x128xf32, #tpu.memory_space<hbm>>
    tpu.enqueue_indirect_dma source(%dma_start3A_452 : memref<10000x128xf32, #tpu.memory_space<hbm>>) target(%dma_start3A_446 : memref<32x128xf32, #tpu.memory_space<vmem>>) offsets(%dma_start3A_449 : memref<32xi32, #tpu.memory_space<vmem>>) semaphore(%arg16 : memref<!tpu.dma_semaphore, #tpu.memory_space<semaphore_mem>>)
    %dma_start3A_453 = arith.constant 5 : i32
    %dma_start3A_454 = arith.constant 32 : i32
    %dma_start3A_455 = arith.constant 0 : i32
    %dma_start3A_456 = tpu.memref_slice %arg11[%dma_start3A_454, %dma_start3A_455] : memref<128x128xf32, #tpu.memory_space<vmem>> -> memref<32x128xf32, #tpu.memory_space<vmem>>
    %dma_start3A_457 = arith.constant 32 : i32
    %dma_start3A_458 = tpu.memref_slice %arg8[%dma_start3A_453, %dma_start3A_457] : memref<16x128xi32, #tpu.memory_space<vmem>> -> memref<1x32xi32, #tpu.memory_space<vmem>>
    %dma_start3A_459 = tpu.memref_squeeze %dma_start3A_458 : memref<1x32xi32, #tpu.memory_space<vmem>> -> memref<32xi32, #tpu.memory_space<vmem>>
    %dma_start3A_460 = arith.constant 0 : i32
    %dma_start3A_461 = arith.constant 0 : i32
    %dma_start3A_462 = tpu.memref_slice %arg2[%dma_start3A_460, %dma_start3A_461] : memref<10000x128xf32, #tpu.memory_space<hbm>> -> memref<10000x128xf32, #tpu.memory_space<hbm>>
    tpu.enqueue_indirect_dma source(%dma_start3A_462 : memref<10000x128xf32, #tpu.memory_space<hbm>>) target(%dma_start3A_456 : memref<32x128xf32, #tpu.memory_space<vmem>>) offsets(%dma_start3A_459 : memref<32xi32, #tpu.memory_space<vmem>>) semaphore(%arg17 : memref<!tpu.dma_semaphore, #tpu.memory_space<semaphore_mem>>)
    %dma_start3A_463 = arith.constant 5 : i32
    %dma_start3A_464 = arith.constant 64 : i32
    %dma_start3A_465 = arith.constant 0 : i32
    %dma_start3A_466 = tpu.memref_slice %arg11[%dma_start3A_464, %dma_start3A_465] : memref<128x128xf32, #tpu.memory_space<vmem>> -> memref<32x128xf32, #tpu.memory_space<vmem>>
    %dma_start3A_467 = arith.constant 64 : i32
    %dma_start3A_468 = tpu.memref_slice %arg8[%dma_start3A_463, %dma_start3A_467] : memref<16x128xi32, #tpu.memory_space<vmem>> -> memref<1x32xi32, #tpu.memory_space<vmem>>
    %dma_start3A_469 = tpu.memref_squeeze %dma_start3A_468 : memref<1x32xi32, #tpu.memory_space<vmem>> -> memref<32xi32, #tpu.memory_space<vmem>>
    %dma_start3A_470 = arith.constant 0 : i32
    %dma_start3A_471 = arith.constant 0 : i32
    %dma_start3A_472 = tpu.memref_slice %arg2[%dma_start3A_470, %dma_start3A_471] : memref<10000x128xf32, #tpu.memory_space<hbm>> -> memref<10000x128xf32, #tpu.memory_space<hbm>>
    tpu.enqueue_indirect_dma source(%dma_start3A_472 : memref<10000x128xf32, #tpu.memory_space<hbm>>) target(%dma_start3A_466 : memref<32x128xf32, #tpu.memory_space<vmem>>) offsets(%dma_start3A_469 : memref<32xi32, #tpu.memory_space<vmem>>) semaphore(%arg18 : memref<!tpu.dma_semaphore, #tpu.memory_space<semaphore_mem>>)
    %dma_start3A_473 = arith.constant 5 : i32
    %dma_start3A_474 = arith.constant 96 : i32
    %dma_start3A_475 = arith.constant 0 : i32
    %dma_start3A_476 = tpu.memref_slice %arg11[%dma_start3A_474, %dma_start3A_475] : memref<128x128xf32, #tpu.memory_space<vmem>> -> memref<32x128xf32, #tpu.memory_space<vmem>>
    %dma_start3A_477 = arith.constant 96 : i32
    %dma_start3A_478 = tpu.memref_slice %arg8[%dma_start3A_473, %dma_start3A_477] : memref<16x128xi32, #tpu.memory_space<vmem>> -> memref<1x32xi32, #tpu.memory_space<vmem>>
    %dma_start3A_479 = tpu.memref_squeeze %dma_start3A_478 : memref<1x32xi32, #tpu.memory_space<vmem>> -> memref<32xi32, #tpu.memory_space<vmem>>
    %dma_start3A_480 = arith.constant 0 : i32
    %dma_start3A_481 = arith.constant 0 : i32
    %dma_start3A_482 = tpu.memref_slice %arg2[%dma_start3A_480, %dma_start3A_481] : memref<10000x128xf32, #tpu.memory_space<hbm>> -> memref<10000x128xf32, #tpu.memory_space<hbm>>
    tpu.enqueue_indirect_dma source(%dma_start3A_482 : memref<10000x128xf32, #tpu.memory_space<hbm>>) target(%dma_start3A_476 : memref<32x128xf32, #tpu.memory_space<vmem>>) offsets(%dma_start3A_479 : memref<32xi32, #tpu.memory_space<vmem>>) semaphore(%arg19 : memref<!tpu.dma_semaphore, #tpu.memory_space<semaphore_mem>>)
    %dma_wait3A_483 = arith.constant 0 : i32
    %dma_wait3A_484 = arith.constant 0 : i32
    %dma_wait3A_485 = arith.constant 0 : i32
    %dma_wait3A_486 = tpu.memref_slice %arg10[%dma_wait3A_484, %dma_wait3A_485] : memref<128x128xf32, #tpu.memory_space<vmem>> -> memref<32x128xf32, #tpu.memory_space<vmem>>
    %dma_wait3A_487 = arith.constant 0 : i32
    %dma_wait3A_488 = tpu.memref_slice %arg8[%dma_wait3A_483, %dma_wait3A_487] : memref<16x128xi32, #tpu.memory_space<vmem>> -> memref<1x32xi32, #tpu.memory_space<vmem>>
    %dma_wait3A_489 = tpu.memref_squeeze %dma_wait3A_488 : memref<1x32xi32, #tpu.memory_space<vmem>> -> memref<32xi32, #tpu.memory_space<vmem>>
    %dma_wait3A_490 = arith.constant 0 : i32
    %dma_wait3A_491 = arith.constant 0 : i32
    %dma_wait3A_492 = tpu.memref_slice %arg2[%dma_wait3A_490, %dma_wait3A_491] : memref<10000x128xf32, #tpu.memory_space<hbm>> -> memref<10000x128xf32, #tpu.memory_space<hbm>>
    tpu.wait_indirect_dma semaphore(%arg12 : memref<!tpu.dma_semaphore, #tpu.memory_space<semaphore_mem>>) src(%dma_wait3A_492 : memref<10000x128xf32, #tpu.memory_space<hbm>>) dst(%dma_wait3A_486 : memref<32x128xf32, #tpu.memory_space<vmem>>)
    %dma_wait3A_493 = arith.constant 0 : i32
    %dma_wait3A_494 = arith.constant 0 : i32
    %dma_wait3A_495 = arith.constant 0 : i32
    %dma_wait3A_496 = tpu.memref_slice %arg10[%dma_wait3A_494, %dma_wait3A_495] : memref<128x128xf32, #tpu.memory_space<vmem>> -> memref<32x128xf32, #tpu.memory_space<vmem>>
    %dma_wait3A_497 = arith.constant 0 : i32
    %dma_wait3A_498 = tpu.memref_slice %arg8[%dma_wait3A_493, %dma_wait3A_497] : memref<16x128xi32, #tpu.memory_space<vmem>> -> memref<1x32xi32, #tpu.memory_space<vmem>>
    %dma_wait3A_499 = tpu.memref_squeeze %dma_wait3A_498 : memref<1x32xi32, #tpu.memory_space<vmem>> -> memref<32xi32, #tpu.memory_space<vmem>>
    %dma_wait3A_500 = arith.constant 0 : i32
    %dma_wait3A_501 = arith.constant 0 : i32
    %dma_wait3A_502 = tpu.memref_slice %arg2[%dma_wait3A_500, %dma_wait3A_501] : memref<10000x128xf32, #tpu.memory_space<hbm>> -> memref<10000x128xf32, #tpu.memory_space<hbm>>
    tpu.wait_indirect_dma semaphore(%arg13 : memref<!tpu.dma_semaphore, #tpu.memory_space<semaphore_mem>>) src(%dma_wait3A_502 : memref<10000x128xf32, #tpu.memory_space<hbm>>) dst(%dma_wait3A_496 : memref<32x128xf32, #tpu.memory_space<vmem>>)
    %dma_wait3A_503 = arith.constant 0 : i32
    %dma_wait3A_504 = arith.constant 0 : i32
    %dma_wait3A_505 = arith.constant 0 : i32
    %dma_wait3A_506 = tpu.memref_slice %arg10[%dma_wait3A_504, %dma_wait3A_505] : memref<128x128xf32, #tpu.memory_space<vmem>> -> memref<32x128xf32, #tpu.memory_space<vmem>>
    %dma_wait3A_507 = arith.constant 0 : i32
    %dma_wait3A_508 = tpu.memref_slice %arg8[%dma_wait3A_503, %dma_wait3A_507] : memref<16x128xi32, #tpu.memory_space<vmem>> -> memref<1x32xi32, #tpu.memory_space<vmem>>
    %dma_wait3A_509 = tpu.memref_squeeze %dma_wait3A_508 : memref<1x32xi32, #tpu.memory_space<vmem>> -> memref<32xi32, #tpu.memory_space<vmem>>
    %dma_wait3A_510 = arith.constant 0 : i32
    %dma_wait3A_511 = arith.constant 0 : i32
    %dma_wait3A_512 = tpu.memref_slice %arg2[%dma_wait3A_510, %dma_wait3A_511] : memref<10000x128xf32, #tpu.memory_space<hbm>> -> memref<10000x128xf32, #tpu.memory_space<hbm>>
    tpu.wait_indirect_dma semaphore(%arg14 : memref<!tpu.dma_semaphore, #tpu.memory_space<semaphore_mem>>) src(%dma_wait3A_512 : memref<10000x128xf32, #tpu.memory_space<hbm>>) dst(%dma_wait3A_506 : memref<32x128xf32, #tpu.memory_space<vmem>>)
    %dma_wait3A_513 = arith.constant 0 : i32
    %dma_wait3A_514 = arith.constant 0 : i32
    %dma_wait3A_515 = arith.constant 0 : i32
    %dma_wait3A_516 = tpu.memref_slice %arg10[%dma_wait3A_514, %dma_wait3A_515] : memref<128x128xf32, #tpu.memory_space<vmem>> -> memref<32x128xf32, #tpu.memory_space<vmem>>
    %dma_wait3A_517 = arith.constant 0 : i32
    %dma_wait3A_518 = tpu.memref_slice %arg8[%dma_wait3A_513, %dma_wait3A_517] : memref<16x128xi32, #tpu.memory_space<vmem>> -> memref<1x32xi32, #tpu.memory_space<vmem>>
    %dma_wait3A_519 = tpu.memref_squeeze %dma_wait3A_518 : memref<1x32xi32, #tpu.memory_space<vmem>> -> memref<32xi32, #tpu.memory_space<vmem>>
    %dma_wait3A_520 = arith.constant 0 : i32
    %dma_wait3A_521 = arith.constant 0 : i32
    %dma_wait3A_522 = tpu.memref_slice %arg2[%dma_wait3A_520, %dma_wait3A_521] : memref<10000x128xf32, #tpu.memory_space<hbm>> -> memref<10000x128xf32, #tpu.memory_space<hbm>>
    tpu.wait_indirect_dma semaphore(%arg15 : memref<!tpu.dma_semaphore, #tpu.memory_space<semaphore_mem>>) src(%dma_wait3A_522 : memref<10000x128xf32, #tpu.memory_space<hbm>>) dst(%dma_wait3A_516 : memref<32x128xf32, #tpu.memory_space<vmem>>)
    %dma_start3A_523 = arith.constant 4 : i32
    %dma_start3A_524 = arith.constant 0 : i32
    %dma_start3A_525 = tpu.memref_slice %arg9[%dma_start3A_523, %dma_start3A_524] : memref<16x128xi32, #tpu.memory_space<vmem>> -> memref<1x128xi32, #tpu.memory_space<vmem>>
    %dma_start3A_526 = tpu.memref_squeeze %dma_start3A_525 : memref<1x128xi32, #tpu.memory_space<vmem>> -> memref<128xi32, #tpu.memory_space<vmem>>
    %dma_start3A_527 = arith.constant 0 : i32
    %dma_start3A_528 = arith.constant 0 : i32
    %dma_start3A_529 = tpu.memref_slice %arg7[%dma_start3A_527, %dma_start3A_528] : memref<10240x128xf32, #tpu.memory_space<vmem_shared>> -> memref<10240x128xf32, #tpu.memory_space<vmem_shared>>
    tpu.enqueue_indirect_dma source(%arg10 : memref<128x128xf32, #tpu.memory_space<vmem>>) target(%dma_start3A_529 : memref<10240x128xf32, #tpu.memory_space<vmem_shared>>) offsets(%dma_start3A_526 : memref<128xi32, #tpu.memory_space<vmem>>) semaphore(%arg20 : memref<!tpu.dma_semaphore, #tpu.memory_space<semaphore_mem>>) {add = true}
    %dma_wait3A_530 = arith.constant 0 : i32
    %dma_wait3A_531 = arith.constant 0 : i32
    %dma_wait3A_532 = tpu.memref_slice %arg7[%dma_wait3A_530, %dma_wait3A_531] : memref<10240x128xf32, #tpu.memory_space<vmem_shared>> -> memref<128x128xf32, #tpu.memory_space<vmem_shared>>
    %dma_wait3A_533 = arith.constant 0 : i32
    %dma_wait3A_534 = arith.constant 0 : i32
    %dma_wait3A_535 = tpu.memref_slice %arg7[%dma_wait3A_533, %dma_wait3A_534] : memref<10240x128xf32, #tpu.memory_space<vmem_shared>> -> memref<128x128xf32, #tpu.memory_space<vmem_shared>>
    tpu.wait_dma2 semaphore(%arg20 : memref<!tpu.dma_semaphore, #tpu.memory_space<semaphore_mem>>) src(%arg10 : memref<128x128xf32, #tpu.memory_space<vmem>>) dst(%dma_wait3A_535 : memref<128x128xf32, #tpu.memory_space<vmem_shared>>)
    %dma_start3A_536 = arith.constant 6 : i32
    %dma_start3A_537 = arith.constant 0 : i32
    %dma_start3A_538 = arith.constant 0 : i32
    %dma_start3A_539 = tpu.memref_slice %arg10[%dma_start3A_537, %dma_start3A_538] : memref<128x128xf32, #tpu.memory_space<vmem>> -> memref<32x128xf32, #tpu.memory_space<vmem>>
    %dma_start3A_540 = arith.constant 0 : i32
    %dma_start3A_541 = tpu.memref_slice %arg8[%dma_start3A_536, %dma_start3A_540] : memref<16x128xi32, #tpu.memory_space<vmem>> -> memref<1x32xi32, #tpu.memory_space<vmem>>
    %dma_start3A_542 = tpu.memref_squeeze %dma_start3A_541 : memref<1x32xi32, #tpu.memory_space<vmem>> -> memref<32xi32, #tpu.memory_space<vmem>>
    %dma_start3A_543 = arith.constant 0 : i32
    %dma_start3A_544 = arith.constant 0 : i32
    %dma_start3A_545 = tpu.memref_slice %arg2[%dma_start3A_543, %dma_start3A_544] : memref<10000x128xf32, #tpu.memory_space<hbm>> -> memref<10000x128xf32, #tpu.memory_space<hbm>>
    tpu.enqueue_indirect_dma source(%dma_start3A_545 : memref<10000x128xf32, #tpu.memory_space<hbm>>) target(%dma_start3A_539 : memref<32x128xf32, #tpu.memory_space<vmem>>) offsets(%dma_start3A_542 : memref<32xi32, #tpu.memory_space<vmem>>) semaphore(%arg12 : memref<!tpu.dma_semaphore, #tpu.memory_space<semaphore_mem>>)
    %dma_start3A_546 = arith.constant 6 : i32
    %dma_start3A_547 = arith.constant 32 : i32
    %dma_start3A_548 = arith.constant 0 : i32
    %dma_start3A_549 = tpu.memref_slice %arg10[%dma_start3A_547, %dma_start3A_548] : memref<128x128xf32, #tpu.memory_space<vmem>> -> memref<32x128xf32, #tpu.memory_space<vmem>>
    %dma_start3A_550 = arith.constant 32 : i32
    %dma_start3A_551 = tpu.memref_slice %arg8[%dma_start3A_546, %dma_start3A_550] : memref<16x128xi32, #tpu.memory_space<vmem>> -> memref<1x32xi32, #tpu.memory_space<vmem>>
    %dma_start3A_552 = tpu.memref_squeeze %dma_start3A_551 : memref<1x32xi32, #tpu.memory_space<vmem>> -> memref<32xi32, #tpu.memory_space<vmem>>
    %dma_start3A_553 = arith.constant 0 : i32
    %dma_start3A_554 = arith.constant 0 : i32
    %dma_start3A_555 = tpu.memref_slice %arg2[%dma_start3A_553, %dma_start3A_554] : memref<10000x128xf32, #tpu.memory_space<hbm>> -> memref<10000x128xf32, #tpu.memory_space<hbm>>
    tpu.enqueue_indirect_dma source(%dma_start3A_555 : memref<10000x128xf32, #tpu.memory_space<hbm>>) target(%dma_start3A_549 : memref<32x128xf32, #tpu.memory_space<vmem>>) offsets(%dma_start3A_552 : memref<32xi32, #tpu.memory_space<vmem>>) semaphore(%arg13 : memref<!tpu.dma_semaphore, #tpu.memory_space<semaphore_mem>>)
    %dma_start3A_556 = arith.constant 6 : i32
    %dma_start3A_557 = arith.constant 64 : i32
    %dma_start3A_558 = arith.constant 0 : i32
    %dma_start3A_559 = tpu.memref_slice %arg10[%dma_start3A_557, %dma_start3A_558] : memref<128x128xf32, #tpu.memory_space<vmem>> -> memref<32x128xf32, #tpu.memory_space<vmem>>
    %dma_start3A_560 = arith.constant 64 : i32
    %dma_start3A_561 = tpu.memref_slice %arg8[%dma_start3A_556, %dma_start3A_560] : memref<16x128xi32, #tpu.memory_space<vmem>> -> memref<1x32xi32, #tpu.memory_space<vmem>>
    %dma_start3A_562 = tpu.memref_squeeze %dma_start3A_561 : memref<1x32xi32, #tpu.memory_space<vmem>> -> memref<32xi32, #tpu.memory_space<vmem>>
    %dma_start3A_563 = arith.constant 0 : i32
    %dma_start3A_564 = arith.constant 0 : i32
    %dma_start3A_565 = tpu.memref_slice %arg2[%dma_start3A_563, %dma_start3A_564] : memref<10000x128xf32, #tpu.memory_space<hbm>> -> memref<10000x128xf32, #tpu.memory_space<hbm>>
    tpu.enqueue_indirect_dma source(%dma_start3A_565 : memref<10000x128xf32, #tpu.memory_space<hbm>>) target(%dma_start3A_559 : memref<32x128xf32, #tpu.memory_space<vmem>>) offsets(%dma_start3A_562 : memref<32xi32, #tpu.memory_space<vmem>>) semaphore(%arg14 : memref<!tpu.dma_semaphore, #tpu.memory_space<semaphore_mem>>)
    %dma_start3A_566 = arith.constant 6 : i32
    %dma_start3A_567 = arith.constant 96 : i32
    %dma_start3A_568 = arith.constant 0 : i32
    %dma_start3A_569 = tpu.memref_slice %arg10[%dma_start3A_567, %dma_start3A_568] : memref<128x128xf32, #tpu.memory_space<vmem>> -> memref<32x128xf32, #tpu.memory_space<vmem>>
    %dma_start3A_570 = arith.constant 96 : i32
    %dma_start3A_571 = tpu.memref_slice %arg8[%dma_start3A_566, %dma_start3A_570] : memref<16x128xi32, #tpu.memory_space<vmem>> -> memref<1x32xi32, #tpu.memory_space<vmem>>
    %dma_start3A_572 = tpu.memref_squeeze %dma_start3A_571 : memref<1x32xi32, #tpu.memory_space<vmem>> -> memref<32xi32, #tpu.memory_space<vmem>>
    %dma_start3A_573 = arith.constant 0 : i32
    %dma_start3A_574 = arith.constant 0 : i32
    %dma_start3A_575 = tpu.memref_slice %arg2[%dma_start3A_573, %dma_start3A_574] : memref<10000x128xf32, #tpu.memory_space<hbm>> -> memref<10000x128xf32, #tpu.memory_space<hbm>>
    tpu.enqueue_indirect_dma source(%dma_start3A_575 : memref<10000x128xf32, #tpu.memory_space<hbm>>) target(%dma_start3A_569 : memref<32x128xf32, #tpu.memory_space<vmem>>) offsets(%dma_start3A_572 : memref<32xi32, #tpu.memory_space<vmem>>) semaphore(%arg15 : memref<!tpu.dma_semaphore, #tpu.memory_space<semaphore_mem>>)
    %dma_wait3A_576 = arith.constant 0 : i32
    %dma_wait3A_577 = arith.constant 0 : i32
    %dma_wait3A_578 = arith.constant 0 : i32
    %dma_wait3A_579 = tpu.memref_slice %arg11[%dma_wait3A_577, %dma_wait3A_578] : memref<128x128xf32, #tpu.memory_space<vmem>> -> memref<32x128xf32, #tpu.memory_space<vmem>>
    %dma_wait3A_580 = arith.constant 0 : i32
    %dma_wait3A_581 = tpu.memref_slice %arg8[%dma_wait3A_576, %dma_wait3A_580] : memref<16x128xi32, #tpu.memory_space<vmem>> -> memref<1x32xi32, #tpu.memory_space<vmem>>
    %dma_wait3A_582 = tpu.memref_squeeze %dma_wait3A_581 : memref<1x32xi32, #tpu.memory_space<vmem>> -> memref<32xi32, #tpu.memory_space<vmem>>
    %dma_wait3A_583 = arith.constant 0 : i32
    %dma_wait3A_584 = arith.constant 0 : i32
    %dma_wait3A_585 = tpu.memref_slice %arg2[%dma_wait3A_583, %dma_wait3A_584] : memref<10000x128xf32, #tpu.memory_space<hbm>> -> memref<10000x128xf32, #tpu.memory_space<hbm>>
    tpu.wait_indirect_dma semaphore(%arg16 : memref<!tpu.dma_semaphore, #tpu.memory_space<semaphore_mem>>) src(%dma_wait3A_585 : memref<10000x128xf32, #tpu.memory_space<hbm>>) dst(%dma_wait3A_579 : memref<32x128xf32, #tpu.memory_space<vmem>>)
    %dma_wait3A_586 = arith.constant 0 : i32
    %dma_wait3A_587 = arith.constant 0 : i32
    %dma_wait3A_588 = arith.constant 0 : i32
    %dma_wait3A_589 = tpu.memref_slice %arg11[%dma_wait3A_587, %dma_wait3A_588] : memref<128x128xf32, #tpu.memory_space<vmem>> -> memref<32x128xf32, #tpu.memory_space<vmem>>
    %dma_wait3A_590 = arith.constant 0 : i32
    %dma_wait3A_591 = tpu.memref_slice %arg8[%dma_wait3A_586, %dma_wait3A_590] : memref<16x128xi32, #tpu.memory_space<vmem>> -> memref<1x32xi32, #tpu.memory_space<vmem>>
    %dma_wait3A_592 = tpu.memref_squeeze %dma_wait3A_591 : memref<1x32xi32, #tpu.memory_space<vmem>> -> memref<32xi32, #tpu.memory_space<vmem>>
    %dma_wait3A_593 = arith.constant 0 : i32
    %dma_wait3A_594 = arith.constant 0 : i32
    %dma_wait3A_595 = tpu.memref_slice %arg2[%dma_wait3A_593, %dma_wait3A_594] : memref<10000x128xf32, #tpu.memory_space<hbm>> -> memref<10000x128xf32, #tpu.memory_space<hbm>>
    tpu.wait_indirect_dma semaphore(%arg17 : memref<!tpu.dma_semaphore, #tpu.memory_space<semaphore_mem>>) src(%dma_wait3A_595 : memref<10000x128xf32, #tpu.memory_space<hbm>>) dst(%dma_wait3A_589 : memref<32x128xf32, #tpu.memory_space<vmem>>)
    %dma_wait3A_596 = arith.constant 0 : i32
    %dma_wait3A_597 = arith.constant 0 : i32
    %dma_wait3A_598 = arith.constant 0 : i32
    %dma_wait3A_599 = tpu.memref_slice %arg11[%dma_wait3A_597, %dma_wait3A_598] : memref<128x128xf32, #tpu.memory_space<vmem>> -> memref<32x128xf32, #tpu.memory_space<vmem>>
    %dma_wait3A_600 = arith.constant 0 : i32
    %dma_wait3A_601 = tpu.memref_slice %arg8[%dma_wait3A_596, %dma_wait3A_600] : memref<16x128xi32, #tpu.memory_space<vmem>> -> memref<1x32xi32, #tpu.memory_space<vmem>>
    %dma_wait3A_602 = tpu.memref_squeeze %dma_wait3A_601 : memref<1x32xi32, #tpu.memory_space<vmem>> -> memref<32xi32, #tpu.memory_space<vmem>>
    %dma_wait3A_603 = arith.constant 0 : i32
    %dma_wait3A_604 = arith.constant 0 : i32
    %dma_wait3A_605 = tpu.memref_slice %arg2[%dma_wait3A_603, %dma_wait3A_604] : memref<10000x128xf32, #tpu.memory_space<hbm>> -> memref<10000x128xf32, #tpu.memory_space<hbm>>
    tpu.wait_indirect_dma semaphore(%arg18 : memref<!tpu.dma_semaphore, #tpu.memory_space<semaphore_mem>>) src(%dma_wait3A_605 : memref<10000x128xf32, #tpu.memory_space<hbm>>) dst(%dma_wait3A_599 : memref<32x128xf32, #tpu.memory_space<vmem>>)
    %dma_wait3A_606 = arith.constant 0 : i32
    %dma_wait3A_607 = arith.constant 0 : i32
    %dma_wait3A_608 = arith.constant 0 : i32
    %dma_wait3A_609 = tpu.memref_slice %arg11[%dma_wait3A_607, %dma_wait3A_608] : memref<128x128xf32, #tpu.memory_space<vmem>> -> memref<32x128xf32, #tpu.memory_space<vmem>>
    %dma_wait3A_610 = arith.constant 0 : i32
    %dma_wait3A_611 = tpu.memref_slice %arg8[%dma_wait3A_606, %dma_wait3A_610] : memref<16x128xi32, #tpu.memory_space<vmem>> -> memref<1x32xi32, #tpu.memory_space<vmem>>
    %dma_wait3A_612 = tpu.memref_squeeze %dma_wait3A_611 : memref<1x32xi32, #tpu.memory_space<vmem>> -> memref<32xi32, #tpu.memory_space<vmem>>
    %dma_wait3A_613 = arith.constant 0 : i32
    %dma_wait3A_614 = arith.constant 0 : i32
    %dma_wait3A_615 = tpu.memref_slice %arg2[%dma_wait3A_613, %dma_wait3A_614] : memref<10000x128xf32, #tpu.memory_space<hbm>> -> memref<10000x128xf32, #tpu.memory_space<hbm>>
    tpu.wait_indirect_dma semaphore(%arg19 : memref<!tpu.dma_semaphore, #tpu.memory_space<semaphore_mem>>) src(%dma_wait3A_615 : memref<10000x128xf32, #tpu.memory_space<hbm>>) dst(%dma_wait3A_609 : memref<32x128xf32, #tpu.memory_space<vmem>>)
    %dma_start3A_616 = arith.constant 5 : i32
    %dma_start3A_617 = arith.constant 0 : i32
    %dma_start3A_618 = tpu.memref_slice %arg9[%dma_start3A_616, %dma_start3A_617] : memref<16x128xi32, #tpu.memory_space<vmem>> -> memref<1x128xi32, #tpu.memory_space<vmem>>
    %dma_start3A_619 = tpu.memref_squeeze %dma_start3A_618 : memref<1x128xi32, #tpu.memory_space<vmem>> -> memref<128xi32, #tpu.memory_space<vmem>>
    %dma_start3A_620 = arith.constant 0 : i32
    %dma_start3A_621 = arith.constant 0 : i32
    %dma_start3A_622 = tpu.memref_slice %arg7[%dma_start3A_620, %dma_start3A_621] : memref<10240x128xf32, #tpu.memory_space<vmem_shared>> -> memref<10240x128xf32, #tpu.memory_space<vmem_shared>>
    tpu.enqueue_indirect_dma source(%arg11 : memref<128x128xf32, #tpu.memory_space<vmem>>) target(%dma_start3A_622 : memref<10240x128xf32, #tpu.memory_space<vmem_shared>>) offsets(%dma_start3A_619 : memref<128xi32, #tpu.memory_space<vmem>>) semaphore(%arg21 : memref<!tpu.dma_semaphore, #tpu.memory_space<semaphore_mem>>) {add = true}
    %dma_wait3A_623 = arith.constant 0 : i32
    %dma_wait3A_624 = arith.constant 0 : i32
    %dma_wait3A_625 = tpu.memref_slice %arg7[%dma_wait3A_623, %dma_wait3A_624] : memref<10240x128xf32, #tpu.memory_space<vmem_shared>> -> memref<128x128xf32, #tpu.memory_space<vmem_shared>>
    %dma_wait3A_626 = arith.constant 0 : i32
    %dma_wait3A_627 = arith.constant 0 : i32
    %dma_wait3A_628 = tpu.memref_slice %arg7[%dma_wait3A_626, %dma_wait3A_627] : memref<10240x128xf32, #tpu.memory_space<vmem_shared>> -> memref<128x128xf32, #tpu.memory_space<vmem_shared>>
    tpu.wait_dma2 semaphore(%arg21 : memref<!tpu.dma_semaphore, #tpu.memory_space<semaphore_mem>>) src(%arg10 : memref<128x128xf32, #tpu.memory_space<vmem>>) dst(%dma_wait3A_628 : memref<128x128xf32, #tpu.memory_space<vmem_shared>>)
    %dma_start3A_629 = arith.constant 7 : i32
    %dma_start3A_630 = arith.constant 0 : i32
    %dma_start3A_631 = arith.constant 0 : i32
    %dma_start3A_632 = tpu.memref_slice %arg11[%dma_start3A_630, %dma_start3A_631] : memref<128x128xf32, #tpu.memory_space<vmem>> -> memref<32x128xf32, #tpu.memory_space<vmem>>
    %dma_start3A_633 = arith.constant 0 : i32
    %dma_start3A_634 = tpu.memref_slice %arg8[%dma_start3A_629, %dma_start3A_633] : memref<16x128xi32, #tpu.memory_space<vmem>> -> memref<1x32xi32, #tpu.memory_space<vmem>>
    %dma_start3A_635 = tpu.memref_squeeze %dma_start3A_634 : memref<1x32xi32, #tpu.memory_space<vmem>> -> memref<32xi32, #tpu.memory_space<vmem>>
    %dma_start3A_636 = arith.constant 0 : i32
    %dma_start3A_637 = arith.constant 0 : i32
    %dma_start3A_638 = tpu.memref_slice %arg2[%dma_start3A_636, %dma_start3A_637] : memref<10000x128xf32, #tpu.memory_space<hbm>> -> memref<10000x128xf32, #tpu.memory_space<hbm>>
    tpu.enqueue_indirect_dma source(%dma_start3A_638 : memref<10000x128xf32, #tpu.memory_space<hbm>>) target(%dma_start3A_632 : memref<32x128xf32, #tpu.memory_space<vmem>>) offsets(%dma_start3A_635 : memref<32xi32, #tpu.memory_space<vmem>>) semaphore(%arg16 : memref<!tpu.dma_semaphore, #tpu.memory_space<semaphore_mem>>)
    %dma_start3A_639 = arith.constant 7 : i32
    %dma_start3A_640 = arith.constant 32 : i32
    %dma_start3A_641 = arith.constant 0 : i32
    %dma_start3A_642 = tpu.memref_slice %arg11[%dma_start3A_640, %dma_start3A_641] : memref<128x128xf32, #tpu.memory_space<vmem>> -> memref<32x128xf32, #tpu.memory_space<vmem>>
    %dma_start3A_643 = arith.constant 32 : i32
    %dma_start3A_644 = tpu.memref_slice %arg8[%dma_start3A_639, %dma_start3A_643] : memref<16x128xi32, #tpu.memory_space<vmem>> -> memref<1x32xi32, #tpu.memory_space<vmem>>
    %dma_start3A_645 = tpu.memref_squeeze %dma_start3A_644 : memref<1x32xi32, #tpu.memory_space<vmem>> -> memref<32xi32, #tpu.memory_space<vmem>>
    %dma_start3A_646 = arith.constant 0 : i32
    %dma_start3A_647 = arith.constant 0 : i32
    %dma_start3A_648 = tpu.memref_slice %arg2[%dma_start3A_646, %dma_start3A_647] : memref<10000x128xf32, #tpu.memory_space<hbm>> -> memref<10000x128xf32, #tpu.memory_space<hbm>>
    tpu.enqueue_indirect_dma source(%dma_start3A_648 : memref<10000x128xf32, #tpu.memory_space<hbm>>) target(%dma_start3A_642 : memref<32x128xf32, #tpu.memory_space<vmem>>) offsets(%dma_start3A_645 : memref<32xi32, #tpu.memory_space<vmem>>) semaphore(%arg17 : memref<!tpu.dma_semaphore, #tpu.memory_space<semaphore_mem>>)
    %dma_start3A_649 = arith.constant 7 : i32
    %dma_start3A_650 = arith.constant 64 : i32
    %dma_start3A_651 = arith.constant 0 : i32
    %dma_start3A_652 = tpu.memref_slice %arg11[%dma_start3A_650, %dma_start3A_651] : memref<128x128xf32, #tpu.memory_space<vmem>> -> memref<32x128xf32, #tpu.memory_space<vmem>>
    %dma_start3A_653 = arith.constant 64 : i32
    %dma_start3A_654 = tpu.memref_slice %arg8[%dma_start3A_649, %dma_start3A_653] : memref<16x128xi32, #tpu.memory_space<vmem>> -> memref<1x32xi32, #tpu.memory_space<vmem>>
    %dma_start3A_655 = tpu.memref_squeeze %dma_start3A_654 : memref<1x32xi32, #tpu.memory_space<vmem>> -> memref<32xi32, #tpu.memory_space<vmem>>
    %dma_start3A_656 = arith.constant 0 : i32
    %dma_start3A_657 = arith.constant 0 : i32
    %dma_start3A_658 = tpu.memref_slice %arg2[%dma_start3A_656, %dma_start3A_657] : memref<10000x128xf32, #tpu.memory_space<hbm>> -> memref<10000x128xf32, #tpu.memory_space<hbm>>
    tpu.enqueue_indirect_dma source(%dma_start3A_658 : memref<10000x128xf32, #tpu.memory_space<hbm>>) target(%dma_start3A_652 : memref<32x128xf32, #tpu.memory_space<vmem>>) offsets(%dma_start3A_655 : memref<32xi32, #tpu.memory_space<vmem>>) semaphore(%arg18 : memref<!tpu.dma_semaphore, #tpu.memory_space<semaphore_mem>>)
    %dma_start3A_659 = arith.constant 7 : i32
    %dma_start3A_660 = arith.constant 96 : i32
    %dma_start3A_661 = arith.constant 0 : i32
    %dma_start3A_662 = tpu.memref_slice %arg11[%dma_start3A_660, %dma_start3A_661] : memref<128x128xf32, #tpu.memory_space<vmem>> -> memref<32x128xf32, #tpu.memory_space<vmem>>
    %dma_start3A_663 = arith.constant 96 : i32
    %dma_start3A_664 = tpu.memref_slice %arg8[%dma_start3A_659, %dma_start3A_663] : memref<16x128xi32, #tpu.memory_space<vmem>> -> memref<1x32xi32, #tpu.memory_space<vmem>>
    %dma_start3A_665 = tpu.memref_squeeze %dma_start3A_664 : memref<1x32xi32, #tpu.memory_space<vmem>> -> memref<32xi32, #tpu.memory_space<vmem>>
    %dma_start3A_666 = arith.constant 0 : i32
    %dma_start3A_667 = arith.constant 0 : i32
    %dma_start3A_668 = tpu.memref_slice %arg2[%dma_start3A_666, %dma_start3A_667] : memref<10000x128xf32, #tpu.memory_space<hbm>> -> memref<10000x128xf32, #tpu.memory_space<hbm>>
    tpu.enqueue_indirect_dma source(%dma_start3A_668 : memref<10000x128xf32, #tpu.memory_space<hbm>>) target(%dma_start3A_662 : memref<32x128xf32, #tpu.memory_space<vmem>>) offsets(%dma_start3A_665 : memref<32xi32, #tpu.memory_space<vmem>>) semaphore(%arg19 : memref<!tpu.dma_semaphore, #tpu.memory_space<semaphore_mem>>)
    %dma_wait3A_669 = arith.constant 0 : i32
    %dma_wait3A_670 = arith.constant 0 : i32
    %dma_wait3A_671 = arith.constant 0 : i32
    %dma_wait3A_672 = tpu.memref_slice %arg10[%dma_wait3A_670, %dma_wait3A_671] : memref<128x128xf32, #tpu.memory_space<vmem>> -> memref<32x128xf32, #tpu.memory_space<vmem>>
    %dma_wait3A_673 = arith.constant 0 : i32
    %dma_wait3A_674 = tpu.memref_slice %arg8[%dma_wait3A_669, %dma_wait3A_673] : memref<16x128xi32, #tpu.memory_space<vmem>> -> memref<1x32xi32, #tpu.memory_space<vmem>>
    %dma_wait3A_675 = tpu.memref_squeeze %dma_wait3A_674 : memref<1x32xi32, #tpu.memory_space<vmem>> -> memref<32xi32, #tpu.memory_space<vmem>>
    %dma_wait3A_676 = arith.constant 0 : i32
    %dma_wait3A_677 = arith.constant 0 : i32
    %dma_wait3A_678 = tpu.memref_slice %arg2[%dma_wait3A_676, %dma_wait3A_677] : memref<10000x128xf32, #tpu.memory_space<hbm>> -> memref<10000x128xf32, #tpu.memory_space<hbm>>
    tpu.wait_indirect_dma semaphore(%arg12 : memref<!tpu.dma_semaphore, #tpu.memory_space<semaphore_mem>>) src(%dma_wait3A_678 : memref<10000x128xf32, #tpu.memory_space<hbm>>) dst(%dma_wait3A_672 : memref<32x128xf32, #tpu.memory_space<vmem>>)
    %dma_wait3A_679 = arith.constant 0 : i32
    %dma_wait3A_680 = arith.constant 0 : i32
    %dma_wait3A_681 = arith.constant 0 : i32
    %dma_wait3A_682 = tpu.memref_slice %arg10[%dma_wait3A_680, %dma_wait3A_681] : memref<128x128xf32, #tpu.memory_space<vmem>> -> memref<32x128xf32, #tpu.memory_space<vmem>>
    %dma_wait3A_683 = arith.constant 0 : i32
    %dma_wait3A_684 = tpu.memref_slice %arg8[%dma_wait3A_679, %dma_wait3A_683] : memref<16x128xi32, #tpu.memory_space<vmem>> -> memref<1x32xi32, #tpu.memory_space<vmem>>
    %dma_wait3A_685 = tpu.memref_squeeze %dma_wait3A_684 : memref<1x32xi32, #tpu.memory_space<vmem>> -> memref<32xi32, #tpu.memory_space<vmem>>
    %dma_wait3A_686 = arith.constant 0 : i32
    %dma_wait3A_687 = arith.constant 0 : i32
    %dma_wait3A_688 = tpu.memref_slice %arg2[%dma_wait3A_686, %dma_wait3A_687] : memref<10000x128xf32, #tpu.memory_space<hbm>> -> memref<10000x128xf32, #tpu.memory_space<hbm>>
    tpu.wait_indirect_dma semaphore(%arg13 : memref<!tpu.dma_semaphore, #tpu.memory_space<semaphore_mem>>) src(%dma_wait3A_688 : memref<10000x128xf32, #tpu.memory_space<hbm>>) dst(%dma_wait3A_682 : memref<32x128xf32, #tpu.memory_space<vmem>>)
    %dma_wait3A_689 = arith.constant 0 : i32
    %dma_wait3A_690 = arith.constant 0 : i32
    %dma_wait3A_691 = arith.constant 0 : i32
    %dma_wait3A_692 = tpu.memref_slice %arg10[%dma_wait3A_690, %dma_wait3A_691] : memref<128x128xf32, #tpu.memory_space<vmem>> -> memref<32x128xf32, #tpu.memory_space<vmem>>
    %dma_wait3A_693 = arith.constant 0 : i32
    %dma_wait3A_694 = tpu.memref_slice %arg8[%dma_wait3A_689, %dma_wait3A_693] : memref<16x128xi32, #tpu.memory_space<vmem>> -> memref<1x32xi32, #tpu.memory_space<vmem>>
    %dma_wait3A_695 = tpu.memref_squeeze %dma_wait3A_694 : memref<1x32xi32, #tpu.memory_space<vmem>> -> memref<32xi32, #tpu.memory_space<vmem>>
    %dma_wait3A_696 = arith.constant 0 : i32
    %dma_wait3A_697 = arith.constant 0 : i32
    %dma_wait3A_698 = tpu.memref_slice %arg2[%dma_wait3A_696, %dma_wait3A_697] : memref<10000x128xf32, #tpu.memory_space<hbm>> -> memref<10000x128xf32, #tpu.memory_space<hbm>>
    tpu.wait_indirect_dma semaphore(%arg14 : memref<!tpu.dma_semaphore, #tpu.memory_space<semaphore_mem>>) src(%dma_wait3A_698 : memref<10000x128xf32, #tpu.memory_space<hbm>>) dst(%dma_wait3A_692 : memref<32x128xf32, #tpu.memory_space<vmem>>)
    %dma_wait3A_699 = arith.constant 0 : i32
    %dma_wait3A_700 = arith.constant 0 : i32
    %dma_wait3A_701 = arith.constant 0 : i32
    %dma_wait3A_702 = tpu.memref_slice %arg10[%dma_wait3A_700, %dma_wait3A_701] : memref<128x128xf32, #tpu.memory_space<vmem>> -> memref<32x128xf32, #tpu.memory_space<vmem>>
    %dma_wait3A_703 = arith.constant 0 : i32
    %dma_wait3A_704 = tpu.memref_slice %arg8[%dma_wait3A_699, %dma_wait3A_703] : memref<16x128xi32, #tpu.memory_space<vmem>> -> memref<1x32xi32, #tpu.memory_space<vmem>>
    %dma_wait3A_705 = tpu.memref_squeeze %dma_wait3A_704 : memref<1x32xi32, #tpu.memory_space<vmem>> -> memref<32xi32, #tpu.memory_space<vmem>>
    %dma_wait3A_706 = arith.constant 0 : i32
    %dma_wait3A_707 = arith.constant 0 : i32
    %dma_wait3A_708 = tpu.memref_slice %arg2[%dma_wait3A_706, %dma_wait3A_707] : memref<10000x128xf32, #tpu.memory_space<hbm>> -> memref<10000x128xf32, #tpu.memory_space<hbm>>
    tpu.wait_indirect_dma semaphore(%arg15 : memref<!tpu.dma_semaphore, #tpu.memory_space<semaphore_mem>>) src(%dma_wait3A_708 : memref<10000x128xf32, #tpu.memory_space<hbm>>) dst(%dma_wait3A_702 : memref<32x128xf32, #tpu.memory_space<vmem>>)
    %dma_start3A_709 = arith.constant 6 : i32
    %dma_start3A_710 = arith.constant 0 : i32
    %dma_start3A_711 = tpu.memref_slice %arg9[%dma_start3A_709, %dma_start3A_710] : memref<16x128xi32, #tpu.memory_space<vmem>> -> memref<1x128xi32, #tpu.memory_space<vmem>>
    %dma_start3A_712 = tpu.memref_squeeze %dma_start3A_711 : memref<1x128xi32, #tpu.memory_space<vmem>> -> memref<128xi32, #tpu.memory_space<vmem>>
    %dma_start3A_713 = arith.constant 0 : i32
    %dma_start3A_714 = arith.constant 0 : i32
    %dma_start3A_715 = tpu.memref_slice %arg7[%dma_start3A_713, %dma_start3A_714] : memref<10240x128xf32, #tpu.memory_space<vmem_shared>> -> memref<10240x128xf32, #tpu.memory_space<vmem_shared>>
    tpu.enqueue_indirect_dma source(%arg10 : memref<128x128xf32, #tpu.memory_space<vmem>>) target(%dma_start3A_715 : memref<10240x128xf32, #tpu.memory_space<vmem_shared>>) offsets(%dma_start3A_712 : memref<128xi32, #tpu.memory_space<vmem>>) semaphore(%arg20 : memref<!tpu.dma_semaphore, #tpu.memory_space<semaphore_mem>>) {add = true}
    %dma_wait3A_716 = arith.constant 0 : i32
    %dma_wait3A_717 = arith.constant 0 : i32
    %dma_wait3A_718 = tpu.memref_slice %arg7[%dma_wait3A_716, %dma_wait3A_717] : memref<10240x128xf32, #tpu.memory_space<vmem_shared>> -> memref<128x128xf32, #tpu.memory_space<vmem_shared>>
    %dma_wait3A_719 = arith.constant 0 : i32
    %dma_wait3A_720 = arith.constant 0 : i32
    %dma_wait3A_721 = tpu.memref_slice %arg7[%dma_wait3A_719, %dma_wait3A_720] : memref<10240x128xf32, #tpu.memory_space<vmem_shared>> -> memref<128x128xf32, #tpu.memory_space<vmem_shared>>
    tpu.wait_dma2 semaphore(%arg20 : memref<!tpu.dma_semaphore, #tpu.memory_space<semaphore_mem>>) src(%arg10 : memref<128x128xf32, #tpu.memory_space<vmem>>) dst(%dma_wait3A_721 : memref<128x128xf32, #tpu.memory_space<vmem_shared>>)
    %mul3A_722 = arith.constant 80 : i32
    %mul3A_723 = arith.muli %add3A, %mul3A_722 : i32
    %add3A_724 = arith.constant 8 : i32
    %add3A_725 = arith.addi %mul3A_723, %add3A_724 : i32
    "tpu.region"() ({
      %run_scoped3A = tpu.sem_alloc : memref<!tpu.dma_semaphore, #tpu.memory_space<semaphore_mem>>
      %dma_start3A_1062 = arith.constant 8 : i32
      %dma_start3A_1063 = arith.constant 0 : i32
      %dma_start3A_1064 = tpu.memref_slice %arg8[%dma_start3A_1062, %dma_start3A_1063] : memref<16x128xi32, #tpu.memory_space<vmem>> -> memref<8x128xi32, #tpu.memory_space<vmem>>
      %dma_start3A_1065 = arith.constant 0 : i32
      %dma_start3A_1066 = tpu.memref_slice %arg3[%add3A_725, %dma_start3A_1065] : memref<2560x128xi32, #tpu.memory_space<hbm>> -> memref<8x128xi32, #tpu.memory_space<hbm>>
      %dma_start3A_1067 = arith.constant 8 : i32
      %dma_start3A_1068 = arith.constant 0 : i32
      %dma_start3A_1069 = tpu.memref_slice %arg8[%dma_start3A_1067, %dma_start3A_1068] : memref<16x128xi32, #tpu.memory_space<vmem>> -> memref<8x128xi32, #tpu.memory_space<vmem>>
      %dma_start3A_1070 = arith.constant 0 : i32
      %dma_start3A_1071 = tpu.memref_slice %arg3[%add3A_725, %dma_start3A_1070] : memref<2560x128xi32, #tpu.memory_space<hbm>> -> memref<8x128xi32, #tpu.memory_space<hbm>>
      tpu.enqueue_dma source(%dma_start3A_1071 : memref<8x128xi32, #tpu.memory_space<hbm>>) target(%dma_start3A_1069 : memref<8x128xi32, #tpu.memory_space<vmem>>) target_semaphore(%run_scoped3A : memref<!tpu.dma_semaphore, #tpu.memory_space<semaphore_mem>>)
      %dma_wait3A_1072 = arith.constant 8 : i32
      %dma_wait3A_1073 = arith.constant 0 : i32
      %dma_wait3A_1074 = tpu.memref_slice %arg8[%dma_wait3A_1072, %dma_wait3A_1073] : memref<16x128xi32, #tpu.memory_space<vmem>> -> memref<8x128xi32, #tpu.memory_space<vmem>>
      %dma_wait3A_1075 = arith.constant 0 : i32
      %dma_wait3A_1076 = tpu.memref_slice %arg3[%add3A_725, %dma_wait3A_1075] : memref<2560x128xi32, #tpu.memory_space<hbm>> -> memref<8x128xi32, #tpu.memory_space<hbm>>
      %dma_wait3A_1077 = arith.constant 8 : i32
      %dma_wait3A_1078 = arith.constant 0 : i32
      %dma_wait3A_1079 = tpu.memref_slice %arg8[%dma_wait3A_1077, %dma_wait3A_1078] : memref<16x128xi32, #tpu.memory_space<vmem>> -> memref<8x128xi32, #tpu.memory_space<vmem>>
      %dma_wait3A_1080 = arith.constant 0 : i32
      %dma_wait3A_1081 = tpu.memref_slice %arg3[%add3A_725, %dma_wait3A_1080] : memref<2560x128xi32, #tpu.memory_space<hbm>> -> memref<8x128xi32, #tpu.memory_space<hbm>>
      tpu.wait_dma2 semaphore(%run_scoped3A : memref<!tpu.dma_semaphore, #tpu.memory_space<semaphore_mem>>) src(%dma_wait3A_1081 : memref<8x128xi32, #tpu.memory_space<hbm>>) dst(%dma_wait3A_1079 : memref<8x128xi32, #tpu.memory_space<vmem>>)
      tpu.yield
    }) : () -> ()
    "tpu.region"() ({
      %run_scoped3A = tpu.sem_alloc : memref<!tpu.dma_semaphore, #tpu.memory_space<semaphore_mem>>
      %dma_start3A_1062 = arith.constant 8 : i32
      %dma_start3A_1063 = arith.constant 0 : i32
      %dma_start3A_1064 = tpu.memref_slice %arg9[%dma_start3A_1062, %dma_start3A_1063] : memref<16x128xi32, #tpu.memory_space<vmem>> -> memref<8x128xi32, #tpu.memory_space<vmem>>
      %dma_start3A_1065 = arith.constant 0 : i32
      %dma_start3A_1066 = tpu.memref_slice %arg4[%add3A_725, %dma_start3A_1065] : memref<2560x128xi32, #tpu.memory_space<hbm>> -> memref<8x128xi32, #tpu.memory_space<hbm>>
      %dma_start3A_1067 = arith.constant 8 : i32
      %dma_start3A_1068 = arith.constant 0 : i32
      %dma_start3A_1069 = tpu.memref_slice %arg9[%dma_start3A_1067, %dma_start3A_1068] : memref<16x128xi32, #tpu.memory_space<vmem>> -> memref<8x128xi32, #tpu.memory_space<vmem>>
      %dma_start3A_1070 = arith.constant 0 : i32
      %dma_start3A_1071 = tpu.memref_slice %arg4[%add3A_725, %dma_start3A_1070] : memref<2560x128xi32, #tpu.memory_space<hbm>> -> memref<8x128xi32, #tpu.memory_space<hbm>>
      tpu.enqueue_dma source(%dma_start3A_1071 : memref<8x128xi32, #tpu.memory_space<hbm>>) target(%dma_start3A_1069 : memref<8x128xi32, #tpu.memory_space<vmem>>) target_semaphore(%run_scoped3A : memref<!tpu.dma_semaphore, #tpu.memory_space<semaphore_mem>>)
      %dma_wait3A_1072 = arith.constant 8 : i32
      %dma_wait3A_1073 = arith.constant 0 : i32
      %dma_wait3A_1074 = tpu.memref_slice %arg9[%dma_wait3A_1072, %dma_wait3A_1073] : memref<16x128xi32, #tpu.memory_space<vmem>> -> memref<8x128xi32, #tpu.memory_space<vmem>>
      %dma_wait3A_1075 = arith.constant 0 : i32
      %dma_wait3A_1076 = tpu.memref_slice %arg4[%add3A_725, %dma_wait3A_1075] : memref<2560x128xi32, #tpu.memory_space<hbm>> -> memref<8x128xi32, #tpu.memory_space<hbm>>
      %dma_wait3A_1077 = arith.constant 8 : i32
      %dma_wait3A_1078 = arith.constant 0 : i32
      %dma_wait3A_1079 = tpu.memref_slice %arg9[%dma_wait3A_1077, %dma_wait3A_1078] : memref<16x128xi32, #tpu.memory_space<vmem>> -> memref<8x128xi32, #tpu.memory_space<vmem>>
      %dma_wait3A_1080 = arith.constant 0 : i32
      %dma_wait3A_1081 = tpu.memref_slice %arg4[%add3A_725, %dma_wait3A_1080] : memref<2560x128xi32, #tpu.memory_space<hbm>> -> memref<8x128xi32, #tpu.memory_space<hbm>>
      tpu.wait_dma2 semaphore(%run_scoped3A : memref<!tpu.dma_semaphore, #tpu.memory_space<semaphore_mem>>) src(%dma_wait3A_1081 : memref<8x128xi32, #tpu.memory_space<hbm>>) dst(%dma_wait3A_1079 : memref<8x128xi32, #tpu.memory_space<vmem>>)
      tpu.yield
    }) : () -> ()
    %dma_start3A_726 = arith.constant 8 : i32
    %dma_start3A_727 = arith.constant 0 : i32
    %dma_start3A_728 = arith.constant 0 : i32
    %dma_start3A_729 = tpu.memref_slice %arg10[%dma_start3A_727, %dma_start3A_728] : memref<128x128xf32, #tpu.memory_space<vmem>> -> memref<32x128xf32, #tpu.memory_space<vmem>>
    %dma_start3A_730 = arith.constant 0 : i32
    %dma_start3A_731 = tpu.memref_slice %arg8[%dma_start3A_726, %dma_start3A_730] : memref<16x128xi32, #tpu.memory_space<vmem>> -> memref<1x32xi32, #tpu.memory_space<vmem>>
    %dma_start3A_732 = tpu.memref_squeeze %dma_start3A_731 : memref<1x32xi32, #tpu.memory_space<vmem>> -> memref<32xi32, #tpu.memory_space<vmem>>
    %dma_start3A_733 = arith.constant 0 : i32
    %dma_start3A_734 = arith.constant 0 : i32
    %dma_start3A_735 = tpu.memref_slice %arg2[%dma_start3A_733, %dma_start3A_734] : memref<10000x128xf32, #tpu.memory_space<hbm>> -> memref<10000x128xf32, #tpu.memory_space<hbm>>
    tpu.enqueue_indirect_dma source(%dma_start3A_735 : memref<10000x128xf32, #tpu.memory_space<hbm>>) target(%dma_start3A_729 : memref<32x128xf32, #tpu.memory_space<vmem>>) offsets(%dma_start3A_732 : memref<32xi32, #tpu.memory_space<vmem>>) semaphore(%arg12 : memref<!tpu.dma_semaphore, #tpu.memory_space<semaphore_mem>>)
    %dma_start3A_736 = arith.constant 8 : i32
    %dma_start3A_737 = arith.constant 32 : i32
    %dma_start3A_738 = arith.constant 0 : i32
    %dma_start3A_739 = tpu.memref_slice %arg10[%dma_start3A_737, %dma_start3A_738] : memref<128x128xf32, #tpu.memory_space<vmem>> -> memref<32x128xf32, #tpu.memory_space<vmem>>
    %dma_start3A_740 = arith.constant 32 : i32
    %dma_start3A_741 = tpu.memref_slice %arg8[%dma_start3A_736, %dma_start3A_740] : memref<16x128xi32, #tpu.memory_space<vmem>> -> memref<1x32xi32, #tpu.memory_space<vmem>>
    %dma_start3A_742 = tpu.memref_squeeze %dma_start3A_741 : memref<1x32xi32, #tpu.memory_space<vmem>> -> memref<32xi32, #tpu.memory_space<vmem>>
    %dma_start3A_743 = arith.constant 0 : i32
    %dma_start3A_744 = arith.constant 0 : i32
    %dma_start3A_745 = tpu.memref_slice %arg2[%dma_start3A_743, %dma_start3A_744] : memref<10000x128xf32, #tpu.memory_space<hbm>> -> memref<10000x128xf32, #tpu.memory_space<hbm>>
    tpu.enqueue_indirect_dma source(%dma_start3A_745 : memref<10000x128xf32, #tpu.memory_space<hbm>>) target(%dma_start3A_739 : memref<32x128xf32, #tpu.memory_space<vmem>>) offsets(%dma_start3A_742 : memref<32xi32, #tpu.memory_space<vmem>>) semaphore(%arg13 : memref<!tpu.dma_semaphore, #tpu.memory_space<semaphore_mem>>)
    %dma_start3A_746 = arith.constant 8 : i32
    %dma_start3A_747 = arith.constant 64 : i32
    %dma_start3A_748 = arith.constant 0 : i32
    %dma_start3A_749 = tpu.memref_slice %arg10[%dma_start3A_747, %dma_start3A_748] : memref<128x128xf32, #tpu.memory_space<vmem>> -> memref<32x128xf32, #tpu.memory_space<vmem>>
    %dma_start3A_750 = arith.constant 64 : i32
    %dma_start3A_751 = tpu.memref_slice %arg8[%dma_start3A_746, %dma_start3A_750] : memref<16x128xi32, #tpu.memory_space<vmem>> -> memref<1x32xi32, #tpu.memory_space<vmem>>
    %dma_start3A_752 = tpu.memref_squeeze %dma_start3A_751 : memref<1x32xi32, #tpu.memory_space<vmem>> -> memref<32xi32, #tpu.memory_space<vmem>>
    %dma_start3A_753 = arith.constant 0 : i32
    %dma_start3A_754 = arith.constant 0 : i32
    %dma_start3A_755 = tpu.memref_slice %arg2[%dma_start3A_753, %dma_start3A_754] : memref<10000x128xf32, #tpu.memory_space<hbm>> -> memref<10000x128xf32, #tpu.memory_space<hbm>>
    tpu.enqueue_indirect_dma source(%dma_start3A_755 : memref<10000x128xf32, #tpu.memory_space<hbm>>) target(%dma_start3A_749 : memref<32x128xf32, #tpu.memory_space<vmem>>) offsets(%dma_start3A_752 : memref<32xi32, #tpu.memory_space<vmem>>) semaphore(%arg14 : memref<!tpu.dma_semaphore, #tpu.memory_space<semaphore_mem>>)
    %dma_start3A_756 = arith.constant 8 : i32
    %dma_start3A_757 = arith.constant 96 : i32
    %dma_start3A_758 = arith.constant 0 : i32
    %dma_start3A_759 = tpu.memref_slice %arg10[%dma_start3A_757, %dma_start3A_758] : memref<128x128xf32, #tpu.memory_space<vmem>> -> memref<32x128xf32, #tpu.memory_space<vmem>>
    %dma_start3A_760 = arith.constant 96 : i32
    %dma_start3A_761 = tpu.memref_slice %arg8[%dma_start3A_756, %dma_start3A_760] : memref<16x128xi32, #tpu.memory_space<vmem>> -> memref<1x32xi32, #tpu.memory_space<vmem>>
    %dma_start3A_762 = tpu.memref_squeeze %dma_start3A_761 : memref<1x32xi32, #tpu.memory_space<vmem>> -> memref<32xi32, #tpu.memory_space<vmem>>
    %dma_start3A_763 = arith.constant 0 : i32
    %dma_start3A_764 = arith.constant 0 : i32
    %dma_start3A_765 = tpu.memref_slice %arg2[%dma_start3A_763, %dma_start3A_764] : memref<10000x128xf32, #tpu.memory_space<hbm>> -> memref<10000x128xf32, #tpu.memory_space<hbm>>
    tpu.enqueue_indirect_dma source(%dma_start3A_765 : memref<10000x128xf32, #tpu.memory_space<hbm>>) target(%dma_start3A_759 : memref<32x128xf32, #tpu.memory_space<vmem>>) offsets(%dma_start3A_762 : memref<32xi32, #tpu.memory_space<vmem>>) semaphore(%arg15 : memref<!tpu.dma_semaphore, #tpu.memory_space<semaphore_mem>>)
    %dma_wait3A_766 = arith.constant 0 : i32
    %dma_wait3A_767 = arith.constant 0 : i32
    %dma_wait3A_768 = arith.constant 0 : i32
    %dma_wait3A_769 = tpu.memref_slice %arg11[%dma_wait3A_767, %dma_wait3A_768] : memref<128x128xf32, #tpu.memory_space<vmem>> -> memref<32x128xf32, #tpu.memory_space<vmem>>
    %dma_wait3A_770 = arith.constant 0 : i32
    %dma_wait3A_771 = tpu.memref_slice %arg8[%dma_wait3A_766, %dma_wait3A_770] : memref<16x128xi32, #tpu.memory_space<vmem>> -> memref<1x32xi32, #tpu.memory_space<vmem>>
    %dma_wait3A_772 = tpu.memref_squeeze %dma_wait3A_771 : memref<1x32xi32, #tpu.memory_space<vmem>> -> memref<32xi32, #tpu.memory_space<vmem>>
    %dma_wait3A_773 = arith.constant 0 : i32
    %dma_wait3A_774 = arith.constant 0 : i32
    %dma_wait3A_775 = tpu.memref_slice %arg2[%dma_wait3A_773, %dma_wait3A_774] : memref<10000x128xf32, #tpu.memory_space<hbm>> -> memref<10000x128xf32, #tpu.memory_space<hbm>>
    tpu.wait_indirect_dma semaphore(%arg16 : memref<!tpu.dma_semaphore, #tpu.memory_space<semaphore_mem>>) src(%dma_wait3A_775 : memref<10000x128xf32, #tpu.memory_space<hbm>>) dst(%dma_wait3A_769 : memref<32x128xf32, #tpu.memory_space<vmem>>)
    %dma_wait3A_776 = arith.constant 0 : i32
    %dma_wait3A_777 = arith.constant 0 : i32
    %dma_wait3A_778 = arith.constant 0 : i32
    %dma_wait3A_779 = tpu.memref_slice %arg11[%dma_wait3A_777, %dma_wait3A_778] : memref<128x128xf32, #tpu.memory_space<vmem>> -> memref<32x128xf32, #tpu.memory_space<vmem>>
    %dma_wait3A_780 = arith.constant 0 : i32
    %dma_wait3A_781 = tpu.memref_slice %arg8[%dma_wait3A_776, %dma_wait3A_780] : memref<16x128xi32, #tpu.memory_space<vmem>> -> memref<1x32xi32, #tpu.memory_space<vmem>>
    %dma_wait3A_782 = tpu.memref_squeeze %dma_wait3A_781 : memref<1x32xi32, #tpu.memory_space<vmem>> -> memref<32xi32, #tpu.memory_space<vmem>>
    %dma_wait3A_783 = arith.constant 0 : i32
    %dma_wait3A_784 = arith.constant 0 : i32
    %dma_wait3A_785 = tpu.memref_slice %arg2[%dma_wait3A_783, %dma_wait3A_784] : memref<10000x128xf32, #tpu.memory_space<hbm>> -> memref<10000x128xf32, #tpu.memory_space<hbm>>
    tpu.wait_indirect_dma semaphore(%arg17 : memref<!tpu.dma_semaphore, #tpu.memory_space<semaphore_mem>>) src(%dma_wait3A_785 : memref<10000x128xf32, #tpu.memory_space<hbm>>) dst(%dma_wait3A_779 : memref<32x128xf32, #tpu.memory_space<vmem>>)
    %dma_wait3A_786 = arith.constant 0 : i32
    %dma_wait3A_787 = arith.constant 0 : i32
    %dma_wait3A_788 = arith.constant 0 : i32
    %dma_wait3A_789 = tpu.memref_slice %arg11[%dma_wait3A_787, %dma_wait3A_788] : memref<128x128xf32, #tpu.memory_space<vmem>> -> memref<32x128xf32, #tpu.memory_space<vmem>>
    %dma_wait3A_790 = arith.constant 0 : i32
    %dma_wait3A_791 = tpu.memref_slice %arg8[%dma_wait3A_786, %dma_wait3A_790] : memref<16x128xi32, #tpu.memory_space<vmem>> -> memref<1x32xi32, #tpu.memory_space<vmem>>
    %dma_wait3A_792 = tpu.memref_squeeze %dma_wait3A_791 : memref<1x32xi32, #tpu.memory_space<vmem>> -> memref<32xi32, #tpu.memory_space<vmem>>
    %dma_wait3A_793 = arith.constant 0 : i32
    %dma_wait3A_794 = arith.constant 0 : i32
    %dma_wait3A_795 = tpu.memref_slice %arg2[%dma_wait3A_793, %dma_wait3A_794] : memref<10000x128xf32, #tpu.memory_space<hbm>> -> memref<10000x128xf32, #tpu.memory_space<hbm>>
    tpu.wait_indirect_dma semaphore(%arg18 : memref<!tpu.dma_semaphore, #tpu.memory_space<semaphore_mem>>) src(%dma_wait3A_795 : memref<10000x128xf32, #tpu.memory_space<hbm>>) dst(%dma_wait3A_789 : memref<32x128xf32, #tpu.memory_space<vmem>>)
    %dma_wait3A_796 = arith.constant 0 : i32
    %dma_wait3A_797 = arith.constant 0 : i32
    %dma_wait3A_798 = arith.constant 0 : i32
    %dma_wait3A_799 = tpu.memref_slice %arg11[%dma_wait3A_797, %dma_wait3A_798] : memref<128x128xf32, #tpu.memory_space<vmem>> -> memref<32x128xf32, #tpu.memory_space<vmem>>
    %dma_wait3A_800 = arith.constant 0 : i32
    %dma_wait3A_801 = tpu.memref_slice %arg8[%dma_wait3A_796, %dma_wait3A_800] : memref<16x128xi32, #tpu.memory_space<vmem>> -> memref<1x32xi32, #tpu.memory_space<vmem>>
    %dma_wait3A_802 = tpu.memref_squeeze %dma_wait3A_801 : memref<1x32xi32, #tpu.memory_space<vmem>> -> memref<32xi32, #tpu.memory_space<vmem>>
    %dma_wait3A_803 = arith.constant 0 : i32
    %dma_wait3A_804 = arith.constant 0 : i32
    %dma_wait3A_805 = tpu.memref_slice %arg2[%dma_wait3A_803, %dma_wait3A_804] : memref<10000x128xf32, #tpu.memory_space<hbm>> -> memref<10000x128xf32, #tpu.memory_space<hbm>>
    tpu.wait_indirect_dma semaphore(%arg19 : memref<!tpu.dma_semaphore, #tpu.memory_space<semaphore_mem>>) src(%dma_wait3A_805 : memref<10000x128xf32, #tpu.memory_space<hbm>>) dst(%dma_wait3A_799 : memref<32x128xf32, #tpu.memory_space<vmem>>)
    %dma_start3A_806 = arith.constant 7 : i32
    %dma_start3A_807 = arith.constant 0 : i32
    %dma_start3A_808 = tpu.memref_slice %arg9[%dma_start3A_806, %dma_start3A_807] : memref<16x128xi32, #tpu.memory_space<vmem>> -> memref<1x128xi32, #tpu.memory_space<vmem>>
    %dma_start3A_809 = tpu.memref_squeeze %dma_start3A_808 : memref<1x128xi32, #tpu.memory_space<vmem>> -> memref<128xi32, #tpu.memory_space<vmem>>
    %dma_start3A_810 = arith.constant 0 : i32
    %dma_start3A_811 = arith.constant 0 : i32
    %dma_start3A_812 = tpu.memref_slice %arg7[%dma_start3A_810, %dma_start3A_811] : memref<10240x128xf32, #tpu.memory_space<vmem_shared>> -> memref<10240x128xf32, #tpu.memory_space<vmem_shared>>
    tpu.enqueue_indirect_dma source(%arg11 : memref<128x128xf32, #tpu.memory_space<vmem>>) target(%dma_start3A_812 : memref<10240x128xf32, #tpu.memory_space<vmem_shared>>) offsets(%dma_start3A_809 : memref<128xi32, #tpu.memory_space<vmem>>) semaphore(%arg21 : memref<!tpu.dma_semaphore, #tpu.memory_space<semaphore_mem>>) {add = true}
    %scan3A_813 = arith.constant 0 : i32
    %scan3A_814 = arith.constant 1 : i32
    %scan3A_815 = arith.constant 9 : i32
    %scan3A_816 = arith.addi %scan3A_814, %scan3A_815 : i32
    %scan3A_817 = arith.constant 1 : i32
    scf.for %scan3A_1062 = %scan3A_814 to %scan3A_816 step %scan3A_817  : i32 {
      %rem3A = arith.constant 2 : i32
      %rem3A_1063 = arith.remsi %scan3A_1062, %rem3A : i32
      %dma_wait3A_1064 = arith.constant 0 : i32
      %dma_wait3A_1065 = arith.constant 0 : i32
      %dma_wait3A_1066 = tpu.memref_slice %arg7[%dma_wait3A_1064, %dma_wait3A_1065] : memref<10240x128xf32, #tpu.memory_space<vmem_shared>> -> memref<128x128xf32, #tpu.memory_space<vmem_shared>>
      %dma_wait3A_1067 = arith.constant 0 : i32
      %dma_wait3A_1068 = arith.constant 0 : i32
      %dma_wait3A_1069 = tpu.memref_slice %arg7[%dma_wait3A_1067, %dma_wait3A_1068] : memref<10240x128xf32, #tpu.memory_space<vmem_shared>> -> memref<128x128xf32, #tpu.memory_space<vmem_shared>>
      tpu.wait_dma2 semaphore(%arg21 : memref<!tpu.dma_semaphore, #tpu.memory_space<semaphore_mem>>) src(%arg10 : memref<128x128xf32, #tpu.memory_space<vmem>>) dst(%dma_wait3A_1069 : memref<128x128xf32, #tpu.memory_space<vmem_shared>>)
      %mul3A_1070 = arith.constant 8 : i32
      %mul3A_1071 = arith.muli %rem3A_1063, %mul3A_1070 : i32
      %add3A_1072 = arith.constant 1 : i32
      %add3A_1073 = arith.addi %mul3A_1071, %add3A_1072 : i32
      %dma_start3A_1074 = arith.constant 0 : i32
      %dma_start3A_1075 = arith.constant 0 : i32
      %dma_start3A_1076 = tpu.memref_slice %arg11[%dma_start3A_1074, %dma_start3A_1075] : memref<128x128xf32, #tpu.memory_space<vmem>> -> memref<32x128xf32, #tpu.memory_space<vmem>>
      %dma_start3A_1077 = arith.constant 0 : i32
      %dma_start3A_1078 = tpu.memref_slice %arg8[%add3A_1073, %dma_start3A_1077] : memref<16x128xi32, #tpu.memory_space<vmem>> -> memref<1x32xi32, #tpu.memory_space<vmem>>
      %dma_start3A_1079 = tpu.memref_squeeze %dma_start3A_1078 : memref<1x32xi32, #tpu.memory_space<vmem>> -> memref<32xi32, #tpu.memory_space<vmem>>
      %dma_start3A_1080 = arith.constant 0 : i32
      %dma_start3A_1081 = arith.constant 0 : i32
      %dma_start3A_1082 = tpu.memref_slice %arg2[%dma_start3A_1080, %dma_start3A_1081] : memref<10000x128xf32, #tpu.memory_space<hbm>> -> memref<10000x128xf32, #tpu.memory_space<hbm>>
      tpu.enqueue_indirect_dma source(%dma_start3A_1082 : memref<10000x128xf32, #tpu.memory_space<hbm>>) target(%dma_start3A_1076 : memref<32x128xf32, #tpu.memory_space<vmem>>) offsets(%dma_start3A_1079 : memref<32xi32, #tpu.memory_space<vmem>>) semaphore(%arg16 : memref<!tpu.dma_semaphore, #tpu.memory_space<semaphore_mem>>)
      %mul3A_1083 = arith.constant 8 : i32
      %mul3A_1084 = arith.muli %rem3A_1063, %mul3A_1083 : i32
      %add3A_1085 = arith.constant 1 : i32
      %add3A_1086 = arith.addi %mul3A_1084, %add3A_1085 : i32
      %dma_start3A_1087 = arith.constant 32 : i32
      %dma_start3A_1088 = arith.constant 0 : i32
      %dma_start3A_1089 = tpu.memref_slice %arg11[%dma_start3A_1087, %dma_start3A_1088] : memref<128x128xf32, #tpu.memory_space<vmem>> -> memref<32x128xf32, #tpu.memory_space<vmem>>
      %dma_start3A_1090 = arith.constant 32 : i32
      %dma_start3A_1091 = tpu.memref_slice %arg8[%add3A_1086, %dma_start3A_1090] : memref<16x128xi32, #tpu.memory_space<vmem>> -> memref<1x32xi32, #tpu.memory_space<vmem>>
      %dma_start3A_1092 = tpu.memref_squeeze %dma_start3A_1091 : memref<1x32xi32, #tpu.memory_space<vmem>> -> memref<32xi32, #tpu.memory_space<vmem>>
      %dma_start3A_1093 = arith.constant 0 : i32
      %dma_start3A_1094 = arith.constant 0 : i32
      %dma_start3A_1095 = tpu.memref_slice %arg2[%dma_start3A_1093, %dma_start3A_1094] : memref<10000x128xf32, #tpu.memory_space<hbm>> -> memref<10000x128xf32, #tpu.memory_space<hbm>>
      tpu.enqueue_indirect_dma source(%dma_start3A_1095 : memref<10000x128xf32, #tpu.memory_space<hbm>>) target(%dma_start3A_1089 : memref<32x128xf32, #tpu.memory_space<vmem>>) offsets(%dma_start3A_1092 : memref<32xi32, #tpu.memory_space<vmem>>) semaphore(%arg17 : memref<!tpu.dma_semaphore, #tpu.memory_space<semaphore_mem>>)
      %mul3A_1096 = arith.constant 8 : i32
      %mul3A_1097 = arith.muli %rem3A_1063, %mul3A_1096 : i32
      %add3A_1098 = arith.constant 1 : i32
      %add3A_1099 = arith.addi %mul3A_1097, %add3A_1098 : i32
      %dma_start3A_1100 = arith.constant 64 : i32
      %dma_start3A_1101 = arith.constant 0 : i32
      %dma_start3A_1102 = tpu.memref_slice %arg11[%dma_start3A_1100, %dma_start3A_1101] : memref<128x128xf32, #tpu.memory_space<vmem>> -> memref<32x128xf32, #tpu.memory_space<vmem>>
      %dma_start3A_1103 = arith.constant 64 : i32
      %dma_start3A_1104 = tpu.memref_slice %arg8[%add3A_1099, %dma_start3A_1103] : memref<16x128xi32, #tpu.memory_space<vmem>> -> memref<1x32xi32, #tpu.memory_space<vmem>>
      %dma_start3A_1105 = tpu.memref_squeeze %dma_start3A_1104 : memref<1x32xi32, #tpu.memory_space<vmem>> -> memref<32xi32, #tpu.memory_space<vmem>>
      %dma_start3A_1106 = arith.constant 0 : i32
      %dma_start3A_1107 = arith.constant 0 : i32
      %dma_start3A_1108 = tpu.memref_slice %arg2[%dma_start3A_1106, %dma_start3A_1107] : memref<10000x128xf32, #tpu.memory_space<hbm>> -> memref<10000x128xf32, #tpu.memory_space<hbm>>
      tpu.enqueue_indirect_dma source(%dma_start3A_1108 : memref<10000x128xf32, #tpu.memory_space<hbm>>) target(%dma_start3A_1102 : memref<32x128xf32, #tpu.memory_space<vmem>>) offsets(%dma_start3A_1105 : memref<32xi32, #tpu.memory_space<vmem>>) semaphore(%arg18 : memref<!tpu.dma_semaphore, #tpu.memory_space<semaphore_mem>>)
      %mul3A_1109 = arith.constant 8 : i32
      %mul3A_1110 = arith.muli %rem3A_1063, %mul3A_1109 : i32
      %add3A_1111 = arith.constant 1 : i32
      %add3A_1112 = arith.addi %mul3A_1110, %add3A_1111 : i32
      %dma_start3A_1113 = arith.constant 96 : i32
      %dma_start3A_1114 = arith.constant 0 : i32
      %dma_start3A_1115 = tpu.memref_slice %arg11[%dma_start3A_1113, %dma_start3A_1114] : memref<128x128xf32, #tpu.memory_space<vmem>> -> memref<32x128xf32, #tpu.memory_space<vmem>>
      %dma_start3A_1116 = arith.constant 96 : i32
      %dma_start3A_1117 = tpu.memref_slice %arg8[%add3A_1112, %dma_start3A_1116] : memref<16x128xi32, #tpu.memory_space<vmem>> -> memref<1x32xi32, #tpu.memory_space<vmem>>
      %dma_start3A_1118 = tpu.memref_squeeze %dma_start3A_1117 : memref<1x32xi32, #tpu.memory_space<vmem>> -> memref<32xi32, #tpu.memory_space<vmem>>
      %dma_start3A_1119 = arith.constant 0 : i32
      %dma_start3A_1120 = arith.constant 0 : i32
      %dma_start3A_1121 = tpu.memref_slice %arg2[%dma_start3A_1119, %dma_start3A_1120] : memref<10000x128xf32, #tpu.memory_space<hbm>> -> memref<10000x128xf32, #tpu.memory_space<hbm>>
      tpu.enqueue_indirect_dma source(%dma_start3A_1121 : memref<10000x128xf32, #tpu.memory_space<hbm>>) target(%dma_start3A_1115 : memref<32x128xf32, #tpu.memory_space<vmem>>) offsets(%dma_start3A_1118 : memref<32xi32, #tpu.memory_space<vmem>>) semaphore(%arg19 : memref<!tpu.dma_semaphore, #tpu.memory_space<semaphore_mem>>)
      %dma_wait3A_1122 = arith.constant 0 : i32
      %dma_wait3A_1123 = arith.constant 0 : i32
      %dma_wait3A_1124 = arith.constant 0 : i32
      %dma_wait3A_1125 = tpu.memref_slice %arg10[%dma_wait3A_1123, %dma_wait3A_1124] : memref<128x128xf32, #tpu.memory_space<vmem>> -> memref<32x128xf32, #tpu.memory_space<vmem>>
      %dma_wait3A_1126 = arith.constant 0 : i32
      %dma_wait3A_1127 = tpu.memref_slice %arg8[%dma_wait3A_1122, %dma_wait3A_1126] : memref<16x128xi32, #tpu.memory_space<vmem>> -> memref<1x32xi32, #tpu.memory_space<vmem>>
      %dma_wait3A_1128 = tpu.memref_squeeze %dma_wait3A_1127 : memref<1x32xi32, #tpu.memory_space<vmem>> -> memref<32xi32, #tpu.memory_space<vmem>>
      %dma_wait3A_1129 = arith.constant 0 : i32
      %dma_wait3A_1130 = arith.constant 0 : i32
      %dma_wait3A_1131 = tpu.memref_slice %arg2[%dma_wait3A_1129, %dma_wait3A_1130] : memref<10000x128xf32, #tpu.memory_space<hbm>> -> memref<10000x128xf32, #tpu.memory_space<hbm>>
      tpu.wait_indirect_dma semaphore(%arg12 : memref<!tpu.dma_semaphore, #tpu.memory_space<semaphore_mem>>) src(%dma_wait3A_1131 : memref<10000x128xf32, #tpu.memory_space<hbm>>) dst(%dma_wait3A_1125 : memref<32x128xf32, #tpu.memory_space<vmem>>)
      %dma_wait3A_1132 = arith.constant 0 : i32
      %dma_wait3A_1133 = arith.constant 0 : i32
      %dma_wait3A_1134 = arith.constant 0 : i32
      %dma_wait3A_1135 = tpu.memref_slice %arg10[%dma_wait3A_1133, %dma_wait3A_1134] : memref<128x128xf32, #tpu.memory_space<vmem>> -> memref<32x128xf32, #tpu.memory_space<vmem>>
      %dma_wait3A_1136 = arith.constant 0 : i32
      %dma_wait3A_1137 = tpu.memref_slice %arg8[%dma_wait3A_1132, %dma_wait3A_1136] : memref<16x128xi32, #tpu.memory_space<vmem>> -> memref<1x32xi32, #tpu.memory_space<vmem>>
      %dma_wait3A_1138 = tpu.memref_squeeze %dma_wait3A_1137 : memref<1x32xi32, #tpu.memory_space<vmem>> -> memref<32xi32, #tpu.memory_space<vmem>>
      %dma_wait3A_1139 = arith.constant 0 : i32
      %dma_wait3A_1140 = arith.constant 0 : i32
      %dma_wait3A_1141 = tpu.memref_slice %arg2[%dma_wait3A_1139, %dma_wait3A_1140] : memref<10000x128xf32, #tpu.memory_space<hbm>> -> memref<10000x128xf32, #tpu.memory_space<hbm>>
      tpu.wait_indirect_dma semaphore(%arg13 : memref<!tpu.dma_semaphore, #tpu.memory_space<semaphore_mem>>) src(%dma_wait3A_1141 : memref<10000x128xf32, #tpu.memory_space<hbm>>) dst(%dma_wait3A_1135 : memref<32x128xf32, #tpu.memory_space<vmem>>)
      %dma_wait3A_1142 = arith.constant 0 : i32
      %dma_wait3A_1143 = arith.constant 0 : i32
      %dma_wait3A_1144 = arith.constant 0 : i32
      %dma_wait3A_1145 = tpu.memref_slice %arg10[%dma_wait3A_1143, %dma_wait3A_1144] : memref<128x128xf32, #tpu.memory_space<vmem>> -> memref<32x128xf32, #tpu.memory_space<vmem>>
      %dma_wait3A_1146 = arith.constant 0 : i32
      %dma_wait3A_1147 = tpu.memref_slice %arg8[%dma_wait3A_1142, %dma_wait3A_1146] : memref<16x128xi32, #tpu.memory_space<vmem>> -> memref<1x32xi32, #tpu.memory_space<vmem>>
      %dma_wait3A_1148 = tpu.memref_squeeze %dma_wait3A_1147 : memref<1x32xi32, #tpu.memory_space<vmem>> -> memref<32xi32, #tpu.memory_space<vmem>>
      %dma_wait3A_1149 = arith.constant 0 : i32
      %dma_wait3A_1150 = arith.constant 0 : i32
      %dma_wait3A_1151 = tpu.memref_slice %arg2[%dma_wait3A_1149, %dma_wait3A_1150] : memref<10000x128xf32, #tpu.memory_space<hbm>> -> memref<10000x128xf32, #tpu.memory_space<hbm>>
      tpu.wait_indirect_dma semaphore(%arg14 : memref<!tpu.dma_semaphore, #tpu.memory_space<semaphore_mem>>) src(%dma_wait3A_1151 : memref<10000x128xf32, #tpu.memory_space<hbm>>) dst(%dma_wait3A_1145 : memref<32x128xf32, #tpu.memory_space<vmem>>)
      %dma_wait3A_1152 = arith.constant 0 : i32
      %dma_wait3A_1153 = arith.constant 0 : i32
      %dma_wait3A_1154 = arith.constant 0 : i32
      %dma_wait3A_1155 = tpu.memref_slice %arg10[%dma_wait3A_1153, %dma_wait3A_1154] : memref<128x128xf32, #tpu.memory_space<vmem>> -> memref<32x128xf32, #tpu.memory_space<vmem>>
      %dma_wait3A_1156 = arith.constant 0 : i32
      %dma_wait3A_1157 = tpu.memref_slice %arg8[%dma_wait3A_1152, %dma_wait3A_1156] : memref<16x128xi32, #tpu.memory_space<vmem>> -> memref<1x32xi32, #tpu.memory_space<vmem>>
      %dma_wait3A_1158 = tpu.memref_squeeze %dma_wait3A_1157 : memref<1x32xi32, #tpu.memory_space<vmem>> -> memref<32xi32, #tpu.memory_space<vmem>>
      %dma_wait3A_1159 = arith.constant 0 : i32
      %dma_wait3A_1160 = arith.constant 0 : i32
      %dma_wait3A_1161 = tpu.memref_slice %arg2[%dma_wait3A_1159, %dma_wait3A_1160] : memref<10000x128xf32, #tpu.memory_space<hbm>> -> memref<10000x128xf32, #tpu.memory_space<hbm>>
      tpu.wait_indirect_dma semaphore(%arg15 : memref<!tpu.dma_semaphore, #tpu.memory_space<semaphore_mem>>) src(%dma_wait3A_1161 : memref<10000x128xf32, #tpu.memory_space<hbm>>) dst(%dma_wait3A_1155 : memref<32x128xf32, #tpu.memory_space<vmem>>)
      %mul3A_1162 = arith.constant 8 : i32
      %mul3A_1163 = arith.muli %rem3A_1063, %mul3A_1162 : i32
      %add3A_1164 = arith.constant 0 : i32
      %add3A_1165 = arith.addi %mul3A_1163, %add3A_1164 : i32
      %dma_start3A_1166 = arith.constant 0 : i32
      %dma_start3A_1167 = tpu.memref_slice %arg9[%add3A_1165, %dma_start3A_1166] : memref<16x128xi32, #tpu.memory_space<vmem>> -> memref<1x128xi32, #tpu.memory_space<vmem>>
      %dma_start3A_1168 = tpu.memref_squeeze %dma_start3A_1167 : memref<1x128xi32, #tpu.memory_space<vmem>> -> memref<128xi32, #tpu.memory_space<vmem>>
      %dma_start3A_1169 = arith.constant 0 : i32
      %dma_start3A_1170 = arith.constant 0 : i32
      %dma_start3A_1171 = tpu.memref_slice %arg7[%dma_start3A_1169, %dma_start3A_1170] : memref<10240x128xf32, #tpu.memory_space<vmem_shared>> -> memref<10240x128xf32, #tpu.memory_space<vmem_shared>>
      tpu.enqueue_indirect_dma source(%arg10 : memref<128x128xf32, #tpu.memory_space<vmem>>) target(%dma_start3A_1171 : memref<10240x128xf32, #tpu.memory_space<vmem_shared>>) offsets(%dma_start3A_1168 : memref<128xi32, #tpu.memory_space<vmem>>) semaphore(%arg20 : memref<!tpu.dma_semaphore, #tpu.memory_space<semaphore_mem>>) {add = true}
      %dma_wait3A_1172 = arith.constant 0 : i32
      %dma_wait3A_1173 = arith.constant 0 : i32
      %dma_wait3A_1174 = tpu.memref_slice %arg7[%dma_wait3A_1172, %dma_wait3A_1173] : memref<10240x128xf32, #tpu.memory_space<vmem_shared>> -> memref<128x128xf32, #tpu.memory_space<vmem_shared>>
      %dma_wait3A_1175 = arith.constant 0 : i32
      %dma_wait3A_1176 = arith.constant 0 : i32
      %dma_wait3A_1177 = tpu.memref_slice %arg7[%dma_wait3A_1175, %dma_wait3A_1176] : memref<10240x128xf32, #tpu.memory_space<vmem_shared>> -> memref<128x128xf32, #tpu.memory_space<vmem_shared>>
      tpu.wait_dma2 semaphore(%arg20 : memref<!tpu.dma_semaphore, #tpu.memory_space<semaphore_mem>>) src(%arg10 : memref<128x128xf32, #tpu.memory_space<vmem>>) dst(%dma_wait3A_1177 : memref<128x128xf32, #tpu.memory_space<vmem_shared>>)
      %mul3A_1178 = arith.constant 8 : i32
      %mul3A_1179 = arith.muli %rem3A_1063, %mul3A_1178 : i32
      %add3A_1180 = arith.constant 2 : i32
      %add3A_1181 = arith.addi %mul3A_1179, %add3A_1180 : i32
      %dma_start3A_1182 = arith.constant 0 : i32
      %dma_start3A_1183 = arith.constant 0 : i32
      %dma_start3A_1184 = tpu.memref_slice %arg10[%dma_start3A_1182, %dma_start3A_1183] : memref<128x128xf32, #tpu.memory_space<vmem>> -> memref<32x128xf32, #tpu.memory_space<vmem>>
      %dma_start3A_1185 = arith.constant 0 : i32
      %dma_start3A_1186 = tpu.memref_slice %arg8[%add3A_1181, %dma_start3A_1185] : memref<16x128xi32, #tpu.memory_space<vmem>> -> memref<1x32xi32, #tpu.memory_space<vmem>>
      %dma_start3A_1187 = tpu.memref_squeeze %dma_start3A_1186 : memref<1x32xi32, #tpu.memory_space<vmem>> -> memref<32xi32, #tpu.memory_space<vmem>>
      %dma_start3A_1188 = arith.constant 0 : i32
      %dma_start3A_1189 = arith.constant 0 : i32
      %dma_start3A_1190 = tpu.memref_slice %arg2[%dma_start3A_1188, %dma_start3A_1189] : memref<10000x128xf32, #tpu.memory_space<hbm>> -> memref<10000x128xf32, #tpu.memory_space<hbm>>
      tpu.enqueue_indirect_dma source(%dma_start3A_1190 : memref<10000x128xf32, #tpu.memory_space<hbm>>) target(%dma_start3A_1184 : memref<32x128xf32, #tpu.memory_space<vmem>>) offsets(%dma_start3A_1187 : memref<32xi32, #tpu.memory_space<vmem>>) semaphore(%arg12 : memref<!tpu.dma_semaphore, #tpu.memory_space<semaphore_mem>>)
      %mul3A_1191 = arith.constant 8 : i32
      %mul3A_1192 = arith.muli %rem3A_1063, %mul3A_1191 : i32
      %add3A_1193 = arith.constant 2 : i32
      %add3A_1194 = arith.addi %mul3A_1192, %add3A_1193 : i32
      %dma_start3A_1195 = arith.constant 32 : i32
      %dma_start3A_1196 = arith.constant 0 : i32
      %dma_start3A_1197 = tpu.memref_slice %arg10[%dma_start3A_1195, %dma_start3A_1196] : memref<128x128xf32, #tpu.memory_space<vmem>> -> memref<32x128xf32, #tpu.memory_space<vmem>>
      %dma_start3A_1198 = arith.constant 32 : i32
      %dma_start3A_1199 = tpu.memref_slice %arg8[%add3A_1194, %dma_start3A_1198] : memref<16x128xi32, #tpu.memory_space<vmem>> -> memref<1x32xi32, #tpu.memory_space<vmem>>
      %dma_start3A_1200 = tpu.memref_squeeze %dma_start3A_1199 : memref<1x32xi32, #tpu.memory_space<vmem>> -> memref<32xi32, #tpu.memory_space<vmem>>
      %dma_start3A_1201 = arith.constant 0 : i32
      %dma_start3A_1202 = arith.constant 0 : i32
      %dma_start3A_1203 = tpu.memref_slice %arg2[%dma_start3A_1201, %dma_start3A_1202] : memref<10000x128xf32, #tpu.memory_space<hbm>> -> memref<10000x128xf32, #tpu.memory_space<hbm>>
      tpu.enqueue_indirect_dma source(%dma_start3A_1203 : memref<10000x128xf32, #tpu.memory_space<hbm>>) target(%dma_start3A_1197 : memref<32x128xf32, #tpu.memory_space<vmem>>) offsets(%dma_start3A_1200 : memref<32xi32, #tpu.memory_space<vmem>>) semaphore(%arg13 : memref<!tpu.dma_semaphore, #tpu.memory_space<semaphore_mem>>)
      %mul3A_1204 = arith.constant 8 : i32
      %mul3A_1205 = arith.muli %rem3A_1063, %mul3A_1204 : i32
      %add3A_1206 = arith.constant 2 : i32
      %add3A_1207 = arith.addi %mul3A_1205, %add3A_1206 : i32
      %dma_start3A_1208 = arith.constant 64 : i32
      %dma_start3A_1209 = arith.constant 0 : i32
      %dma_start3A_1210 = tpu.memref_slice %arg10[%dma_start3A_1208, %dma_start3A_1209] : memref<128x128xf32, #tpu.memory_space<vmem>> -> memref<32x128xf32, #tpu.memory_space<vmem>>
      %dma_start3A_1211 = arith.constant 64 : i32
      %dma_start3A_1212 = tpu.memref_slice %arg8[%add3A_1207, %dma_start3A_1211] : memref<16x128xi32, #tpu.memory_space<vmem>> -> memref<1x32xi32, #tpu.memory_space<vmem>>
      %dma_start3A_1213 = tpu.memref_squeeze %dma_start3A_1212 : memref<1x32xi32, #tpu.memory_space<vmem>> -> memref<32xi32, #tpu.memory_space<vmem>>
      %dma_start3A_1214 = arith.constant 0 : i32
      %dma_start3A_1215 = arith.constant 0 : i32
      %dma_start3A_1216 = tpu.memref_slice %arg2[%dma_start3A_1214, %dma_start3A_1215] : memref<10000x128xf32, #tpu.memory_space<hbm>> -> memref<10000x128xf32, #tpu.memory_space<hbm>>
      tpu.enqueue_indirect_dma source(%dma_start3A_1216 : memref<10000x128xf32, #tpu.memory_space<hbm>>) target(%dma_start3A_1210 : memref<32x128xf32, #tpu.memory_space<vmem>>) offsets(%dma_start3A_1213 : memref<32xi32, #tpu.memory_space<vmem>>) semaphore(%arg14 : memref<!tpu.dma_semaphore, #tpu.memory_space<semaphore_mem>>)
      %mul3A_1217 = arith.constant 8 : i32
      %mul3A_1218 = arith.muli %rem3A_1063, %mul3A_1217 : i32
      %add3A_1219 = arith.constant 2 : i32
      %add3A_1220 = arith.addi %mul3A_1218, %add3A_1219 : i32
      %dma_start3A_1221 = arith.constant 96 : i32
      %dma_start3A_1222 = arith.constant 0 : i32
      %dma_start3A_1223 = tpu.memref_slice %arg10[%dma_start3A_1221, %dma_start3A_1222] : memref<128x128xf32, #tpu.memory_space<vmem>> -> memref<32x128xf32, #tpu.memory_space<vmem>>
      %dma_start3A_1224 = arith.constant 96 : i32
      %dma_start3A_1225 = tpu.memref_slice %arg8[%add3A_1220, %dma_start3A_1224] : memref<16x128xi32, #tpu.memory_space<vmem>> -> memref<1x32xi32, #tpu.memory_space<vmem>>
      %dma_start3A_1226 = tpu.memref_squeeze %dma_start3A_1225 : memref<1x32xi32, #tpu.memory_space<vmem>> -> memref<32xi32, #tpu.memory_space<vmem>>
      %dma_start3A_1227 = arith.constant 0 : i32
      %dma_start3A_1228 = arith.constant 0 : i32
      %dma_start3A_1229 = tpu.memref_slice %arg2[%dma_start3A_1227, %dma_start3A_1228] : memref<10000x128xf32, #tpu.memory_space<hbm>> -> memref<10000x128xf32, #tpu.memory_space<hbm>>
      tpu.enqueue_indirect_dma source(%dma_start3A_1229 : memref<10000x128xf32, #tpu.memory_space<hbm>>) target(%dma_start3A_1223 : memref<32x128xf32, #tpu.memory_space<vmem>>) offsets(%dma_start3A_1226 : memref<32xi32, #tpu.memory_space<vmem>>) semaphore(%arg15 : memref<!tpu.dma_semaphore, #tpu.memory_space<semaphore_mem>>)
      %dma_wait3A_1230 = arith.constant 0 : i32
      %dma_wait3A_1231 = arith.constant 0 : i32
      %dma_wait3A_1232 = arith.constant 0 : i32
      %dma_wait3A_1233 = tpu.memref_slice %arg11[%dma_wait3A_1231, %dma_wait3A_1232] : memref<128x128xf32, #tpu.memory_space<vmem>> -> memref<32x128xf32, #tpu.memory_space<vmem>>
      %dma_wait3A_1234 = arith.constant 0 : i32
      %dma_wait3A_1235 = tpu.memref_slice %arg8[%dma_wait3A_1230, %dma_wait3A_1234] : memref<16x128xi32, #tpu.memory_space<vmem>> -> memref<1x32xi32, #tpu.memory_space<vmem>>
      %dma_wait3A_1236 = tpu.memref_squeeze %dma_wait3A_1235 : memref<1x32xi32, #tpu.memory_space<vmem>> -> memref<32xi32, #tpu.memory_space<vmem>>
      %dma_wait3A_1237 = arith.constant 0 : i32
      %dma_wait3A_1238 = arith.constant 0 : i32
      %dma_wait3A_1239 = tpu.memref_slice %arg2[%dma_wait3A_1237, %dma_wait3A_1238] : memref<10000x128xf32, #tpu.memory_space<hbm>> -> memref<10000x128xf32, #tpu.memory_space<hbm>>
      tpu.wait_indirect_dma semaphore(%arg16 : memref<!tpu.dma_semaphore, #tpu.memory_space<semaphore_mem>>) src(%dma_wait3A_1239 : memref<10000x128xf32, #tpu.memory_space<hbm>>) dst(%dma_wait3A_1233 : memref<32x128xf32, #tpu.memory_space<vmem>>)
      %dma_wait3A_1240 = arith.constant 0 : i32
      %dma_wait3A_1241 = arith.constant 0 : i32
      %dma_wait3A_1242 = arith.constant 0 : i32
      %dma_wait3A_1243 = tpu.memref_slice %arg11[%dma_wait3A_1241, %dma_wait3A_1242] : memref<128x128xf32, #tpu.memory_space<vmem>> -> memref<32x128xf32, #tpu.memory_space<vmem>>
      %dma_wait3A_1244 = arith.constant 0 : i32
      %dma_wait3A_1245 = tpu.memref_slice %arg8[%dma_wait3A_1240, %dma_wait3A_1244] : memref<16x128xi32, #tpu.memory_space<vmem>> -> memref<1x32xi32, #tpu.memory_space<vmem>>
      %dma_wait3A_1246 = tpu.memref_squeeze %dma_wait3A_1245 : memref<1x32xi32, #tpu.memory_space<vmem>> -> memref<32xi32, #tpu.memory_space<vmem>>
      %dma_wait3A_1247 = arith.constant 0 : i32
      %dma_wait3A_1248 = arith.constant 0 : i32
      %dma_wait3A_1249 = tpu.memref_slice %arg2[%dma_wait3A_1247, %dma_wait3A_1248] : memref<10000x128xf32, #tpu.memory_space<hbm>> -> memref<10000x128xf32, #tpu.memory_space<hbm>>
      tpu.wait_indirect_dma semaphore(%arg17 : memref<!tpu.dma_semaphore, #tpu.memory_space<semaphore_mem>>) src(%dma_wait3A_1249 : memref<10000x128xf32, #tpu.memory_space<hbm>>) dst(%dma_wait3A_1243 : memref<32x128xf32, #tpu.memory_space<vmem>>)
      %dma_wait3A_1250 = arith.constant 0 : i32
      %dma_wait3A_1251 = arith.constant 0 : i32
      %dma_wait3A_1252 = arith.constant 0 : i32
      %dma_wait3A_1253 = tpu.memref_slice %arg11[%dma_wait3A_1251, %dma_wait3A_1252] : memref<128x128xf32, #tpu.memory_space<vmem>> -> memref<32x128xf32, #tpu.memory_space<vmem>>
      %dma_wait3A_1254 = arith.constant 0 : i32
      %dma_wait3A_1255 = tpu.memref_slice %arg8[%dma_wait3A_1250, %dma_wait3A_1254] : memref<16x128xi32, #tpu.memory_space<vmem>> -> memref<1x32xi32, #tpu.memory_space<vmem>>
      %dma_wait3A_1256 = tpu.memref_squeeze %dma_wait3A_1255 : memref<1x32xi32, #tpu.memory_space<vmem>> -> memref<32xi32, #tpu.memory_space<vmem>>
      %dma_wait3A_1257 = arith.constant 0 : i32
      %dma_wait3A_1258 = arith.constant 0 : i32
      %dma_wait3A_1259 = tpu.memref_slice %arg2[%dma_wait3A_1257, %dma_wait3A_1258] : memref<10000x128xf32, #tpu.memory_space<hbm>> -> memref<10000x128xf32, #tpu.memory_space<hbm>>
      tpu.wait_indirect_dma semaphore(%arg18 : memref<!tpu.dma_semaphore, #tpu.memory_space<semaphore_mem>>) src(%dma_wait3A_1259 : memref<10000x128xf32, #tpu.memory_space<hbm>>) dst(%dma_wait3A_1253 : memref<32x128xf32, #tpu.memory_space<vmem>>)
      %dma_wait3A_1260 = arith.constant 0 : i32
      %dma_wait3A_1261 = arith.constant 0 : i32
      %dma_wait3A_1262 = arith.constant 0 : i32
      %dma_wait3A_1263 = tpu.memref_slice %arg11[%dma_wait3A_1261, %dma_wait3A_1262] : memref<128x128xf32, #tpu.memory_space<vmem>> -> memref<32x128xf32, #tpu.memory_space<vmem>>
      %dma_wait3A_1264 = arith.constant 0 : i32
      %dma_wait3A_1265 = tpu.memref_slice %arg8[%dma_wait3A_1260, %dma_wait3A_1264] : memref<16x128xi32, #tpu.memory_space<vmem>> -> memref<1x32xi32, #tpu.memory_space<vmem>>
      %dma_wait3A_1266 = tpu.memref_squeeze %dma_wait3A_1265 : memref<1x32xi32, #tpu.memory_space<vmem>> -> memref<32xi32, #tpu.memory_space<vmem>>
      %dma_wait3A_1267 = arith.constant 0 : i32
      %dma_wait3A_1268 = arith.constant 0 : i32
      %dma_wait3A_1269 = tpu.memref_slice %arg2[%dma_wait3A_1267, %dma_wait3A_1268] : memref<10000x128xf32, #tpu.memory_space<hbm>> -> memref<10000x128xf32, #tpu.memory_space<hbm>>
      tpu.wait_indirect_dma semaphore(%arg19 : memref<!tpu.dma_semaphore, #tpu.memory_space<semaphore_mem>>) src(%dma_wait3A_1269 : memref<10000x128xf32, #tpu.memory_space<hbm>>) dst(%dma_wait3A_1263 : memref<32x128xf32, #tpu.memory_space<vmem>>)
      %mul3A_1270 = arith.constant 8 : i32
      %mul3A_1271 = arith.muli %rem3A_1063, %mul3A_1270 : i32
      %add3A_1272 = arith.constant 1 : i32
      %add3A_1273 = arith.addi %mul3A_1271, %add3A_1272 : i32
      %dma_start3A_1274 = arith.constant 0 : i32
      %dma_start3A_1275 = tpu.memref_slice %arg9[%add3A_1273, %dma_start3A_1274] : memref<16x128xi32, #tpu.memory_space<vmem>> -> memref<1x128xi32, #tpu.memory_space<vmem>>
      %dma_start3A_1276 = tpu.memref_squeeze %dma_start3A_1275 : memref<1x128xi32, #tpu.memory_space<vmem>> -> memref<128xi32, #tpu.memory_space<vmem>>
      %dma_start3A_1277 = arith.constant 0 : i32
      %dma_start3A_1278 = arith.constant 0 : i32
      %dma_start3A_1279 = tpu.memref_slice %arg7[%dma_start3A_1277, %dma_start3A_1278] : memref<10240x128xf32, #tpu.memory_space<vmem_shared>> -> memref<10240x128xf32, #tpu.memory_space<vmem_shared>>
      tpu.enqueue_indirect_dma source(%arg11 : memref<128x128xf32, #tpu.memory_space<vmem>>) target(%dma_start3A_1279 : memref<10240x128xf32, #tpu.memory_space<vmem_shared>>) offsets(%dma_start3A_1276 : memref<128xi32, #tpu.memory_space<vmem>>) semaphore(%arg21 : memref<!tpu.dma_semaphore, #tpu.memory_space<semaphore_mem>>) {add = true}
      %dma_wait3A_1280 = arith.constant 0 : i32
      %dma_wait3A_1281 = arith.constant 0 : i32
      %dma_wait3A_1282 = tpu.memref_slice %arg7[%dma_wait3A_1280, %dma_wait3A_1281] : memref<10240x128xf32, #tpu.memory_space<vmem_shared>> -> memref<128x128xf32, #tpu.memory_space<vmem_shared>>
      %dma_wait3A_1283 = arith.constant 0 : i32
      %dma_wait3A_1284 = arith.constant 0 : i32
      %dma_wait3A_1285 = tpu.memref_slice %arg7[%dma_wait3A_1283, %dma_wait3A_1284] : memref<10240x128xf32, #tpu.memory_space<vmem_shared>> -> memref<128x128xf32, #tpu.memory_space<vmem_shared>>
      tpu.wait_dma2 semaphore(%arg21 : memref<!tpu.dma_semaphore, #tpu.memory_space<semaphore_mem>>) src(%arg10 : memref<128x128xf32, #tpu.memory_space<vmem>>) dst(%dma_wait3A_1285 : memref<128x128xf32, #tpu.memory_space<vmem_shared>>)
      %mul3A_1286 = arith.constant 8 : i32
      %mul3A_1287 = arith.muli %rem3A_1063, %mul3A_1286 : i32
      %add3A_1288 = arith.constant 3 : i32
      %add3A_1289 = arith.addi %mul3A_1287, %add3A_1288 : i32
      %dma_start3A_1290 = arith.constant 0 : i32
      %dma_start3A_1291 = arith.constant 0 : i32
      %dma_start3A_1292 = tpu.memref_slice %arg11[%dma_start3A_1290, %dma_start3A_1291] : memref<128x128xf32, #tpu.memory_space<vmem>> -> memref<32x128xf32, #tpu.memory_space<vmem>>
      %dma_start3A_1293 = arith.constant 0 : i32
      %dma_start3A_1294 = tpu.memref_slice %arg8[%add3A_1289, %dma_start3A_1293] : memref<16x128xi32, #tpu.memory_space<vmem>> -> memref<1x32xi32, #tpu.memory_space<vmem>>
      %dma_start3A_1295 = tpu.memref_squeeze %dma_start3A_1294 : memref<1x32xi32, #tpu.memory_space<vmem>> -> memref<32xi32, #tpu.memory_space<vmem>>
      %dma_start3A_1296 = arith.constant 0 : i32
      %dma_start3A_1297 = arith.constant 0 : i32
      %dma_start3A_1298 = tpu.memref_slice %arg2[%dma_start3A_1296, %dma_start3A_1297] : memref<10000x128xf32, #tpu.memory_space<hbm>> -> memref<10000x128xf32, #tpu.memory_space<hbm>>
      tpu.enqueue_indirect_dma source(%dma_start3A_1298 : memref<10000x128xf32, #tpu.memory_space<hbm>>) target(%dma_start3A_1292 : memref<32x128xf32, #tpu.memory_space<vmem>>) offsets(%dma_start3A_1295 : memref<32xi32, #tpu.memory_space<vmem>>) semaphore(%arg16 : memref<!tpu.dma_semaphore, #tpu.memory_space<semaphore_mem>>)
      %mul3A_1299 = arith.constant 8 : i32
      %mul3A_1300 = arith.muli %rem3A_1063, %mul3A_1299 : i32
      %add3A_1301 = arith.constant 3 : i32
      %add3A_1302 = arith.addi %mul3A_1300, %add3A_1301 : i32
      %dma_start3A_1303 = arith.constant 32 : i32
      %dma_start3A_1304 = arith.constant 0 : i32
      %dma_start3A_1305 = tpu.memref_slice %arg11[%dma_start3A_1303, %dma_start3A_1304] : memref<128x128xf32, #tpu.memory_space<vmem>> -> memref<32x128xf32, #tpu.memory_space<vmem>>
      %dma_start3A_1306 = arith.constant 32 : i32
      %dma_start3A_1307 = tpu.memref_slice %arg8[%add3A_1302, %dma_start3A_1306] : memref<16x128xi32, #tpu.memory_space<vmem>> -> memref<1x32xi32, #tpu.memory_space<vmem>>
      %dma_start3A_1308 = tpu.memref_squeeze %dma_start3A_1307 : memref<1x32xi32, #tpu.memory_space<vmem>> -> memref<32xi32, #tpu.memory_space<vmem>>
      %dma_start3A_1309 = arith.constant 0 : i32
      %dma_start3A_1310 = arith.constant 0 : i32
      %dma_start3A_1311 = tpu.memref_slice %arg2[%dma_start3A_1309, %dma_start3A_1310] : memref<10000x128xf32, #tpu.memory_space<hbm>> -> memref<10000x128xf32, #tpu.memory_space<hbm>>
      tpu.enqueue_indirect_dma source(%dma_start3A_1311 : memref<10000x128xf32, #tpu.memory_space<hbm>>) target(%dma_start3A_1305 : memref<32x128xf32, #tpu.memory_space<vmem>>) offsets(%dma_start3A_1308 : memref<32xi32, #tpu.memory_space<vmem>>) semaphore(%arg17 : memref<!tpu.dma_semaphore, #tpu.memory_space<semaphore_mem>>)
      %mul3A_1312 = arith.constant 8 : i32
      %mul3A_1313 = arith.muli %rem3A_1063, %mul3A_1312 : i32
      %add3A_1314 = arith.constant 3 : i32
      %add3A_1315 = arith.addi %mul3A_1313, %add3A_1314 : i32
      %dma_start3A_1316 = arith.constant 64 : i32
      %dma_start3A_1317 = arith.constant 0 : i32
      %dma_start3A_1318 = tpu.memref_slice %arg11[%dma_start3A_1316, %dma_start3A_1317] : memref<128x128xf32, #tpu.memory_space<vmem>> -> memref<32x128xf32, #tpu.memory_space<vmem>>
      %dma_start3A_1319 = arith.constant 64 : i32
      %dma_start3A_1320 = tpu.memref_slice %arg8[%add3A_1315, %dma_start3A_1319] : memref<16x128xi32, #tpu.memory_space<vmem>> -> memref<1x32xi32, #tpu.memory_space<vmem>>
      %dma_start3A_1321 = tpu.memref_squeeze %dma_start3A_1320 : memref<1x32xi32, #tpu.memory_space<vmem>> -> memref<32xi32, #tpu.memory_space<vmem>>
      %dma_start3A_1322 = arith.constant 0 : i32
      %dma_start3A_1323 = arith.constant 0 : i32
      %dma_start3A_1324 = tpu.memref_slice %arg2[%dma_start3A_1322, %dma_start3A_1323] : memref<10000x128xf32, #tpu.memory_space<hbm>> -> memref<10000x128xf32, #tpu.memory_space<hbm>>
      tpu.enqueue_indirect_dma source(%dma_start3A_1324 : memref<10000x128xf32, #tpu.memory_space<hbm>>) target(%dma_start3A_1318 : memref<32x128xf32, #tpu.memory_space<vmem>>) offsets(%dma_start3A_1321 : memref<32xi32, #tpu.memory_space<vmem>>) semaphore(%arg18 : memref<!tpu.dma_semaphore, #tpu.memory_space<semaphore_mem>>)
      %mul3A_1325 = arith.constant 8 : i32
      %mul3A_1326 = arith.muli %rem3A_1063, %mul3A_1325 : i32
      %add3A_1327 = arith.constant 3 : i32
      %add3A_1328 = arith.addi %mul3A_1326, %add3A_1327 : i32
      %dma_start3A_1329 = arith.constant 96 : i32
      %dma_start3A_1330 = arith.constant 0 : i32
      %dma_start3A_1331 = tpu.memref_slice %arg11[%dma_start3A_1329, %dma_start3A_1330] : memref<128x128xf32, #tpu.memory_space<vmem>> -> memref<32x128xf32, #tpu.memory_space<vmem>>
      %dma_start3A_1332 = arith.constant 96 : i32
      %dma_start3A_1333 = tpu.memref_slice %arg8[%add3A_1328, %dma_start3A_1332] : memref<16x128xi32, #tpu.memory_space<vmem>> -> memref<1x32xi32, #tpu.memory_space<vmem>>
      %dma_start3A_1334 = tpu.memref_squeeze %dma_start3A_1333 : memref<1x32xi32, #tpu.memory_space<vmem>> -> memref<32xi32, #tpu.memory_space<vmem>>
      %dma_start3A_1335 = arith.constant 0 : i32
      %dma_start3A_1336 = arith.constant 0 : i32
      %dma_start3A_1337 = tpu.memref_slice %arg2[%dma_start3A_1335, %dma_start3A_1336] : memref<10000x128xf32, #tpu.memory_space<hbm>> -> memref<10000x128xf32, #tpu.memory_space<hbm>>
      tpu.enqueue_indirect_dma source(%dma_start3A_1337 : memref<10000x128xf32, #tpu.memory_space<hbm>>) target(%dma_start3A_1331 : memref<32x128xf32, #tpu.memory_space<vmem>>) offsets(%dma_start3A_1334 : memref<32xi32, #tpu.memory_space<vmem>>) semaphore(%arg19 : memref<!tpu.dma_semaphore, #tpu.memory_space<semaphore_mem>>)
      %dma_wait3A_1338 = arith.constant 0 : i32
      %dma_wait3A_1339 = arith.constant 0 : i32
      %dma_wait3A_1340 = arith.constant 0 : i32
      %dma_wait3A_1341 = tpu.memref_slice %arg10[%dma_wait3A_1339, %dma_wait3A_1340] : memref<128x128xf32, #tpu.memory_space<vmem>> -> memref<32x128xf32, #tpu.memory_space<vmem>>
      %dma_wait3A_1342 = arith.constant 0 : i32
      %dma_wait3A_1343 = tpu.memref_slice %arg8[%dma_wait3A_1338, %dma_wait3A_1342] : memref<16x128xi32, #tpu.memory_space<vmem>> -> memref<1x32xi32, #tpu.memory_space<vmem>>
      %dma_wait3A_1344 = tpu.memref_squeeze %dma_wait3A_1343 : memref<1x32xi32, #tpu.memory_space<vmem>> -> memref<32xi32, #tpu.memory_space<vmem>>
      %dma_wait3A_1345 = arith.constant 0 : i32
      %dma_wait3A_1346 = arith.constant 0 : i32
      %dma_wait3A_1347 = tpu.memref_slice %arg2[%dma_wait3A_1345, %dma_wait3A_1346] : memref<10000x128xf32, #tpu.memory_space<hbm>> -> memref<10000x128xf32, #tpu.memory_space<hbm>>
      tpu.wait_indirect_dma semaphore(%arg12 : memref<!tpu.dma_semaphore, #tpu.memory_space<semaphore_mem>>) src(%dma_wait3A_1347 : memref<10000x128xf32, #tpu.memory_space<hbm>>) dst(%dma_wait3A_1341 : memref<32x128xf32, #tpu.memory_space<vmem>>)
      %dma_wait3A_1348 = arith.constant 0 : i32
      %dma_wait3A_1349 = arith.constant 0 : i32
      %dma_wait3A_1350 = arith.constant 0 : i32
      %dma_wait3A_1351 = tpu.memref_slice %arg10[%dma_wait3A_1349, %dma_wait3A_1350] : memref<128x128xf32, #tpu.memory_space<vmem>> -> memref<32x128xf32, #tpu.memory_space<vmem>>
      %dma_wait3A_1352 = arith.constant 0 : i32
      %dma_wait3A_1353 = tpu.memref_slice %arg8[%dma_wait3A_1348, %dma_wait3A_1352] : memref<16x128xi32, #tpu.memory_space<vmem>> -> memref<1x32xi32, #tpu.memory_space<vmem>>
      %dma_wait3A_1354 = tpu.memref_squeeze %dma_wait3A_1353 : memref<1x32xi32, #tpu.memory_space<vmem>> -> memref<32xi32, #tpu.memory_space<vmem>>
      %dma_wait3A_1355 = arith.constant 0 : i32
      %dma_wait3A_1356 = arith.constant 0 : i32
      %dma_wait3A_1357 = tpu.memref_slice %arg2[%dma_wait3A_1355, %dma_wait3A_1356] : memref<10000x128xf32, #tpu.memory_space<hbm>> -> memref<10000x128xf32, #tpu.memory_space<hbm>>
      tpu.wait_indirect_dma semaphore(%arg13 : memref<!tpu.dma_semaphore, #tpu.memory_space<semaphore_mem>>) src(%dma_wait3A_1357 : memref<10000x128xf32, #tpu.memory_space<hbm>>) dst(%dma_wait3A_1351 : memref<32x128xf32, #tpu.memory_space<vmem>>)
      %dma_wait3A_1358 = arith.constant 0 : i32
      %dma_wait3A_1359 = arith.constant 0 : i32
      %dma_wait3A_1360 = arith.constant 0 : i32
      %dma_wait3A_1361 = tpu.memref_slice %arg10[%dma_wait3A_1359, %dma_wait3A_1360] : memref<128x128xf32, #tpu.memory_space<vmem>> -> memref<32x128xf32, #tpu.memory_space<vmem>>
      %dma_wait3A_1362 = arith.constant 0 : i32
      %dma_wait3A_1363 = tpu.memref_slice %arg8[%dma_wait3A_1358, %dma_wait3A_1362] : memref<16x128xi32, #tpu.memory_space<vmem>> -> memref<1x32xi32, #tpu.memory_space<vmem>>
      %dma_wait3A_1364 = tpu.memref_squeeze %dma_wait3A_1363 : memref<1x32xi32, #tpu.memory_space<vmem>> -> memref<32xi32, #tpu.memory_space<vmem>>
      %dma_wait3A_1365 = arith.constant 0 : i32
      %dma_wait3A_1366 = arith.constant 0 : i32
      %dma_wait3A_1367 = tpu.memref_slice %arg2[%dma_wait3A_1365, %dma_wait3A_1366] : memref<10000x128xf32, #tpu.memory_space<hbm>> -> memref<10000x128xf32, #tpu.memory_space<hbm>>
      tpu.wait_indirect_dma semaphore(%arg14 : memref<!tpu.dma_semaphore, #tpu.memory_space<semaphore_mem>>) src(%dma_wait3A_1367 : memref<10000x128xf32, #tpu.memory_space<hbm>>) dst(%dma_wait3A_1361 : memref<32x128xf32, #tpu.memory_space<vmem>>)
      %dma_wait3A_1368 = arith.constant 0 : i32
      %dma_wait3A_1369 = arith.constant 0 : i32
      %dma_wait3A_1370 = arith.constant 0 : i32
      %dma_wait3A_1371 = tpu.memref_slice %arg10[%dma_wait3A_1369, %dma_wait3A_1370] : memref<128x128xf32, #tpu.memory_space<vmem>> -> memref<32x128xf32, #tpu.memory_space<vmem>>
      %dma_wait3A_1372 = arith.constant 0 : i32
      %dma_wait3A_1373 = tpu.memref_slice %arg8[%dma_wait3A_1368, %dma_wait3A_1372] : memref<16x128xi32, #tpu.memory_space<vmem>> -> memref<1x32xi32, #tpu.memory_space<vmem>>
      %dma_wait3A_1374 = tpu.memref_squeeze %dma_wait3A_1373 : memref<1x32xi32, #tpu.memory_space<vmem>> -> memref<32xi32, #tpu.memory_space<vmem>>
      %dma_wait3A_1375 = arith.constant 0 : i32
      %dma_wait3A_1376 = arith.constant 0 : i32
      %dma_wait3A_1377 = tpu.memref_slice %arg2[%dma_wait3A_1375, %dma_wait3A_1376] : memref<10000x128xf32, #tpu.memory_space<hbm>> -> memref<10000x128xf32, #tpu.memory_space<hbm>>
      tpu.wait_indirect_dma semaphore(%arg15 : memref<!tpu.dma_semaphore, #tpu.memory_space<semaphore_mem>>) src(%dma_wait3A_1377 : memref<10000x128xf32, #tpu.memory_space<hbm>>) dst(%dma_wait3A_1371 : memref<32x128xf32, #tpu.memory_space<vmem>>)
      %mul3A_1378 = arith.constant 8 : i32
      %mul3A_1379 = arith.muli %rem3A_1063, %mul3A_1378 : i32
      %add3A_1380 = arith.constant 2 : i32
      %add3A_1381 = arith.addi %mul3A_1379, %add3A_1380 : i32
      %dma_start3A_1382 = arith.constant 0 : i32
      %dma_start3A_1383 = tpu.memref_slice %arg9[%add3A_1381, %dma_start3A_1382] : memref<16x128xi32, #tpu.memory_space<vmem>> -> memref<1x128xi32, #tpu.memory_space<vmem>>
      %dma_start3A_1384 = tpu.memref_squeeze %dma_start3A_1383 : memref<1x128xi32, #tpu.memory_space<vmem>> -> memref<128xi32, #tpu.memory_space<vmem>>
      %dma_start3A_1385 = arith.constant 0 : i32
      %dma_start3A_1386 = arith.constant 0 : i32
      %dma_start3A_1387 = tpu.memref_slice %arg7[%dma_start3A_1385, %dma_start3A_1386] : memref<10240x128xf32, #tpu.memory_space<vmem_shared>> -> memref<10240x128xf32, #tpu.memory_space<vmem_shared>>
      tpu.enqueue_indirect_dma source(%arg10 : memref<128x128xf32, #tpu.memory_space<vmem>>) target(%dma_start3A_1387 : memref<10240x128xf32, #tpu.memory_space<vmem_shared>>) offsets(%dma_start3A_1384 : memref<128xi32, #tpu.memory_space<vmem>>) semaphore(%arg20 : memref<!tpu.dma_semaphore, #tpu.memory_space<semaphore_mem>>) {add = true}
      %dma_wait3A_1388 = arith.constant 0 : i32
      %dma_wait3A_1389 = arith.constant 0 : i32
      %dma_wait3A_1390 = tpu.memref_slice %arg7[%dma_wait3A_1388, %dma_wait3A_1389] : memref<10240x128xf32, #tpu.memory_space<vmem_shared>> -> memref<128x128xf32, #tpu.memory_space<vmem_shared>>
      %dma_wait3A_1391 = arith.constant 0 : i32
      %dma_wait3A_1392 = arith.constant 0 : i32
      %dma_wait3A_1393 = tpu.memref_slice %arg7[%dma_wait3A_1391, %dma_wait3A_1392] : memref<10240x128xf32, #tpu.memory_space<vmem_shared>> -> memref<128x128xf32, #tpu.memory_space<vmem_shared>>
      tpu.wait_dma2 semaphore(%arg20 : memref<!tpu.dma_semaphore, #tpu.memory_space<semaphore_mem>>) src(%arg10 : memref<128x128xf32, #tpu.memory_space<vmem>>) dst(%dma_wait3A_1393 : memref<128x128xf32, #tpu.memory_space<vmem_shared>>)
      %mul3A_1394 = arith.constant 8 : i32
      %mul3A_1395 = arith.muli %rem3A_1063, %mul3A_1394 : i32
      %add3A_1396 = arith.constant 4 : i32
      %add3A_1397 = arith.addi %mul3A_1395, %add3A_1396 : i32
      %dma_start3A_1398 = arith.constant 0 : i32
      %dma_start3A_1399 = arith.constant 0 : i32
      %dma_start3A_1400 = tpu.memref_slice %arg10[%dma_start3A_1398, %dma_start3A_1399] : memref<128x128xf32, #tpu.memory_space<vmem>> -> memref<32x128xf32, #tpu.memory_space<vmem>>
      %dma_start3A_1401 = arith.constant 0 : i32
      %dma_start3A_1402 = tpu.memref_slice %arg8[%add3A_1397, %dma_start3A_1401] : memref<16x128xi32, #tpu.memory_space<vmem>> -> memref<1x32xi32, #tpu.memory_space<vmem>>
      %dma_start3A_1403 = tpu.memref_squeeze %dma_start3A_1402 : memref<1x32xi32, #tpu.memory_space<vmem>> -> memref<32xi32, #tpu.memory_space<vmem>>
      %dma_start3A_1404 = arith.constant 0 : i32
      %dma_start3A_1405 = arith.constant 0 : i32
      %dma_start3A_1406 = tpu.memref_slice %arg2[%dma_start3A_1404, %dma_start3A_1405] : memref<10000x128xf32, #tpu.memory_space<hbm>> -> memref<10000x128xf32, #tpu.memory_space<hbm>>
      tpu.enqueue_indirect_dma source(%dma_start3A_1406 : memref<10000x128xf32, #tpu.memory_space<hbm>>) target(%dma_start3A_1400 : memref<32x128xf32, #tpu.memory_space<vmem>>) offsets(%dma_start3A_1403 : memref<32xi32, #tpu.memory_space<vmem>>) semaphore(%arg12 : memref<!tpu.dma_semaphore, #tpu.memory_space<semaphore_mem>>)
      %mul3A_1407 = arith.constant 8 : i32
      %mul3A_1408 = arith.muli %rem3A_1063, %mul3A_1407 : i32
      %add3A_1409 = arith.constant 4 : i32
      %add3A_1410 = arith.addi %mul3A_1408, %add3A_1409 : i32
      %dma_start3A_1411 = arith.constant 32 : i32
      %dma_start3A_1412 = arith.constant 0 : i32
      %dma_start3A_1413 = tpu.memref_slice %arg10[%dma_start3A_1411, %dma_start3A_1412] : memref<128x128xf32, #tpu.memory_space<vmem>> -> memref<32x128xf32, #tpu.memory_space<vmem>>
      %dma_start3A_1414 = arith.constant 32 : i32
      %dma_start3A_1415 = tpu.memref_slice %arg8[%add3A_1410, %dma_start3A_1414] : memref<16x128xi32, #tpu.memory_space<vmem>> -> memref<1x32xi32, #tpu.memory_space<vmem>>
      %dma_start3A_1416 = tpu.memref_squeeze %dma_start3A_1415 : memref<1x32xi32, #tpu.memory_space<vmem>> -> memref<32xi32, #tpu.memory_space<vmem>>
      %dma_start3A_1417 = arith.constant 0 : i32
      %dma_start3A_1418 = arith.constant 0 : i32
      %dma_start3A_1419 = tpu.memref_slice %arg2[%dma_start3A_1417, %dma_start3A_1418] : memref<10000x128xf32, #tpu.memory_space<hbm>> -> memref<10000x128xf32, #tpu.memory_space<hbm>>
      tpu.enqueue_indirect_dma source(%dma_start3A_1419 : memref<10000x128xf32, #tpu.memory_space<hbm>>) target(%dma_start3A_1413 : memref<32x128xf32, #tpu.memory_space<vmem>>) offsets(%dma_start3A_1416 : memref<32xi32, #tpu.memory_space<vmem>>) semaphore(%arg13 : memref<!tpu.dma_semaphore, #tpu.memory_space<semaphore_mem>>)
      %mul3A_1420 = arith.constant 8 : i32
      %mul3A_1421 = arith.muli %rem3A_1063, %mul3A_1420 : i32
      %add3A_1422 = arith.constant 4 : i32
      %add3A_1423 = arith.addi %mul3A_1421, %add3A_1422 : i32
      %dma_start3A_1424 = arith.constant 64 : i32
      %dma_start3A_1425 = arith.constant 0 : i32
      %dma_start3A_1426 = tpu.memref_slice %arg10[%dma_start3A_1424, %dma_start3A_1425] : memref<128x128xf32, #tpu.memory_space<vmem>> -> memref<32x128xf32, #tpu.memory_space<vmem>>
      %dma_start3A_1427 = arith.constant 64 : i32
      %dma_start3A_1428 = tpu.memref_slice %arg8[%add3A_1423, %dma_start3A_1427] : memref<16x128xi32, #tpu.memory_space<vmem>> -> memref<1x32xi32, #tpu.memory_space<vmem>>
      %dma_start3A_1429 = tpu.memref_squeeze %dma_start3A_1428 : memref<1x32xi32, #tpu.memory_space<vmem>> -> memref<32xi32, #tpu.memory_space<vmem>>
      %dma_start3A_1430 = arith.constant 0 : i32
      %dma_start3A_1431 = arith.constant 0 : i32
      %dma_start3A_1432 = tpu.memref_slice %arg2[%dma_start3A_1430, %dma_start3A_1431] : memref<10000x128xf32, #tpu.memory_space<hbm>> -> memref<10000x128xf32, #tpu.memory_space<hbm>>
      tpu.enqueue_indirect_dma source(%dma_start3A_1432 : memref<10000x128xf32, #tpu.memory_space<hbm>>) target(%dma_start3A_1426 : memref<32x128xf32, #tpu.memory_space<vmem>>) offsets(%dma_start3A_1429 : memref<32xi32, #tpu.memory_space<vmem>>) semaphore(%arg14 : memref<!tpu.dma_semaphore, #tpu.memory_space<semaphore_mem>>)
      %mul3A_1433 = arith.constant 8 : i32
      %mul3A_1434 = arith.muli %rem3A_1063, %mul3A_1433 : i32
      %add3A_1435 = arith.constant 4 : i32
      %add3A_1436 = arith.addi %mul3A_1434, %add3A_1435 : i32
      %dma_start3A_1437 = arith.constant 96 : i32
      %dma_start3A_1438 = arith.constant 0 : i32
      %dma_start3A_1439 = tpu.memref_slice %arg10[%dma_start3A_1437, %dma_start3A_1438] : memref<128x128xf32, #tpu.memory_space<vmem>> -> memref<32x128xf32, #tpu.memory_space<vmem>>
      %dma_start3A_1440 = arith.constant 96 : i32
      %dma_start3A_1441 = tpu.memref_slice %arg8[%add3A_1436, %dma_start3A_1440] : memref<16x128xi32, #tpu.memory_space<vmem>> -> memref<1x32xi32, #tpu.memory_space<vmem>>
      %dma_start3A_1442 = tpu.memref_squeeze %dma_start3A_1441 : memref<1x32xi32, #tpu.memory_space<vmem>> -> memref<32xi32, #tpu.memory_space<vmem>>
      %dma_start3A_1443 = arith.constant 0 : i32
      %dma_start3A_1444 = arith.constant 0 : i32
      %dma_start3A_1445 = tpu.memref_slice %arg2[%dma_start3A_1443, %dma_start3A_1444] : memref<10000x128xf32, #tpu.memory_space<hbm>> -> memref<10000x128xf32, #tpu.memory_space<hbm>>
      tpu.enqueue_indirect_dma source(%dma_start3A_1445 : memref<10000x128xf32, #tpu.memory_space<hbm>>) target(%dma_start3A_1439 : memref<32x128xf32, #tpu.memory_space<vmem>>) offsets(%dma_start3A_1442 : memref<32xi32, #tpu.memory_space<vmem>>) semaphore(%arg15 : memref<!tpu.dma_semaphore, #tpu.memory_space<semaphore_mem>>)
      %dma_wait3A_1446 = arith.constant 0 : i32
      %dma_wait3A_1447 = arith.constant 0 : i32
      %dma_wait3A_1448 = arith.constant 0 : i32
      %dma_wait3A_1449 = tpu.memref_slice %arg11[%dma_wait3A_1447, %dma_wait3A_1448] : memref<128x128xf32, #tpu.memory_space<vmem>> -> memref<32x128xf32, #tpu.memory_space<vmem>>
      %dma_wait3A_1450 = arith.constant 0 : i32
      %dma_wait3A_1451 = tpu.memref_slice %arg8[%dma_wait3A_1446, %dma_wait3A_1450] : memref<16x128xi32, #tpu.memory_space<vmem>> -> memref<1x32xi32, #tpu.memory_space<vmem>>
      %dma_wait3A_1452 = tpu.memref_squeeze %dma_wait3A_1451 : memref<1x32xi32, #tpu.memory_space<vmem>> -> memref<32xi32, #tpu.memory_space<vmem>>
      %dma_wait3A_1453 = arith.constant 0 : i32
      %dma_wait3A_1454 = arith.constant 0 : i32
      %dma_wait3A_1455 = tpu.memref_slice %arg2[%dma_wait3A_1453, %dma_wait3A_1454] : memref<10000x128xf32, #tpu.memory_space<hbm>> -> memref<10000x128xf32, #tpu.memory_space<hbm>>
      tpu.wait_indirect_dma semaphore(%arg16 : memref<!tpu.dma_semaphore, #tpu.memory_space<semaphore_mem>>) src(%dma_wait3A_1455 : memref<10000x128xf32, #tpu.memory_space<hbm>>) dst(%dma_wait3A_1449 : memref<32x128xf32, #tpu.memory_space<vmem>>)
      %dma_wait3A_1456 = arith.constant 0 : i32
      %dma_wait3A_1457 = arith.constant 0 : i32
      %dma_wait3A_1458 = arith.constant 0 : i32
      %dma_wait3A_1459 = tpu.memref_slice %arg11[%dma_wait3A_1457, %dma_wait3A_1458] : memref<128x128xf32, #tpu.memory_space<vmem>> -> memref<32x128xf32, #tpu.memory_space<vmem>>
      %dma_wait3A_1460 = arith.constant 0 : i32
      %dma_wait3A_1461 = tpu.memref_slice %arg8[%dma_wait3A_1456, %dma_wait3A_1460] : memref<16x128xi32, #tpu.memory_space<vmem>> -> memref<1x32xi32, #tpu.memory_space<vmem>>
      %dma_wait3A_1462 = tpu.memref_squeeze %dma_wait3A_1461 : memref<1x32xi32, #tpu.memory_space<vmem>> -> memref<32xi32, #tpu.memory_space<vmem>>
      %dma_wait3A_1463 = arith.constant 0 : i32
      %dma_wait3A_1464 = arith.constant 0 : i32
      %dma_wait3A_1465 = tpu.memref_slice %arg2[%dma_wait3A_1463, %dma_wait3A_1464] : memref<10000x128xf32, #tpu.memory_space<hbm>> -> memref<10000x128xf32, #tpu.memory_space<hbm>>
      tpu.wait_indirect_dma semaphore(%arg17 : memref<!tpu.dma_semaphore, #tpu.memory_space<semaphore_mem>>) src(%dma_wait3A_1465 : memref<10000x128xf32, #tpu.memory_space<hbm>>) dst(%dma_wait3A_1459 : memref<32x128xf32, #tpu.memory_space<vmem>>)
      %dma_wait3A_1466 = arith.constant 0 : i32
      %dma_wait3A_1467 = arith.constant 0 : i32
      %dma_wait3A_1468 = arith.constant 0 : i32
      %dma_wait3A_1469 = tpu.memref_slice %arg11[%dma_wait3A_1467, %dma_wait3A_1468] : memref<128x128xf32, #tpu.memory_space<vmem>> -> memref<32x128xf32, #tpu.memory_space<vmem>>
      %dma_wait3A_1470 = arith.constant 0 : i32
      %dma_wait3A_1471 = tpu.memref_slice %arg8[%dma_wait3A_1466, %dma_wait3A_1470] : memref<16x128xi32, #tpu.memory_space<vmem>> -> memref<1x32xi32, #tpu.memory_space<vmem>>
      %dma_wait3A_1472 = tpu.memref_squeeze %dma_wait3A_1471 : memref<1x32xi32, #tpu.memory_space<vmem>> -> memref<32xi32, #tpu.memory_space<vmem>>
      %dma_wait3A_1473 = arith.constant 0 : i32
      %dma_wait3A_1474 = arith.constant 0 : i32
      %dma_wait3A_1475 = tpu.memref_slice %arg2[%dma_wait3A_1473, %dma_wait3A_1474] : memref<10000x128xf32, #tpu.memory_space<hbm>> -> memref<10000x128xf32, #tpu.memory_space<hbm>>
      tpu.wait_indirect_dma semaphore(%arg18 : memref<!tpu.dma_semaphore, #tpu.memory_space<semaphore_mem>>) src(%dma_wait3A_1475 : memref<10000x128xf32, #tpu.memory_space<hbm>>) dst(%dma_wait3A_1469 : memref<32x128xf32, #tpu.memory_space<vmem>>)
      %dma_wait3A_1476 = arith.constant 0 : i32
      %dma_wait3A_1477 = arith.constant 0 : i32
      %dma_wait3A_1478 = arith.constant 0 : i32
      %dma_wait3A_1479 = tpu.memref_slice %arg11[%dma_wait3A_1477, %dma_wait3A_1478] : memref<128x128xf32, #tpu.memory_space<vmem>> -> memref<32x128xf32, #tpu.memory_space<vmem>>
      %dma_wait3A_1480 = arith.constant 0 : i32
      %dma_wait3A_1481 = tpu.memref_slice %arg8[%dma_wait3A_1476, %dma_wait3A_1480] : memref<16x128xi32, #tpu.memory_space<vmem>> -> memref<1x32xi32, #tpu.memory_space<vmem>>
      %dma_wait3A_1482 = tpu.memref_squeeze %dma_wait3A_1481 : memref<1x32xi32, #tpu.memory_space<vmem>> -> memref<32xi32, #tpu.memory_space<vmem>>
      %dma_wait3A_1483 = arith.constant 0 : i32
      %dma_wait3A_1484 = arith.constant 0 : i32
      %dma_wait3A_1485 = tpu.memref_slice %arg2[%dma_wait3A_1483, %dma_wait3A_1484] : memref<10000x128xf32, #tpu.memory_space<hbm>> -> memref<10000x128xf32, #tpu.memory_space<hbm>>
      tpu.wait_indirect_dma semaphore(%arg19 : memref<!tpu.dma_semaphore, #tpu.memory_space<semaphore_mem>>) src(%dma_wait3A_1485 : memref<10000x128xf32, #tpu.memory_space<hbm>>) dst(%dma_wait3A_1479 : memref<32x128xf32, #tpu.memory_space<vmem>>)
      %mul3A_1486 = arith.constant 8 : i32
      %mul3A_1487 = arith.muli %rem3A_1063, %mul3A_1486 : i32
      %add3A_1488 = arith.constant 3 : i32
      %add3A_1489 = arith.addi %mul3A_1487, %add3A_1488 : i32
      %dma_start3A_1490 = arith.constant 0 : i32
      %dma_start3A_1491 = tpu.memref_slice %arg9[%add3A_1489, %dma_start3A_1490] : memref<16x128xi32, #tpu.memory_space<vmem>> -> memref<1x128xi32, #tpu.memory_space<vmem>>
      %dma_start3A_1492 = tpu.memref_squeeze %dma_start3A_1491 : memref<1x128xi32, #tpu.memory_space<vmem>> -> memref<128xi32, #tpu.memory_space<vmem>>
      %dma_start3A_1493 = arith.constant 0 : i32
      %dma_start3A_1494 = arith.constant 0 : i32
      %dma_start3A_1495 = tpu.memref_slice %arg7[%dma_start3A_1493, %dma_start3A_1494] : memref<10240x128xf32, #tpu.memory_space<vmem_shared>> -> memref<10240x128xf32, #tpu.memory_space<vmem_shared>>
      tpu.enqueue_indirect_dma source(%arg11 : memref<128x128xf32, #tpu.memory_space<vmem>>) target(%dma_start3A_1495 : memref<10240x128xf32, #tpu.memory_space<vmem_shared>>) offsets(%dma_start3A_1492 : memref<128xi32, #tpu.memory_space<vmem>>) semaphore(%arg21 : memref<!tpu.dma_semaphore, #tpu.memory_space<semaphore_mem>>) {add = true}
      %dma_wait3A_1496 = arith.constant 0 : i32
      %dma_wait3A_1497 = arith.constant 0 : i32
      %dma_wait3A_1498 = tpu.memref_slice %arg7[%dma_wait3A_1496, %dma_wait3A_1497] : memref<10240x128xf32, #tpu.memory_space<vmem_shared>> -> memref<128x128xf32, #tpu.memory_space<vmem_shared>>
      %dma_wait3A_1499 = arith.constant 0 : i32
      %dma_wait3A_1500 = arith.constant 0 : i32
      %dma_wait3A_1501 = tpu.memref_slice %arg7[%dma_wait3A_1499, %dma_wait3A_1500] : memref<10240x128xf32, #tpu.memory_space<vmem_shared>> -> memref<128x128xf32, #tpu.memory_space<vmem_shared>>
      tpu.wait_dma2 semaphore(%arg21 : memref<!tpu.dma_semaphore, #tpu.memory_space<semaphore_mem>>) src(%arg10 : memref<128x128xf32, #tpu.memory_space<vmem>>) dst(%dma_wait3A_1501 : memref<128x128xf32, #tpu.memory_space<vmem_shared>>)
      %mul3A_1502 = arith.constant 8 : i32
      %mul3A_1503 = arith.muli %rem3A_1063, %mul3A_1502 : i32
      %add3A_1504 = arith.constant 5 : i32
      %add3A_1505 = arith.addi %mul3A_1503, %add3A_1504 : i32
      %dma_start3A_1506 = arith.constant 0 : i32
      %dma_start3A_1507 = arith.constant 0 : i32
      %dma_start3A_1508 = tpu.memref_slice %arg11[%dma_start3A_1506, %dma_start3A_1507] : memref<128x128xf32, #tpu.memory_space<vmem>> -> memref<32x128xf32, #tpu.memory_space<vmem>>
      %dma_start3A_1509 = arith.constant 0 : i32
      %dma_start3A_1510 = tpu.memref_slice %arg8[%add3A_1505, %dma_start3A_1509] : memref<16x128xi32, #tpu.memory_space<vmem>> -> memref<1x32xi32, #tpu.memory_space<vmem>>
      %dma_start3A_1511 = tpu.memref_squeeze %dma_start3A_1510 : memref<1x32xi32, #tpu.memory_space<vmem>> -> memref<32xi32, #tpu.memory_space<vmem>>
      %dma_start3A_1512 = arith.constant 0 : i32
      %dma_start3A_1513 = arith.constant 0 : i32
      %dma_start3A_1514 = tpu.memref_slice %arg2[%dma_start3A_1512, %dma_start3A_1513] : memref<10000x128xf32, #tpu.memory_space<hbm>> -> memref<10000x128xf32, #tpu.memory_space<hbm>>
      tpu.enqueue_indirect_dma source(%dma_start3A_1514 : memref<10000x128xf32, #tpu.memory_space<hbm>>) target(%dma_start3A_1508 : memref<32x128xf32, #tpu.memory_space<vmem>>) offsets(%dma_start3A_1511 : memref<32xi32, #tpu.memory_space<vmem>>) semaphore(%arg16 : memref<!tpu.dma_semaphore, #tpu.memory_space<semaphore_mem>>)
      %mul3A_1515 = arith.constant 8 : i32
      %mul3A_1516 = arith.muli %rem3A_1063, %mul3A_1515 : i32
      %add3A_1517 = arith.constant 5 : i32
      %add3A_1518 = arith.addi %mul3A_1516, %add3A_1517 : i32
      %dma_start3A_1519 = arith.constant 32 : i32
      %dma_start3A_1520 = arith.constant 0 : i32
      %dma_start3A_1521 = tpu.memref_slice %arg11[%dma_start3A_1519, %dma_start3A_1520] : memref<128x128xf32, #tpu.memory_space<vmem>> -> memref<32x128xf32, #tpu.memory_space<vmem>>
      %dma_start3A_1522 = arith.constant 32 : i32
      %dma_start3A_1523 = tpu.memref_slice %arg8[%add3A_1518, %dma_start3A_1522] : memref<16x128xi32, #tpu.memory_space<vmem>> -> memref<1x32xi32, #tpu.memory_space<vmem>>
      %dma_start3A_1524 = tpu.memref_squeeze %dma_start3A_1523 : memref<1x32xi32, #tpu.memory_space<vmem>> -> memref<32xi32, #tpu.memory_space<vmem>>
      %dma_start3A_1525 = arith.constant 0 : i32
      %dma_start3A_1526 = arith.constant 0 : i32
      %dma_start3A_1527 = tpu.memref_slice %arg2[%dma_start3A_1525, %dma_start3A_1526] : memref<10000x128xf32, #tpu.memory_space<hbm>> -> memref<10000x128xf32, #tpu.memory_space<hbm>>
      tpu.enqueue_indirect_dma source(%dma_start3A_1527 : memref<10000x128xf32, #tpu.memory_space<hbm>>) target(%dma_start3A_1521 : memref<32x128xf32, #tpu.memory_space<vmem>>) offsets(%dma_start3A_1524 : memref<32xi32, #tpu.memory_space<vmem>>) semaphore(%arg17 : memref<!tpu.dma_semaphore, #tpu.memory_space<semaphore_mem>>)
      %mul3A_1528 = arith.constant 8 : i32
      %mul3A_1529 = arith.muli %rem3A_1063, %mul3A_1528 : i32
      %add3A_1530 = arith.constant 5 : i32
      %add3A_1531 = arith.addi %mul3A_1529, %add3A_1530 : i32
      %dma_start3A_1532 = arith.constant 64 : i32
      %dma_start3A_1533 = arith.constant 0 : i32
      %dma_start3A_1534 = tpu.memref_slice %arg11[%dma_start3A_1532, %dma_start3A_1533] : memref<128x128xf32, #tpu.memory_space<vmem>> -> memref<32x128xf32, #tpu.memory_space<vmem>>
      %dma_start3A_1535 = arith.constant 64 : i32
      %dma_start3A_1536 = tpu.memref_slice %arg8[%add3A_1531, %dma_start3A_1535] : memref<16x128xi32, #tpu.memory_space<vmem>> -> memref<1x32xi32, #tpu.memory_space<vmem>>
      %dma_start3A_1537 = tpu.memref_squeeze %dma_start3A_1536 : memref<1x32xi32, #tpu.memory_space<vmem>> -> memref<32xi32, #tpu.memory_space<vmem>>
      %dma_start3A_1538 = arith.constant 0 : i32
      %dma_start3A_1539 = arith.constant 0 : i32
      %dma_start3A_1540 = tpu.memref_slice %arg2[%dma_start3A_1538, %dma_start3A_1539] : memref<10000x128xf32, #tpu.memory_space<hbm>> -> memref<10000x128xf32, #tpu.memory_space<hbm>>
      tpu.enqueue_indirect_dma source(%dma_start3A_1540 : memref<10000x128xf32, #tpu.memory_space<hbm>>) target(%dma_start3A_1534 : memref<32x128xf32, #tpu.memory_space<vmem>>) offsets(%dma_start3A_1537 : memref<32xi32, #tpu.memory_space<vmem>>) semaphore(%arg18 : memref<!tpu.dma_semaphore, #tpu.memory_space<semaphore_mem>>)
      %mul3A_1541 = arith.constant 8 : i32
      %mul3A_1542 = arith.muli %rem3A_1063, %mul3A_1541 : i32
      %add3A_1543 = arith.constant 5 : i32
      %add3A_1544 = arith.addi %mul3A_1542, %add3A_1543 : i32
      %dma_start3A_1545 = arith.constant 96 : i32
      %dma_start3A_1546 = arith.constant 0 : i32
      %dma_start3A_1547 = tpu.memref_slice %arg11[%dma_start3A_1545, %dma_start3A_1546] : memref<128x128xf32, #tpu.memory_space<vmem>> -> memref<32x128xf32, #tpu.memory_space<vmem>>
      %dma_start3A_1548 = arith.constant 96 : i32
      %dma_start3A_1549 = tpu.memref_slice %arg8[%add3A_1544, %dma_start3A_1548] : memref<16x128xi32, #tpu.memory_space<vmem>> -> memref<1x32xi32, #tpu.memory_space<vmem>>
      %dma_start3A_1550 = tpu.memref_squeeze %dma_start3A_1549 : memref<1x32xi32, #tpu.memory_space<vmem>> -> memref<32xi32, #tpu.memory_space<vmem>>
      %dma_start3A_1551 = arith.constant 0 : i32
      %dma_start3A_1552 = arith.constant 0 : i32
      %dma_start3A_1553 = tpu.memref_slice %arg2[%dma_start3A_1551, %dma_start3A_1552] : memref<10000x128xf32, #tpu.memory_space<hbm>> -> memref<10000x128xf32, #tpu.memory_space<hbm>>
      tpu.enqueue_indirect_dma source(%dma_start3A_1553 : memref<10000x128xf32, #tpu.memory_space<hbm>>) target(%dma_start3A_1547 : memref<32x128xf32, #tpu.memory_space<vmem>>) offsets(%dma_start3A_1550 : memref<32xi32, #tpu.memory_space<vmem>>) semaphore(%arg19 : memref<!tpu.dma_semaphore, #tpu.memory_space<semaphore_mem>>)
      %dma_wait3A_1554 = arith.constant 0 : i32
      %dma_wait3A_1555 = arith.constant 0 : i32
      %dma_wait3A_1556 = arith.constant 0 : i32
      %dma_wait3A_1557 = tpu.memref_slice %arg10[%dma_wait3A_1555, %dma_wait3A_1556] : memref<128x128xf32, #tpu.memory_space<vmem>> -> memref<32x128xf32, #tpu.memory_space<vmem>>
      %dma_wait3A_1558 = arith.constant 0 : i32
      %dma_wait3A_1559 = tpu.memref_slice %arg8[%dma_wait3A_1554, %dma_wait3A_1558] : memref<16x128xi32, #tpu.memory_space<vmem>> -> memref<1x32xi32, #tpu.memory_space<vmem>>
      %dma_wait3A_1560 = tpu.memref_squeeze %dma_wait3A_1559 : memref<1x32xi32, #tpu.memory_space<vmem>> -> memref<32xi32, #tpu.memory_space<vmem>>
      %dma_wait3A_1561 = arith.constant 0 : i32
      %dma_wait3A_1562 = arith.constant 0 : i32
      %dma_wait3A_1563 = tpu.memref_slice %arg2[%dma_wait3A_1561, %dma_wait3A_1562] : memref<10000x128xf32, #tpu.memory_space<hbm>> -> memref<10000x128xf32, #tpu.memory_space<hbm>>
      tpu.wait_indirect_dma semaphore(%arg12 : memref<!tpu.dma_semaphore, #tpu.memory_space<semaphore_mem>>) src(%dma_wait3A_1563 : memref<10000x128xf32, #tpu.memory_space<hbm>>) dst(%dma_wait3A_1557 : memref<32x128xf32, #tpu.memory_space<vmem>>)
      %dma_wait3A_1564 = arith.constant 0 : i32
      %dma_wait3A_1565 = arith.constant 0 : i32
      %dma_wait3A_1566 = arith.constant 0 : i32
      %dma_wait3A_1567 = tpu.memref_slice %arg10[%dma_wait3A_1565, %dma_wait3A_1566] : memref<128x128xf32, #tpu.memory_space<vmem>> -> memref<32x128xf32, #tpu.memory_space<vmem>>
      %dma_wait3A_1568 = arith.constant 0 : i32
      %dma_wait3A_1569 = tpu.memref_slice %arg8[%dma_wait3A_1564, %dma_wait3A_1568] : memref<16x128xi32, #tpu.memory_space<vmem>> -> memref<1x32xi32, #tpu.memory_space<vmem>>
      %dma_wait3A_1570 = tpu.memref_squeeze %dma_wait3A_1569 : memref<1x32xi32, #tpu.memory_space<vmem>> -> memref<32xi32, #tpu.memory_space<vmem>>
      %dma_wait3A_1571 = arith.constant 0 : i32
      %dma_wait3A_1572 = arith.constant 0 : i32
      %dma_wait3A_1573 = tpu.memref_slice %arg2[%dma_wait3A_1571, %dma_wait3A_1572] : memref<10000x128xf32, #tpu.memory_space<hbm>> -> memref<10000x128xf32, #tpu.memory_space<hbm>>
      tpu.wait_indirect_dma semaphore(%arg13 : memref<!tpu.dma_semaphore, #tpu.memory_space<semaphore_mem>>) src(%dma_wait3A_1573 : memref<10000x128xf32, #tpu.memory_space<hbm>>) dst(%dma_wait3A_1567 : memref<32x128xf32, #tpu.memory_space<vmem>>)
      %dma_wait3A_1574 = arith.constant 0 : i32
      %dma_wait3A_1575 = arith.constant 0 : i32
      %dma_wait3A_1576 = arith.constant 0 : i32
      %dma_wait3A_1577 = tpu.memref_slice %arg10[%dma_wait3A_1575, %dma_wait3A_1576] : memref<128x128xf32, #tpu.memory_space<vmem>> -> memref<32x128xf32, #tpu.memory_space<vmem>>
      %dma_wait3A_1578 = arith.constant 0 : i32
      %dma_wait3A_1579 = tpu.memref_slice %arg8[%dma_wait3A_1574, %dma_wait3A_1578] : memref<16x128xi32, #tpu.memory_space<vmem>> -> memref<1x32xi32, #tpu.memory_space<vmem>>
      %dma_wait3A_1580 = tpu.memref_squeeze %dma_wait3A_1579 : memref<1x32xi32, #tpu.memory_space<vmem>> -> memref<32xi32, #tpu.memory_space<vmem>>
      %dma_wait3A_1581 = arith.constant 0 : i32
      %dma_wait3A_1582 = arith.constant 0 : i32
      %dma_wait3A_1583 = tpu.memref_slice %arg2[%dma_wait3A_1581, %dma_wait3A_1582] : memref<10000x128xf32, #tpu.memory_space<hbm>> -> memref<10000x128xf32, #tpu.memory_space<hbm>>
      tpu.wait_indirect_dma semaphore(%arg14 : memref<!tpu.dma_semaphore, #tpu.memory_space<semaphore_mem>>) src(%dma_wait3A_1583 : memref<10000x128xf32, #tpu.memory_space<hbm>>) dst(%dma_wait3A_1577 : memref<32x128xf32, #tpu.memory_space<vmem>>)
      %dma_wait3A_1584 = arith.constant 0 : i32
      %dma_wait3A_1585 = arith.constant 0 : i32
      %dma_wait3A_1586 = arith.constant 0 : i32
      %dma_wait3A_1587 = tpu.memref_slice %arg10[%dma_wait3A_1585, %dma_wait3A_1586] : memref<128x128xf32, #tpu.memory_space<vmem>> -> memref<32x128xf32, #tpu.memory_space<vmem>>
      %dma_wait3A_1588 = arith.constant 0 : i32
      %dma_wait3A_1589 = tpu.memref_slice %arg8[%dma_wait3A_1584, %dma_wait3A_1588] : memref<16x128xi32, #tpu.memory_space<vmem>> -> memref<1x32xi32, #tpu.memory_space<vmem>>
      %dma_wait3A_1590 = tpu.memref_squeeze %dma_wait3A_1589 : memref<1x32xi32, #tpu.memory_space<vmem>> -> memref<32xi32, #tpu.memory_space<vmem>>
      %dma_wait3A_1591 = arith.constant 0 : i32
      %dma_wait3A_1592 = arith.constant 0 : i32
      %dma_wait3A_1593 = tpu.memref_slice %arg2[%dma_wait3A_1591, %dma_wait3A_1592] : memref<10000x128xf32, #tpu.memory_space<hbm>> -> memref<10000x128xf32, #tpu.memory_space<hbm>>
      tpu.wait_indirect_dma semaphore(%arg15 : memref<!tpu.dma_semaphore, #tpu.memory_space<semaphore_mem>>) src(%dma_wait3A_1593 : memref<10000x128xf32, #tpu.memory_space<hbm>>) dst(%dma_wait3A_1587 : memref<32x128xf32, #tpu.memory_space<vmem>>)
      %mul3A_1594 = arith.constant 8 : i32
      %mul3A_1595 = arith.muli %rem3A_1063, %mul3A_1594 : i32
      %add3A_1596 = arith.constant 4 : i32
      %add3A_1597 = arith.addi %mul3A_1595, %add3A_1596 : i32
      %dma_start3A_1598 = arith.constant 0 : i32
      %dma_start3A_1599 = tpu.memref_slice %arg9[%add3A_1597, %dma_start3A_1598] : memref<16x128xi32, #tpu.memory_space<vmem>> -> memref<1x128xi32, #tpu.memory_space<vmem>>
      %dma_start3A_1600 = tpu.memref_squeeze %dma_start3A_1599 : memref<1x128xi32, #tpu.memory_space<vmem>> -> memref<128xi32, #tpu.memory_space<vmem>>
      %dma_start3A_1601 = arith.constant 0 : i32
      %dma_start3A_1602 = arith.constant 0 : i32
      %dma_start3A_1603 = tpu.memref_slice %arg7[%dma_start3A_1601, %dma_start3A_1602] : memref<10240x128xf32, #tpu.memory_space<vmem_shared>> -> memref<10240x128xf32, #tpu.memory_space<vmem_shared>>
      tpu.enqueue_indirect_dma source(%arg10 : memref<128x128xf32, #tpu.memory_space<vmem>>) target(%dma_start3A_1603 : memref<10240x128xf32, #tpu.memory_space<vmem_shared>>) offsets(%dma_start3A_1600 : memref<128xi32, #tpu.memory_space<vmem>>) semaphore(%arg20 : memref<!tpu.dma_semaphore, #tpu.memory_space<semaphore_mem>>) {add = true}
      %dma_wait3A_1604 = arith.constant 0 : i32
      %dma_wait3A_1605 = arith.constant 0 : i32
      %dma_wait3A_1606 = tpu.memref_slice %arg7[%dma_wait3A_1604, %dma_wait3A_1605] : memref<10240x128xf32, #tpu.memory_space<vmem_shared>> -> memref<128x128xf32, #tpu.memory_space<vmem_shared>>
      %dma_wait3A_1607 = arith.constant 0 : i32
      %dma_wait3A_1608 = arith.constant 0 : i32
      %dma_wait3A_1609 = tpu.memref_slice %arg7[%dma_wait3A_1607, %dma_wait3A_1608] : memref<10240x128xf32, #tpu.memory_space<vmem_shared>> -> memref<128x128xf32, #tpu.memory_space<vmem_shared>>
      tpu.wait_dma2 semaphore(%arg20 : memref<!tpu.dma_semaphore, #tpu.memory_space<semaphore_mem>>) src(%arg10 : memref<128x128xf32, #tpu.memory_space<vmem>>) dst(%dma_wait3A_1609 : memref<128x128xf32, #tpu.memory_space<vmem_shared>>)
      %mul3A_1610 = arith.constant 8 : i32
      %mul3A_1611 = arith.muli %rem3A_1063, %mul3A_1610 : i32
      %add3A_1612 = arith.constant 6 : i32
      %add3A_1613 = arith.addi %mul3A_1611, %add3A_1612 : i32
      %dma_start3A_1614 = arith.constant 0 : i32
      %dma_start3A_1615 = arith.constant 0 : i32
      %dma_start3A_1616 = tpu.memref_slice %arg10[%dma_start3A_1614, %dma_start3A_1615] : memref<128x128xf32, #tpu.memory_space<vmem>> -> memref<32x128xf32, #tpu.memory_space<vmem>>
      %dma_start3A_1617 = arith.constant 0 : i32
      %dma_start3A_1618 = tpu.memref_slice %arg8[%add3A_1613, %dma_start3A_1617] : memref<16x128xi32, #tpu.memory_space<vmem>> -> memref<1x32xi32, #tpu.memory_space<vmem>>
      %dma_start3A_1619 = tpu.memref_squeeze %dma_start3A_1618 : memref<1x32xi32, #tpu.memory_space<vmem>> -> memref<32xi32, #tpu.memory_space<vmem>>
      %dma_start3A_1620 = arith.constant 0 : i32
      %dma_start3A_1621 = arith.constant 0 : i32
      %dma_start3A_1622 = tpu.memref_slice %arg2[%dma_start3A_1620, %dma_start3A_1621] : memref<10000x128xf32, #tpu.memory_space<hbm>> -> memref<10000x128xf32, #tpu.memory_space<hbm>>
      tpu.enqueue_indirect_dma source(%dma_start3A_1622 : memref<10000x128xf32, #tpu.memory_space<hbm>>) target(%dma_start3A_1616 : memref<32x128xf32, #tpu.memory_space<vmem>>) offsets(%dma_start3A_1619 : memref<32xi32, #tpu.memory_space<vmem>>) semaphore(%arg12 : memref<!tpu.dma_semaphore, #tpu.memory_space<semaphore_mem>>)
      %mul3A_1623 = arith.constant 8 : i32
      %mul3A_1624 = arith.muli %rem3A_1063, %mul3A_1623 : i32
      %add3A_1625 = arith.constant 6 : i32
      %add3A_1626 = arith.addi %mul3A_1624, %add3A_1625 : i32
      %dma_start3A_1627 = arith.constant 32 : i32
      %dma_start3A_1628 = arith.constant 0 : i32
      %dma_start3A_1629 = tpu.memref_slice %arg10[%dma_start3A_1627, %dma_start3A_1628] : memref<128x128xf32, #tpu.memory_space<vmem>> -> memref<32x128xf32, #tpu.memory_space<vmem>>
      %dma_start3A_1630 = arith.constant 32 : i32
      %dma_start3A_1631 = tpu.memref_slice %arg8[%add3A_1626, %dma_start3A_1630] : memref<16x128xi32, #tpu.memory_space<vmem>> -> memref<1x32xi32, #tpu.memory_space<vmem>>
      %dma_start3A_1632 = tpu.memref_squeeze %dma_start3A_1631 : memref<1x32xi32, #tpu.memory_space<vmem>> -> memref<32xi32, #tpu.memory_space<vmem>>
      %dma_start3A_1633 = arith.constant 0 : i32
      %dma_start3A_1634 = arith.constant 0 : i32
      %dma_start3A_1635 = tpu.memref_slice %arg2[%dma_start3A_1633, %dma_start3A_1634] : memref<10000x128xf32, #tpu.memory_space<hbm>> -> memref<10000x128xf32, #tpu.memory_space<hbm>>
      tpu.enqueue_indirect_dma source(%dma_start3A_1635 : memref<10000x128xf32, #tpu.memory_space<hbm>>) target(%dma_start3A_1629 : memref<32x128xf32, #tpu.memory_space<vmem>>) offsets(%dma_start3A_1632 : memref<32xi32, #tpu.memory_space<vmem>>) semaphore(%arg13 : memref<!tpu.dma_semaphore, #tpu.memory_space<semaphore_mem>>)
      %mul3A_1636 = arith.constant 8 : i32
      %mul3A_1637 = arith.muli %rem3A_1063, %mul3A_1636 : i32
      %add3A_1638 = arith.constant 6 : i32
      %add3A_1639 = arith.addi %mul3A_1637, %add3A_1638 : i32
      %dma_start3A_1640 = arith.constant 64 : i32
      %dma_start3A_1641 = arith.constant 0 : i32
      %dma_start3A_1642 = tpu.memref_slice %arg10[%dma_start3A_1640, %dma_start3A_1641] : memref<128x128xf32, #tpu.memory_space<vmem>> -> memref<32x128xf32, #tpu.memory_space<vmem>>
      %dma_start3A_1643 = arith.constant 64 : i32
      %dma_start3A_1644 = tpu.memref_slice %arg8[%add3A_1639, %dma_start3A_1643] : memref<16x128xi32, #tpu.memory_space<vmem>> -> memref<1x32xi32, #tpu.memory_space<vmem>>
      %dma_start3A_1645 = tpu.memref_squeeze %dma_start3A_1644 : memref<1x32xi32, #tpu.memory_space<vmem>> -> memref<32xi32, #tpu.memory_space<vmem>>
      %dma_start3A_1646 = arith.constant 0 : i32
      %dma_start3A_1647 = arith.constant 0 : i32
      %dma_start3A_1648 = tpu.memref_slice %arg2[%dma_start3A_1646, %dma_start3A_1647] : memref<10000x128xf32, #tpu.memory_space<hbm>> -> memref<10000x128xf32, #tpu.memory_space<hbm>>
      tpu.enqueue_indirect_dma source(%dma_start3A_1648 : memref<10000x128xf32, #tpu.memory_space<hbm>>) target(%dma_start3A_1642 : memref<32x128xf32, #tpu.memory_space<vmem>>) offsets(%dma_start3A_1645 : memref<32xi32, #tpu.memory_space<vmem>>) semaphore(%arg14 : memref<!tpu.dma_semaphore, #tpu.memory_space<semaphore_mem>>)
      %mul3A_1649 = arith.constant 8 : i32
      %mul3A_1650 = arith.muli %rem3A_1063, %mul3A_1649 : i32
      %add3A_1651 = arith.constant 6 : i32
      %add3A_1652 = arith.addi %mul3A_1650, %add3A_1651 : i32
      %dma_start3A_1653 = arith.constant 96 : i32
      %dma_start3A_1654 = arith.constant 0 : i32
      %dma_start3A_1655 = tpu.memref_slice %arg10[%dma_start3A_1653, %dma_start3A_1654] : memref<128x128xf32, #tpu.memory_space<vmem>> -> memref<32x128xf32, #tpu.memory_space<vmem>>
      %dma_start3A_1656 = arith.constant 96 : i32
      %dma_start3A_1657 = tpu.memref_slice %arg8[%add3A_1652, %dma_start3A_1656] : memref<16x128xi32, #tpu.memory_space<vmem>> -> memref<1x32xi32, #tpu.memory_space<vmem>>
      %dma_start3A_1658 = tpu.memref_squeeze %dma_start3A_1657 : memref<1x32xi32, #tpu.memory_space<vmem>> -> memref<32xi32, #tpu.memory_space<vmem>>
      %dma_start3A_1659 = arith.constant 0 : i32
      %dma_start3A_1660 = arith.constant 0 : i32
      %dma_start3A_1661 = tpu.memref_slice %arg2[%dma_start3A_1659, %dma_start3A_1660] : memref<10000x128xf32, #tpu.memory_space<hbm>> -> memref<10000x128xf32, #tpu.memory_space<hbm>>
      tpu.enqueue_indirect_dma source(%dma_start3A_1661 : memref<10000x128xf32, #tpu.memory_space<hbm>>) target(%dma_start3A_1655 : memref<32x128xf32, #tpu.memory_space<vmem>>) offsets(%dma_start3A_1658 : memref<32xi32, #tpu.memory_space<vmem>>) semaphore(%arg15 : memref<!tpu.dma_semaphore, #tpu.memory_space<semaphore_mem>>)
      %dma_wait3A_1662 = arith.constant 0 : i32
      %dma_wait3A_1663 = arith.constant 0 : i32
      %dma_wait3A_1664 = arith.constant 0 : i32
      %dma_wait3A_1665 = tpu.memref_slice %arg11[%dma_wait3A_1663, %dma_wait3A_1664] : memref<128x128xf32, #tpu.memory_space<vmem>> -> memref<32x128xf32, #tpu.memory_space<vmem>>
      %dma_wait3A_1666 = arith.constant 0 : i32
      %dma_wait3A_1667 = tpu.memref_slice %arg8[%dma_wait3A_1662, %dma_wait3A_1666] : memref<16x128xi32, #tpu.memory_space<vmem>> -> memref<1x32xi32, #tpu.memory_space<vmem>>
      %dma_wait3A_1668 = tpu.memref_squeeze %dma_wait3A_1667 : memref<1x32xi32, #tpu.memory_space<vmem>> -> memref<32xi32, #tpu.memory_space<vmem>>
      %dma_wait3A_1669 = arith.constant 0 : i32
      %dma_wait3A_1670 = arith.constant 0 : i32
      %dma_wait3A_1671 = tpu.memref_slice %arg2[%dma_wait3A_1669, %dma_wait3A_1670] : memref<10000x128xf32, #tpu.memory_space<hbm>> -> memref<10000x128xf32, #tpu.memory_space<hbm>>
      tpu.wait_indirect_dma semaphore(%arg16 : memref<!tpu.dma_semaphore, #tpu.memory_space<semaphore_mem>>) src(%dma_wait3A_1671 : memref<10000x128xf32, #tpu.memory_space<hbm>>) dst(%dma_wait3A_1665 : memref<32x128xf32, #tpu.memory_space<vmem>>)
      %dma_wait3A_1672 = arith.constant 0 : i32
      %dma_wait3A_1673 = arith.constant 0 : i32
      %dma_wait3A_1674 = arith.constant 0 : i32
      %dma_wait3A_1675 = tpu.memref_slice %arg11[%dma_wait3A_1673, %dma_wait3A_1674] : memref<128x128xf32, #tpu.memory_space<vmem>> -> memref<32x128xf32, #tpu.memory_space<vmem>>
      %dma_wait3A_1676 = arith.constant 0 : i32
      %dma_wait3A_1677 = tpu.memref_slice %arg8[%dma_wait3A_1672, %dma_wait3A_1676] : memref<16x128xi32, #tpu.memory_space<vmem>> -> memref<1x32xi32, #tpu.memory_space<vmem>>
      %dma_wait3A_1678 = tpu.memref_squeeze %dma_wait3A_1677 : memref<1x32xi32, #tpu.memory_space<vmem>> -> memref<32xi32, #tpu.memory_space<vmem>>
      %dma_wait3A_1679 = arith.constant 0 : i32
      %dma_wait3A_1680 = arith.constant 0 : i32
      %dma_wait3A_1681 = tpu.memref_slice %arg2[%dma_wait3A_1679, %dma_wait3A_1680] : memref<10000x128xf32, #tpu.memory_space<hbm>> -> memref<10000x128xf32, #tpu.memory_space<hbm>>
      tpu.wait_indirect_dma semaphore(%arg17 : memref<!tpu.dma_semaphore, #tpu.memory_space<semaphore_mem>>) src(%dma_wait3A_1681 : memref<10000x128xf32, #tpu.memory_space<hbm>>) dst(%dma_wait3A_1675 : memref<32x128xf32, #tpu.memory_space<vmem>>)
      %dma_wait3A_1682 = arith.constant 0 : i32
      %dma_wait3A_1683 = arith.constant 0 : i32
      %dma_wait3A_1684 = arith.constant 0 : i32
      %dma_wait3A_1685 = tpu.memref_slice %arg11[%dma_wait3A_1683, %dma_wait3A_1684] : memref<128x128xf32, #tpu.memory_space<vmem>> -> memref<32x128xf32, #tpu.memory_space<vmem>>
      %dma_wait3A_1686 = arith.constant 0 : i32
      %dma_wait3A_1687 = tpu.memref_slice %arg8[%dma_wait3A_1682, %dma_wait3A_1686] : memref<16x128xi32, #tpu.memory_space<vmem>> -> memref<1x32xi32, #tpu.memory_space<vmem>>
      %dma_wait3A_1688 = tpu.memref_squeeze %dma_wait3A_1687 : memref<1x32xi32, #tpu.memory_space<vmem>> -> memref<32xi32, #tpu.memory_space<vmem>>
      %dma_wait3A_1689 = arith.constant 0 : i32
      %dma_wait3A_1690 = arith.constant 0 : i32
      %dma_wait3A_1691 = tpu.memref_slice %arg2[%dma_wait3A_1689, %dma_wait3A_1690] : memref<10000x128xf32, #tpu.memory_space<hbm>> -> memref<10000x128xf32, #tpu.memory_space<hbm>>
      tpu.wait_indirect_dma semaphore(%arg18 : memref<!tpu.dma_semaphore, #tpu.memory_space<semaphore_mem>>) src(%dma_wait3A_1691 : memref<10000x128xf32, #tpu.memory_space<hbm>>) dst(%dma_wait3A_1685 : memref<32x128xf32, #tpu.memory_space<vmem>>)
      %dma_wait3A_1692 = arith.constant 0 : i32
      %dma_wait3A_1693 = arith.constant 0 : i32
      %dma_wait3A_1694 = arith.constant 0 : i32
      %dma_wait3A_1695 = tpu.memref_slice %arg11[%dma_wait3A_1693, %dma_wait3A_1694] : memref<128x128xf32, #tpu.memory_space<vmem>> -> memref<32x128xf32, #tpu.memory_space<vmem>>
      %dma_wait3A_1696 = arith.constant 0 : i32
      %dma_wait3A_1697 = tpu.memref_slice %arg8[%dma_wait3A_1692, %dma_wait3A_1696] : memref<16x128xi32, #tpu.memory_space<vmem>> -> memref<1x32xi32, #tpu.memory_space<vmem>>
      %dma_wait3A_1698 = tpu.memref_squeeze %dma_wait3A_1697 : memref<1x32xi32, #tpu.memory_space<vmem>> -> memref<32xi32, #tpu.memory_space<vmem>>
      %dma_wait3A_1699 = arith.constant 0 : i32
      %dma_wait3A_1700 = arith.constant 0 : i32
      %dma_wait3A_1701 = tpu.memref_slice %arg2[%dma_wait3A_1699, %dma_wait3A_1700] : memref<10000x128xf32, #tpu.memory_space<hbm>> -> memref<10000x128xf32, #tpu.memory_space<hbm>>
      tpu.wait_indirect_dma semaphore(%arg19 : memref<!tpu.dma_semaphore, #tpu.memory_space<semaphore_mem>>) src(%dma_wait3A_1701 : memref<10000x128xf32, #tpu.memory_space<hbm>>) dst(%dma_wait3A_1695 : memref<32x128xf32, #tpu.memory_space<vmem>>)
      %mul3A_1702 = arith.constant 8 : i32
      %mul3A_1703 = arith.muli %rem3A_1063, %mul3A_1702 : i32
      %add3A_1704 = arith.constant 5 : i32
      %add3A_1705 = arith.addi %mul3A_1703, %add3A_1704 : i32
      %dma_start3A_1706 = arith.constant 0 : i32
      %dma_start3A_1707 = tpu.memref_slice %arg9[%add3A_1705, %dma_start3A_1706] : memref<16x128xi32, #tpu.memory_space<vmem>> -> memref<1x128xi32, #tpu.memory_space<vmem>>
      %dma_start3A_1708 = tpu.memref_squeeze %dma_start3A_1707 : memref<1x128xi32, #tpu.memory_space<vmem>> -> memref<128xi32, #tpu.memory_space<vmem>>
      %dma_start3A_1709 = arith.constant 0 : i32
      %dma_start3A_1710 = arith.constant 0 : i32
      %dma_start3A_1711 = tpu.memref_slice %arg7[%dma_start3A_1709, %dma_start3A_1710] : memref<10240x128xf32, #tpu.memory_space<vmem_shared>> -> memref<10240x128xf32, #tpu.memory_space<vmem_shared>>
      tpu.enqueue_indirect_dma source(%arg11 : memref<128x128xf32, #tpu.memory_space<vmem>>) target(%dma_start3A_1711 : memref<10240x128xf32, #tpu.memory_space<vmem_shared>>) offsets(%dma_start3A_1708 : memref<128xi32, #tpu.memory_space<vmem>>) semaphore(%arg21 : memref<!tpu.dma_semaphore, #tpu.memory_space<semaphore_mem>>) {add = true}
      %dma_wait3A_1712 = arith.constant 0 : i32
      %dma_wait3A_1713 = arith.constant 0 : i32
      %dma_wait3A_1714 = tpu.memref_slice %arg7[%dma_wait3A_1712, %dma_wait3A_1713] : memref<10240x128xf32, #tpu.memory_space<vmem_shared>> -> memref<128x128xf32, #tpu.memory_space<vmem_shared>>
      %dma_wait3A_1715 = arith.constant 0 : i32
      %dma_wait3A_1716 = arith.constant 0 : i32
      %dma_wait3A_1717 = tpu.memref_slice %arg7[%dma_wait3A_1715, %dma_wait3A_1716] : memref<10240x128xf32, #tpu.memory_space<vmem_shared>> -> memref<128x128xf32, #tpu.memory_space<vmem_shared>>
      tpu.wait_dma2 semaphore(%arg21 : memref<!tpu.dma_semaphore, #tpu.memory_space<semaphore_mem>>) src(%arg10 : memref<128x128xf32, #tpu.memory_space<vmem>>) dst(%dma_wait3A_1717 : memref<128x128xf32, #tpu.memory_space<vmem_shared>>)
      %mul3A_1718 = arith.constant 8 : i32
      %mul3A_1719 = arith.muli %rem3A_1063, %mul3A_1718 : i32
      %add3A_1720 = arith.constant 7 : i32
      %add3A_1721 = arith.addi %mul3A_1719, %add3A_1720 : i32
      %dma_start3A_1722 = arith.constant 0 : i32
      %dma_start3A_1723 = arith.constant 0 : i32
      %dma_start3A_1724 = tpu.memref_slice %arg11[%dma_start3A_1722, %dma_start3A_1723] : memref<128x128xf32, #tpu.memory_space<vmem>> -> memref<32x128xf32, #tpu.memory_space<vmem>>
      %dma_start3A_1725 = arith.constant 0 : i32
      %dma_start3A_1726 = tpu.memref_slice %arg8[%add3A_1721, %dma_start3A_1725] : memref<16x128xi32, #tpu.memory_space<vmem>> -> memref<1x32xi32, #tpu.memory_space<vmem>>
      %dma_start3A_1727 = tpu.memref_squeeze %dma_start3A_1726 : memref<1x32xi32, #tpu.memory_space<vmem>> -> memref<32xi32, #tpu.memory_space<vmem>>
      %dma_start3A_1728 = arith.constant 0 : i32
      %dma_start3A_1729 = arith.constant 0 : i32
      %dma_start3A_1730 = tpu.memref_slice %arg2[%dma_start3A_1728, %dma_start3A_1729] : memref<10000x128xf32, #tpu.memory_space<hbm>> -> memref<10000x128xf32, #tpu.memory_space<hbm>>
      tpu.enqueue_indirect_dma source(%dma_start3A_1730 : memref<10000x128xf32, #tpu.memory_space<hbm>>) target(%dma_start3A_1724 : memref<32x128xf32, #tpu.memory_space<vmem>>) offsets(%dma_start3A_1727 : memref<32xi32, #tpu.memory_space<vmem>>) semaphore(%arg16 : memref<!tpu.dma_semaphore, #tpu.memory_space<semaphore_mem>>)
      %mul3A_1731 = arith.constant 8 : i32
      %mul3A_1732 = arith.muli %rem3A_1063, %mul3A_1731 : i32
      %add3A_1733 = arith.constant 7 : i32
      %add3A_1734 = arith.addi %mul3A_1732, %add3A_1733 : i32
      %dma_start3A_1735 = arith.constant 32 : i32
      %dma_start3A_1736 = arith.constant 0 : i32
      %dma_start3A_1737 = tpu.memref_slice %arg11[%dma_start3A_1735, %dma_start3A_1736] : memref<128x128xf32, #tpu.memory_space<vmem>> -> memref<32x128xf32, #tpu.memory_space<vmem>>
      %dma_start3A_1738 = arith.constant 32 : i32
      %dma_start3A_1739 = tpu.memref_slice %arg8[%add3A_1734, %dma_start3A_1738] : memref<16x128xi32, #tpu.memory_space<vmem>> -> memref<1x32xi32, #tpu.memory_space<vmem>>
      %dma_start3A_1740 = tpu.memref_squeeze %dma_start3A_1739 : memref<1x32xi32, #tpu.memory_space<vmem>> -> memref<32xi32, #tpu.memory_space<vmem>>
      %dma_start3A_1741 = arith.constant 0 : i32
      %dma_start3A_1742 = arith.constant 0 : i32
      %dma_start3A_1743 = tpu.memref_slice %arg2[%dma_start3A_1741, %dma_start3A_1742] : memref<10000x128xf32, #tpu.memory_space<hbm>> -> memref<10000x128xf32, #tpu.memory_space<hbm>>
      tpu.enqueue_indirect_dma source(%dma_start3A_1743 : memref<10000x128xf32, #tpu.memory_space<hbm>>) target(%dma_start3A_1737 : memref<32x128xf32, #tpu.memory_space<vmem>>) offsets(%dma_start3A_1740 : memref<32xi32, #tpu.memory_space<vmem>>) semaphore(%arg17 : memref<!tpu.dma_semaphore, #tpu.memory_space<semaphore_mem>>)
      %mul3A_1744 = arith.constant 8 : i32
      %mul3A_1745 = arith.muli %rem3A_1063, %mul3A_1744 : i32
      %add3A_1746 = arith.constant 7 : i32
      %add3A_1747 = arith.addi %mul3A_1745, %add3A_1746 : i32
      %dma_start3A_1748 = arith.constant 64 : i32
      %dma_start3A_1749 = arith.constant 0 : i32
      %dma_start3A_1750 = tpu.memref_slice %arg11[%dma_start3A_1748, %dma_start3A_1749] : memref<128x128xf32, #tpu.memory_space<vmem>> -> memref<32x128xf32, #tpu.memory_space<vmem>>
      %dma_start3A_1751 = arith.constant 64 : i32
      %dma_start3A_1752 = tpu.memref_slice %arg8[%add3A_1747, %dma_start3A_1751] : memref<16x128xi32, #tpu.memory_space<vmem>> -> memref<1x32xi32, #tpu.memory_space<vmem>>
      %dma_start3A_1753 = tpu.memref_squeeze %dma_start3A_1752 : memref<1x32xi32, #tpu.memory_space<vmem>> -> memref<32xi32, #tpu.memory_space<vmem>>
      %dma_start3A_1754 = arith.constant 0 : i32
      %dma_start3A_1755 = arith.constant 0 : i32
      %dma_start3A_1756 = tpu.memref_slice %arg2[%dma_start3A_1754, %dma_start3A_1755] : memref<10000x128xf32, #tpu.memory_space<hbm>> -> memref<10000x128xf32, #tpu.memory_space<hbm>>
      tpu.enqueue_indirect_dma source(%dma_start3A_1756 : memref<10000x128xf32, #tpu.memory_space<hbm>>) target(%dma_start3A_1750 : memref<32x128xf32, #tpu.memory_space<vmem>>) offsets(%dma_start3A_1753 : memref<32xi32, #tpu.memory_space<vmem>>) semaphore(%arg18 : memref<!tpu.dma_semaphore, #tpu.memory_space<semaphore_mem>>)
      %mul3A_1757 = arith.constant 8 : i32
      %mul3A_1758 = arith.muli %rem3A_1063, %mul3A_1757 : i32
      %add3A_1759 = arith.constant 7 : i32
      %add3A_1760 = arith.addi %mul3A_1758, %add3A_1759 : i32
      %dma_start3A_1761 = arith.constant 96 : i32
      %dma_start3A_1762 = arith.constant 0 : i32
      %dma_start3A_1763 = tpu.memref_slice %arg11[%dma_start3A_1761, %dma_start3A_1762] : memref<128x128xf32, #tpu.memory_space<vmem>> -> memref<32x128xf32, #tpu.memory_space<vmem>>
      %dma_start3A_1764 = arith.constant 96 : i32
      %dma_start3A_1765 = tpu.memref_slice %arg8[%add3A_1760, %dma_start3A_1764] : memref<16x128xi32, #tpu.memory_space<vmem>> -> memref<1x32xi32, #tpu.memory_space<vmem>>
      %dma_start3A_1766 = tpu.memref_squeeze %dma_start3A_1765 : memref<1x32xi32, #tpu.memory_space<vmem>> -> memref<32xi32, #tpu.memory_space<vmem>>
      %dma_start3A_1767 = arith.constant 0 : i32
      %dma_start3A_1768 = arith.constant 0 : i32
      %dma_start3A_1769 = tpu.memref_slice %arg2[%dma_start3A_1767, %dma_start3A_1768] : memref<10000x128xf32, #tpu.memory_space<hbm>> -> memref<10000x128xf32, #tpu.memory_space<hbm>>
      tpu.enqueue_indirect_dma source(%dma_start3A_1769 : memref<10000x128xf32, #tpu.memory_space<hbm>>) target(%dma_start3A_1763 : memref<32x128xf32, #tpu.memory_space<vmem>>) offsets(%dma_start3A_1766 : memref<32xi32, #tpu.memory_space<vmem>>) semaphore(%arg19 : memref<!tpu.dma_semaphore, #tpu.memory_space<semaphore_mem>>)
      %dma_wait3A_1770 = arith.constant 0 : i32
      %dma_wait3A_1771 = arith.constant 0 : i32
      %dma_wait3A_1772 = arith.constant 0 : i32
      %dma_wait3A_1773 = tpu.memref_slice %arg10[%dma_wait3A_1771, %dma_wait3A_1772] : memref<128x128xf32, #tpu.memory_space<vmem>> -> memref<32x128xf32, #tpu.memory_space<vmem>>
      %dma_wait3A_1774 = arith.constant 0 : i32
      %dma_wait3A_1775 = tpu.memref_slice %arg8[%dma_wait3A_1770, %dma_wait3A_1774] : memref<16x128xi32, #tpu.memory_space<vmem>> -> memref<1x32xi32, #tpu.memory_space<vmem>>
      %dma_wait3A_1776 = tpu.memref_squeeze %dma_wait3A_1775 : memref<1x32xi32, #tpu.memory_space<vmem>> -> memref<32xi32, #tpu.memory_space<vmem>>
      %dma_wait3A_1777 = arith.constant 0 : i32
      %dma_wait3A_1778 = arith.constant 0 : i32
      %dma_wait3A_1779 = tpu.memref_slice %arg2[%dma_wait3A_1777, %dma_wait3A_1778] : memref<10000x128xf32, #tpu.memory_space<hbm>> -> memref<10000x128xf32, #tpu.memory_space<hbm>>
      tpu.wait_indirect_dma semaphore(%arg12 : memref<!tpu.dma_semaphore, #tpu.memory_space<semaphore_mem>>) src(%dma_wait3A_1779 : memref<10000x128xf32, #tpu.memory_space<hbm>>) dst(%dma_wait3A_1773 : memref<32x128xf32, #tpu.memory_space<vmem>>)
      %dma_wait3A_1780 = arith.constant 0 : i32
      %dma_wait3A_1781 = arith.constant 0 : i32
      %dma_wait3A_1782 = arith.constant 0 : i32
      %dma_wait3A_1783 = tpu.memref_slice %arg10[%dma_wait3A_1781, %dma_wait3A_1782] : memref<128x128xf32, #tpu.memory_space<vmem>> -> memref<32x128xf32, #tpu.memory_space<vmem>>
      %dma_wait3A_1784 = arith.constant 0 : i32
      %dma_wait3A_1785 = tpu.memref_slice %arg8[%dma_wait3A_1780, %dma_wait3A_1784] : memref<16x128xi32, #tpu.memory_space<vmem>> -> memref<1x32xi32, #tpu.memory_space<vmem>>
      %dma_wait3A_1786 = tpu.memref_squeeze %dma_wait3A_1785 : memref<1x32xi32, #tpu.memory_space<vmem>> -> memref<32xi32, #tpu.memory_space<vmem>>
      %dma_wait3A_1787 = arith.constant 0 : i32
      %dma_wait3A_1788 = arith.constant 0 : i32
      %dma_wait3A_1789 = tpu.memref_slice %arg2[%dma_wait3A_1787, %dma_wait3A_1788] : memref<10000x128xf32, #tpu.memory_space<hbm>> -> memref<10000x128xf32, #tpu.memory_space<hbm>>
      tpu.wait_indirect_dma semaphore(%arg13 : memref<!tpu.dma_semaphore, #tpu.memory_space<semaphore_mem>>) src(%dma_wait3A_1789 : memref<10000x128xf32, #tpu.memory_space<hbm>>) dst(%dma_wait3A_1783 : memref<32x128xf32, #tpu.memory_space<vmem>>)
      %dma_wait3A_1790 = arith.constant 0 : i32
      %dma_wait3A_1791 = arith.constant 0 : i32
      %dma_wait3A_1792 = arith.constant 0 : i32
      %dma_wait3A_1793 = tpu.memref_slice %arg10[%dma_wait3A_1791, %dma_wait3A_1792] : memref<128x128xf32, #tpu.memory_space<vmem>> -> memref<32x128xf32, #tpu.memory_space<vmem>>
      %dma_wait3A_1794 = arith.constant 0 : i32
      %dma_wait3A_1795 = tpu.memref_slice %arg8[%dma_wait3A_1790, %dma_wait3A_1794] : memref<16x128xi32, #tpu.memory_space<vmem>> -> memref<1x32xi32, #tpu.memory_space<vmem>>
      %dma_wait3A_1796 = tpu.memref_squeeze %dma_wait3A_1795 : memref<1x32xi32, #tpu.memory_space<vmem>> -> memref<32xi32, #tpu.memory_space<vmem>>
      %dma_wait3A_1797 = arith.constant 0 : i32
      %dma_wait3A_1798 = arith.constant 0 : i32
      %dma_wait3A_1799 = tpu.memref_slice %arg2[%dma_wait3A_1797, %dma_wait3A_1798] : memref<10000x128xf32, #tpu.memory_space<hbm>> -> memref<10000x128xf32, #tpu.memory_space<hbm>>
      tpu.wait_indirect_dma semaphore(%arg14 : memref<!tpu.dma_semaphore, #tpu.memory_space<semaphore_mem>>) src(%dma_wait3A_1799 : memref<10000x128xf32, #tpu.memory_space<hbm>>) dst(%dma_wait3A_1793 : memref<32x128xf32, #tpu.memory_space<vmem>>)
      %dma_wait3A_1800 = arith.constant 0 : i32
      %dma_wait3A_1801 = arith.constant 0 : i32
      %dma_wait3A_1802 = arith.constant 0 : i32
      %dma_wait3A_1803 = tpu.memref_slice %arg10[%dma_wait3A_1801, %dma_wait3A_1802] : memref<128x128xf32, #tpu.memory_space<vmem>> -> memref<32x128xf32, #tpu.memory_space<vmem>>
      %dma_wait3A_1804 = arith.constant 0 : i32
      %dma_wait3A_1805 = tpu.memref_slice %arg8[%dma_wait3A_1800, %dma_wait3A_1804] : memref<16x128xi32, #tpu.memory_space<vmem>> -> memref<1x32xi32, #tpu.memory_space<vmem>>
      %dma_wait3A_1806 = tpu.memref_squeeze %dma_wait3A_1805 : memref<1x32xi32, #tpu.memory_space<vmem>> -> memref<32xi32, #tpu.memory_space<vmem>>
      %dma_wait3A_1807 = arith.constant 0 : i32
      %dma_wait3A_1808 = arith.constant 0 : i32
      %dma_wait3A_1809 = tpu.memref_slice %arg2[%dma_wait3A_1807, %dma_wait3A_1808] : memref<10000x128xf32, #tpu.memory_space<hbm>> -> memref<10000x128xf32, #tpu.memory_space<hbm>>
      tpu.wait_indirect_dma semaphore(%arg15 : memref<!tpu.dma_semaphore, #tpu.memory_space<semaphore_mem>>) src(%dma_wait3A_1809 : memref<10000x128xf32, #tpu.memory_space<hbm>>) dst(%dma_wait3A_1803 : memref<32x128xf32, #tpu.memory_space<vmem>>)
      %mul3A_1810 = arith.constant 8 : i32
      %mul3A_1811 = arith.muli %rem3A_1063, %mul3A_1810 : i32
      %add3A_1812 = arith.constant 6 : i32
      %add3A_1813 = arith.addi %mul3A_1811, %add3A_1812 : i32
      %dma_start3A_1814 = arith.constant 0 : i32
      %dma_start3A_1815 = tpu.memref_slice %arg9[%add3A_1813, %dma_start3A_1814] : memref<16x128xi32, #tpu.memory_space<vmem>> -> memref<1x128xi32, #tpu.memory_space<vmem>>
      %dma_start3A_1816 = tpu.memref_squeeze %dma_start3A_1815 : memref<1x128xi32, #tpu.memory_space<vmem>> -> memref<128xi32, #tpu.memory_space<vmem>>
      %dma_start3A_1817 = arith.constant 0 : i32
      %dma_start3A_1818 = arith.constant 0 : i32
      %dma_start3A_1819 = tpu.memref_slice %arg7[%dma_start3A_1817, %dma_start3A_1818] : memref<10240x128xf32, #tpu.memory_space<vmem_shared>> -> memref<10240x128xf32, #tpu.memory_space<vmem_shared>>
      tpu.enqueue_indirect_dma source(%arg10 : memref<128x128xf32, #tpu.memory_space<vmem>>) target(%dma_start3A_1819 : memref<10240x128xf32, #tpu.memory_space<vmem_shared>>) offsets(%dma_start3A_1816 : memref<128xi32, #tpu.memory_space<vmem>>) semaphore(%arg20 : memref<!tpu.dma_semaphore, #tpu.memory_space<semaphore_mem>>) {add = true}
      %dma_wait3A_1820 = arith.constant 0 : i32
      %dma_wait3A_1821 = arith.constant 0 : i32
      %dma_wait3A_1822 = tpu.memref_slice %arg7[%dma_wait3A_1820, %dma_wait3A_1821] : memref<10240x128xf32, #tpu.memory_space<vmem_shared>> -> memref<128x128xf32, #tpu.memory_space<vmem_shared>>
      %dma_wait3A_1823 = arith.constant 0 : i32
      %dma_wait3A_1824 = arith.constant 0 : i32
      %dma_wait3A_1825 = tpu.memref_slice %arg7[%dma_wait3A_1823, %dma_wait3A_1824] : memref<10240x128xf32, #tpu.memory_space<vmem_shared>> -> memref<128x128xf32, #tpu.memory_space<vmem_shared>>
      tpu.wait_dma2 semaphore(%arg20 : memref<!tpu.dma_semaphore, #tpu.memory_space<semaphore_mem>>) src(%arg10 : memref<128x128xf32, #tpu.memory_space<vmem>>) dst(%dma_wait3A_1825 : memref<128x128xf32, #tpu.memory_space<vmem_shared>>)
      %lt3A = arith.constant 9 : i32
      %lt3A_1826 = arith.cmpi slt, %scan3A_1062, %lt3A : i32
      %convert_element_type3A = arith.extui %lt3A_1826 : i1 to i32
      %cond3A = arith.constant 0 : i32
      %cond3A_1827 = arith.cmpi ne, %convert_element_type3A, %cond3A : i32
      scf.if %cond3A_1827 {
        %add3A_1878 = arith.constant 1 : i32
        %add3A_1879 = arith.addi %scan3A_1062, %add3A_1878 : i32
        %sub3A = arith.constant 1 : i32
        %sub3A_1880 = arith.subi %sub3A, %rem3A_1063 : i32
        %mul3A_1881 = arith.constant 8 : i32
        %mul3A_1882 = arith.muli %sub3A_1880, %mul3A_1881 : i32
        %mul3A_1883 = arith.constant 80 : i32
        %mul3A_1884 = arith.muli %add3A, %mul3A_1883 : i32
        %mul3A_1885 = arith.constant 8 : i32
        %mul3A_1886 = arith.muli %add3A_1879, %mul3A_1885 : i32
        %add3A_1887 = arith.addi %mul3A_1884, %mul3A_1886 : i32
        "tpu.region"() ({
          %run_scoped3A = tpu.sem_alloc : memref<!tpu.dma_semaphore, #tpu.memory_space<semaphore_mem>>
          %dma_start3A_1944 = arith.constant 0 : i32
          %dma_start3A_1945 = tpu.memref_slice %arg8[%mul3A_1882, %dma_start3A_1944] : memref<16x128xi32, #tpu.memory_space<vmem>> -> memref<8x128xi32, #tpu.memory_space<vmem>>
          %dma_start3A_1946 = arith.constant 0 : i32
          %dma_start3A_1947 = tpu.memref_slice %arg3[%add3A_1887, %dma_start3A_1946] : memref<2560x128xi32, #tpu.memory_space<hbm>> -> memref<8x128xi32, #tpu.memory_space<hbm>>
          %dma_start3A_1948 = arith.constant 0 : i32
          %dma_start3A_1949 = tpu.memref_slice %arg8[%mul3A_1882, %dma_start3A_1948] : memref<16x128xi32, #tpu.memory_space<vmem>> -> memref<8x128xi32, #tpu.memory_space<vmem>>
          %dma_start3A_1950 = arith.constant 0 : i32
          %dma_start3A_1951 = tpu.memref_slice %arg3[%add3A_1887, %dma_start3A_1950] : memref<2560x128xi32, #tpu.memory_space<hbm>> -> memref<8x128xi32, #tpu.memory_space<hbm>>
          tpu.enqueue_dma source(%dma_start3A_1951 : memref<8x128xi32, #tpu.memory_space<hbm>>) target(%dma_start3A_1949 : memref<8x128xi32, #tpu.memory_space<vmem>>) target_semaphore(%run_scoped3A : memref<!tpu.dma_semaphore, #tpu.memory_space<semaphore_mem>>)
          %dma_wait3A_1952 = arith.constant 0 : i32
          %dma_wait3A_1953 = tpu.memref_slice %arg8[%mul3A_1882, %dma_wait3A_1952] : memref<16x128xi32, #tpu.memory_space<vmem>> -> memref<8x128xi32, #tpu.memory_space<vmem>>
          %dma_wait3A_1954 = arith.constant 0 : i32
          %dma_wait3A_1955 = tpu.memref_slice %arg3[%add3A_1887, %dma_wait3A_1954] : memref<2560x128xi32, #tpu.memory_space<hbm>> -> memref<8x128xi32, #tpu.memory_space<hbm>>
          %dma_wait3A_1956 = arith.constant 0 : i32
          %dma_wait3A_1957 = tpu.memref_slice %arg8[%mul3A_1882, %dma_wait3A_1956] : memref<16x128xi32, #tpu.memory_space<vmem>> -> memref<8x128xi32, #tpu.memory_space<vmem>>
          %dma_wait3A_1958 = arith.constant 0 : i32
          %dma_wait3A_1959 = tpu.memref_slice %arg3[%add3A_1887, %dma_wait3A_1958] : memref<2560x128xi32, #tpu.memory_space<hbm>> -> memref<8x128xi32, #tpu.memory_space<hbm>>
          tpu.wait_dma2 semaphore(%run_scoped3A : memref<!tpu.dma_semaphore, #tpu.memory_space<semaphore_mem>>) src(%dma_wait3A_1959 : memref<8x128xi32, #tpu.memory_space<hbm>>) dst(%dma_wait3A_1957 : memref<8x128xi32, #tpu.memory_space<vmem>>)
          tpu.yield
        }) : () -> ()
        "tpu.region"() ({
          %run_scoped3A = tpu.sem_alloc : memref<!tpu.dma_semaphore, #tpu.memory_space<semaphore_mem>>
          %dma_start3A_1944 = arith.constant 0 : i32
          %dma_start3A_1945 = tpu.memref_slice %arg9[%mul3A_1882, %dma_start3A_1944] : memref<16x128xi32, #tpu.memory_space<vmem>> -> memref<8x128xi32, #tpu.memory_space<vmem>>
          %dma_start3A_1946 = arith.constant 0 : i32
          %dma_start3A_1947 = tpu.memref_slice %arg4[%add3A_1887, %dma_start3A_1946] : memref<2560x128xi32, #tpu.memory_space<hbm>> -> memref<8x128xi32, #tpu.memory_space<hbm>>
          %dma_start3A_1948 = arith.constant 0 : i32
          %dma_start3A_1949 = tpu.memref_slice %arg9[%mul3A_1882, %dma_start3A_1948] : memref<16x128xi32, #tpu.memory_space<vmem>> -> memref<8x128xi32, #tpu.memory_space<vmem>>
          %dma_start3A_1950 = arith.constant 0 : i32
          %dma_start3A_1951 = tpu.memref_slice %arg4[%add3A_1887, %dma_start3A_1950] : memref<2560x128xi32, #tpu.memory_space<hbm>> -> memref<8x128xi32, #tpu.memory_space<hbm>>
          tpu.enqueue_dma source(%dma_start3A_1951 : memref<8x128xi32, #tpu.memory_space<hbm>>) target(%dma_start3A_1949 : memref<8x128xi32, #tpu.memory_space<vmem>>) target_semaphore(%run_scoped3A : memref<!tpu.dma_semaphore, #tpu.memory_space<semaphore_mem>>)
          %dma_wait3A_1952 = arith.constant 0 : i32
          %dma_wait3A_1953 = tpu.memref_slice %arg9[%mul3A_1882, %dma_wait3A_1952] : memref<16x128xi32, #tpu.memory_space<vmem>> -> memref<8x128xi32, #tpu.memory_space<vmem>>
          %dma_wait3A_1954 = arith.constant 0 : i32
          %dma_wait3A_1955 = tpu.memref_slice %arg4[%add3A_1887, %dma_wait3A_1954] : memref<2560x128xi32, #tpu.memory_space<hbm>> -> memref<8x128xi32, #tpu.memory_space<hbm>>
          %dma_wait3A_1956 = arith.constant 0 : i32
          %dma_wait3A_1957 = tpu.memref_slice %arg9[%mul3A_1882, %dma_wait3A_1956] : memref<16x128xi32, #tpu.memory_space<vmem>> -> memref<8x128xi32, #tpu.memory_space<vmem>>
          %dma_wait3A_1958 = arith.constant 0 : i32
          %dma_wait3A_1959 = tpu.memref_slice %arg4[%add3A_1887, %dma_wait3A_1958] : memref<2560x128xi32, #tpu.memory_space<hbm>> -> memref<8x128xi32, #tpu.memory_space<hbm>>
          tpu.wait_dma2 semaphore(%run_scoped3A : memref<!tpu.dma_semaphore, #tpu.memory_space<semaphore_mem>>) src(%dma_wait3A_1959 : memref<8x128xi32, #tpu.memory_space<hbm>>) dst(%dma_wait3A_1957 : memref<8x128xi32, #tpu.memory_space<vmem>>)
          tpu.yield
        }) : () -> ()
        %add3A_1888 = arith.constant 1 : i32
        %add3A_1889 = arith.addi %scan3A_1062, %add3A_1888 : i32
        %sub3A_1890 = arith.constant 1 : i32
        %sub3A_1891 = arith.subi %sub3A_1890, %rem3A_1063 : i32
        %mul3A_1892 = arith.constant 8 : i32
        %mul3A_1893 = arith.muli %sub3A_1891, %mul3A_1892 : i32
        %add3A_1894 = arith.constant 0 : i32
        %add3A_1895 = arith.addi %mul3A_1893, %add3A_1894 : i32
        %dma_start3A_1896 = arith.constant 0 : i32
        %dma_start3A_1897 = arith.constant 0 : i32
        %dma_start3A_1898 = tpu.memref_slice %arg10[%dma_start3A_1896, %dma_start3A_1897] : memref<128x128xf32, #tpu.memory_space<vmem>> -> memref<32x128xf32, #tpu.memory_space<vmem>>
        %dma_start3A_1899 = arith.constant 0 : i32
        %dma_start3A_1900 = tpu.memref_slice %arg8[%add3A_1895, %dma_start3A_1899] : memref<16x128xi32, #tpu.memory_space<vmem>> -> memref<1x32xi32, #tpu.memory_space<vmem>>
        %dma_start3A_1901 = tpu.memref_squeeze %dma_start3A_1900 : memref<1x32xi32, #tpu.memory_space<vmem>> -> memref<32xi32, #tpu.memory_space<vmem>>
        %dma_start3A_1902 = arith.constant 0 : i32
        %dma_start3A_1903 = arith.constant 0 : i32
        %dma_start3A_1904 = tpu.memref_slice %arg2[%dma_start3A_1902, %dma_start3A_1903] : memref<10000x128xf32, #tpu.memory_space<hbm>> -> memref<10000x128xf32, #tpu.memory_space<hbm>>
        tpu.enqueue_indirect_dma source(%dma_start3A_1904 : memref<10000x128xf32, #tpu.memory_space<hbm>>) target(%dma_start3A_1898 : memref<32x128xf32, #tpu.memory_space<vmem>>) offsets(%dma_start3A_1901 : memref<32xi32, #tpu.memory_space<vmem>>) semaphore(%arg12 : memref<!tpu.dma_semaphore, #tpu.memory_space<semaphore_mem>>)
        %mul3A_1905 = arith.constant 8 : i32
        %mul3A_1906 = arith.muli %sub3A_1891, %mul3A_1905 : i32
        %add3A_1907 = arith.constant 0 : i32
        %add3A_1908 = arith.addi %mul3A_1906, %add3A_1907 : i32
        %dma_start3A_1909 = arith.constant 32 : i32
        %dma_start3A_1910 = arith.constant 0 : i32
        %dma_start3A_1911 = tpu.memref_slice %arg10[%dma_start3A_1909, %dma_start3A_1910] : memref<128x128xf32, #tpu.memory_space<vmem>> -> memref<32x128xf32, #tpu.memory_space<vmem>>
        %dma_start3A_1912 = arith.constant 32 : i32
        %dma_start3A_1913 = tpu.memref_slice %arg8[%add3A_1908, %dma_start3A_1912] : memref<16x128xi32, #tpu.memory_space<vmem>> -> memref<1x32xi32, #tpu.memory_space<vmem>>
        %dma_start3A_1914 = tpu.memref_squeeze %dma_start3A_1913 : memref<1x32xi32, #tpu.memory_space<vmem>> -> memref<32xi32, #tpu.memory_space<vmem>>
        %dma_start3A_1915 = arith.constant 0 : i32
        %dma_start3A_1916 = arith.constant 0 : i32
        %dma_start3A_1917 = tpu.memref_slice %arg2[%dma_start3A_1915, %dma_start3A_1916] : memref<10000x128xf32, #tpu.memory_space<hbm>> -> memref<10000x128xf32, #tpu.memory_space<hbm>>
        tpu.enqueue_indirect_dma source(%dma_start3A_1917 : memref<10000x128xf32, #tpu.memory_space<hbm>>) target(%dma_start3A_1911 : memref<32x128xf32, #tpu.memory_space<vmem>>) offsets(%dma_start3A_1914 : memref<32xi32, #tpu.memory_space<vmem>>) semaphore(%arg13 : memref<!tpu.dma_semaphore, #tpu.memory_space<semaphore_mem>>)
        %mul3A_1918 = arith.constant 8 : i32
        %mul3A_1919 = arith.muli %sub3A_1891, %mul3A_1918 : i32
        %add3A_1920 = arith.constant 0 : i32
        %add3A_1921 = arith.addi %mul3A_1919, %add3A_1920 : i32
        %dma_start3A_1922 = arith.constant 64 : i32
        %dma_start3A_1923 = arith.constant 0 : i32
        %dma_start3A_1924 = tpu.memref_slice %arg10[%dma_start3A_1922, %dma_start3A_1923] : memref<128x128xf32, #tpu.memory_space<vmem>> -> memref<32x128xf32, #tpu.memory_space<vmem>>
        %dma_start3A_1925 = arith.constant 64 : i32
        %dma_start3A_1926 = tpu.memref_slice %arg8[%add3A_1921, %dma_start3A_1925] : memref<16x128xi32, #tpu.memory_space<vmem>> -> memref<1x32xi32, #tpu.memory_space<vmem>>
        %dma_start3A_1927 = tpu.memref_squeeze %dma_start3A_1926 : memref<1x32xi32, #tpu.memory_space<vmem>> -> memref<32xi32, #tpu.memory_space<vmem>>
        %dma_start3A_1928 = arith.constant 0 : i32
        %dma_start3A_1929 = arith.constant 0 : i32
        %dma_start3A_1930 = tpu.memref_slice %arg2[%dma_start3A_1928, %dma_start3A_1929] : memref<10000x128xf32, #tpu.memory_space<hbm>> -> memref<10000x128xf32, #tpu.memory_space<hbm>>
        tpu.enqueue_indirect_dma source(%dma_start3A_1930 : memref<10000x128xf32, #tpu.memory_space<hbm>>) target(%dma_start3A_1924 : memref<32x128xf32, #tpu.memory_space<vmem>>) offsets(%dma_start3A_1927 : memref<32xi32, #tpu.memory_space<vmem>>) semaphore(%arg14 : memref<!tpu.dma_semaphore, #tpu.memory_space<semaphore_mem>>)
        %mul3A_1931 = arith.constant 8 : i32
        %mul3A_1932 = arith.muli %sub3A_1891, %mul3A_1931 : i32
        %add3A_1933 = arith.constant 0 : i32
        %add3A_1934 = arith.addi %mul3A_1932, %add3A_1933 : i32
        %dma_start3A_1935 = arith.constant 96 : i32
        %dma_start3A_1936 = arith.constant 0 : i32
        %dma_start3A_1937 = tpu.memref_slice %arg10[%dma_start3A_1935, %dma_start3A_1936] : memref<128x128xf32, #tpu.memory_space<vmem>> -> memref<32x128xf32, #tpu.memory_space<vmem>>
        %dma_start3A_1938 = arith.constant 96 : i32
        %dma_start3A_1939 = tpu.memref_slice %arg8[%add3A_1934, %dma_start3A_1938] : memref<16x128xi32, #tpu.memory_space<vmem>> -> memref<1x32xi32, #tpu.memory_space<vmem>>
        %dma_start3A_1940 = tpu.memref_squeeze %dma_start3A_1939 : memref<1x32xi32, #tpu.memory_space<vmem>> -> memref<32xi32, #tpu.memory_space<vmem>>
        %dma_start3A_1941 = arith.constant 0 : i32
        %dma_start3A_1942 = arith.constant 0 : i32
        %dma_start3A_1943 = tpu.memref_slice %arg2[%dma_start3A_1941, %dma_start3A_1942] : memref<10000x128xf32, #tpu.memory_space<hbm>> -> memref<10000x128xf32, #tpu.memory_space<hbm>>
        tpu.enqueue_indirect_dma source(%dma_start3A_1943 : memref<10000x128xf32, #tpu.memory_space<hbm>>) target(%dma_start3A_1937 : memref<32x128xf32, #tpu.memory_space<vmem>>) offsets(%dma_start3A_1940 : memref<32xi32, #tpu.memory_space<vmem>>) semaphore(%arg15 : memref<!tpu.dma_semaphore, #tpu.memory_space<semaphore_mem>>)
      } else {
      }
      %dma_wait3A_1828 = arith.constant 0 : i32
      %dma_wait3A_1829 = arith.constant 0 : i32
      %dma_wait3A_1830 = arith.constant 0 : i32
      %dma_wait3A_1831 = tpu.memref_slice %arg11[%dma_wait3A_1829, %dma_wait3A_1830] : memref<128x128xf32, #tpu.memory_space<vmem>> -> memref<32x128xf32, #tpu.memory_space<vmem>>
      %dma_wait3A_1832 = arith.constant 0 : i32
      %dma_wait3A_1833 = tpu.memref_slice %arg8[%dma_wait3A_1828, %dma_wait3A_1832] : memref<16x128xi32, #tpu.memory_space<vmem>> -> memref<1x32xi32, #tpu.memory_space<vmem>>
      %dma_wait3A_1834 = tpu.memref_squeeze %dma_wait3A_1833 : memref<1x32xi32, #tpu.memory_space<vmem>> -> memref<32xi32, #tpu.memory_space<vmem>>
      %dma_wait3A_1835 = arith.constant 0 : i32
      %dma_wait3A_1836 = arith.constant 0 : i32
      %dma_wait3A_1837 = tpu.memref_slice %arg2[%dma_wait3A_1835, %dma_wait3A_1836] : memref<10000x128xf32, #tpu.memory_space<hbm>> -> memref<10000x128xf32, #tpu.memory_space<hbm>>
      tpu.wait_indirect_dma semaphore(%arg16 : memref<!tpu.dma_semaphore, #tpu.memory_space<semaphore_mem>>) src(%dma_wait3A_1837 : memref<10000x128xf32, #tpu.memory_space<hbm>>) dst(%dma_wait3A_1831 : memref<32x128xf32, #tpu.memory_space<vmem>>)
      %dma_wait3A_1838 = arith.constant 0 : i32
      %dma_wait3A_1839 = arith.constant 0 : i32
      %dma_wait3A_1840 = arith.constant 0 : i32
      %dma_wait3A_1841 = tpu.memref_slice %arg11[%dma_wait3A_1839, %dma_wait3A_1840] : memref<128x128xf32, #tpu.memory_space<vmem>> -> memref<32x128xf32, #tpu.memory_space<vmem>>
      %dma_wait3A_1842 = arith.constant 0 : i32
      %dma_wait3A_1843 = tpu.memref_slice %arg8[%dma_wait3A_1838, %dma_wait3A_1842] : memref<16x128xi32, #tpu.memory_space<vmem>> -> memref<1x32xi32, #tpu.memory_space<vmem>>
      %dma_wait3A_1844 = tpu.memref_squeeze %dma_wait3A_1843 : memref<1x32xi32, #tpu.memory_space<vmem>> -> memref<32xi32, #tpu.memory_space<vmem>>
      %dma_wait3A_1845 = arith.constant 0 : i32
      %dma_wait3A_1846 = arith.constant 0 : i32
      %dma_wait3A_1847 = tpu.memref_slice %arg2[%dma_wait3A_1845, %dma_wait3A_1846] : memref<10000x128xf32, #tpu.memory_space<hbm>> -> memref<10000x128xf32, #tpu.memory_space<hbm>>
      tpu.wait_indirect_dma semaphore(%arg17 : memref<!tpu.dma_semaphore, #tpu.memory_space<semaphore_mem>>) src(%dma_wait3A_1847 : memref<10000x128xf32, #tpu.memory_space<hbm>>) dst(%dma_wait3A_1841 : memref<32x128xf32, #tpu.memory_space<vmem>>)
      %dma_wait3A_1848 = arith.constant 0 : i32
      %dma_wait3A_1849 = arith.constant 0 : i32
      %dma_wait3A_1850 = arith.constant 0 : i32
      %dma_wait3A_1851 = tpu.memref_slice %arg11[%dma_wait3A_1849, %dma_wait3A_1850] : memref<128x128xf32, #tpu.memory_space<vmem>> -> memref<32x128xf32, #tpu.memory_space<vmem>>
      %dma_wait3A_1852 = arith.constant 0 : i32
      %dma_wait3A_1853 = tpu.memref_slice %arg8[%dma_wait3A_1848, %dma_wait3A_1852] : memref<16x128xi32, #tpu.memory_space<vmem>> -> memref<1x32xi32, #tpu.memory_space<vmem>>
      %dma_wait3A_1854 = tpu.memref_squeeze %dma_wait3A_1853 : memref<1x32xi32, #tpu.memory_space<vmem>> -> memref<32xi32, #tpu.memory_space<vmem>>
      %dma_wait3A_1855 = arith.constant 0 : i32
      %dma_wait3A_1856 = arith.constant 0 : i32
      %dma_wait3A_1857 = tpu.memref_slice %arg2[%dma_wait3A_1855, %dma_wait3A_1856] : memref<10000x128xf32, #tpu.memory_space<hbm>> -> memref<10000x128xf32, #tpu.memory_space<hbm>>
      tpu.wait_indirect_dma semaphore(%arg18 : memref<!tpu.dma_semaphore, #tpu.memory_space<semaphore_mem>>) src(%dma_wait3A_1857 : memref<10000x128xf32, #tpu.memory_space<hbm>>) dst(%dma_wait3A_1851 : memref<32x128xf32, #tpu.memory_space<vmem>>)
      %dma_wait3A_1858 = arith.constant 0 : i32
      %dma_wait3A_1859 = arith.constant 0 : i32
      %dma_wait3A_1860 = arith.constant 0 : i32
      %dma_wait3A_1861 = tpu.memref_slice %arg11[%dma_wait3A_1859, %dma_wait3A_1860] : memref<128x128xf32, #tpu.memory_space<vmem>> -> memref<32x128xf32, #tpu.memory_space<vmem>>
      %dma_wait3A_1862 = arith.constant 0 : i32
      %dma_wait3A_1863 = tpu.memref_slice %arg8[%dma_wait3A_1858, %dma_wait3A_1862] : memref<16x128xi32, #tpu.memory_space<vmem>> -> memref<1x32xi32, #tpu.memory_space<vmem>>
      %dma_wait3A_1864 = tpu.memref_squeeze %dma_wait3A_1863 : memref<1x32xi32, #tpu.memory_space<vmem>> -> memref<32xi32, #tpu.memory_space<vmem>>
      %dma_wait3A_1865 = arith.constant 0 : i32
      %dma_wait3A_1866 = arith.constant 0 : i32
      %dma_wait3A_1867 = tpu.memref_slice %arg2[%dma_wait3A_1865, %dma_wait3A_1866] : memref<10000x128xf32, #tpu.memory_space<hbm>> -> memref<10000x128xf32, #tpu.memory_space<hbm>>
      tpu.wait_indirect_dma semaphore(%arg19 : memref<!tpu.dma_semaphore, #tpu.memory_space<semaphore_mem>>) src(%dma_wait3A_1867 : memref<10000x128xf32, #tpu.memory_space<hbm>>) dst(%dma_wait3A_1861 : memref<32x128xf32, #tpu.memory_space<vmem>>)
      %mul3A_1868 = arith.constant 8 : i32
      %mul3A_1869 = arith.muli %rem3A_1063, %mul3A_1868 : i32
      %add3A_1870 = arith.constant 7 : i32
      %add3A_1871 = arith.addi %mul3A_1869, %add3A_1870 : i32
      %dma_start3A_1872 = arith.constant 0 : i32
      %dma_start3A_1873 = tpu.memref_slice %arg9[%add3A_1871, %dma_start3A_1872] : memref<16x128xi32, #tpu.memory_space<vmem>> -> memref<1x128xi32, #tpu.memory_space<vmem>>
      %dma_start3A_1874 = tpu.memref_squeeze %dma_start3A_1873 : memref<1x128xi32, #tpu.memory_space<vmem>> -> memref<128xi32, #tpu.memory_space<vmem>>
      %dma_start3A_1875 = arith.constant 0 : i32
      %dma_start3A_1876 = arith.constant 0 : i32
      %dma_start3A_1877 = tpu.memref_slice %arg7[%dma_start3A_1875, %dma_start3A_1876] : memref<10240x128xf32, #tpu.memory_space<vmem_shared>> -> memref<10240x128xf32, #tpu.memory_space<vmem_shared>>
      tpu.enqueue_indirect_dma source(%arg11 : memref<128x128xf32, #tpu.memory_space<vmem>>) target(%dma_start3A_1877 : memref<10240x128xf32, #tpu.memory_space<vmem_shared>>) offsets(%dma_start3A_1874 : memref<128xi32, #tpu.memory_space<vmem>>) semaphore(%arg21 : memref<!tpu.dma_semaphore, #tpu.memory_space<semaphore_mem>>) {add = true}
    }
    %scan3A_818 = arith.constant 9 : i32
    %dma_wait3A_819 = arith.constant 0 : i32
    %dma_wait3A_820 = arith.constant 0 : i32
    %dma_wait3A_821 = tpu.memref_slice %arg7[%dma_wait3A_819, %dma_wait3A_820] : memref<10240x128xf32, #tpu.memory_space<vmem_shared>> -> memref<128x128xf32, #tpu.memory_space<vmem_shared>>
    %dma_wait3A_822 = arith.constant 0 : i32
    %dma_wait3A_823 = arith.constant 0 : i32
    %dma_wait3A_824 = tpu.memref_slice %arg7[%dma_wait3A_822, %dma_wait3A_823] : memref<10240x128xf32, #tpu.memory_space<vmem_shared>> -> memref<128x128xf32, #tpu.memory_space<vmem_shared>>
    tpu.wait_dma2 semaphore(%arg21 : memref<!tpu.dma_semaphore, #tpu.memory_space<semaphore_mem>>) src(%arg10 : memref<128x128xf32, #tpu.memory_space<vmem>>) dst(%dma_wait3A_824 : memref<128x128xf32, #tpu.memory_space<vmem_shared>>)
    %barrier3A_825 = arith.constant 0 : index
    tpu.barrier barrier_id(%barrier3A_825)
    %mul3A_826 = arith.constant 640 : i32
    %mul3A_827 = arith.muli %arg1, %mul3A_826 : i32
    %add3A_828 = arith.constant 0 : i32
    %add3A_829 = arith.addi %mul3A_827, %add3A_828 : i32
    "tpu.region"() ({
      %run_scoped3A = tpu.sem_alloc : memref<!tpu.dma_semaphore, #tpu.memory_space<semaphore_mem>>
      %dma_start3A_1062 = arith.constant 0 : i32
      %dma_start3A_1063 = tpu.memref_slice %arg7[%add3A_829, %dma_start3A_1062] : memref<10240x128xf32, #tpu.memory_space<vmem_shared>> -> memref<128x128xf32, #tpu.memory_space<vmem_shared>>
      %dma_start3A_1064 = arith.constant 0 : i32
      %dma_start3A_1065 = tpu.memref_slice %arg7[%add3A_829, %dma_start3A_1064] : memref<10240x128xf32, #tpu.memory_space<vmem_shared>> -> memref<128x128xf32, #tpu.memory_space<vmem_shared>>
      tpu.enqueue_dma source(%dma_start3A_1065 : memref<128x128xf32, #tpu.memory_space<vmem_shared>>) target(%arg10 : memref<128x128xf32, #tpu.memory_space<vmem>>) target_semaphore(%run_scoped3A : memref<!tpu.dma_semaphore, #tpu.memory_space<semaphore_mem>>)
      %dma_wait3A_1066 = arith.constant 0 : i32
      %dma_wait3A_1067 = tpu.memref_slice %arg7[%add3A_829, %dma_wait3A_1066] : memref<10240x128xf32, #tpu.memory_space<vmem_shared>> -> memref<128x128xf32, #tpu.memory_space<vmem_shared>>
      %dma_wait3A_1068 = arith.constant 0 : i32
      %dma_wait3A_1069 = tpu.memref_slice %arg7[%add3A_829, %dma_wait3A_1068] : memref<10240x128xf32, #tpu.memory_space<vmem_shared>> -> memref<128x128xf32, #tpu.memory_space<vmem_shared>>
      tpu.wait_dma2 semaphore(%run_scoped3A : memref<!tpu.dma_semaphore, #tpu.memory_space<semaphore_mem>>) src(%dma_wait3A_1069 : memref<128x128xf32, #tpu.memory_space<vmem_shared>>) dst(%arg10 : memref<128x128xf32, #tpu.memory_space<vmem>>)
      tpu.yield
    }) : () -> ()
    "tpu.region"() ({
      %run_scoped3A = tpu.sem_alloc : memref<!tpu.dma_semaphore, #tpu.memory_space<semaphore_mem>>
      %dma_start3A_1062 = arith.constant 0 : i32
      %dma_start3A_1063 = tpu.memref_slice %arg5[%arg0, %add3A_829, %dma_start3A_1062] : memref<2x10240x128xf32, #tpu.memory_space<hbm>> -> memref<1x128x128xf32, #tpu.memory_space<hbm>>
      %dma_start3A_1064 = tpu.memref_squeeze %dma_start3A_1063 : memref<1x128x128xf32, #tpu.memory_space<hbm>> -> memref<128x128xf32, #tpu.memory_space<hbm>>
      %dma_start3A_1065 = arith.constant 0 : i32
      %dma_start3A_1066 = tpu.memref_slice %arg5[%arg0, %add3A_829, %dma_start3A_1065] : memref<2x10240x128xf32, #tpu.memory_space<hbm>> -> memref<1x128x128xf32, #tpu.memory_space<hbm>>
      %dma_start3A_1067 = tpu.memref_squeeze %dma_start3A_1066 : memref<1x128x128xf32, #tpu.memory_space<hbm>> -> memref<128x128xf32, #tpu.memory_space<hbm>>
      tpu.enqueue_dma source(%arg10 : memref<128x128xf32, #tpu.memory_space<vmem>>) target(%dma_start3A_1067 : memref<128x128xf32, #tpu.memory_space<hbm>>) target_semaphore(%run_scoped3A : memref<!tpu.dma_semaphore, #tpu.memory_space<semaphore_mem>>)
      %dma_wait3A_1068 = arith.constant 0 : i32
      %dma_wait3A_1069 = tpu.memref_slice %arg5[%arg0, %add3A_829, %dma_wait3A_1068] : memref<2x10240x128xf32, #tpu.memory_space<hbm>> -> memref<1x128x128xf32, #tpu.memory_space<hbm>>
      %dma_wait3A_1070 = tpu.memref_squeeze %dma_wait3A_1069 : memref<1x128x128xf32, #tpu.memory_space<hbm>> -> memref<128x128xf32, #tpu.memory_space<hbm>>
      %dma_wait3A_1071 = arith.constant 0 : i32
      %dma_wait3A_1072 = tpu.memref_slice %arg5[%arg0, %add3A_829, %dma_wait3A_1071] : memref<2x10240x128xf32, #tpu.memory_space<hbm>> -> memref<1x128x128xf32, #tpu.memory_space<hbm>>
      %dma_wait3A_1073 = tpu.memref_squeeze %dma_wait3A_1072 : memref<1x128x128xf32, #tpu.memory_space<hbm>> -> memref<128x128xf32, #tpu.memory_space<hbm>>
      tpu.wait_dma2 semaphore(%run_scoped3A : memref<!tpu.dma_semaphore, #tpu.memory_space<semaphore_mem>>) src(%arg10 : memref<128x128xf32, #tpu.memory_space<vmem>>) dst(%dma_wait3A_1073 : memref<128x128xf32, #tpu.memory_space<hbm>>)
      tpu.yield
    }) : () -> ()
    %mul3A_830 = arith.constant 640 : i32
    %mul3A_831 = arith.muli %arg1, %mul3A_830 : i32
    %add3A_832 = arith.constant 128 : i32
    %add3A_833 = arith.addi %mul3A_831, %add3A_832 : i32
    "tpu.region"() ({
      %run_scoped3A = tpu.sem_alloc : memref<!tpu.dma_semaphore, #tpu.memory_space<semaphore_mem>>
      %dma_start3A_1062 = arith.constant 0 : i32
      %dma_start3A_1063 = tpu.memref_slice %arg7[%add3A_833, %dma_start3A_1062] : memref<10240x128xf32, #tpu.memory_space<vmem_shared>> -> memref<128x128xf32, #tpu.memory_space<vmem_shared>>
      %dma_start3A_1064 = arith.constant 0 : i32
      %dma_start3A_1065 = tpu.memref_slice %arg7[%add3A_833, %dma_start3A_1064] : memref<10240x128xf32, #tpu.memory_space<vmem_shared>> -> memref<128x128xf32, #tpu.memory_space<vmem_shared>>
      tpu.enqueue_dma source(%dma_start3A_1065 : memref<128x128xf32, #tpu.memory_space<vmem_shared>>) target(%arg10 : memref<128x128xf32, #tpu.memory_space<vmem>>) target_semaphore(%run_scoped3A : memref<!tpu.dma_semaphore, #tpu.memory_space<semaphore_mem>>)
      %dma_wait3A_1066 = arith.constant 0 : i32
      %dma_wait3A_1067 = tpu.memref_slice %arg7[%add3A_833, %dma_wait3A_1066] : memref<10240x128xf32, #tpu.memory_space<vmem_shared>> -> memref<128x128xf32, #tpu.memory_space<vmem_shared>>
      %dma_wait3A_1068 = arith.constant 0 : i32
      %dma_wait3A_1069 = tpu.memref_slice %arg7[%add3A_833, %dma_wait3A_1068] : memref<10240x128xf32, #tpu.memory_space<vmem_shared>> -> memref<128x128xf32, #tpu.memory_space<vmem_shared>>
      tpu.wait_dma2 semaphore(%run_scoped3A : memref<!tpu.dma_semaphore, #tpu.memory_space<semaphore_mem>>) src(%dma_wait3A_1069 : memref<128x128xf32, #tpu.memory_space<vmem_shared>>) dst(%arg10 : memref<128x128xf32, #tpu.memory_space<vmem>>)
      tpu.yield
    }) : () -> ()
    "tpu.region"() ({
      %run_scoped3A = tpu.sem_alloc : memref<!tpu.dma_semaphore, #tpu.memory_space<semaphore_mem>>
      %dma_start3A_1062 = arith.constant 0 : i32
      %dma_start3A_1063 = tpu.memref_slice %arg5[%arg0, %add3A_833, %dma_start3A_1062] : memref<2x10240x128xf32, #tpu.memory_space<hbm>> -> memref<1x128x128xf32, #tpu.memory_space<hbm>>
      %dma_start3A_1064 = tpu.memref_squeeze %dma_start3A_1063 : memref<1x128x128xf32, #tpu.memory_space<hbm>> -> memref<128x128xf32, #tpu.memory_space<hbm>>
      %dma_start3A_1065 = arith.constant 0 : i32
      %dma_start3A_1066 = tpu.memref_slice %arg5[%arg0, %add3A_833, %dma_start3A_1065] : memref<2x10240x128xf32, #tpu.memory_space<hbm>> -> memref<1x128x128xf32, #tpu.memory_space<hbm>>
      %dma_start3A_1067 = tpu.memref_squeeze %dma_start3A_1066 : memref<1x128x128xf32, #tpu.memory_space<hbm>> -> memref<128x128xf32, #tpu.memory_space<hbm>>
      tpu.enqueue_dma source(%arg10 : memref<128x128xf32, #tpu.memory_space<vmem>>) target(%dma_start3A_1067 : memref<128x128xf32, #tpu.memory_space<hbm>>) target_semaphore(%run_scoped3A : memref<!tpu.dma_semaphore, #tpu.memory_space<semaphore_mem>>)
      %dma_wait3A_1068 = arith.constant 0 : i32
      %dma_wait3A_1069 = tpu.memref_slice %arg5[%arg0, %add3A_833, %dma_wait3A_1068] : memref<2x10240x128xf32, #tpu.memory_space<hbm>> -> memref<1x128x128xf32, #tpu.memory_space<hbm>>
      %dma_wait3A_1070 = tpu.memref_squeeze %dma_wait3A_1069 : memref<1x128x128xf32, #tpu.memory_space<hbm>> -> memref<128x128xf32, #tpu.memory_space<hbm>>
      %dma_wait3A_1071 = arith.constant 0 : i32
      %dma_wait3A_1072 = tpu.memref_slice %arg5[%arg0, %add3A_833, %dma_wait3A_1071] : memref<2x10240x128xf32, #tpu.memory_space<hbm>> -> memref<1x128x128xf32, #tpu.memory_space<hbm>>
      %dma_wait3A_1073 = tpu.memref_squeeze %dma_wait3A_1072 : memref<1x128x128xf32, #tpu.memory_space<hbm>> -> memref<128x128xf32, #tpu.memory_space<hbm>>
      tpu.wait_dma2 semaphore(%run_scoped3A : memref<!tpu.dma_semaphore, #tpu.memory_space<semaphore_mem>>) src(%arg10 : memref<128x128xf32, #tpu.memory_space<vmem>>) dst(%dma_wait3A_1073 : memref<128x128xf32, #tpu.memory_space<hbm>>)
      tpu.yield
    }) : () -> ()
    %mul3A_834 = arith.constant 640 : i32
    %mul3A_835 = arith.muli %arg1, %mul3A_834 : i32
    %add3A_836 = arith.constant 256 : i32
    %add3A_837 = arith.addi %mul3A_835, %add3A_836 : i32
    "tpu.region"() ({
      %run_scoped3A = tpu.sem_alloc : memref<!tpu.dma_semaphore, #tpu.memory_space<semaphore_mem>>
      %dma_start3A_1062 = arith.constant 0 : i32
      %dma_start3A_1063 = tpu.memref_slice %arg7[%add3A_837, %dma_start3A_1062] : memref<10240x128xf32, #tpu.memory_space<vmem_shared>> -> memref<128x128xf32, #tpu.memory_space<vmem_shared>>
      %dma_start3A_1064 = arith.constant 0 : i32
      %dma_start3A_1065 = tpu.memref_slice %arg7[%add3A_837, %dma_start3A_1064] : memref<10240x128xf32, #tpu.memory_space<vmem_shared>> -> memref<128x128xf32, #tpu.memory_space<vmem_shared>>
      tpu.enqueue_dma source(%dma_start3A_1065 : memref<128x128xf32, #tpu.memory_space<vmem_shared>>) target(%arg10 : memref<128x128xf32, #tpu.memory_space<vmem>>) target_semaphore(%run_scoped3A : memref<!tpu.dma_semaphore, #tpu.memory_space<semaphore_mem>>)
      %dma_wait3A_1066 = arith.constant 0 : i32
      %dma_wait3A_1067 = tpu.memref_slice %arg7[%add3A_837, %dma_wait3A_1066] : memref<10240x128xf32, #tpu.memory_space<vmem_shared>> -> memref<128x128xf32, #tpu.memory_space<vmem_shared>>
      %dma_wait3A_1068 = arith.constant 0 : i32
      %dma_wait3A_1069 = tpu.memref_slice %arg7[%add3A_837, %dma_wait3A_1068] : memref<10240x128xf32, #tpu.memory_space<vmem_shared>> -> memref<128x128xf32, #tpu.memory_space<vmem_shared>>
      tpu.wait_dma2 semaphore(%run_scoped3A : memref<!tpu.dma_semaphore, #tpu.memory_space<semaphore_mem>>) src(%dma_wait3A_1069 : memref<128x128xf32, #tpu.memory_space<vmem_shared>>) dst(%arg10 : memref<128x128xf32, #tpu.memory_space<vmem>>)
      tpu.yield
    }) : () -> ()
    "tpu.region"() ({
      %run_scoped3A = tpu.sem_alloc : memref<!tpu.dma_semaphore, #tpu.memory_space<semaphore_mem>>
      %dma_start3A_1062 = arith.constant 0 : i32
      %dma_start3A_1063 = tpu.memref_slice %arg5[%arg0, %add3A_837, %dma_start3A_1062] : memref<2x10240x128xf32, #tpu.memory_space<hbm>> -> memref<1x128x128xf32, #tpu.memory_space<hbm>>
      %dma_start3A_1064 = tpu.memref_squeeze %dma_start3A_1063 : memref<1x128x128xf32, #tpu.memory_space<hbm>> -> memref<128x128xf32, #tpu.memory_space<hbm>>
      %dma_start3A_1065 = arith.constant 0 : i32
      %dma_start3A_1066 = tpu.memref_slice %arg5[%arg0, %add3A_837, %dma_start3A_1065] : memref<2x10240x128xf32, #tpu.memory_space<hbm>> -> memref<1x128x128xf32, #tpu.memory_space<hbm>>
      %dma_start3A_1067 = tpu.memref_squeeze %dma_start3A_1066 : memref<1x128x128xf32, #tpu.memory_space<hbm>> -> memref<128x128xf32, #tpu.memory_space<hbm>>
      tpu.enqueue_dma source(%arg10 : memref<128x128xf32, #tpu.memory_space<vmem>>) target(%dma_start3A_1067 : memref<128x128xf32, #tpu.memory_space<hbm>>) target_semaphore(%run_scoped3A : memref<!tpu.dma_semaphore, #tpu.memory_space<semaphore_mem>>)
      %dma_wait3A_1068 = arith.constant 0 : i32
      %dma_wait3A_1069 = tpu.memref_slice %arg5[%arg0, %add3A_837, %dma_wait3A_1068] : memref<2x10240x128xf32, #tpu.memory_space<hbm>> -> memref<1x128x128xf32, #tpu.memory_space<hbm>>
      %dma_wait3A_1070 = tpu.memref_squeeze %dma_wait3A_1069 : memref<1x128x128xf32, #tpu.memory_space<hbm>> -> memref<128x128xf32, #tpu.memory_space<hbm>>
      %dma_wait3A_1071 = arith.constant 0 : i32
      %dma_wait3A_1072 = tpu.memref_slice %arg5[%arg0, %add3A_837, %dma_wait3A_1071] : memref<2x10240x128xf32, #tpu.memory_space<hbm>> -> memref<1x128x128xf32, #tpu.memory_space<hbm>>
      %dma_wait3A_1073 = tpu.memref_squeeze %dma_wait3A_1072 : memref<1x128x128xf32, #tpu.memory_space<hbm>> -> memref<128x128xf32, #tpu.memory_space<hbm>>
      tpu.wait_dma2 semaphore(%run_scoped3A : memref<!tpu.dma_semaphore, #tpu.memory_space<semaphore_mem>>) src(%arg10 : memref<128x128xf32, #tpu.memory_space<vmem>>) dst(%dma_wait3A_1073 : memref<128x128xf32, #tpu.memory_space<hbm>>)
      tpu.yield
    }) : () -> ()
    %mul3A_838 = arith.constant 640 : i32
    %mul3A_839 = arith.muli %arg1, %mul3A_838 : i32
    %add3A_840 = arith.constant 384 : i32
    %add3A_841 = arith.addi %mul3A_839, %add3A_840 : i32
    "tpu.region"() ({
      %run_scoped3A = tpu.sem_alloc : memref<!tpu.dma_semaphore, #tpu.memory_space<semaphore_mem>>
      %dma_start3A_1062 = arith.constant 0 : i32
      %dma_start3A_1063 = tpu.memref_slice %arg7[%add3A_841, %dma_start3A_1062] : memref<10240x128xf32, #tpu.memory_space<vmem_shared>> -> memref<128x128xf32, #tpu.memory_space<vmem_shared>>
      %dma_start3A_1064 = arith.constant 0 : i32
      %dma_start3A_1065 = tpu.memref_slice %arg7[%add3A_841, %dma_start3A_1064] : memref<10240x128xf32, #tpu.memory_space<vmem_shared>> -> memref<128x128xf32, #tpu.memory_space<vmem_shared>>
      tpu.enqueue_dma source(%dma_start3A_1065 : memref<128x128xf32, #tpu.memory_space<vmem_shared>>) target(%arg10 : memref<128x128xf32, #tpu.memory_space<vmem>>) target_semaphore(%run_scoped3A : memref<!tpu.dma_semaphore, #tpu.memory_space<semaphore_mem>>)
      %dma_wait3A_1066 = arith.constant 0 : i32
      %dma_wait3A_1067 = tpu.memref_slice %arg7[%add3A_841, %dma_wait3A_1066] : memref<10240x128xf32, #tpu.memory_space<vmem_shared>> -> memref<128x128xf32, #tpu.memory_space<vmem_shared>>
      %dma_wait3A_1068 = arith.constant 0 : i32
      %dma_wait3A_1069 = tpu.memref_slice %arg7[%add3A_841, %dma_wait3A_1068] : memref<10240x128xf32, #tpu.memory_space<vmem_shared>> -> memref<128x128xf32, #tpu.memory_space<vmem_shared>>
      tpu.wait_dma2 semaphore(%run_scoped3A : memref<!tpu.dma_semaphore, #tpu.memory_space<semaphore_mem>>) src(%dma_wait3A_1069 : memref<128x128xf32, #tpu.memory_space<vmem_shared>>) dst(%arg10 : memref<128x128xf32, #tpu.memory_space<vmem>>)
      tpu.yield
    }) : () -> ()
    "tpu.region"() ({
      %run_scoped3A = tpu.sem_alloc : memref<!tpu.dma_semaphore, #tpu.memory_space<semaphore_mem>>
      %dma_start3A_1062 = arith.constant 0 : i32
      %dma_start3A_1063 = tpu.memref_slice %arg5[%arg0, %add3A_841, %dma_start3A_1062] : memref<2x10240x128xf32, #tpu.memory_space<hbm>> -> memref<1x128x128xf32, #tpu.memory_space<hbm>>
      %dma_start3A_1064 = tpu.memref_squeeze %dma_start3A_1063 : memref<1x128x128xf32, #tpu.memory_space<hbm>> -> memref<128x128xf32, #tpu.memory_space<hbm>>
      %dma_start3A_1065 = arith.constant 0 : i32
      %dma_start3A_1066 = tpu.memref_slice %arg5[%arg0, %add3A_841, %dma_start3A_1065] : memref<2x10240x128xf32, #tpu.memory_space<hbm>> -> memref<1x128x128xf32, #tpu.memory_space<hbm>>
      %dma_start3A_1067 = tpu.memref_squeeze %dma_start3A_1066 : memref<1x128x128xf32, #tpu.memory_space<hbm>> -> memref<128x128xf32, #tpu.memory_space<hbm>>
      tpu.enqueue_dma source(%arg10 : memref<128x128xf32, #tpu.memory_space<vmem>>) target(%dma_start3A_1067 : memref<128x128xf32, #tpu.memory_space<hbm>>) target_semaphore(%run_scoped3A : memref<!tpu.dma_semaphore, #tpu.memory_space<semaphore_mem>>)
      %dma_wait3A_1068 = arith.constant 0 : i32
      %dma_wait3A_1069 = tpu.memref_slice %arg5[%arg0, %add3A_841, %dma_wait3A_1068] : memref<2x10240x128xf32, #tpu.memory_space<hbm>> -> memref<1x128x128xf32, #tpu.memory_space<hbm>>
      %dma_wait3A_1070 = tpu.memref_squeeze %dma_wait3A_1069 : memref<1x128x128xf32, #tpu.memory_space<hbm>> -> memref<128x128xf32, #tpu.memory_space<hbm>>
      %dma_wait3A_1071 = arith.constant 0 : i32
      %dma_wait3A_1072 = tpu.memref_slice %arg5[%arg0, %add3A_841, %dma_wait3A_1071] : memref<2x10240x128xf32, #tpu.memory_space<hbm>> -> memref<1x128x128xf32, #tpu.memory_space<hbm>>
      %dma_wait3A_1073 = tpu.memref_squeeze %dma_wait3A_1072 : memref<1x128x128xf32, #tpu.memory_space<hbm>> -> memref<128x128xf32, #tpu.memory_space<hbm>>
      tpu.wait_dma2 semaphore(%run_scoped3A : memref<!tpu.dma_semaphore, #tpu.memory_space<semaphore_mem>>) src(%arg10 : memref<128x128xf32, #tpu.memory_space<vmem>>) dst(%dma_wait3A_1073 : memref<128x128xf32, #tpu.memory_space<hbm>>)
      tpu.yield
    }) : () -> ()
    %mul3A_842 = arith.constant 640 : i32
    %mul3A_843 = arith.muli %arg1, %mul3A_842 : i32
    %add3A_844 = arith.constant 512 : i32
    %add3A_845 = arith.addi %mul3A_843, %add3A_844 : i32
    "tpu.region"() ({
      %run_scoped3A = tpu.sem_alloc : memref<!tpu.dma_semaphore, #tpu.memory_space<semaphore_mem>>
      %dma_start3A_1062 = arith.constant 0 : i32
      %dma_start3A_1063 = tpu.memref_slice %arg7[%add3A_845, %dma_start3A_1062] : memref<10240x128xf32, #tpu.memory_space<vmem_shared>> -> memref<128x128xf32, #tpu.memory_space<vmem_shared>>
      %dma_start3A_1064 = arith.constant 0 : i32
      %dma_start3A_1065 = tpu.memref_slice %arg7[%add3A_845, %dma_start3A_1064] : memref<10240x128xf32, #tpu.memory_space<vmem_shared>> -> memref<128x128xf32, #tpu.memory_space<vmem_shared>>
      tpu.enqueue_dma source(%dma_start3A_1065 : memref<128x128xf32, #tpu.memory_space<vmem_shared>>) target(%arg10 : memref<128x128xf32, #tpu.memory_space<vmem>>) target_semaphore(%run_scoped3A : memref<!tpu.dma_semaphore, #tpu.memory_space<semaphore_mem>>)
      %dma_wait3A_1066 = arith.constant 0 : i32
      %dma_wait3A_1067 = tpu.memref_slice %arg7[%add3A_845, %dma_wait3A_1066] : memref<10240x128xf32, #tpu.memory_space<vmem_shared>> -> memref<128x128xf32, #tpu.memory_space<vmem_shared>>
      %dma_wait3A_1068 = arith.constant 0 : i32
      %dma_wait3A_1069 = tpu.memref_slice %arg7[%add3A_845, %dma_wait3A_1068] : memref<10240x128xf32, #tpu.memory_space<vmem_shared>> -> memref<128x128xf32, #tpu.memory_space<vmem_shared>>
      tpu.wait_dma2 semaphore(%run_scoped3A : memref<!tpu.dma_semaphore, #tpu.memory_space<semaphore_mem>>) src(%dma_wait3A_1069 : memref<128x128xf32, #tpu.memory_space<vmem_shared>>) dst(%arg10 : memref<128x128xf32, #tpu.memory_space<vmem>>)
      tpu.yield
    }) : () -> ()
    "tpu.region"() ({
      %run_scoped3A = tpu.sem_alloc : memref<!tpu.dma_semaphore, #tpu.memory_space<semaphore_mem>>
      %dma_start3A_1062 = arith.constant 0 : i32
      %dma_start3A_1063 = tpu.memref_slice %arg5[%arg0, %add3A_845, %dma_start3A_1062] : memref<2x10240x128xf32, #tpu.memory_space<hbm>> -> memref<1x128x128xf32, #tpu.memory_space<hbm>>
      %dma_start3A_1064 = tpu.memref_squeeze %dma_start3A_1063 : memref<1x128x128xf32, #tpu.memory_space<hbm>> -> memref<128x128xf32, #tpu.memory_space<hbm>>
      %dma_start3A_1065 = arith.constant 0 : i32
      %dma_start3A_1066 = tpu.memref_slice %arg5[%arg0, %add3A_845, %dma_start3A_1065] : memref<2x10240x128xf32, #tpu.memory_space<hbm>> -> memref<1x128x128xf32, #tpu.memory_space<hbm>>
      %dma_start3A_1067 = tpu.memref_squeeze %dma_start3A_1066 : memref<1x128x128xf32, #tpu.memory_space<hbm>> -> memref<128x128xf32, #tpu.memory_space<hbm>>
      tpu.enqueue_dma source(%arg10 : memref<128x128xf32, #tpu.memory_space<vmem>>) target(%dma_start3A_1067 : memref<128x128xf32, #tpu.memory_space<hbm>>) target_semaphore(%run_scoped3A : memref<!tpu.dma_semaphore, #tpu.memory_space<semaphore_mem>>)
      %dma_wait3A_1068 = arith.constant 0 : i32
      %dma_wait3A_1069 = tpu.memref_slice %arg5[%arg0, %add3A_845, %dma_wait3A_1068] : memref<2x10240x128xf32, #tpu.memory_space<hbm>> -> memref<1x128x128xf32, #tpu.memory_space<hbm>>
      %dma_wait3A_1070 = tpu.memref_squeeze %dma_wait3A_1069 : memref<1x128x128xf32, #tpu.memory_space<hbm>> -> memref<128x128xf32, #tpu.memory_space<hbm>>
      %dma_wait3A_1071 = arith.constant 0 : i32
      %dma_wait3A_1072 = tpu.memref_slice %arg5[%arg0, %add3A_845, %dma_wait3A_1071] : memref<2x10240x128xf32, #tpu.memory_space<hbm>> -> memref<1x128x128xf32, #tpu.memory_space<hbm>>
      %dma_wait3A_1073 = tpu.memref_squeeze %dma_wait3A_1072 : memref<1x128x128xf32, #tpu.memory_space<hbm>> -> memref<128x128xf32, #tpu.memory_space<hbm>>
      tpu.wait_dma2 semaphore(%run_scoped3A : memref<!tpu.dma_semaphore, #tpu.memory_space<semaphore_mem>>) src(%arg10 : memref<128x128xf32, #tpu.memory_space<vmem>>) dst(%dma_wait3A_1073 : memref<128x128xf32, #tpu.memory_space<hbm>>)
      tpu.yield
    }) : () -> ()
    %scan3A_846 = arith.constant 0 : i32
    %scan3A_847 = arith.constant 0 : i32
    %scan3A_848 = arith.constant 128 : i32
    %scan3A_849 = arith.addi %scan3A_847, %scan3A_848 : i32
    %scan3A_850 = arith.constant 1 : i32
    scf.for %scan3A_1062 = %scan3A_847 to %scan3A_849 step %scan3A_850  : i32 {
      %swap3A = arith.index_cast %scan3A_1062 : i32 to index
      %swap3A_1063 = arith.constant 0 : index
      %swap3A_1064 = tpu.vector_load %arg10[%swap3A, %swap3A_1063] {strides = array<i32>} : memref<128x128xf32, #tpu.memory_space<vmem>>, vector<1x16xf32>,
      %swap3A_1065 = vector.shape_cast %swap3A_1064 : vector<1x16xf32> to vector<16xf32>
      %swap3A_1066 = vector.shape_cast %broadcast_in_dim3A_1 : vector<16xf32> to vector<1x16xf32>
      tpu.vector_store %arg10[%swap3A, %swap3A_1063], %swap3A_1066 {strides = array<i32>} : memref<128x128xf32, #tpu.memory_space<vmem>>, vector<1x16xf32>,
      %swap3A_1067 = arith.index_cast %scan3A_1062 : i32 to index
      %swap3A_1068 = arith.constant 16 : index
      %swap3A_1069 = tpu.vector_load %arg10[%swap3A_1067, %swap3A_1068] {strides = array<i32>} : memref<128x128xf32, #tpu.memory_space<vmem>>, vector<1x16xf32>,
      %swap3A_1070 = vector.shape_cast %swap3A_1069 : vector<1x16xf32> to vector<16xf32>
      %swap3A_1071 = vector.shape_cast %broadcast_in_dim3A_1 : vector<16xf32> to vector<1x16xf32>
      tpu.vector_store %arg10[%swap3A_1067, %swap3A_1068], %swap3A_1071 {strides = array<i32>} : memref<128x128xf32, #tpu.memory_space<vmem>>, vector<1x16xf32>,
      %swap3A_1072 = arith.index_cast %scan3A_1062 : i32 to index
      %swap3A_1073 = arith.constant 32 : index
      %swap3A_1074 = tpu.vector_load %arg10[%swap3A_1072, %swap3A_1073] {strides = array<i32>} : memref<128x128xf32, #tpu.memory_space<vmem>>, vector<1x16xf32>,
      %swap3A_1075 = vector.shape_cast %swap3A_1074 : vector<1x16xf32> to vector<16xf32>
      %swap3A_1076 = vector.shape_cast %broadcast_in_dim3A_1 : vector<16xf32> to vector<1x16xf32>
      tpu.vector_store %arg10[%swap3A_1072, %swap3A_1073], %swap3A_1076 {strides = array<i32>} : memref<128x128xf32, #tpu.memory_space<vmem>>, vector<1x16xf32>,
      %swap3A_1077 = arith.index_cast %scan3A_1062 : i32 to index
      %swap3A_1078 = arith.constant 48 : index
      %swap3A_1079 = tpu.vector_load %arg10[%swap3A_1077, %swap3A_1078] {strides = array<i32>} : memref<128x128xf32, #tpu.memory_space<vmem>>, vector<1x16xf32>,
      %swap3A_1080 = vector.shape_cast %swap3A_1079 : vector<1x16xf32> to vector<16xf32>
      %swap3A_1081 = vector.shape_cast %broadcast_in_dim3A_1 : vector<16xf32> to vector<1x16xf32>
      tpu.vector_store %arg10[%swap3A_1077, %swap3A_1078], %swap3A_1081 {strides = array<i32>} : memref<128x128xf32, #tpu.memory_space<vmem>>, vector<1x16xf32>,
      %swap3A_1082 = arith.index_cast %scan3A_1062 : i32 to index
      %swap3A_1083 = arith.constant 64 : index
      %swap3A_1084 = tpu.vector_load %arg10[%swap3A_1082, %swap3A_1083] {strides = array<i32>} : memref<128x128xf32, #tpu.memory_space<vmem>>, vector<1x16xf32>,
      %swap3A_1085 = vector.shape_cast %swap3A_1084 : vector<1x16xf32> to vector<16xf32>
      %swap3A_1086 = vector.shape_cast %broadcast_in_dim3A_1 : vector<16xf32> to vector<1x16xf32>
      tpu.vector_store %arg10[%swap3A_1082, %swap3A_1083], %swap3A_1086 {strides = array<i32>} : memref<128x128xf32, #tpu.memory_space<vmem>>, vector<1x16xf32>,
      %swap3A_1087 = arith.index_cast %scan3A_1062 : i32 to index
      %swap3A_1088 = arith.constant 80 : index
      %swap3A_1089 = tpu.vector_load %arg10[%swap3A_1087, %swap3A_1088] {strides = array<i32>} : memref<128x128xf32, #tpu.memory_space<vmem>>, vector<1x16xf32>,
      %swap3A_1090 = vector.shape_cast %swap3A_1089 : vector<1x16xf32> to vector<16xf32>
      %swap3A_1091 = vector.shape_cast %broadcast_in_dim3A_1 : vector<16xf32> to vector<1x16xf32>
      tpu.vector_store %arg10[%swap3A_1087, %swap3A_1088], %swap3A_1091 {strides = array<i32>} : memref<128x128xf32, #tpu.memory_space<vmem>>, vector<1x16xf32>,
      %swap3A_1092 = arith.index_cast %scan3A_1062 : i32 to index
      %swap3A_1093 = arith.constant 96 : index
      %swap3A_1094 = tpu.vector_load %arg10[%swap3A_1092, %swap3A_1093] {strides = array<i32>} : memref<128x128xf32, #tpu.memory_space<vmem>>, vector<1x16xf32>,
      %swap3A_1095 = vector.shape_cast %swap3A_1094 : vector<1x16xf32> to vector<16xf32>
      %swap3A_1096 = vector.shape_cast %broadcast_in_dim3A_1 : vector<16xf32> to vector<1x16xf32>
      tpu.vector_store %arg10[%swap3A_1092, %swap3A_1093], %swap3A_1096 {strides = array<i32>} : memref<128x128xf32, #tpu.memory_space<vmem>>, vector<1x16xf32>,
      %swap3A_1097 = arith.index_cast %scan3A_1062 : i32 to index
      %swap3A_1098 = arith.constant 112 : index
      %swap3A_1099 = tpu.vector_load %arg10[%swap3A_1097, %swap3A_1098] {strides = array<i32>} : memref<128x128xf32, #tpu.memory_space<vmem>>, vector<1x16xf32>,
      %swap3A_1100 = vector.shape_cast %swap3A_1099 : vector<1x16xf32> to vector<16xf32>
      %swap3A_1101 = vector.shape_cast %broadcast_in_dim3A_1 : vector<16xf32> to vector<1x16xf32>
      tpu.vector_store %arg10[%swap3A_1097, %swap3A_1098], %swap3A_1101 {strides = array<i32>} : memref<128x128xf32, #tpu.memory_space<vmem>>, vector<1x16xf32>,
    }
    %scan3A_851 = arith.constant 128 : i32
    %mul3A_852 = arith.constant 640 : i32
    %mul3A_853 = arith.muli %arg1, %mul3A_852 : i32
    %add3A_854 = arith.constant 0 : i32
    %add3A_855 = arith.addi %mul3A_853, %add3A_854 : i32
    "tpu.region"() ({
      %run_scoped3A = tpu.sem_alloc : memref<!tpu.dma_semaphore, #tpu.memory_space<semaphore_mem>>
      %dma_start3A_1062 = arith.constant 0 : i32
      %dma_start3A_1063 = tpu.memref_slice %arg7[%add3A_855, %dma_start3A_1062] : memref<10240x128xf32, #tpu.memory_space<vmem_shared>> -> memref<128x128xf32, #tpu.memory_space<vmem_shared>>
      %dma_start3A_1064 = arith.constant 0 : i32
      %dma_start3A_1065 = tpu.memref_slice %arg7[%add3A_855, %dma_start3A_1064] : memref<10240x128xf32, #tpu.memory_space<vmem_shared>> -> memref<128x128xf32, #tpu.memory_space<vmem_shared>>
      tpu.enqueue_dma source(%arg10 : memref<128x128xf32, #tpu.memory_space<vmem>>) target(%dma_start3A_1065 : memref<128x128xf32, #tpu.memory_space<vmem_shared>>) target_semaphore(%run_scoped3A : memref<!tpu.dma_semaphore, #tpu.memory_space<semaphore_mem>>)
      %dma_wait3A_1066 = arith.constant 0 : i32
      %dma_wait3A_1067 = tpu.memref_slice %arg7[%add3A_855, %dma_wait3A_1066] : memref<10240x128xf32, #tpu.memory_space<vmem_shared>> -> memref<128x128xf32, #tpu.memory_space<vmem_shared>>
      %dma_wait3A_1068 = arith.constant 0 : i32
      %dma_wait3A_1069 = tpu.memref_slice %arg7[%add3A_855, %dma_wait3A_1068] : memref<10240x128xf32, #tpu.memory_space<vmem_shared>> -> memref<128x128xf32, #tpu.memory_space<vmem_shared>>
      tpu.wait_dma2 semaphore(%run_scoped3A : memref<!tpu.dma_semaphore, #tpu.memory_space<semaphore_mem>>) src(%arg10 : memref<128x128xf32, #tpu.memory_space<vmem>>) dst(%dma_wait3A_1069 : memref<128x128xf32, #tpu.memory_space<vmem_shared>>)
      tpu.yield
    }) : () -> ()
    %mul3A_856 = arith.constant 640 : i32
    %mul3A_857 = arith.muli %arg1, %mul3A_856 : i32
    %add3A_858 = arith.constant 128 : i32
    %add3A_859 = arith.addi %mul3A_857, %add3A_858 : i32
    "tpu.region"() ({
      %run_scoped3A = tpu.sem_alloc : memref<!tpu.dma_semaphore, #tpu.memory_space<semaphore_mem>>
      %dma_start3A_1062 = arith.constant 0 : i32
      %dma_start3A_1063 = tpu.memref_slice %arg7[%add3A_859, %dma_start3A_1062] : memref<10240x128xf32, #tpu.memory_space<vmem_shared>> -> memref<128x128xf32, #tpu.memory_space<vmem_shared>>
      %dma_start3A_1064 = arith.constant 0 : i32
      %dma_start3A_1065 = tpu.memref_slice %arg7[%add3A_859, %dma_start3A_1064] : memref<10240x128xf32, #tpu.memory_space<vmem_shared>> -> memref<128x128xf32, #tpu.memory_space<vmem_shared>>
      tpu.enqueue_dma source(%arg10 : memref<128x128xf32, #tpu.memory_space<vmem>>) target(%dma_start3A_1065 : memref<128x128xf32, #tpu.memory_space<vmem_shared>>) target_semaphore(%run_scoped3A : memref<!tpu.dma_semaphore, #tpu.memory_space<semaphore_mem>>)
      %dma_wait3A_1066 = arith.constant 0 : i32
      %dma_wait3A_1067 = tpu.memref_slice %arg7[%add3A_859, %dma_wait3A_1066] : memref<10240x128xf32, #tpu.memory_space<vmem_shared>> -> memref<128x128xf32, #tpu.memory_space<vmem_shared>>
      %dma_wait3A_1068 = arith.constant 0 : i32
      %dma_wait3A_1069 = tpu.memref_slice %arg7[%add3A_859, %dma_wait3A_1068] : memref<10240x128xf32, #tpu.memory_space<vmem_shared>> -> memref<128x128xf32, #tpu.memory_space<vmem_shared>>
      tpu.wait_dma2 semaphore(%run_scoped3A : memref<!tpu.dma_semaphore, #tpu.memory_space<semaphore_mem>>) src(%arg10 : memref<128x128xf32, #tpu.memory_space<vmem>>) dst(%dma_wait3A_1069 : memref<128x128xf32, #tpu.memory_space<vmem_shared>>)
      tpu.yield
    }) : () -> ()
    %mul3A_860 = arith.constant 640 : i32
    %mul3A_861 = arith.muli %arg1, %mul3A_860 : i32
    %add3A_862 = arith.constant 256 : i32
    %add3A_863 = arith.addi %mul3A_861, %add3A_862 : i32
    "tpu.region"() ({
      %run_scoped3A = tpu.sem_alloc : memref<!tpu.dma_semaphore, #tpu.memory_space<semaphore_mem>>
      %dma_start3A_1062 = arith.constant 0 : i32
      %dma_start3A_1063 = tpu.memref_slice %arg7[%add3A_863, %dma_start3A_1062] : memref<10240x128xf32, #tpu.memory_space<vmem_shared>> -> memref<128x128xf32, #tpu.memory_space<vmem_shared>>
      %dma_start3A_1064 = arith.constant 0 : i32
      %dma_start3A_1065 = tpu.memref_slice %arg7[%add3A_863, %dma_start3A_1064] : memref<10240x128xf32, #tpu.memory_space<vmem_shared>> -> memref<128x128xf32, #tpu.memory_space<vmem_shared>>
      tpu.enqueue_dma source(%arg10 : memref<128x128xf32, #tpu.memory_space<vmem>>) target(%dma_start3A_1065 : memref<128x128xf32, #tpu.memory_space<vmem_shared>>) target_semaphore(%run_scoped3A : memref<!tpu.dma_semaphore, #tpu.memory_space<semaphore_mem>>)
      %dma_wait3A_1066 = arith.constant 0 : i32
      %dma_wait3A_1067 = tpu.memref_slice %arg7[%add3A_863, %dma_wait3A_1066] : memref<10240x128xf32, #tpu.memory_space<vmem_shared>> -> memref<128x128xf32, #tpu.memory_space<vmem_shared>>
      %dma_wait3A_1068 = arith.constant 0 : i32
      %dma_wait3A_1069 = tpu.memref_slice %arg7[%add3A_863, %dma_wait3A_1068] : memref<10240x128xf32, #tpu.memory_space<vmem_shared>> -> memref<128x128xf32, #tpu.memory_space<vmem_shared>>
      tpu.wait_dma2 semaphore(%run_scoped3A : memref<!tpu.dma_semaphore, #tpu.memory_space<semaphore_mem>>) src(%arg10 : memref<128x128xf32, #tpu.memory_space<vmem>>) dst(%dma_wait3A_1069 : memref<128x128xf32, #tpu.memory_space<vmem_shared>>)
      tpu.yield
    }) : () -> ()
    %mul3A_864 = arith.constant 640 : i32
    %mul3A_865 = arith.muli %arg1, %mul3A_864 : i32
    %add3A_866 = arith.constant 384 : i32
    %add3A_867 = arith.addi %mul3A_865, %add3A_866 : i32
    "tpu.region"() ({
      %run_scoped3A = tpu.sem_alloc : memref<!tpu.dma_semaphore, #tpu.memory_space<semaphore_mem>>
      %dma_start3A_1062 = arith.constant 0 : i32
      %dma_start3A_1063 = tpu.memref_slice %arg7[%add3A_867, %dma_start3A_1062] : memref<10240x128xf32, #tpu.memory_space<vmem_shared>> -> memref<128x128xf32, #tpu.memory_space<vmem_shared>>
      %dma_start3A_1064 = arith.constant 0 : i32
      %dma_start3A_1065 = tpu.memref_slice %arg7[%add3A_867, %dma_start3A_1064] : memref<10240x128xf32, #tpu.memory_space<vmem_shared>> -> memref<128x128xf32, #tpu.memory_space<vmem_shared>>
      tpu.enqueue_dma source(%arg10 : memref<128x128xf32, #tpu.memory_space<vmem>>) target(%dma_start3A_1065 : memref<128x128xf32, #tpu.memory_space<vmem_shared>>) target_semaphore(%run_scoped3A : memref<!tpu.dma_semaphore, #tpu.memory_space<semaphore_mem>>)
      %dma_wait3A_1066 = arith.constant 0 : i32
      %dma_wait3A_1067 = tpu.memref_slice %arg7[%add3A_867, %dma_wait3A_1066] : memref<10240x128xf32, #tpu.memory_space<vmem_shared>> -> memref<128x128xf32, #tpu.memory_space<vmem_shared>>
      %dma_wait3A_1068 = arith.constant 0 : i32
      %dma_wait3A_1069 = tpu.memref_slice %arg7[%add3A_867, %dma_wait3A_1068] : memref<10240x128xf32, #tpu.memory_space<vmem_shared>> -> memref<128x128xf32, #tpu.memory_space<vmem_shared>>
      tpu.wait_dma2 semaphore(%run_scoped3A : memref<!tpu.dma_semaphore, #tpu.memory_space<semaphore_mem>>) src(%arg10 : memref<128x128xf32, #tpu.memory_space<vmem>>) dst(%dma_wait3A_1069 : memref<128x128xf32, #tpu.memory_space<vmem_shared>>)
      tpu.yield
    }) : () -> ()
    %mul3A_868 = arith.constant 640 : i32
    %mul3A_869 = arith.muli %arg1, %mul3A_868 : i32
    %add3A_870 = arith.constant 512 : i32
    %add3A_871 = arith.addi %mul3A_869, %add3A_870 : i32
    "tpu.region"() ({
      %run_scoped3A = tpu.sem_alloc : memref<!tpu.dma_semaphore, #tpu.memory_space<semaphore_mem>>
      %dma_start3A_1062 = arith.constant 0 : i32
      %dma_start3A_1063 = tpu.memref_slice %arg7[%add3A_871, %dma_start3A_1062] : memref<10240x128xf32, #tpu.memory_space<vmem_shared>> -> memref<128x128xf32, #tpu.memory_space<vmem_shared>>
      %dma_start3A_1064 = arith.constant 0 : i32
      %dma_start3A_1065 = tpu.memref_slice %arg7[%add3A_871, %dma_start3A_1064] : memref<10240x128xf32, #tpu.memory_space<vmem_shared>> -> memref<128x128xf32, #tpu.memory_space<vmem_shared>>
      tpu.enqueue_dma source(%arg10 : memref<128x128xf32, #tpu.memory_space<vmem>>) target(%dma_start3A_1065 : memref<128x128xf32, #tpu.memory_space<vmem_shared>>) target_semaphore(%run_scoped3A : memref<!tpu.dma_semaphore, #tpu.memory_space<semaphore_mem>>)
      %dma_wait3A_1066 = arith.constant 0 : i32
      %dma_wait3A_1067 = tpu.memref_slice %arg7[%add3A_871, %dma_wait3A_1066] : memref<10240x128xf32, #tpu.memory_space<vmem_shared>> -> memref<128x128xf32, #tpu.memory_space<vmem_shared>>
      %dma_wait3A_1068 = arith.constant 0 : i32
      %dma_wait3A_1069 = tpu.memref_slice %arg7[%add3A_871, %dma_wait3A_1068] : memref<10240x128xf32, #tpu.memory_space<vmem_shared>> -> memref<128x128xf32, #tpu.memory_space<vmem_shared>>
      tpu.wait_dma2 semaphore(%run_scoped3A : memref<!tpu.dma_semaphore, #tpu.memory_space<semaphore_mem>>) src(%arg10 : memref<128x128xf32, #tpu.memory_space<vmem>>) dst(%dma_wait3A_1069 : memref<128x128xf32, #tpu.memory_space<vmem_shared>>)
      tpu.yield
    }) : () -> ()
    %scan3A_872 = arith.constant 0 : i32
    %scan3A_873 = arith.constant 0 : i32
    %scan3A_874 = arith.constant 128 : i32
    %scan3A_875 = arith.addi %scan3A_873, %scan3A_874 : i32
    %scan3A_876 = arith.constant 1 : i32
    scf.for %scan3A_1062 = %scan3A_873 to %scan3A_875 step %scan3A_876  : i32 {
      %swap3A = arith.index_cast %scan3A_1062 : i32 to index
      %swap3A_1063 = arith.constant 0 : index
      %swap3A_1064 = tpu.vector_load %arg10[%swap3A, %swap3A_1063] {strides = array<i32>} : memref<128x128xf32, #tpu.memory_space<vmem>>, vector<1x16xf32>,
      %swap3A_1065 = vector.shape_cast %swap3A_1064 : vector<1x16xf32> to vector<16xf32>
      %swap3A_1066 = vector.shape_cast %broadcast_in_dim3A_3 : vector<16xf32> to vector<1x16xf32>
      tpu.vector_store %arg10[%swap3A, %swap3A_1063], %swap3A_1066 {strides = array<i32>} : memref<128x128xf32, #tpu.memory_space<vmem>>, vector<1x16xf32>,
      %swap3A_1067 = arith.index_cast %scan3A_1062 : i32 to index
      %swap3A_1068 = arith.constant 16 : index
      %swap3A_1069 = tpu.vector_load %arg10[%swap3A_1067, %swap3A_1068] {strides = array<i32>} : memref<128x128xf32, #tpu.memory_space<vmem>>, vector<1x16xf32>,
      %swap3A_1070 = vector.shape_cast %swap3A_1069 : vector<1x16xf32> to vector<16xf32>
      %swap3A_1071 = vector.shape_cast %broadcast_in_dim3A_3 : vector<16xf32> to vector<1x16xf32>
      tpu.vector_store %arg10[%swap3A_1067, %swap3A_1068], %swap3A_1071 {strides = array<i32>} : memref<128x128xf32, #tpu.memory_space<vmem>>, vector<1x16xf32>,
      %swap3A_1072 = arith.index_cast %scan3A_1062 : i32 to index
      %swap3A_1073 = arith.constant 32 : index
      %swap3A_1074 = tpu.vector_load %arg10[%swap3A_1072, %swap3A_1073] {strides = array<i32>} : memref<128x128xf32, #tpu.memory_space<vmem>>, vector<1x16xf32>,
      %swap3A_1075 = vector.shape_cast %swap3A_1074 : vector<1x16xf32> to vector<16xf32>
      %swap3A_1076 = vector.shape_cast %broadcast_in_dim3A_3 : vector<16xf32> to vector<1x16xf32>
      tpu.vector_store %arg10[%swap3A_1072, %swap3A_1073], %swap3A_1076 {strides = array<i32>} : memref<128x128xf32, #tpu.memory_space<vmem>>, vector<1x16xf32>,
      %swap3A_1077 = arith.index_cast %scan3A_1062 : i32 to index
      %swap3A_1078 = arith.constant 48 : index
      %swap3A_1079 = tpu.vector_load %arg10[%swap3A_1077, %swap3A_1078] {strides = array<i32>} : memref<128x128xf32, #tpu.memory_space<vmem>>, vector<1x16xf32>,
      %swap3A_1080 = vector.shape_cast %swap3A_1079 : vector<1x16xf32> to vector<16xf32>
      %swap3A_1081 = vector.shape_cast %broadcast_in_dim3A_3 : vector<16xf32> to vector<1x16xf32>
      tpu.vector_store %arg10[%swap3A_1077, %swap3A_1078], %swap3A_1081 {strides = array<i32>} : memref<128x128xf32, #tpu.memory_space<vmem>>, vector<1x16xf32>,
      %swap3A_1082 = arith.index_cast %scan3A_1062 : i32 to index
      %swap3A_1083 = arith.constant 64 : index
      %swap3A_1084 = tpu.vector_load %arg10[%swap3A_1082, %swap3A_1083] {strides = array<i32>} : memref<128x128xf32, #tpu.memory_space<vmem>>, vector<1x16xf32>,
      %swap3A_1085 = vector.shape_cast %swap3A_1084 : vector<1x16xf32> to vector<16xf32>
      %swap3A_1086 = vector.shape_cast %broadcast_in_dim3A_3 : vector<16xf32> to vector<1x16xf32>
      tpu.vector_store %arg10[%swap3A_1082, %swap3A_1083], %swap3A_1086 {strides = array<i32>} : memref<128x128xf32, #tpu.memory_space<vmem>>, vector<1x16xf32>,
      %swap3A_1087 = arith.index_cast %scan3A_1062 : i32 to index
      %swap3A_1088 = arith.constant 80 : index
      %swap3A_1089 = tpu.vector_load %arg10[%swap3A_1087, %swap3A_1088] {strides = array<i32>} : memref<128x128xf32, #tpu.memory_space<vmem>>, vector<1x16xf32>,
      %swap3A_1090 = vector.shape_cast %swap3A_1089 : vector<1x16xf32> to vector<16xf32>
      %swap3A_1091 = vector.shape_cast %broadcast_in_dim3A_3 : vector<16xf32> to vector<1x16xf32>
      tpu.vector_store %arg10[%swap3A_1087, %swap3A_1088], %swap3A_1091 {strides = array<i32>} : memref<128x128xf32, #tpu.memory_space<vmem>>, vector<1x16xf32>,
      %swap3A_1092 = arith.index_cast %scan3A_1062 : i32 to index
      %swap3A_1093 = arith.constant 96 : index
      %swap3A_1094 = tpu.vector_load %arg10[%swap3A_1092, %swap3A_1093] {strides = array<i32>} : memref<128x128xf32, #tpu.memory_space<vmem>>, vector<1x16xf32>,
      %swap3A_1095 = vector.shape_cast %swap3A_1094 : vector<1x16xf32> to vector<16xf32>
      %swap3A_1096 = vector.shape_cast %broadcast_in_dim3A_3 : vector<16xf32> to vector<1x16xf32>
      tpu.vector_store %arg10[%swap3A_1092, %swap3A_1093], %swap3A_1096 {strides = array<i32>} : memref<128x128xf32, #tpu.memory_space<vmem>>, vector<1x16xf32>,
      %swap3A_1097 = arith.index_cast %scan3A_1062 : i32 to index
      %swap3A_1098 = arith.constant 112 : index
      %swap3A_1099 = tpu.vector_load %arg10[%swap3A_1097, %swap3A_1098] {strides = array<i32>} : memref<128x128xf32, #tpu.memory_space<vmem>>, vector<1x16xf32>,
      %swap3A_1100 = vector.shape_cast %swap3A_1099 : vector<1x16xf32> to vector<16xf32>
      %swap3A_1101 = vector.shape_cast %broadcast_in_dim3A_3 : vector<16xf32> to vector<1x16xf32>
      tpu.vector_store %arg10[%swap3A_1097, %swap3A_1098], %swap3A_1101 {strides = array<i32>} : memref<128x128xf32, #tpu.memory_space<vmem>>, vector<1x16xf32>,
    }
    %scan3A_877 = arith.constant 128 : i32
    %barrier3A_878 = arith.constant 0 : index
    tpu.barrier barrier_id(%barrier3A_878)
    %mul3A_879 = arith.constant 80 : i32
    %mul3A_880 = arith.muli %add3A, %mul3A_879 : i32
    %add3A_881 = arith.constant 0 : i32
    %add3A_882 = arith.addi %mul3A_880, %add3A_881 : i32
    "tpu.region"() ({
      %run_scoped3A = tpu.sem_alloc : memref<!tpu.dma_semaphore, #tpu.memory_space<semaphore_mem>>
      %dma_start3A_1062 = arith.constant 0 : i32
      %dma_start3A_1063 = arith.constant 0 : i32
      %dma_start3A_1064 = tpu.memref_slice %arg9[%dma_start3A_1062, %dma_start3A_1063] : memref<16x128xi32, #tpu.memory_space<vmem>> -> memref<8x128xi32, #tpu.memory_space<vmem>>
      %dma_start3A_1065 = arith.constant 0 : i32
      %dma_start3A_1066 = tpu.memref_slice %arg4[%add3A_882, %dma_start3A_1065] : memref<2560x128xi32, #tpu.memory_space<hbm>> -> memref<8x128xi32, #tpu.memory_space<hbm>>
      %dma_start3A_1067 = arith.constant 0 : i32
      %dma_start3A_1068 = arith.constant 0 : i32
      %dma_start3A_1069 = tpu.memref_slice %arg9[%dma_start3A_1067, %dma_start3A_1068] : memref<16x128xi32, #tpu.memory_space<vmem>> -> memref<8x128xi32, #tpu.memory_space<vmem>>
      %dma_start3A_1070 = arith.constant 0 : i32
      %dma_start3A_1071 = tpu.memref_slice %arg4[%add3A_882, %dma_start3A_1070] : memref<2560x128xi32, #tpu.memory_space<hbm>> -> memref<8x128xi32, #tpu.memory_space<hbm>>
      tpu.enqueue_dma source(%dma_start3A_1071 : memref<8x128xi32, #tpu.memory_space<hbm>>) target(%dma_start3A_1069 : memref<8x128xi32, #tpu.memory_space<vmem>>) target_semaphore(%run_scoped3A : memref<!tpu.dma_semaphore, #tpu.memory_space<semaphore_mem>>)
      %dma_wait3A_1072 = arith.constant 0 : i32
      %dma_wait3A_1073 = arith.constant 0 : i32
      %dma_wait3A_1074 = tpu.memref_slice %arg9[%dma_wait3A_1072, %dma_wait3A_1073] : memref<16x128xi32, #tpu.memory_space<vmem>> -> memref<8x128xi32, #tpu.memory_space<vmem>>
      %dma_wait3A_1075 = arith.constant 0 : i32
      %dma_wait3A_1076 = tpu.memref_slice %arg4[%add3A_882, %dma_wait3A_1075] : memref<2560x128xi32, #tpu.memory_space<hbm>> -> memref<8x128xi32, #tpu.memory_space<hbm>>
      %dma_wait3A_1077 = arith.constant 0 : i32
      %dma_wait3A_1078 = arith.constant 0 : i32
      %dma_wait3A_1079 = tpu.memref_slice %arg9[%dma_wait3A_1077, %dma_wait3A_1078] : memref<16x128xi32, #tpu.memory_space<vmem>> -> memref<8x128xi32, #tpu.memory_space<vmem>>
      %dma_wait3A_1080 = arith.constant 0 : i32
      %dma_wait3A_1081 = tpu.memref_slice %arg4[%add3A_882, %dma_wait3A_1080] : memref<2560x128xi32, #tpu.memory_space<hbm>> -> memref<8x128xi32, #tpu.memory_space<hbm>>
      tpu.wait_dma2 semaphore(%run_scoped3A : memref<!tpu.dma_semaphore, #tpu.memory_space<semaphore_mem>>) src(%dma_wait3A_1081 : memref<8x128xi32, #tpu.memory_space<hbm>>) dst(%dma_wait3A_1079 : memref<8x128xi32, #tpu.memory_space<vmem>>)
      tpu.yield
    }) : () -> ()
    %dma_start3A_883 = arith.constant 0 : i32
    %dma_start3A_884 = arith.constant 0 : i32
    %dma_start3A_885 = tpu.memref_slice %arg9[%dma_start3A_883, %dma_start3A_884] : memref<16x128xi32, #tpu.memory_space<vmem>> -> memref<1x128xi32, #tpu.memory_space<vmem>>
    %dma_start3A_886 = tpu.memref_squeeze %dma_start3A_885 : memref<1x128xi32, #tpu.memory_space<vmem>> -> memref<128xi32, #tpu.memory_space<vmem>>
    %dma_start3A_887 = arith.constant 0 : i32
    %dma_start3A_888 = arith.constant 0 : i32
    %dma_start3A_889 = tpu.memref_slice %arg7[%dma_start3A_887, %dma_start3A_888] : memref<10240x128xf32, #tpu.memory_space<vmem_shared>> -> memref<10240x128xf32, #tpu.memory_space<vmem_shared>>
    tpu.enqueue_indirect_dma source(%arg10 : memref<128x128xf32, #tpu.memory_space<vmem>>) target(%dma_start3A_889 : memref<10240x128xf32, #tpu.memory_space<vmem_shared>>) offsets(%dma_start3A_886 : memref<128xi32, #tpu.memory_space<vmem>>) semaphore(%arg12 : memref<!tpu.dma_semaphore, #tpu.memory_space<semaphore_mem>>) {add = true}
    %dma_start3A_890 = arith.constant 1 : i32
    %dma_start3A_891 = arith.constant 0 : i32
    %dma_start3A_892 = tpu.memref_slice %arg9[%dma_start3A_890, %dma_start3A_891] : memref<16x128xi32, #tpu.memory_space<vmem>> -> memref<1x128xi32, #tpu.memory_space<vmem>>
    %dma_start3A_893 = tpu.memref_squeeze %dma_start3A_892 : memref<1x128xi32, #tpu.memory_space<vmem>> -> memref<128xi32, #tpu.memory_space<vmem>>
    %dma_start3A_894 = arith.constant 0 : i32
    %dma_start3A_895 = arith.constant 0 : i32
    %dma_start3A_896 = tpu.memref_slice %arg7[%dma_start3A_894, %dma_start3A_895] : memref<10240x128xf32, #tpu.memory_space<vmem_shared>> -> memref<10240x128xf32, #tpu.memory_space<vmem_shared>>
    tpu.enqueue_indirect_dma source(%arg10 : memref<128x128xf32, #tpu.memory_space<vmem>>) target(%dma_start3A_896 : memref<10240x128xf32, #tpu.memory_space<vmem_shared>>) offsets(%dma_start3A_893 : memref<128xi32, #tpu.memory_space<vmem>>) semaphore(%arg12 : memref<!tpu.dma_semaphore, #tpu.memory_space<semaphore_mem>>) {add = true}
    %dma_start3A_897 = arith.constant 2 : i32
    %dma_start3A_898 = arith.constant 0 : i32
    %dma_start3A_899 = tpu.memref_slice %arg9[%dma_start3A_897, %dma_start3A_898] : memref<16x128xi32, #tpu.memory_space<vmem>> -> memref<1x128xi32, #tpu.memory_space<vmem>>
    %dma_start3A_900 = tpu.memref_squeeze %dma_start3A_899 : memref<1x128xi32, #tpu.memory_space<vmem>> -> memref<128xi32, #tpu.memory_space<vmem>>
    %dma_start3A_901 = arith.constant 0 : i32
    %dma_start3A_902 = arith.constant 0 : i32
    %dma_start3A_903 = tpu.memref_slice %arg7[%dma_start3A_901, %dma_start3A_902] : memref<10240x128xf32, #tpu.memory_space<vmem_shared>> -> memref<10240x128xf32, #tpu.memory_space<vmem_shared>>
    tpu.enqueue_indirect_dma source(%arg10 : memref<128x128xf32, #tpu.memory_space<vmem>>) target(%dma_start3A_903 : memref<10240x128xf32, #tpu.memory_space<vmem_shared>>) offsets(%dma_start3A_900 : memref<128xi32, #tpu.memory_space<vmem>>) semaphore(%arg12 : memref<!tpu.dma_semaphore, #tpu.memory_space<semaphore_mem>>) {add = true}
    %dma_start3A_904 = arith.constant 3 : i32
    %dma_start3A_905 = arith.constant 0 : i32
    %dma_start3A_906 = tpu.memref_slice %arg9[%dma_start3A_904, %dma_start3A_905] : memref<16x128xi32, #tpu.memory_space<vmem>> -> memref<1x128xi32, #tpu.memory_space<vmem>>
    %dma_start3A_907 = tpu.memref_squeeze %dma_start3A_906 : memref<1x128xi32, #tpu.memory_space<vmem>> -> memref<128xi32, #tpu.memory_space<vmem>>
    %dma_start3A_908 = arith.constant 0 : i32
    %dma_start3A_909 = arith.constant 0 : i32
    %dma_start3A_910 = tpu.memref_slice %arg7[%dma_start3A_908, %dma_start3A_909] : memref<10240x128xf32, #tpu.memory_space<vmem_shared>> -> memref<10240x128xf32, #tpu.memory_space<vmem_shared>>
    tpu.enqueue_indirect_dma source(%arg10 : memref<128x128xf32, #tpu.memory_space<vmem>>) target(%dma_start3A_910 : memref<10240x128xf32, #tpu.memory_space<vmem_shared>>) offsets(%dma_start3A_907 : memref<128xi32, #tpu.memory_space<vmem>>) semaphore(%arg12 : memref<!tpu.dma_semaphore, #tpu.memory_space<semaphore_mem>>) {add = true}
    %dma_start3A_911 = arith.constant 4 : i32
    %dma_start3A_912 = arith.constant 0 : i32
    %dma_start3A_913 = tpu.memref_slice %arg9[%dma_start3A_911, %dma_start3A_912] : memref<16x128xi32, #tpu.memory_space<vmem>> -> memref<1x128xi32, #tpu.memory_space<vmem>>
    %dma_start3A_914 = tpu.memref_squeeze %dma_start3A_913 : memref<1x128xi32, #tpu.memory_space<vmem>> -> memref<128xi32, #tpu.memory_space<vmem>>
    %dma_start3A_915 = arith.constant 0 : i32
    %dma_start3A_916 = arith.constant 0 : i32
    %dma_start3A_917 = tpu.memref_slice %arg7[%dma_start3A_915, %dma_start3A_916] : memref<10240x128xf32, #tpu.memory_space<vmem_shared>> -> memref<10240x128xf32, #tpu.memory_space<vmem_shared>>
    tpu.enqueue_indirect_dma source(%arg10 : memref<128x128xf32, #tpu.memory_space<vmem>>) target(%dma_start3A_917 : memref<10240x128xf32, #tpu.memory_space<vmem_shared>>) offsets(%dma_start3A_914 : memref<128xi32, #tpu.memory_space<vmem>>) semaphore(%arg12 : memref<!tpu.dma_semaphore, #tpu.memory_space<semaphore_mem>>) {add = true}
    %dma_start3A_918 = arith.constant 5 : i32
    %dma_start3A_919 = arith.constant 0 : i32
    %dma_start3A_920 = tpu.memref_slice %arg9[%dma_start3A_918, %dma_start3A_919] : memref<16x128xi32, #tpu.memory_space<vmem>> -> memref<1x128xi32, #tpu.memory_space<vmem>>
    %dma_start3A_921 = tpu.memref_squeeze %dma_start3A_920 : memref<1x128xi32, #tpu.memory_space<vmem>> -> memref<128xi32, #tpu.memory_space<vmem>>
    %dma_start3A_922 = arith.constant 0 : i32
    %dma_start3A_923 = arith.constant 0 : i32
    %dma_start3A_924 = tpu.memref_slice %arg7[%dma_start3A_922, %dma_start3A_923] : memref<10240x128xf32, #tpu.memory_space<vmem_shared>> -> memref<10240x128xf32, #tpu.memory_space<vmem_shared>>
    tpu.enqueue_indirect_dma source(%arg10 : memref<128x128xf32, #tpu.memory_space<vmem>>) target(%dma_start3A_924 : memref<10240x128xf32, #tpu.memory_space<vmem_shared>>) offsets(%dma_start3A_921 : memref<128xi32, #tpu.memory_space<vmem>>) semaphore(%arg12 : memref<!tpu.dma_semaphore, #tpu.memory_space<semaphore_mem>>) {add = true}
    %dma_start3A_925 = arith.constant 6 : i32
    %dma_start3A_926 = arith.constant 0 : i32
    %dma_start3A_927 = tpu.memref_slice %arg9[%dma_start3A_925, %dma_start3A_926] : memref<16x128xi32, #tpu.memory_space<vmem>> -> memref<1x128xi32, #tpu.memory_space<vmem>>
    %dma_start3A_928 = tpu.memref_squeeze %dma_start3A_927 : memref<1x128xi32, #tpu.memory_space<vmem>> -> memref<128xi32, #tpu.memory_space<vmem>>
    %dma_start3A_929 = arith.constant 0 : i32
    %dma_start3A_930 = arith.constant 0 : i32
    %dma_start3A_931 = tpu.memref_slice %arg7[%dma_start3A_929, %dma_start3A_930] : memref<10240x128xf32, #tpu.memory_space<vmem_shared>> -> memref<10240x128xf32, #tpu.memory_space<vmem_shared>>
    tpu.enqueue_indirect_dma source(%arg10 : memref<128x128xf32, #tpu.memory_space<vmem>>) target(%dma_start3A_931 : memref<10240x128xf32, #tpu.memory_space<vmem_shared>>) offsets(%dma_start3A_928 : memref<128xi32, #tpu.memory_space<vmem>>) semaphore(%arg12 : memref<!tpu.dma_semaphore, #tpu.memory_space<semaphore_mem>>) {add = true}
    %dma_start3A_932 = arith.constant 7 : i32
    %dma_start3A_933 = arith.constant 0 : i32
    %dma_start3A_934 = tpu.memref_slice %arg9[%dma_start3A_932, %dma_start3A_933] : memref<16x128xi32, #tpu.memory_space<vmem>> -> memref<1x128xi32, #tpu.memory_space<vmem>>
    %dma_start3A_935 = tpu.memref_squeeze %dma_start3A_934 : memref<1x128xi32, #tpu.memory_space<vmem>> -> memref<128xi32, #tpu.memory_space<vmem>>
    %dma_start3A_936 = arith.constant 0 : i32
    %dma_start3A_937 = arith.constant 0 : i32
    %dma_start3A_938 = tpu.memref_slice %arg7[%dma_start3A_936, %dma_start3A_937] : memref<10240x128xf32, #tpu.memory_space<vmem_shared>> -> memref<10240x128xf32, #tpu.memory_space<vmem_shared>>
    tpu.enqueue_indirect_dma source(%arg10 : memref<128x128xf32, #tpu.memory_space<vmem>>) target(%dma_start3A_938 : memref<10240x128xf32, #tpu.memory_space<vmem_shared>>) offsets(%dma_start3A_935 : memref<128xi32, #tpu.memory_space<vmem>>) semaphore(%arg12 : memref<!tpu.dma_semaphore, #tpu.memory_space<semaphore_mem>>) {add = true}
    %scan3A_939 = arith.constant 0 : i32
    %scan3A_940 = arith.constant 1 : i32
    %scan3A_941 = arith.constant 9 : i32
    %scan3A_942 = arith.addi %scan3A_940, %scan3A_941 : i32
    %scan3A_943 = arith.constant 1 : i32
    scf.for %scan3A_1062 = %scan3A_940 to %scan3A_942 step %scan3A_943  : i32 {
      %rem3A = arith.constant 2 : i32
      %rem3A_1063 = arith.remsi %scan3A_1062, %rem3A : i32
      %ge3A = arith.constant 2 : i32
      %ge3A_1064 = arith.cmpi sge, %scan3A_1062, %ge3A : i32
      %convert_element_type3A = arith.extui %ge3A_1064 : i1 to i32
      %cond3A = arith.constant 0 : i32
      %cond3A_1065 = arith.cmpi ne, %convert_element_type3A, %cond3A : i32
      scf.if %cond3A_1065 {
        %dma_wait3A_1153 = arith.constant 0 : i32
        %dma_wait3A_1154 = arith.constant 0 : i32
        %dma_wait3A_1155 = tpu.memref_slice %arg7[%dma_wait3A_1153, %dma_wait3A_1154] : memref<10240x128xf32, #tpu.memory_space<vmem_shared>> -> memref<128x128xf32, #tpu.memory_space<vmem_shared>>
        %dma_wait3A_1156 = arith.constant 0 : i32
        %dma_wait3A_1157 = arith.constant 0 : i32
        %dma_wait3A_1158 = tpu.memref_slice %arg7[%dma_wait3A_1156, %dma_wait3A_1157] : memref<10240x128xf32, #tpu.memory_space<vmem_shared>> -> memref<128x128xf32, #tpu.memory_space<vmem_shared>>
        tpu.wait_dma2 semaphore(%arg12 : memref<!tpu.dma_semaphore, #tpu.memory_space<semaphore_mem>>) src(%arg10 : memref<128x128xf32, #tpu.memory_space<vmem>>) dst(%dma_wait3A_1158 : memref<128x128xf32, #tpu.memory_space<vmem_shared>>)
        %dma_wait3A_1159 = arith.constant 0 : i32
        %dma_wait3A_1160 = arith.constant 0 : i32
        %dma_wait3A_1161 = tpu.memref_slice %arg7[%dma_wait3A_1159, %dma_wait3A_1160] : memref<10240x128xf32, #tpu.memory_space<vmem_shared>> -> memref<128x128xf32, #tpu.memory_space<vmem_shared>>
        %dma_wait3A_1162 = arith.constant 0 : i32
        %dma_wait3A_1163 = arith.constant 0 : i32
        %dma_wait3A_1164 = tpu.memref_slice %arg7[%dma_wait3A_1162, %dma_wait3A_1163] : memref<10240x128xf32, #tpu.memory_space<vmem_shared>> -> memref<128x128xf32, #tpu.memory_space<vmem_shared>>
        tpu.wait_dma2 semaphore(%arg12 : memref<!tpu.dma_semaphore, #tpu.memory_space<semaphore_mem>>) src(%arg10 : memref<128x128xf32, #tpu.memory_space<vmem>>) dst(%dma_wait3A_1164 : memref<128x128xf32, #tpu.memory_space<vmem_shared>>)
        %dma_wait3A_1165 = arith.constant 0 : i32
        %dma_wait3A_1166 = arith.constant 0 : i32
        %dma_wait3A_1167 = tpu.memref_slice %arg7[%dma_wait3A_1165, %dma_wait3A_1166] : memref<10240x128xf32, #tpu.memory_space<vmem_shared>> -> memref<128x128xf32, #tpu.memory_space<vmem_shared>>
        %dma_wait3A_1168 = arith.constant 0 : i32
        %dma_wait3A_1169 = arith.constant 0 : i32
        %dma_wait3A_1170 = tpu.memref_slice %arg7[%dma_wait3A_1168, %dma_wait3A_1169] : memref<10240x128xf32, #tpu.memory_space<vmem_shared>> -> memref<128x128xf32, #tpu.memory_space<vmem_shared>>
        tpu.wait_dma2 semaphore(%arg12 : memref<!tpu.dma_semaphore, #tpu.memory_space<semaphore_mem>>) src(%arg10 : memref<128x128xf32, #tpu.memory_space<vmem>>) dst(%dma_wait3A_1170 : memref<128x128xf32, #tpu.memory_space<vmem_shared>>)
        %dma_wait3A_1171 = arith.constant 0 : i32
        %dma_wait3A_1172 = arith.constant 0 : i32
        %dma_wait3A_1173 = tpu.memref_slice %arg7[%dma_wait3A_1171, %dma_wait3A_1172] : memref<10240x128xf32, #tpu.memory_space<vmem_shared>> -> memref<128x128xf32, #tpu.memory_space<vmem_shared>>
        %dma_wait3A_1174 = arith.constant 0 : i32
        %dma_wait3A_1175 = arith.constant 0 : i32
        %dma_wait3A_1176 = tpu.memref_slice %arg7[%dma_wait3A_1174, %dma_wait3A_1175] : memref<10240x128xf32, #tpu.memory_space<vmem_shared>> -> memref<128x128xf32, #tpu.memory_space<vmem_shared>>
        tpu.wait_dma2 semaphore(%arg12 : memref<!tpu.dma_semaphore, #tpu.memory_space<semaphore_mem>>) src(%arg10 : memref<128x128xf32, #tpu.memory_space<vmem>>) dst(%dma_wait3A_1176 : memref<128x128xf32, #tpu.memory_space<vmem_shared>>)
        %dma_wait3A_1177 = arith.constant 0 : i32
        %dma_wait3A_1178 = arith.constant 0 : i32
        %dma_wait3A_1179 = tpu.memref_slice %arg7[%dma_wait3A_1177, %dma_wait3A_1178] : memref<10240x128xf32, #tpu.memory_space<vmem_shared>> -> memref<128x128xf32, #tpu.memory_space<vmem_shared>>
        %dma_wait3A_1180 = arith.constant 0 : i32
        %dma_wait3A_1181 = arith.constant 0 : i32
        %dma_wait3A_1182 = tpu.memref_slice %arg7[%dma_wait3A_1180, %dma_wait3A_1181] : memref<10240x128xf32, #tpu.memory_space<vmem_shared>> -> memref<128x128xf32, #tpu.memory_space<vmem_shared>>
        tpu.wait_dma2 semaphore(%arg12 : memref<!tpu.dma_semaphore, #tpu.memory_space<semaphore_mem>>) src(%arg10 : memref<128x128xf32, #tpu.memory_space<vmem>>) dst(%dma_wait3A_1182 : memref<128x128xf32, #tpu.memory_space<vmem_shared>>)
        %dma_wait3A_1183 = arith.constant 0 : i32
        %dma_wait3A_1184 = arith.constant 0 : i32
        %dma_wait3A_1185 = tpu.memref_slice %arg7[%dma_wait3A_1183, %dma_wait3A_1184] : memref<10240x128xf32, #tpu.memory_space<vmem_shared>> -> memref<128x128xf32, #tpu.memory_space<vmem_shared>>
        %dma_wait3A_1186 = arith.constant 0 : i32
        %dma_wait3A_1187 = arith.constant 0 : i32
        %dma_wait3A_1188 = tpu.memref_slice %arg7[%dma_wait3A_1186, %dma_wait3A_1187] : memref<10240x128xf32, #tpu.memory_space<vmem_shared>> -> memref<128x128xf32, #tpu.memory_space<vmem_shared>>
        tpu.wait_dma2 semaphore(%arg12 : memref<!tpu.dma_semaphore, #tpu.memory_space<semaphore_mem>>) src(%arg10 : memref<128x128xf32, #tpu.memory_space<vmem>>) dst(%dma_wait3A_1188 : memref<128x128xf32, #tpu.memory_space<vmem_shared>>)
        %dma_wait3A_1189 = arith.constant 0 : i32
        %dma_wait3A_1190 = arith.constant 0 : i32
        %dma_wait3A_1191 = tpu.memref_slice %arg7[%dma_wait3A_1189, %dma_wait3A_1190] : memref<10240x128xf32, #tpu.memory_space<vmem_shared>> -> memref<128x128xf32, #tpu.memory_space<vmem_shared>>
        %dma_wait3A_1192 = arith.constant 0 : i32
        %dma_wait3A_1193 = arith.constant 0 : i32
        %dma_wait3A_1194 = tpu.memref_slice %arg7[%dma_wait3A_1192, %dma_wait3A_1193] : memref<10240x128xf32, #tpu.memory_space<vmem_shared>> -> memref<128x128xf32, #tpu.memory_space<vmem_shared>>
        tpu.wait_dma2 semaphore(%arg12 : memref<!tpu.dma_semaphore, #tpu.memory_space<semaphore_mem>>) src(%arg10 : memref<128x128xf32, #tpu.memory_space<vmem>>) dst(%dma_wait3A_1194 : memref<128x128xf32, #tpu.memory_space<vmem_shared>>)
        %dma_wait3A_1195 = arith.constant 0 : i32
        %dma_wait3A_1196 = arith.constant 0 : i32
        %dma_wait3A_1197 = tpu.memref_slice %arg7[%dma_wait3A_1195, %dma_wait3A_1196] : memref<10240x128xf32, #tpu.memory_space<vmem_shared>> -> memref<128x128xf32, #tpu.memory_space<vmem_shared>>
        %dma_wait3A_1198 = arith.constant 0 : i32
        %dma_wait3A_1199 = arith.constant 0 : i32
        %dma_wait3A_1200 = tpu.memref_slice %arg7[%dma_wait3A_1198, %dma_wait3A_1199] : memref<10240x128xf32, #tpu.memory_space<vmem_shared>> -> memref<128x128xf32, #tpu.memory_space<vmem_shared>>
        tpu.wait_dma2 semaphore(%arg12 : memref<!tpu.dma_semaphore, #tpu.memory_space<semaphore_mem>>) src(%arg10 : memref<128x128xf32, #tpu.memory_space<vmem>>) dst(%dma_wait3A_1200 : memref<128x128xf32, #tpu.memory_space<vmem_shared>>)
      } else {
      }
      %mul3A_1066 = arith.constant 8 : i32
      %mul3A_1067 = arith.muli %rem3A_1063, %mul3A_1066 : i32
      %mul3A_1068 = arith.constant 80 : i32
      %mul3A_1069 = arith.muli %add3A, %mul3A_1068 : i32
      %mul3A_1070 = arith.constant 8 : i32
      %mul3A_1071 = arith.muli %scan3A_1062, %mul3A_1070 : i32
      %add3A_1072 = arith.addi %mul3A_1069, %mul3A_1071 : i32
      "tpu.region"() ({
        %run_scoped3A = tpu.sem_alloc : memref<!tpu.dma_semaphore, #tpu.memory_space<semaphore_mem>>
        %dma_start3A_1153 = arith.constant 0 : i32
        %dma_start3A_1154 = tpu.memref_slice %arg9[%mul3A_1067, %dma_start3A_1153] : memref<16x128xi32, #tpu.memory_space<vmem>> -> memref<8x128xi32, #tpu.memory_space<vmem>>
        %dma_start3A_1155 = arith.constant 0 : i32
        %dma_start3A_1156 = tpu.memref_slice %arg4[%add3A_1072, %dma_start3A_1155] : memref<2560x128xi32, #tpu.memory_space<hbm>> -> memref<8x128xi32, #tpu.memory_space<hbm>>
        %dma_start3A_1157 = arith.constant 0 : i32
        %dma_start3A_1158 = tpu.memref_slice %arg9[%mul3A_1067, %dma_start3A_1157] : memref<16x128xi32, #tpu.memory_space<vmem>> -> memref<8x128xi32, #tpu.memory_space<vmem>>
        %dma_start3A_1159 = arith.constant 0 : i32
        %dma_start3A_1160 = tpu.memref_slice %arg4[%add3A_1072, %dma_start3A_1159] : memref<2560x128xi32, #tpu.memory_space<hbm>> -> memref<8x128xi32, #tpu.memory_space<hbm>>
        tpu.enqueue_dma source(%dma_start3A_1160 : memref<8x128xi32, #tpu.memory_space<hbm>>) target(%dma_start3A_1158 : memref<8x128xi32, #tpu.memory_space<vmem>>) target_semaphore(%run_scoped3A : memref<!tpu.dma_semaphore, #tpu.memory_space<semaphore_mem>>)
        %dma_wait3A_1161 = arith.constant 0 : i32
        %dma_wait3A_1162 = tpu.memref_slice %arg9[%mul3A_1067, %dma_wait3A_1161] : memref<16x128xi32, #tpu.memory_space<vmem>> -> memref<8x128xi32, #tpu.memory_space<vmem>>
        %dma_wait3A_1163 = arith.constant 0 : i32
        %dma_wait3A_1164 = tpu.memref_slice %arg4[%add3A_1072, %dma_wait3A_1163] : memref<2560x128xi32, #tpu.memory_space<hbm>> -> memref<8x128xi32, #tpu.memory_space<hbm>>
        %dma_wait3A_1165 = arith.constant 0 : i32
        %dma_wait3A_1166 = tpu.memref_slice %arg9[%mul3A_1067, %dma_wait3A_1165] : memref<16x128xi32, #tpu.memory_space<vmem>> -> memref<8x128xi32, #tpu.memory_space<vmem>>
        %dma_wait3A_1167 = arith.constant 0 : i32
        %dma_wait3A_1168 = tpu.memref_slice %arg4[%add3A_1072, %dma_wait3A_1167] : memref<2560x128xi32, #tpu.memory_space<hbm>> -> memref<8x128xi32, #tpu.memory_space<hbm>>
        tpu.wait_dma2 semaphore(%run_scoped3A : memref<!tpu.dma_semaphore, #tpu.memory_space<semaphore_mem>>) src(%dma_wait3A_1168 : memref<8x128xi32, #tpu.memory_space<hbm>>) dst(%dma_wait3A_1166 : memref<8x128xi32, #tpu.memory_space<vmem>>)
        tpu.yield
      }) : () -> ()
      %mul3A_1073 = arith.constant 8 : i32
      %mul3A_1074 = arith.muli %rem3A_1063, %mul3A_1073 : i32
      %add3A_1075 = arith.constant 0 : i32
      %add3A_1076 = arith.addi %mul3A_1074, %add3A_1075 : i32
      %dma_start3A_1077 = arith.constant 0 : i32
      %dma_start3A_1078 = tpu.memref_slice %arg9[%add3A_1076, %dma_start3A_1077] : memref<16x128xi32, #tpu.memory_space<vmem>> -> memref<1x128xi32, #tpu.memory_space<vmem>>
      %dma_start3A_1079 = tpu.memref_squeeze %dma_start3A_1078 : memref<1x128xi32, #tpu.memory_space<vmem>> -> memref<128xi32, #tpu.memory_space<vmem>>
      %dma_start3A_1080 = arith.constant 0 : i32
      %dma_start3A_1081 = arith.constant 0 : i32
      %dma_start3A_1082 = tpu.memref_slice %arg7[%dma_start3A_1080, %dma_start3A_1081] : memref<10240x128xf32, #tpu.memory_space<vmem_shared>> -> memref<10240x128xf32, #tpu.memory_space<vmem_shared>>
      tpu.enqueue_indirect_dma source(%arg10 : memref<128x128xf32, #tpu.memory_space<vmem>>) target(%dma_start3A_1082 : memref<10240x128xf32, #tpu.memory_space<vmem_shared>>) offsets(%dma_start3A_1079 : memref<128xi32, #tpu.memory_space<vmem>>) semaphore(%arg12 : memref<!tpu.dma_semaphore, #tpu.memory_space<semaphore_mem>>) {add = true}
      %mul3A_1083 = arith.constant 8 : i32
      %mul3A_1084 = arith.muli %rem3A_1063, %mul3A_1083 : i32
      %add3A_1085 = arith.constant 1 : i32
      %add3A_1086 = arith.addi %mul3A_1084, %add3A_1085 : i32
      %dma_start3A_1087 = arith.constant 0 : i32
      %dma_start3A_1088 = tpu.memref_slice %arg9[%add3A_1086, %dma_start3A_1087] : memref<16x128xi32, #tpu.memory_space<vmem>> -> memref<1x128xi32, #tpu.memory_space<vmem>>
      %dma_start3A_1089 = tpu.memref_squeeze %dma_start3A_1088 : memref<1x128xi32, #tpu.memory_space<vmem>> -> memref<128xi32, #tpu.memory_space<vmem>>
      %dma_start3A_1090 = arith.constant 0 : i32
      %dma_start3A_1091 = arith.constant 0 : i32
      %dma_start3A_1092 = tpu.memref_slice %arg7[%dma_start3A_1090, %dma_start3A_1091] : memref<10240x128xf32, #tpu.memory_space<vmem_shared>> -> memref<10240x128xf32, #tpu.memory_space<vmem_shared>>
      tpu.enqueue_indirect_dma source(%arg10 : memref<128x128xf32, #tpu.memory_space<vmem>>) target(%dma_start3A_1092 : memref<10240x128xf32, #tpu.memory_space<vmem_shared>>) offsets(%dma_start3A_1089 : memref<128xi32, #tpu.memory_space<vmem>>) semaphore(%arg12 : memref<!tpu.dma_semaphore, #tpu.memory_space<semaphore_mem>>) {add = true}
      %mul3A_1093 = arith.constant 8 : i32
      %mul3A_1094 = arith.muli %rem3A_1063, %mul3A_1093 : i32
      %add3A_1095 = arith.constant 2 : i32
      %add3A_1096 = arith.addi %mul3A_1094, %add3A_1095 : i32
      %dma_start3A_1097 = arith.constant 0 : i32
      %dma_start3A_1098 = tpu.memref_slice %arg9[%add3A_1096, %dma_start3A_1097] : memref<16x128xi32, #tpu.memory_space<vmem>> -> memref<1x128xi32, #tpu.memory_space<vmem>>
      %dma_start3A_1099 = tpu.memref_squeeze %dma_start3A_1098 : memref<1x128xi32, #tpu.memory_space<vmem>> -> memref<128xi32, #tpu.memory_space<vmem>>
      %dma_start3A_1100 = arith.constant 0 : i32
      %dma_start3A_1101 = arith.constant 0 : i32
      %dma_start3A_1102 = tpu.memref_slice %arg7[%dma_start3A_1100, %dma_start3A_1101] : memref<10240x128xf32, #tpu.memory_space<vmem_shared>> -> memref<10240x128xf32, #tpu.memory_space<vmem_shared>>
      tpu.enqueue_indirect_dma source(%arg10 : memref<128x128xf32, #tpu.memory_space<vmem>>) target(%dma_start3A_1102 : memref<10240x128xf32, #tpu.memory_space<vmem_shared>>) offsets(%dma_start3A_1099 : memref<128xi32, #tpu.memory_space<vmem>>) semaphore(%arg12 : memref<!tpu.dma_semaphore, #tpu.memory_space<semaphore_mem>>) {add = true}
      %mul3A_1103 = arith.constant 8 : i32
      %mul3A_1104 = arith.muli %rem3A_1063, %mul3A_1103 : i32
      %add3A_1105 = arith.constant 3 : i32
      %add3A_1106 = arith.addi %mul3A_1104, %add3A_1105 : i32
      %dma_start3A_1107 = arith.constant 0 : i32
      %dma_start3A_1108 = tpu.memref_slice %arg9[%add3A_1106, %dma_start3A_1107] : memref<16x128xi32, #tpu.memory_space<vmem>> -> memref<1x128xi32, #tpu.memory_space<vmem>>
      %dma_start3A_1109 = tpu.memref_squeeze %dma_start3A_1108 : memref<1x128xi32, #tpu.memory_space<vmem>> -> memref<128xi32, #tpu.memory_space<vmem>>
      %dma_start3A_1110 = arith.constant 0 : i32
      %dma_start3A_1111 = arith.constant 0 : i32
      %dma_start3A_1112 = tpu.memref_slice %arg7[%dma_start3A_1110, %dma_start3A_1111] : memref<10240x128xf32, #tpu.memory_space<vmem_shared>> -> memref<10240x128xf32, #tpu.memory_space<vmem_shared>>
      tpu.enqueue_indirect_dma source(%arg10 : memref<128x128xf32, #tpu.memory_space<vmem>>) target(%dma_start3A_1112 : memref<10240x128xf32, #tpu.memory_space<vmem_shared>>) offsets(%dma_start3A_1109 : memref<128xi32, #tpu.memory_space<vmem>>) semaphore(%arg12 : memref<!tpu.dma_semaphore, #tpu.memory_space<semaphore_mem>>) {add = true}
      %mul3A_1113 = arith.constant 8 : i32
      %mul3A_1114 = arith.muli %rem3A_1063, %mul3A_1113 : i32
      %add3A_1115 = arith.constant 4 : i32
      %add3A_1116 = arith.addi %mul3A_1114, %add3A_1115 : i32
      %dma_start3A_1117 = arith.constant 0 : i32
      %dma_start3A_1118 = tpu.memref_slice %arg9[%add3A_1116, %dma_start3A_1117] : memref<16x128xi32, #tpu.memory_space<vmem>> -> memref<1x128xi32, #tpu.memory_space<vmem>>
      %dma_start3A_1119 = tpu.memref_squeeze %dma_start3A_1118 : memref<1x128xi32, #tpu.memory_space<vmem>> -> memref<128xi32, #tpu.memory_space<vmem>>
      %dma_start3A_1120 = arith.constant 0 : i32
      %dma_start3A_1121 = arith.constant 0 : i32
      %dma_start3A_1122 = tpu.memref_slice %arg7[%dma_start3A_1120, %dma_start3A_1121] : memref<10240x128xf32, #tpu.memory_space<vmem_shared>> -> memref<10240x128xf32, #tpu.memory_space<vmem_shared>>
      tpu.enqueue_indirect_dma source(%arg10 : memref<128x128xf32, #tpu.memory_space<vmem>>) target(%dma_start3A_1122 : memref<10240x128xf32, #tpu.memory_space<vmem_shared>>) offsets(%dma_start3A_1119 : memref<128xi32, #tpu.memory_space<vmem>>) semaphore(%arg12 : memref<!tpu.dma_semaphore, #tpu.memory_space<semaphore_mem>>) {add = true}
      %mul3A_1123 = arith.constant 8 : i32
      %mul3A_1124 = arith.muli %rem3A_1063, %mul3A_1123 : i32
      %add3A_1125 = arith.constant 5 : i32
      %add3A_1126 = arith.addi %mul3A_1124, %add3A_1125 : i32
      %dma_start3A_1127 = arith.constant 0 : i32
      %dma_start3A_1128 = tpu.memref_slice %arg9[%add3A_1126, %dma_start3A_1127] : memref<16x128xi32, #tpu.memory_space<vmem>> -> memref<1x128xi32, #tpu.memory_space<vmem>>
      %dma_start3A_1129 = tpu.memref_squeeze %dma_start3A_1128 : memref<1x128xi32, #tpu.memory_space<vmem>> -> memref<128xi32, #tpu.memory_space<vmem>>
      %dma_start3A_1130 = arith.constant 0 : i32
      %dma_start3A_1131 = arith.constant 0 : i32
      %dma_start3A_1132 = tpu.memref_slice %arg7[%dma_start3A_1130, %dma_start3A_1131] : memref<10240x128xf32, #tpu.memory_space<vmem_shared>> -> memref<10240x128xf32, #tpu.memory_space<vmem_shared>>
      tpu.enqueue_indirect_dma source(%arg10 : memref<128x128xf32, #tpu.memory_space<vmem>>) target(%dma_start3A_1132 : memref<10240x128xf32, #tpu.memory_space<vmem_shared>>) offsets(%dma_start3A_1129 : memref<128xi32, #tpu.memory_space<vmem>>) semaphore(%arg12 : memref<!tpu.dma_semaphore, #tpu.memory_space<semaphore_mem>>) {add = true}
      %mul3A_1133 = arith.constant 8 : i32
      %mul3A_1134 = arith.muli %rem3A_1063, %mul3A_1133 : i32
      %add3A_1135 = arith.constant 6 : i32
      %add3A_1136 = arith.addi %mul3A_1134, %add3A_1135 : i32
      %dma_start3A_1137 = arith.constant 0 : i32
      %dma_start3A_1138 = tpu.memref_slice %arg9[%add3A_1136, %dma_start3A_1137] : memref<16x128xi32, #tpu.memory_space<vmem>> -> memref<1x128xi32, #tpu.memory_space<vmem>>
      %dma_start3A_1139 = tpu.memref_squeeze %dma_start3A_1138 : memref<1x128xi32, #tpu.memory_space<vmem>> -> memref<128xi32, #tpu.memory_space<vmem>>
      %dma_start3A_1140 = arith.constant 0 : i32
      %dma_start3A_1141 = arith.constant 0 : i32
      %dma_start3A_1142 = tpu.memref_slice %arg7[%dma_start3A_1140, %dma_start3A_1141] : memref<10240x128xf32, #tpu.memory_space<vmem_shared>> -> memref<10240x128xf32, #tpu.memory_space<vmem_shared>>
      tpu.enqueue_indirect_dma source(%arg10 : memref<128x128xf32, #tpu.memory_space<vmem>>) target(%dma_start3A_1142 : memref<10240x128xf32, #tpu.memory_space<vmem_shared>>) offsets(%dma_start3A_1139 : memref<128xi32, #tpu.memory_space<vmem>>) semaphore(%arg12 : memref<!tpu.dma_semaphore, #tpu.memory_space<semaphore_mem>>) {add = true}
      %mul3A_1143 = arith.constant 8 : i32
      %mul3A_1144 = arith.muli %rem3A_1063, %mul3A_1143 : i32
      %add3A_1145 = arith.constant 7 : i32
      %add3A_1146 = arith.addi %mul3A_1144, %add3A_1145 : i32
      %dma_start3A_1147 = arith.constant 0 : i32
      %dma_start3A_1148 = tpu.memref_slice %arg9[%add3A_1146, %dma_start3A_1147] : memref<16x128xi32, #tpu.memory_space<vmem>> -> memref<1x128xi32, #tpu.memory_space<vmem>>
      %dma_start3A_1149 = tpu.memref_squeeze %dma_start3A_1148 : memref<1x128xi32, #tpu.memory_space<vmem>> -> memref<128xi32, #tpu.memory_space<vmem>>
      %dma_start3A_1150 = arith.constant 0 : i32
      %dma_start3A_1151 = arith.constant 0 : i32
      %dma_start3A_1152 = tpu.memref_slice %arg7[%dma_start3A_1150, %dma_start3A_1151] : memref<10240x128xf32, #tpu.memory_space<vmem_shared>> -> memref<10240x128xf32, #tpu.memory_space<vmem_shared>>
      tpu.enqueue_indirect_dma source(%arg10 : memref<128x128xf32, #tpu.memory_space<vmem>>) target(%dma_start3A_1152 : memref<10240x128xf32, #tpu.memory_space<vmem_shared>>) offsets(%dma_start3A_1149 : memref<128xi32, #tpu.memory_space<vmem>>) semaphore(%arg12 : memref<!tpu.dma_semaphore, #tpu.memory_space<semaphore_mem>>) {add = true}
    }
    %scan3A_944 = arith.constant 9 : i32
    %dma_wait3A_945 = arith.constant 0 : i32
    %dma_wait3A_946 = arith.constant 0 : i32
    %dma_wait3A_947 = tpu.memref_slice %arg7[%dma_wait3A_945, %dma_wait3A_946] : memref<10240x128xf32, #tpu.memory_space<vmem_shared>> -> memref<128x128xf32, #tpu.memory_space<vmem_shared>>
    %dma_wait3A_948 = arith.constant 0 : i32
    %dma_wait3A_949 = arith.constant 0 : i32
    %dma_wait3A_950 = tpu.memref_slice %arg7[%dma_wait3A_948, %dma_wait3A_949] : memref<10240x128xf32, #tpu.memory_space<vmem_shared>> -> memref<128x128xf32, #tpu.memory_space<vmem_shared>>
    tpu.wait_dma2 semaphore(%arg12 : memref<!tpu.dma_semaphore, #tpu.memory_space<semaphore_mem>>) src(%arg10 : memref<128x128xf32, #tpu.memory_space<vmem>>) dst(%dma_wait3A_950 : memref<128x128xf32, #tpu.memory_space<vmem_shared>>)
    %dma_wait3A_951 = arith.constant 0 : i32
    %dma_wait3A_952 = arith.constant 0 : i32
    %dma_wait3A_953 = tpu.memref_slice %arg7[%dma_wait3A_951, %dma_wait3A_952] : memref<10240x128xf32, #tpu.memory_space<vmem_shared>> -> memref<128x128xf32, #tpu.memory_space<vmem_shared>>
    %dma_wait3A_954 = arith.constant 0 : i32
    %dma_wait3A_955 = arith.constant 0 : i32
    %dma_wait3A_956 = tpu.memref_slice %arg7[%dma_wait3A_954, %dma_wait3A_955] : memref<10240x128xf32, #tpu.memory_space<vmem_shared>> -> memref<128x128xf32, #tpu.memory_space<vmem_shared>>
    tpu.wait_dma2 semaphore(%arg12 : memref<!tpu.dma_semaphore, #tpu.memory_space<semaphore_mem>>) src(%arg10 : memref<128x128xf32, #tpu.memory_space<vmem>>) dst(%dma_wait3A_956 : memref<128x128xf32, #tpu.memory_space<vmem_shared>>)
    %dma_wait3A_957 = arith.constant 0 : i32
    %dma_wait3A_958 = arith.constant 0 : i32
    %dma_wait3A_959 = tpu.memref_slice %arg7[%dma_wait3A_957, %dma_wait3A_958] : memref<10240x128xf32, #tpu.memory_space<vmem_shared>> -> memref<128x128xf32, #tpu.memory_space<vmem_shared>>
    %dma_wait3A_960 = arith.constant 0 : i32
    %dma_wait3A_961 = arith.constant 0 : i32
    %dma_wait3A_962 = tpu.memref_slice %arg7[%dma_wait3A_960, %dma_wait3A_961] : memref<10240x128xf32, #tpu.memory_space<vmem_shared>> -> memref<128x128xf32, #tpu.memory_space<vmem_shared>>
    tpu.wait_dma2 semaphore(%arg12 : memref<!tpu.dma_semaphore, #tpu.memory_space<semaphore_mem>>) src(%arg10 : memref<128x128xf32, #tpu.memory_space<vmem>>) dst(%dma_wait3A_962 : memref<128x128xf32, #tpu.memory_space<vmem_shared>>)
    %dma_wait3A_963 = arith.constant 0 : i32
    %dma_wait3A_964 = arith.constant 0 : i32
    %dma_wait3A_965 = tpu.memref_slice %arg7[%dma_wait3A_963, %dma_wait3A_964] : memref<10240x128xf32, #tpu.memory_space<vmem_shared>> -> memref<128x128xf32, #tpu.memory_space<vmem_shared>>
    %dma_wait3A_966 = arith.constant 0 : i32
    %dma_wait3A_967 = arith.constant 0 : i32
    %dma_wait3A_968 = tpu.memref_slice %arg7[%dma_wait3A_966, %dma_wait3A_967] : memref<10240x128xf32, #tpu.memory_space<vmem_shared>> -> memref<128x128xf32, #tpu.memory_space<vmem_shared>>
    tpu.wait_dma2 semaphore(%arg12 : memref<!tpu.dma_semaphore, #tpu.memory_space<semaphore_mem>>) src(%arg10 : memref<128x128xf32, #tpu.memory_space<vmem>>) dst(%dma_wait3A_968 : memref<128x128xf32, #tpu.memory_space<vmem_shared>>)
    %dma_wait3A_969 = arith.constant 0 : i32
    %dma_wait3A_970 = arith.constant 0 : i32
    %dma_wait3A_971 = tpu.memref_slice %arg7[%dma_wait3A_969, %dma_wait3A_970] : memref<10240x128xf32, #tpu.memory_space<vmem_shared>> -> memref<128x128xf32, #tpu.memory_space<vmem_shared>>
    %dma_wait3A_972 = arith.constant 0 : i32
    %dma_wait3A_973 = arith.constant 0 : i32
    %dma_wait3A_974 = tpu.memref_slice %arg7[%dma_wait3A_972, %dma_wait3A_973] : memref<10240x128xf32, #tpu.memory_space<vmem_shared>> -> memref<128x128xf32, #tpu.memory_space<vmem_shared>>
    tpu.wait_dma2 semaphore(%arg12 : memref<!tpu.dma_semaphore, #tpu.memory_space<semaphore_mem>>) src(%arg10 : memref<128x128xf32, #tpu.memory_space<vmem>>) dst(%dma_wait3A_974 : memref<128x128xf32, #tpu.memory_space<vmem_shared>>)
    %dma_wait3A_975 = arith.constant 0 : i32
    %dma_wait3A_976 = arith.constant 0 : i32
    %dma_wait3A_977 = tpu.memref_slice %arg7[%dma_wait3A_975, %dma_wait3A_976] : memref<10240x128xf32, #tpu.memory_space<vmem_shared>> -> memref<128x128xf32, #tpu.memory_space<vmem_shared>>
    %dma_wait3A_978 = arith.constant 0 : i32
    %dma_wait3A_979 = arith.constant 0 : i32
    %dma_wait3A_980 = tpu.memref_slice %arg7[%dma_wait3A_978, %dma_wait3A_979] : memref<10240x128xf32, #tpu.memory_space<vmem_shared>> -> memref<128x128xf32, #tpu.memory_space<vmem_shared>>
    tpu.wait_dma2 semaphore(%arg12 : memref<!tpu.dma_semaphore, #tpu.memory_space<semaphore_mem>>) src(%arg10 : memref<128x128xf32, #tpu.memory_space<vmem>>) dst(%dma_wait3A_980 : memref<128x128xf32, #tpu.memory_space<vmem_shared>>)
    %dma_wait3A_981 = arith.constant 0 : i32
    %dma_wait3A_982 = arith.constant 0 : i32
    %dma_wait3A_983 = tpu.memref_slice %arg7[%dma_wait3A_981, %dma_wait3A_982] : memref<10240x128xf32, #tpu.memory_space<vmem_shared>> -> memref<128x128xf32, #tpu.memory_space<vmem_shared>>
    %dma_wait3A_984 = arith.constant 0 : i32
    %dma_wait3A_985 = arith.constant 0 : i32
    %dma_wait3A_986 = tpu.memref_slice %arg7[%dma_wait3A_984, %dma_wait3A_985] : memref<10240x128xf32, #tpu.memory_space<vmem_shared>> -> memref<128x128xf32, #tpu.memory_space<vmem_shared>>
    tpu.wait_dma2 semaphore(%arg12 : memref<!tpu.dma_semaphore, #tpu.memory_space<semaphore_mem>>) src(%arg10 : memref<128x128xf32, #tpu.memory_space<vmem>>) dst(%dma_wait3A_986 : memref<128x128xf32, #tpu.memory_space<vmem_shared>>)
    %dma_wait3A_987 = arith.constant 0 : i32
    %dma_wait3A_988 = arith.constant 0 : i32
    %dma_wait3A_989 = tpu.memref_slice %arg7[%dma_wait3A_987, %dma_wait3A_988] : memref<10240x128xf32, #tpu.memory_space<vmem_shared>> -> memref<128x128xf32, #tpu.memory_space<vmem_shared>>
    %dma_wait3A_990 = arith.constant 0 : i32
    %dma_wait3A_991 = arith.constant 0 : i32
    %dma_wait3A_992 = tpu.memref_slice %arg7[%dma_wait3A_990, %dma_wait3A_991] : memref<10240x128xf32, #tpu.memory_space<vmem_shared>> -> memref<128x128xf32, #tpu.memory_space<vmem_shared>>
    tpu.wait_dma2 semaphore(%arg12 : memref<!tpu.dma_semaphore, #tpu.memory_space<semaphore_mem>>) src(%arg10 : memref<128x128xf32, #tpu.memory_space<vmem>>) dst(%dma_wait3A_992 : memref<128x128xf32, #tpu.memory_space<vmem_shared>>)
    %dma_wait3A_993 = arith.constant 0 : i32
    %dma_wait3A_994 = arith.constant 0 : i32
    %dma_wait3A_995 = tpu.memref_slice %arg7[%dma_wait3A_993, %dma_wait3A_994] : memref<10240x128xf32, #tpu.memory_space<vmem_shared>> -> memref<128x128xf32, #tpu.memory_space<vmem_shared>>
    %dma_wait3A_996 = arith.constant 0 : i32
    %dma_wait3A_997 = arith.constant 0 : i32
    %dma_wait3A_998 = tpu.memref_slice %arg7[%dma_wait3A_996, %dma_wait3A_997] : memref<10240x128xf32, #tpu.memory_space<vmem_shared>> -> memref<128x128xf32, #tpu.memory_space<vmem_shared>>
    tpu.wait_dma2 semaphore(%arg12 : memref<!tpu.dma_semaphore, #tpu.memory_space<semaphore_mem>>) src(%arg10 : memref<128x128xf32, #tpu.memory_space<vmem>>) dst(%dma_wait3A_998 : memref<128x128xf32, #tpu.memory_space<vmem_shared>>)
    %dma_wait3A_999 = arith.constant 0 : i32
    %dma_wait3A_1000 = arith.constant 0 : i32
    %dma_wait3A_1001 = tpu.memref_slice %arg7[%dma_wait3A_999, %dma_wait3A_1000] : memref<10240x128xf32, #tpu.memory_space<vmem_shared>> -> memref<128x128xf32, #tpu.memory_space<vmem_shared>>
    %dma_wait3A_1002 = arith.constant 0 : i32
    %dma_wait3A_1003 = arith.constant 0 : i32
    %dma_wait3A_1004 = tpu.memref_slice %arg7[%dma_wait3A_1002, %dma_wait3A_1003] : memref<10240x128xf32, #tpu.memory_space<vmem_shared>> -> memref<128x128xf32, #tpu.memory_space<vmem_shared>>
    tpu.wait_dma2 semaphore(%arg12 : memref<!tpu.dma_semaphore, #tpu.memory_space<semaphore_mem>>) src(%arg10 : memref<128x128xf32, #tpu.memory_space<vmem>>) dst(%dma_wait3A_1004 : memref<128x128xf32, #tpu.memory_space<vmem_shared>>)
    %dma_wait3A_1005 = arith.constant 0 : i32
    %dma_wait3A_1006 = arith.constant 0 : i32
    %dma_wait3A_1007 = tpu.memref_slice %arg7[%dma_wait3A_1005, %dma_wait3A_1006] : memref<10240x128xf32, #tpu.memory_space<vmem_shared>> -> memref<128x128xf32, #tpu.memory_space<vmem_shared>>
    %dma_wait3A_1008 = arith.constant 0 : i32
    %dma_wait3A_1009 = arith.constant 0 : i32
    %dma_wait3A_1010 = tpu.memref_slice %arg7[%dma_wait3A_1008, %dma_wait3A_1009] : memref<10240x128xf32, #tpu.memory_space<vmem_shared>> -> memref<128x128xf32, #tpu.memory_space<vmem_shared>>
    tpu.wait_dma2 semaphore(%arg12 : memref<!tpu.dma_semaphore, #tpu.memory_space<semaphore_mem>>) src(%arg10 : memref<128x128xf32, #tpu.memory_space<vmem>>) dst(%dma_wait3A_1010 : memref<128x128xf32, #tpu.memory_space<vmem_shared>>)
    %dma_wait3A_1011 = arith.constant 0 : i32
    %dma_wait3A_1012 = arith.constant 0 : i32
    %dma_wait3A_1013 = tpu.memref_slice %arg7[%dma_wait3A_1011, %dma_wait3A_1012] : memref<10240x128xf32, #tpu.memory_space<vmem_shared>> -> memref<128x128xf32, #tpu.memory_space<vmem_shared>>
    %dma_wait3A_1014 = arith.constant 0 : i32
    %dma_wait3A_1015 = arith.constant 0 : i32
    %dma_wait3A_1016 = tpu.memref_slice %arg7[%dma_wait3A_1014, %dma_wait3A_1015] : memref<10240x128xf32, #tpu.memory_space<vmem_shared>> -> memref<128x128xf32, #tpu.memory_space<vmem_shared>>
    tpu.wait_dma2 semaphore(%arg12 : memref<!tpu.dma_semaphore, #tpu.memory_space<semaphore_mem>>) src(%arg10 : memref<128x128xf32, #tpu.memory_space<vmem>>) dst(%dma_wait3A_1016 : memref<128x128xf32, #tpu.memory_space<vmem_shared>>)
    %dma_wait3A_1017 = arith.constant 0 : i32
    %dma_wait3A_1018 = arith.constant 0 : i32
    %dma_wait3A_1019 = tpu.memref_slice %arg7[%dma_wait3A_1017, %dma_wait3A_1018] : memref<10240x128xf32, #tpu.memory_space<vmem_shared>> -> memref<128x128xf32, #tpu.memory_space<vmem_shared>>
    %dma_wait3A_1020 = arith.constant 0 : i32
    %dma_wait3A_1021 = arith.constant 0 : i32
    %dma_wait3A_1022 = tpu.memref_slice %arg7[%dma_wait3A_1020, %dma_wait3A_1021] : memref<10240x128xf32, #tpu.memory_space<vmem_shared>> -> memref<128x128xf32, #tpu.memory_space<vmem_shared>>
    tpu.wait_dma2 semaphore(%arg12 : memref<!tpu.dma_semaphore, #tpu.memory_space<semaphore_mem>>) src(%arg10 : memref<128x128xf32, #tpu.memory_space<vmem>>) dst(%dma_wait3A_1022 : memref<128x128xf32, #tpu.memory_space<vmem_shared>>)
    %dma_wait3A_1023 = arith.constant 0 : i32
    %dma_wait3A_1024 = arith.constant 0 : i32
    %dma_wait3A_1025 = tpu.memref_slice %arg7[%dma_wait3A_1023, %dma_wait3A_1024] : memref<10240x128xf32, #tpu.memory_space<vmem_shared>> -> memref<128x128xf32, #tpu.memory_space<vmem_shared>>
    %dma_wait3A_1026 = arith.constant 0 : i32
    %dma_wait3A_1027 = arith.constant 0 : i32
    %dma_wait3A_1028 = tpu.memref_slice %arg7[%dma_wait3A_1026, %dma_wait3A_1027] : memref<10240x128xf32, #tpu.memory_space<vmem_shared>> -> memref<128x128xf32, #tpu.memory_space<vmem_shared>>
    tpu.wait_dma2 semaphore(%arg12 : memref<!tpu.dma_semaphore, #tpu.memory_space<semaphore_mem>>) src(%arg10 : memref<128x128xf32, #tpu.memory_space<vmem>>) dst(%dma_wait3A_1028 : memref<128x128xf32, #tpu.memory_space<vmem_shared>>)
    %dma_wait3A_1029 = arith.constant 0 : i32
    %dma_wait3A_1030 = arith.constant 0 : i32
    %dma_wait3A_1031 = tpu.memref_slice %arg7[%dma_wait3A_1029, %dma_wait3A_1030] : memref<10240x128xf32, #tpu.memory_space<vmem_shared>> -> memref<128x128xf32, #tpu.memory_space<vmem_shared>>
    %dma_wait3A_1032 = arith.constant 0 : i32
    %dma_wait3A_1033 = arith.constant 0 : i32
    %dma_wait3A_1034 = tpu.memref_slice %arg7[%dma_wait3A_1032, %dma_wait3A_1033] : memref<10240x128xf32, #tpu.memory_space<vmem_shared>> -> memref<128x128xf32, #tpu.memory_space<vmem_shared>>
    tpu.wait_dma2 semaphore(%arg12 : memref<!tpu.dma_semaphore, #tpu.memory_space<semaphore_mem>>) src(%arg10 : memref<128x128xf32, #tpu.memory_space<vmem>>) dst(%dma_wait3A_1034 : memref<128x128xf32, #tpu.memory_space<vmem_shared>>)
    %dma_wait3A_1035 = arith.constant 0 : i32
    %dma_wait3A_1036 = arith.constant 0 : i32
    %dma_wait3A_1037 = tpu.memref_slice %arg7[%dma_wait3A_1035, %dma_wait3A_1036] : memref<10240x128xf32, #tpu.memory_space<vmem_shared>> -> memref<128x128xf32, #tpu.memory_space<vmem_shared>>
    %dma_wait3A_1038 = arith.constant 0 : i32
    %dma_wait3A_1039 = arith.constant 0 : i32
    %dma_wait3A_1040 = tpu.memref_slice %arg7[%dma_wait3A_1038, %dma_wait3A_1039] : memref<10240x128xf32, #tpu.memory_space<vmem_shared>> -> memref<128x128xf32, #tpu.memory_space<vmem_shared>>
    tpu.wait_dma2 semaphore(%arg12 : memref<!tpu.dma_semaphore, #tpu.memory_space<semaphore_mem>>) src(%arg10 : memref<128x128xf32, #tpu.memory_space<vmem>>) dst(%dma_wait3A_1040 : memref<128x128xf32, #tpu.memory_space<vmem_shared>>)
    %barrier3A_1041 = arith.constant 0 : index
    tpu.barrier barrier_id(%barrier3A_1041)
    %mul3A_1042 = arith.constant 640 : i32
    %mul3A_1043 = arith.muli %arg1, %mul3A_1042 : i32
    %add3A_1044 = arith.constant 0 : i32
    %add3A_1045 = arith.addi %mul3A_1043, %add3A_1044 : i32
    "tpu.region"() ({
      %run_scoped3A = tpu.sem_alloc : memref<!tpu.dma_semaphore, #tpu.memory_space<semaphore_mem>>
      %dma_start3A_1062 = arith.constant 0 : i32
      %dma_start3A_1063 = tpu.memref_slice %arg7[%add3A_1045, %dma_start3A_1062] : memref<10240x128xf32, #tpu.memory_space<vmem_shared>> -> memref<128x128xf32, #tpu.memory_space<vmem_shared>>
      %dma_start3A_1064 = arith.constant 0 : i32
      %dma_start3A_1065 = tpu.memref_slice %arg7[%add3A_1045, %dma_start3A_1064] : memref<10240x128xf32, #tpu.memory_space<vmem_shared>> -> memref<128x128xf32, #tpu.memory_space<vmem_shared>>
      tpu.enqueue_dma source(%dma_start3A_1065 : memref<128x128xf32, #tpu.memory_space<vmem_shared>>) target(%arg11 : memref<128x128xf32, #tpu.memory_space<vmem>>) target_semaphore(%run_scoped3A : memref<!tpu.dma_semaphore, #tpu.memory_space<semaphore_mem>>)
      %dma_wait3A_1066 = arith.constant 0 : i32
      %dma_wait3A_1067 = tpu.memref_slice %arg7[%add3A_1045, %dma_wait3A_1066] : memref<10240x128xf32, #tpu.memory_space<vmem_shared>> -> memref<128x128xf32, #tpu.memory_space<vmem_shared>>
      %dma_wait3A_1068 = arith.constant 0 : i32
      %dma_wait3A_1069 = tpu.memref_slice %arg7[%add3A_1045, %dma_wait3A_1068] : memref<10240x128xf32, #tpu.memory_space<vmem_shared>> -> memref<128x128xf32, #tpu.memory_space<vmem_shared>>
      tpu.wait_dma2 semaphore(%run_scoped3A : memref<!tpu.dma_semaphore, #tpu.memory_space<semaphore_mem>>) src(%dma_wait3A_1069 : memref<128x128xf32, #tpu.memory_space<vmem_shared>>) dst(%arg11 : memref<128x128xf32, #tpu.memory_space<vmem>>)
      tpu.yield
    }) : () -> ()
    "tpu.region"() ({
      %run_scoped3A = tpu.sem_alloc : memref<!tpu.dma_semaphore, #tpu.memory_space<semaphore_mem>>
      %dma_start3A_1062 = arith.constant 0 : i32
      %dma_start3A_1063 = tpu.memref_slice %arg6[%arg0, %add3A_1045, %dma_start3A_1062] : memref<2x10240x128xf32, #tpu.memory_space<hbm>> -> memref<1x128x128xf32, #tpu.memory_space<hbm>>
      %dma_start3A_1064 = tpu.memref_squeeze %dma_start3A_1063 : memref<1x128x128xf32, #tpu.memory_space<hbm>> -> memref<128x128xf32, #tpu.memory_space<hbm>>
      %dma_start3A_1065 = arith.constant 0 : i32
      %dma_start3A_1066 = tpu.memref_slice %arg6[%arg0, %add3A_1045, %dma_start3A_1065] : memref<2x10240x128xf32, #tpu.memory_space<hbm>> -> memref<1x128x128xf32, #tpu.memory_space<hbm>>
      %dma_start3A_1067 = tpu.memref_squeeze %dma_start3A_1066 : memref<1x128x128xf32, #tpu.memory_space<hbm>> -> memref<128x128xf32, #tpu.memory_space<hbm>>
      tpu.enqueue_dma source(%arg11 : memref<128x128xf32, #tpu.memory_space<vmem>>) target(%dma_start3A_1067 : memref<128x128xf32, #tpu.memory_space<hbm>>) target_semaphore(%run_scoped3A : memref<!tpu.dma_semaphore, #tpu.memory_space<semaphore_mem>>)
      %dma_wait3A_1068 = arith.constant 0 : i32
      %dma_wait3A_1069 = tpu.memref_slice %arg6[%arg0, %add3A_1045, %dma_wait3A_1068] : memref<2x10240x128xf32, #tpu.memory_space<hbm>> -> memref<1x128x128xf32, #tpu.memory_space<hbm>>
      %dma_wait3A_1070 = tpu.memref_squeeze %dma_wait3A_1069 : memref<1x128x128xf32, #tpu.memory_space<hbm>> -> memref<128x128xf32, #tpu.memory_space<hbm>>
      %dma_wait3A_1071 = arith.constant 0 : i32
      %dma_wait3A_1072 = tpu.memref_slice %arg6[%arg0, %add3A_1045, %dma_wait3A_1071] : memref<2x10240x128xf32, #tpu.memory_space<hbm>> -> memref<1x128x128xf32, #tpu.memory_space<hbm>>
      %dma_wait3A_1073 = tpu.memref_squeeze %dma_wait3A_1072 : memref<1x128x128xf32, #tpu.memory_space<hbm>> -> memref<128x128xf32, #tpu.memory_space<hbm>>
      tpu.wait_dma2 semaphore(%run_scoped3A : memref<!tpu.dma_semaphore, #tpu.memory_space<semaphore_mem>>) src(%arg11 : memref<128x128xf32, #tpu.memory_space<vmem>>) dst(%dma_wait3A_1073 : memref<128x128xf32, #tpu.memory_space<hbm>>)
      tpu.yield
    }) : () -> ()
    %mul3A_1046 = arith.constant 640 : i32
    %mul3A_1047 = arith.muli %arg1, %mul3A_1046 : i32
    %add3A_1048 = arith.constant 128 : i32
    %add3A_1049 = arith.addi %mul3A_1047, %add3A_1048 : i32
    "tpu.region"() ({
      %run_scoped3A = tpu.sem_alloc : memref<!tpu.dma_semaphore, #tpu.memory_space<semaphore_mem>>
      %dma_start3A_1062 = arith.constant 0 : i32
      %dma_start3A_1063 = tpu.memref_slice %arg7[%add3A_1049, %dma_start3A_1062] : memref<10240x128xf32, #tpu.memory_space<vmem_shared>> -> memref<128x128xf32, #tpu.memory_space<vmem_shared>>
      %dma_start3A_1064 = arith.constant 0 : i32
      %dma_start3A_1065 = tpu.memref_slice %arg7[%add3A_1049, %dma_start3A_1064] : memref<10240x128xf32, #tpu.memory_space<vmem_shared>> -> memref<128x128xf32, #tpu.memory_space<vmem_shared>>
      tpu.enqueue_dma source(%dma_start3A_1065 : memref<128x128xf32, #tpu.memory_space<vmem_shared>>) target(%arg11 : memref<128x128xf32, #tpu.memory_space<vmem>>) target_semaphore(%run_scoped3A : memref<!tpu.dma_semaphore, #tpu.memory_space<semaphore_mem>>)
      %dma_wait3A_1066 = arith.constant 0 : i32
      %dma_wait3A_1067 = tpu.memref_slice %arg7[%add3A_1049, %dma_wait3A_1066] : memref<10240x128xf32, #tpu.memory_space<vmem_shared>> -> memref<128x128xf32, #tpu.memory_space<vmem_shared>>
      %dma_wait3A_1068 = arith.constant 0 : i32
      %dma_wait3A_1069 = tpu.memref_slice %arg7[%add3A_1049, %dma_wait3A_1068] : memref<10240x128xf32, #tpu.memory_space<vmem_shared>> -> memref<128x128xf32, #tpu.memory_space<vmem_shared>>
      tpu.wait_dma2 semaphore(%run_scoped3A : memref<!tpu.dma_semaphore, #tpu.memory_space<semaphore_mem>>) src(%dma_wait3A_1069 : memref<128x128xf32, #tpu.memory_space<vmem_shared>>) dst(%arg11 : memref<128x128xf32, #tpu.memory_space<vmem>>)
      tpu.yield
    }) : () -> ()
    "tpu.region"() ({
      %run_scoped3A = tpu.sem_alloc : memref<!tpu.dma_semaphore, #tpu.memory_space<semaphore_mem>>
      %dma_start3A_1062 = arith.constant 0 : i32
      %dma_start3A_1063 = tpu.memref_slice %arg6[%arg0, %add3A_1049, %dma_start3A_1062] : memref<2x10240x128xf32, #tpu.memory_space<hbm>> -> memref<1x128x128xf32, #tpu.memory_space<hbm>>
      %dma_start3A_1064 = tpu.memref_squeeze %dma_start3A_1063 : memref<1x128x128xf32, #tpu.memory_space<hbm>> -> memref<128x128xf32, #tpu.memory_space<hbm>>
      %dma_start3A_1065 = arith.constant 0 : i32
      %dma_start3A_1066 = tpu.memref_slice %arg6[%arg0, %add3A_1049, %dma_start3A_1065] : memref<2x10240x128xf32, #tpu.memory_space<hbm>> -> memref<1x128x128xf32, #tpu.memory_space<hbm>>
      %dma_start3A_1067 = tpu.memref_squeeze %dma_start3A_1066 : memref<1x128x128xf32, #tpu.memory_space<hbm>> -> memref<128x128xf32, #tpu.memory_space<hbm>>
      tpu.enqueue_dma source(%arg11 : memref<128x128xf32, #tpu.memory_space<vmem>>) target(%dma_start3A_1067 : memref<128x128xf32, #tpu.memory_space<hbm>>) target_semaphore(%run_scoped3A : memref<!tpu.dma_semaphore, #tpu.memory_space<semaphore_mem>>)
      %dma_wait3A_1068 = arith.constant 0 : i32
      %dma_wait3A_1069 = tpu.memref_slice %arg6[%arg0, %add3A_1049, %dma_wait3A_1068] : memref<2x10240x128xf32, #tpu.memory_space<hbm>> -> memref<1x128x128xf32, #tpu.memory_space<hbm>>
      %dma_wait3A_1070 = tpu.memref_squeeze %dma_wait3A_1069 : memref<1x128x128xf32, #tpu.memory_space<hbm>> -> memref<128x128xf32, #tpu.memory_space<hbm>>
      %dma_wait3A_1071 = arith.constant 0 : i32
      %dma_wait3A_1072 = tpu.memref_slice %arg6[%arg0, %add3A_1049, %dma_wait3A_1071] : memref<2x10240x128xf32, #tpu.memory_space<hbm>> -> memref<1x128x128xf32, #tpu.memory_space<hbm>>
      %dma_wait3A_1073 = tpu.memref_squeeze %dma_wait3A_1072 : memref<1x128x128xf32, #tpu.memory_space<hbm>> -> memref<128x128xf32, #tpu.memory_space<hbm>>
      tpu.wait_dma2 semaphore(%run_scoped3A : memref<!tpu.dma_semaphore, #tpu.memory_space<semaphore_mem>>) src(%arg11 : memref<128x128xf32, #tpu.memory_space<vmem>>) dst(%dma_wait3A_1073 : memref<128x128xf32, #tpu.memory_space<hbm>>)
      tpu.yield
    }) : () -> ()
    %mul3A_1050 = arith.constant 640 : i32
    %mul3A_1051 = arith.muli %arg1, %mul3A_1050 : i32
    %add3A_1052 = arith.constant 256 : i32
    %add3A_1053 = arith.addi %mul3A_1051, %add3A_1052 : i32
    "tpu.region"() ({
      %run_scoped3A = tpu.sem_alloc : memref<!tpu.dma_semaphore, #tpu.memory_space<semaphore_mem>>
      %dma_start3A_1062 = arith.constant 0 : i32
      %dma_start3A_1063 = tpu.memref_slice %arg7[%add3A_1053, %dma_start3A_1062] : memref<10240x128xf32, #tpu.memory_space<vmem_shared>> -> memref<128x128xf32, #tpu.memory_space<vmem_shared>>
      %dma_start3A_1064 = arith.constant 0 : i32
      %dma_start3A_1065 = tpu.memref_slice %arg7[%add3A_1053, %dma_start3A_1064] : memref<10240x128xf32, #tpu.memory_space<vmem_shared>> -> memref<128x128xf32, #tpu.memory_space<vmem_shared>>
      tpu.enqueue_dma source(%dma_start3A_1065 : memref<128x128xf32, #tpu.memory_space<vmem_shared>>) target(%arg11 : memref<128x128xf32, #tpu.memory_space<vmem>>) target_semaphore(%run_scoped3A : memref<!tpu.dma_semaphore, #tpu.memory_space<semaphore_mem>>)
      %dma_wait3A_1066 = arith.constant 0 : i32
      %dma_wait3A_1067 = tpu.memref_slice %arg7[%add3A_1053, %dma_wait3A_1066] : memref<10240x128xf32, #tpu.memory_space<vmem_shared>> -> memref<128x128xf32, #tpu.memory_space<vmem_shared>>
      %dma_wait3A_1068 = arith.constant 0 : i32
      %dma_wait3A_1069 = tpu.memref_slice %arg7[%add3A_1053, %dma_wait3A_1068] : memref<10240x128xf32, #tpu.memory_space<vmem_shared>> -> memref<128x128xf32, #tpu.memory_space<vmem_shared>>
      tpu.wait_dma2 semaphore(%run_scoped3A : memref<!tpu.dma_semaphore, #tpu.memory_space<semaphore_mem>>) src(%dma_wait3A_1069 : memref<128x128xf32, #tpu.memory_space<vmem_shared>>) dst(%arg11 : memref<128x128xf32, #tpu.memory_space<vmem>>)
      tpu.yield
    }) : () -> ()
    "tpu.region"() ({
      %run_scoped3A = tpu.sem_alloc : memref<!tpu.dma_semaphore, #tpu.memory_space<semaphore_mem>>
      %dma_start3A_1062 = arith.constant 0 : i32
      %dma_start3A_1063 = tpu.memref_slice %arg6[%arg0, %add3A_1053, %dma_start3A_1062] : memref<2x10240x128xf32, #tpu.memory_space<hbm>> -> memref<1x128x128xf32, #tpu.memory_space<hbm>>
      %dma_start3A_1064 = tpu.memref_squeeze %dma_start3A_1063 : memref<1x128x128xf32, #tpu.memory_space<hbm>> -> memref<128x128xf32, #tpu.memory_space<hbm>>
      %dma_start3A_1065 = arith.constant 0 : i32
      %dma_start3A_1066 = tpu.memref_slice %arg6[%arg0, %add3A_1053, %dma_start3A_1065] : memref<2x10240x128xf32, #tpu.memory_space<hbm>> -> memref<1x128x128xf32, #tpu.memory_space<hbm>>
      %dma_start3A_1067 = tpu.memref_squeeze %dma_start3A_1066 : memref<1x128x128xf32, #tpu.memory_space<hbm>> -> memref<128x128xf32, #tpu.memory_space<hbm>>
      tpu.enqueue_dma source(%arg11 : memref<128x128xf32, #tpu.memory_space<vmem>>) target(%dma_start3A_1067 : memref<128x128xf32, #tpu.memory_space<hbm>>) target_semaphore(%run_scoped3A : memref<!tpu.dma_semaphore, #tpu.memory_space<semaphore_mem>>)
      %dma_wait3A_1068 = arith.constant 0 : i32
      %dma_wait3A_1069 = tpu.memref_slice %arg6[%arg0, %add3A_1053, %dma_wait3A_1068] : memref<2x10240x128xf32, #tpu.memory_space<hbm>> -> memref<1x128x128xf32, #tpu.memory_space<hbm>>
      %dma_wait3A_1070 = tpu.memref_squeeze %dma_wait3A_1069 : memref<1x128x128xf32, #tpu.memory_space<hbm>> -> memref<128x128xf32, #tpu.memory_space<hbm>>
      %dma_wait3A_1071 = arith.constant 0 : i32
      %dma_wait3A_1072 = tpu.memref_slice %arg6[%arg0, %add3A_1053, %dma_wait3A_1071] : memref<2x10240x128xf32, #tpu.memory_space<hbm>> -> memref<1x128x128xf32, #tpu.memory_space<hbm>>
      %dma_wait3A_1073 = tpu.memref_squeeze %dma_wait3A_1072 : memref<1x128x128xf32, #tpu.memory_space<hbm>> -> memref<128x128xf32, #tpu.memory_space<hbm>>
      tpu.wait_dma2 semaphore(%run_scoped3A : memref<!tpu.dma_semaphore, #tpu.memory_space<semaphore_mem>>) src(%arg11 : memref<128x128xf32, #tpu.memory_space<vmem>>) dst(%dma_wait3A_1073 : memref<128x128xf32, #tpu.memory_space<hbm>>)
      tpu.yield
    }) : () -> ()
    %mul3A_1054 = arith.constant 640 : i32
    %mul3A_1055 = arith.muli %arg1, %mul3A_1054 : i32
    %add3A_1056 = arith.constant 384 : i32
    %add3A_1057 = arith.addi %mul3A_1055, %add3A_1056 : i32
    "tpu.region"() ({
      %run_scoped3A = tpu.sem_alloc : memref<!tpu.dma_semaphore, #tpu.memory_space<semaphore_mem>>
      %dma_start3A_1062 = arith.constant 0 : i32
      %dma_start3A_1063 = tpu.memref_slice %arg7[%add3A_1057, %dma_start3A_1062] : memref<10240x128xf32, #tpu.memory_space<vmem_shared>> -> memref<128x128xf32, #tpu.memory_space<vmem_shared>>
      %dma_start3A_1064 = arith.constant 0 : i32
      %dma_start3A_1065 = tpu.memref_slice %arg7[%add3A_1057, %dma_start3A_1064] : memref<10240x128xf32, #tpu.memory_space<vmem_shared>> -> memref<128x128xf32, #tpu.memory_space<vmem_shared>>
      tpu.enqueue_dma source(%dma_start3A_1065 : memref<128x128xf32, #tpu.memory_space<vmem_shared>>) target(%arg11 : memref<128x128xf32, #tpu.memory_space<vmem>>) target_semaphore(%run_scoped3A : memref<!tpu.dma_semaphore, #tpu.memory_space<semaphore_mem>>)
      %dma_wait3A_1066 = arith.constant 0 : i32
      %dma_wait3A_1067 = tpu.memref_slice %arg7[%add3A_1057, %dma_wait3A_1066] : memref<10240x128xf32, #tpu.memory_space<vmem_shared>> -> memref<128x128xf32, #tpu.memory_space<vmem_shared>>
      %dma_wait3A_1068 = arith.constant 0 : i32
      %dma_wait3A_1069 = tpu.memref_slice %arg7[%add3A_1057, %dma_wait3A_1068] : memref<10240x128xf32, #tpu.memory_space<vmem_shared>> -> memref<128x128xf32, #tpu.memory_space<vmem_shared>>
      tpu.wait_dma2 semaphore(%run_scoped3A : memref<!tpu.dma_semaphore, #tpu.memory_space<semaphore_mem>>) src(%dma_wait3A_1069 : memref<128x128xf32, #tpu.memory_space<vmem_shared>>) dst(%arg11 : memref<128x128xf32, #tpu.memory_space<vmem>>)
      tpu.yield
    }) : () -> ()
    "tpu.region"() ({
      %run_scoped3A = tpu.sem_alloc : memref<!tpu.dma_semaphore, #tpu.memory_space<semaphore_mem>>
      %dma_start3A_1062 = arith.constant 0 : i32
      %dma_start3A_1063 = tpu.memref_slice %arg6[%arg0, %add3A_1057, %dma_start3A_1062] : memref<2x10240x128xf32, #tpu.memory_space<hbm>> -> memref<1x128x128xf32, #tpu.memory_space<hbm>>
      %dma_start3A_1064 = tpu.memref_squeeze %dma_start3A_1063 : memref<1x128x128xf32, #tpu.memory_space<hbm>> -> memref<128x128xf32, #tpu.memory_space<hbm>>
      %dma_start3A_1065 = arith.constant 0 : i32
      %dma_start3A_1066 = tpu.memref_slice %arg6[%arg0, %add3A_1057, %dma_start3A_1065] : memref<2x10240x128xf32, #tpu.memory_space<hbm>> -> memref<1x128x128xf32, #tpu.memory_space<hbm>>
      %dma_start3A_1067 = tpu.memref_squeeze %dma_start3A_1066 : memref<1x128x128xf32, #tpu.memory_space<hbm>> -> memref<128x128xf32, #tpu.memory_space<hbm>>
      tpu.enqueue_dma source(%arg11 : memref<128x128xf32, #tpu.memory_space<vmem>>) target(%dma_start3A_1067 : memref<128x128xf32, #tpu.memory_space<hbm>>) target_semaphore(%run_scoped3A : memref<!tpu.dma_semaphore, #tpu.memory_space<semaphore_mem>>)
      %dma_wait3A_1068 = arith.constant 0 : i32
      %dma_wait3A_1069 = tpu.memref_slice %arg6[%arg0, %add3A_1057, %dma_wait3A_1068] : memref<2x10240x128xf32, #tpu.memory_space<hbm>> -> memref<1x128x128xf32, #tpu.memory_space<hbm>>
      %dma_wait3A_1070 = tpu.memref_squeeze %dma_wait3A_1069 : memref<1x128x128xf32, #tpu.memory_space<hbm>> -> memref<128x128xf32, #tpu.memory_space<hbm>>
      %dma_wait3A_1071 = arith.constant 0 : i32
      %dma_wait3A_1072 = tpu.memref_slice %arg6[%arg0, %add3A_1057, %dma_wait3A_1071] : memref<2x10240x128xf32, #tpu.memory_space<hbm>> -> memref<1x128x128xf32, #tpu.memory_space<hbm>>
      %dma_wait3A_1073 = tpu.memref_squeeze %dma_wait3A_1072 : memref<1x128x128xf32, #tpu.memory_space<hbm>> -> memref<128x128xf32, #tpu.memory_space<hbm>>
      tpu.wait_dma2 semaphore(%run_scoped3A : memref<!tpu.dma_semaphore, #tpu.memory_space<semaphore_mem>>) src(%arg11 : memref<128x128xf32, #tpu.memory_space<vmem>>) dst(%dma_wait3A_1073 : memref<128x128xf32, #tpu.memory_space<hbm>>)
      tpu.yield
    }) : () -> ()
    %mul3A_1058 = arith.constant 640 : i32
    %mul3A_1059 = arith.muli %arg1, %mul3A_1058 : i32
    %add3A_1060 = arith.constant 512 : i32
    %add3A_1061 = arith.addi %mul3A_1059, %add3A_1060 : i32
    "tpu.region"() ({
      %run_scoped3A = tpu.sem_alloc : memref<!tpu.dma_semaphore, #tpu.memory_space<semaphore_mem>>
      %dma_start3A_1062 = arith.constant 0 : i32
      %dma_start3A_1063 = tpu.memref_slice %arg7[%add3A_1061, %dma_start3A_1062] : memref<10240x128xf32, #tpu.memory_space<vmem_shared>> -> memref<128x128xf32, #tpu.memory_space<vmem_shared>>
      %dma_start3A_1064 = arith.constant 0 : i32
      %dma_start3A_1065 = tpu.memref_slice %arg7[%add3A_1061, %dma_start3A_1064] : memref<10240x128xf32, #tpu.memory_space<vmem_shared>> -> memref<128x128xf32, #tpu.memory_space<vmem_shared>>
      tpu.enqueue_dma source(%dma_start3A_1065 : memref<128x128xf32, #tpu.memory_space<vmem_shared>>) target(%arg11 : memref<128x128xf32, #tpu.memory_space<vmem>>) target_semaphore(%run_scoped3A : memref<!tpu.dma_semaphore, #tpu.memory_space<semaphore_mem>>)
      %dma_wait3A_1066 = arith.constant 0 : i32
      %dma_wait3A_1067 = tpu.memref_slice %arg7[%add3A_1061, %dma_wait3A_1066] : memref<10240x128xf32, #tpu.memory_space<vmem_shared>> -> memref<128x128xf32, #tpu.memory_space<vmem_shared>>
      %dma_wait3A_1068 = arith.constant 0 : i32
      %dma_wait3A_1069 = tpu.memref_slice %arg7[%add3A_1061, %dma_wait3A_1068] : memref<10240x128xf32, #tpu.memory_space<vmem_shared>> -> memref<128x128xf32, #tpu.memory_space<vmem_shared>>
      tpu.wait_dma2 semaphore(%run_scoped3A : memref<!tpu.dma_semaphore, #tpu.memory_space<semaphore_mem>>) src(%dma_wait3A_1069 : memref<128x128xf32, #tpu.memory_space<vmem_shared>>) dst(%arg11 : memref<128x128xf32, #tpu.memory_space<vmem>>)
      tpu.yield
    }) : () -> ()
    "tpu.region"() ({
      %run_scoped3A = tpu.sem_alloc : memref<!tpu.dma_semaphore, #tpu.memory_space<semaphore_mem>>
      %dma_start3A_1062 = arith.constant 0 : i32
      %dma_start3A_1063 = tpu.memref_slice %arg6[%arg0, %add3A_1061, %dma_start3A_1062] : memref<2x10240x128xf32, #tpu.memory_space<hbm>> -> memref<1x128x128xf32, #tpu.memory_space<hbm>>
      %dma_start3A_1064 = tpu.memref_squeeze %dma_start3A_1063 : memref<1x128x128xf32, #tpu.memory_space<hbm>> -> memref<128x128xf32, #tpu.memory_space<hbm>>
      %dma_start3A_1065 = arith.constant 0 : i32
      %dma_start3A_1066 = tpu.memref_slice %arg6[%arg0, %add3A_1061, %dma_start3A_1065] : memref<2x10240x128xf32, #tpu.memory_space<hbm>> -> memref<1x128x128xf32, #tpu.memory_space<hbm>>
      %dma_start3A_1067 = tpu.memref_squeeze %dma_start3A_1066 : memref<1x128x128xf32, #tpu.memory_space<hbm>> -> memref<128x128xf32, #tpu.memory_space<hbm>>
      tpu.enqueue_dma source(%arg11 : memref<128x128xf32, #tpu.memory_space<vmem>>) target(%dma_start3A_1067 : memref<128x128xf32, #tpu.memory_space<hbm>>) target_semaphore(%run_scoped3A : memref<!tpu.dma_semaphore, #tpu.memory_space<semaphore_mem>>)
      %dma_wait3A_1068 = arith.constant 0 : i32
      %dma_wait3A_1069 = tpu.memref_slice %arg6[%arg0, %add3A_1061, %dma_wait3A_1068] : memref<2x10240x128xf32, #tpu.memory_space<hbm>> -> memref<1x128x128xf32, #tpu.memory_space<hbm>>
      %dma_wait3A_1070 = tpu.memref_squeeze %dma_wait3A_1069 : memref<1x128x128xf32, #tpu.memory_space<hbm>> -> memref<128x128xf32, #tpu.memory_space<hbm>>
      %dma_wait3A_1071 = arith.constant 0 : i32
      %dma_wait3A_1072 = tpu.memref_slice %arg6[%arg0, %add3A_1061, %dma_wait3A_1071] : memref<2x10240x128xf32, #tpu.memory_space<hbm>> -> memref<1x128x128xf32, #tpu.memory_space<hbm>>
      %dma_wait3A_1073 = tpu.memref_squeeze %dma_wait3A_1072 : memref<1x128x128xf32, #tpu.memory_space<hbm>> -> memref<128x128xf32, #tpu.memory_space<hbm>>
      tpu.wait_dma2 semaphore(%run_scoped3A : memref<!tpu.dma_semaphore, #tpu.memory_space<semaphore_mem>>) src(%arg11 : memref<128x128xf32, #tpu.memory_space<vmem>>) dst(%dma_wait3A_1073 : memref<128x128xf32, #tpu.memory_space<hbm>>)
      tpu.yield
    }) : () -> ()
    return
  }
}

module attributes {stable_mosaic.version = 14 : i64} {
  func.func @_tc_body(%arg0: i32, %arg1: memref<512x128xf32, #tpu.memory_space<vmem>>, %arg2: memref<2x512x128xf32, #tpu.memory_space<vmem>>, %arg3: memref<2x512x128xf32, #tpu.memory_space<vmem>>, %arg4: memref<5x256x128xf32, #tpu.memory_space<vmem>>, %arg5: memref<5x128xf32, #tpu.memory_space<vmem>>, %arg6: memref<512x128xf32, #tpu.memory_space<vmem>>) attributes {dimension_semantics = [#tpu.dimension_semantics<arbitrary>], iteration_bounds = array<i64: 20>, scalar_prefetch = 0 : i64, scratch_operands = 0 : i64, tpu.core_type = #tpu.core_type<tc>, window_params = [{transform_indices = @transform_0, window_bounds = array<i64: 512, 128>}, {transform_indices = @transform_1, window_bounds = array<i64: 2, 512, 128>}, {transform_indices = @transform_2, window_bounds = array<i64: 2, 512, 128>}, {pipeline_mode = #tpu.pipeline_mode<synchronous>, transform_indices = @transform_3, window_bounds = array<i64: 5, 256, 128>}, {pipeline_mode = #tpu.pipeline_mode<synchronous>, transform_indices = @transform_4, window_bounds = array<i64: 5, 128>}, {transform_indices = @transform_5, window_bounds = array<i64: 512, 128>}]} {
    %get3A = arith.constant 0 : index
    %get3A_0 = arith.constant 0 : index
    %get3A_1 = arith.constant 0 : index
    %get3A_2 = vector.load %arg2[%get3A, %get3A_0, %get3A_1] : memref<2x512x128xf32, #tpu.memory_space<vmem>>, vector<1x512x128xf32>
    %get3A_3 = vector.shape_cast %get3A_2 : vector<1x512x128xf32> to vector<512x128xf32>
    %get3A_4 = arith.constant 1 : index
    %get3A_5 = arith.constant 0 : index
    %get3A_6 = arith.constant 0 : index
    %get3A_7 = vector.load %arg2[%get3A_4, %get3A_5, %get3A_6] : memref<2x512x128xf32, #tpu.memory_space<vmem>>, vector<1x512x128xf32>
    %get3A_8 = vector.shape_cast %get3A_7 : vector<1x512x128xf32> to vector<512x128xf32>
    %add3A = arith.addf %get3A_3, %get3A_8 : vector<512x128xf32>
    %get3A_9 = arith.constant 0 : index
    %get3A_10 = arith.constant 0 : index
    %get3A_11 = arith.constant 0 : index
    %get3A_12 = vector.load %arg3[%get3A_9, %get3A_10, %get3A_11] : memref<2x512x128xf32, #tpu.memory_space<vmem>>, vector<1x512x1xf32>
    %get3A_13 = vector.shape_cast %get3A_12 : vector<1x512x1xf32> to vector<512x1xf32>
    %get3A_14 = arith.constant 1 : index
    %get3A_15 = arith.constant 0 : index
    %get3A_16 = arith.constant 0 : index
    %get3A_17 = vector.load %arg3[%get3A_14, %get3A_15, %get3A_16] : memref<2x512x128xf32, #tpu.memory_space<vmem>>, vector<1x512x1xf32>
    %get3A_18 = vector.shape_cast %get3A_17 : vector<1x512x1xf32> to vector<512x1xf32>
    %add3A_19 = arith.addf %get3A_13, %get3A_18 : vector<512x1xf32>
    %gt3A = arith.constant 0.000000e+00 : f32
    %gt3A_20 = vector.broadcast %gt3A : f32 to vector<512x1xf32>
    %gt3A_21 = arith.cmpf ogt, %add3A_19, %gt3A_20 : vector<512x1xf32>
    %max3A = arith.constant 1.000000e+00 : f32
    %max3A_22 = vector.broadcast %max3A : f32 to vector<512x1xf32>
    %max3A_23 = arith.maximumf %add3A_19, %max3A_22 : vector<512x1xf32>
    %div3A = vector.broadcast %max3A_23 : vector<512x1xf32> to vector<512x128xf32>
    %div3A_24 = arith.divf %add3A, %div3A : vector<512x128xf32>
    %jit3A = arith.constant 0.000000e+00 : f32
    %broadcast_in_dim3A = vector.shape_cast %gt3A_21 : vector<512x1xi1> to vector<512x1xi1>
    %broadcast_in_dim3A_25 = vector.broadcast %broadcast_in_dim3A : vector<512x1xi1> to vector<512x128xi1>
    %broadcast_in_dim3A_26 = vector.broadcast %jit3A : f32 to vector<512x128xf32>
    %select_n3A = arith.select %broadcast_in_dim3A_25, %div3A_24, %broadcast_in_dim3A_26 : vector<512x128xi1>, vector<512x128xf32>
    %min3A = arith.constant 4.000000e+00 : f32
    %min3A_27 = vector.broadcast %min3A : f32 to vector<512x1xf32>
    %min3A_28 = arith.minimumf %add3A_19, %min3A_27 : vector<512x1xf32>
    %get3A_29 = arith.constant 0 : index
    %get3A_30 = arith.constant 0 : index
    %get3A_31 = vector.load %arg1[%get3A_29, %get3A_30] : memref<512x128xf32, #tpu.memory_space<vmem>>, vector<512x128xf32>
    %concatenate3A = tpu.concatenate %select_n3A, %get3A_31 in 1 : vector<512x128xf32>, vector<512x128xf32> -> vector<512x256xf32>
    %broadcast_in_dim3A_32 = arith.constant 0.000000e+00 : f32
    %broadcast_in_dim3A_33 = vector.broadcast %broadcast_in_dim3A_32 : f32 to vector<512x128xf32>
    %get3A_34 = arith.constant 0 : index
    %get3A_35 = arith.constant 0 : index
    %get3A_36 = arith.constant 0 : index
    %get3A_37 = vector.load %arg4[%get3A_34, %get3A_35, %get3A_36] : memref<5x256x128xf32, #tpu.memory_space<vmem>>, vector<1x256x128xf32>
    %get3A_38 = vector.shape_cast %get3A_37 : vector<1x256x128xf32> to vector<256x128xf32>
    %dot_general3A = arith.constant dense<0.000000e+00> : vector<512x128xf32>
    %dot_general3A_39 = tpu.matmul %concatenate3A, %get3A_38, %dot_general3A {dimension_numbers = #tpu.dot_dimension_numbers<[1], [0], [0], [1], [0, 0, 1, 1], [], []>, transpose_lhs_hint = false} : vector<512x256xf32>, vector<256x128xf32>, vector<512x128xf32> -> vector<512x128xf32>
    %get3A_40 = arith.constant 0 : index
    %get3A_41 = arith.constant 0 : index
    %get3A_42 = vector.load %arg5[%get3A_40, %get3A_41] : memref<5x128xf32, #tpu.memory_space<vmem>>, vector<1x128xf32>
    %get3A_43 = vector.shape_cast %get3A_42 : vector<1x128xf32> to vector<128xf32>
    %broadcast_in_dim3A_44 = vector.shape_cast %get3A_43 : vector<128xf32> to vector<1x128xf32>
    %add3A_45 = vector.broadcast %broadcast_in_dim3A_44 : vector<1x128xf32> to vector<512x128xf32>
    %add3A_46 = arith.addf %dot_general3A_39, %add3A_45 : vector<512x128xf32>
    %eq3A = arith.constant 0.000000e+00 : f32
    %eq3A_47 = vector.broadcast %eq3A : f32 to vector<512x1xf32>
    %eq3A_48 = arith.cmpf oeq, %min3A_28, %eq3A_47 : vector<512x1xf32>
    %jit3A_49 = arith.constant 0.000000e+00 : f32
    %broadcast_in_dim3A_50 = vector.shape_cast %eq3A_48 : vector<512x1xi1> to vector<512x1xi1>
    %broadcast_in_dim3A_51 = vector.broadcast %broadcast_in_dim3A_50 : vector<512x1xi1> to vector<512x128xi1>
    %broadcast_in_dim3A_52 = vector.broadcast %jit3A_49 : f32 to vector<512x128xf32>
    %select_n3A_53 = arith.select %broadcast_in_dim3A_51, %add3A_46, %broadcast_in_dim3A_52 : vector<512x128xi1>, vector<512x128xf32>
    %add3A_54 = arith.addf %broadcast_in_dim3A_33, %select_n3A_53 : vector<512x128xf32>
    %get3A_55 = arith.constant 1 : index
    %get3A_56 = arith.constant 0 : index
    %get3A_57 = arith.constant 0 : index
    %get3A_58 = vector.load %arg4[%get3A_55, %get3A_56, %get3A_57] : memref<5x256x128xf32, #tpu.memory_space<vmem>>, vector<1x256x128xf32>
    %get3A_59 = vector.shape_cast %get3A_58 : vector<1x256x128xf32> to vector<256x128xf32>
    %dot_general3A_60 = arith.constant dense<0.000000e+00> : vector<512x128xf32>
    %dot_general3A_61 = tpu.matmul %concatenate3A, %get3A_59, %dot_general3A_60 {dimension_numbers = #tpu.dot_dimension_numbers<[1], [0], [0], [1], [0, 0, 1, 1], [], []>, transpose_lhs_hint = false} : vector<512x256xf32>, vector<256x128xf32>, vector<512x128xf32> -> vector<512x128xf32>
    %get3A_62 = arith.constant 1 : index
    %get3A_63 = arith.constant 0 : index
    %get3A_64 = vector.load %arg5[%get3A_62, %get3A_63] : memref<5x128xf32, #tpu.memory_space<vmem>>, vector<1x128xf32>
    %get3A_65 = vector.shape_cast %get3A_64 : vector<1x128xf32> to vector<128xf32>
    %broadcast_in_dim3A_66 = vector.shape_cast %get3A_65 : vector<128xf32> to vector<1x128xf32>
    %add3A_67 = vector.broadcast %broadcast_in_dim3A_66 : vector<1x128xf32> to vector<512x128xf32>
    %add3A_68 = arith.addf %dot_general3A_61, %add3A_67 : vector<512x128xf32>
    %eq3A_69 = arith.constant 1.000000e+00 : f32
    %eq3A_70 = vector.broadcast %eq3A_69 : f32 to vector<512x1xf32>
    %eq3A_71 = arith.cmpf oeq, %min3A_28, %eq3A_70 : vector<512x1xf32>
    %jit3A_72 = arith.constant 0.000000e+00 : f32
    %broadcast_in_dim3A_73 = vector.shape_cast %eq3A_71 : vector<512x1xi1> to vector<512x1xi1>
    %broadcast_in_dim3A_74 = vector.broadcast %broadcast_in_dim3A_73 : vector<512x1xi1> to vector<512x128xi1>
    %broadcast_in_dim3A_75 = vector.broadcast %jit3A_72 : f32 to vector<512x128xf32>
    %select_n3A_76 = arith.select %broadcast_in_dim3A_74, %add3A_68, %broadcast_in_dim3A_75 : vector<512x128xi1>, vector<512x128xf32>
    %add3A_77 = arith.addf %add3A_54, %select_n3A_76 : vector<512x128xf32>
    %get3A_78 = arith.constant 2 : index
    %get3A_79 = arith.constant 0 : index
    %get3A_80 = arith.constant 0 : index
    %get3A_81 = vector.load %arg4[%get3A_78, %get3A_79, %get3A_80] : memref<5x256x128xf32, #tpu.memory_space<vmem>>, vector<1x256x128xf32>
    %get3A_82 = vector.shape_cast %get3A_81 : vector<1x256x128xf32> to vector<256x128xf32>
    %dot_general3A_83 = arith.constant dense<0.000000e+00> : vector<512x128xf32>
    %dot_general3A_84 = tpu.matmul %concatenate3A, %get3A_82, %dot_general3A_83 {dimension_numbers = #tpu.dot_dimension_numbers<[1], [0], [0], [1], [0, 0, 1, 1], [], []>, transpose_lhs_hint = false} : vector<512x256xf32>, vector<256x128xf32>, vector<512x128xf32> -> vector<512x128xf32>
    %get3A_85 = arith.constant 2 : index
    %get3A_86 = arith.constant 0 : index
    %get3A_87 = vector.load %arg5[%get3A_85, %get3A_86] : memref<5x128xf32, #tpu.memory_space<vmem>>, vector<1x128xf32>
    %get3A_88 = vector.shape_cast %get3A_87 : vector<1x128xf32> to vector<128xf32>
    %broadcast_in_dim3A_89 = vector.shape_cast %get3A_88 : vector<128xf32> to vector<1x128xf32>
    %add3A_90 = vector.broadcast %broadcast_in_dim3A_89 : vector<1x128xf32> to vector<512x128xf32>
    %add3A_91 = arith.addf %dot_general3A_84, %add3A_90 : vector<512x128xf32>
    %eq3A_92 = arith.constant 2.000000e+00 : f32
    %eq3A_93 = vector.broadcast %eq3A_92 : f32 to vector<512x1xf32>
    %eq3A_94 = arith.cmpf oeq, %min3A_28, %eq3A_93 : vector<512x1xf32>
    %jit3A_95 = arith.constant 0.000000e+00 : f32
    %broadcast_in_dim3A_96 = vector.shape_cast %eq3A_94 : vector<512x1xi1> to vector<512x1xi1>
    %broadcast_in_dim3A_97 = vector.broadcast %broadcast_in_dim3A_96 : vector<512x1xi1> to vector<512x128xi1>
    %broadcast_in_dim3A_98 = vector.broadcast %jit3A_95 : f32 to vector<512x128xf32>
    %select_n3A_99 = arith.select %broadcast_in_dim3A_97, %add3A_91, %broadcast_in_dim3A_98 : vector<512x128xi1>, vector<512x128xf32>
    %add3A_100 = arith.addf %add3A_77, %select_n3A_99 : vector<512x128xf32>
    %get3A_101 = arith.constant 3 : index
    %get3A_102 = arith.constant 0 : index
    %get3A_103 = arith.constant 0 : index
    %get3A_104 = vector.load %arg4[%get3A_101, %get3A_102, %get3A_103] : memref<5x256x128xf32, #tpu.memory_space<vmem>>, vector<1x256x128xf32>
    %get3A_105 = vector.shape_cast %get3A_104 : vector<1x256x128xf32> to vector<256x128xf32>
    %dot_general3A_106 = arith.constant dense<0.000000e+00> : vector<512x128xf32>
    %dot_general3A_107 = tpu.matmul %concatenate3A, %get3A_105, %dot_general3A_106 {dimension_numbers = #tpu.dot_dimension_numbers<[1], [0], [0], [1], [0, 0, 1, 1], [], []>, transpose_lhs_hint = false} : vector<512x256xf32>, vector<256x128xf32>, vector<512x128xf32> -> vector<512x128xf32>
    %get3A_108 = arith.constant 3 : index
    %get3A_109 = arith.constant 0 : index
    %get3A_110 = vector.load %arg5[%get3A_108, %get3A_109] : memref<5x128xf32, #tpu.memory_space<vmem>>, vector<1x128xf32>
    %get3A_111 = vector.shape_cast %get3A_110 : vector<1x128xf32> to vector<128xf32>
    %broadcast_in_dim3A_112 = vector.shape_cast %get3A_111 : vector<128xf32> to vector<1x128xf32>
    %add3A_113 = vector.broadcast %broadcast_in_dim3A_112 : vector<1x128xf32> to vector<512x128xf32>
    %add3A_114 = arith.addf %dot_general3A_107, %add3A_113 : vector<512x128xf32>
    %eq3A_115 = arith.constant 3.000000e+00 : f32
    %eq3A_116 = vector.broadcast %eq3A_115 : f32 to vector<512x1xf32>
    %eq3A_117 = arith.cmpf oeq, %min3A_28, %eq3A_116 : vector<512x1xf32>
    %jit3A_118 = arith.constant 0.000000e+00 : f32
    %broadcast_in_dim3A_119 = vector.shape_cast %eq3A_117 : vector<512x1xi1> to vector<512x1xi1>
    %broadcast_in_dim3A_120 = vector.broadcast %broadcast_in_dim3A_119 : vector<512x1xi1> to vector<512x128xi1>
    %broadcast_in_dim3A_121 = vector.broadcast %jit3A_118 : f32 to vector<512x128xf32>
    %select_n3A_122 = arith.select %broadcast_in_dim3A_120, %add3A_114, %broadcast_in_dim3A_121 : vector<512x128xi1>, vector<512x128xf32>
    %add3A_123 = arith.addf %add3A_100, %select_n3A_122 : vector<512x128xf32>
    %get3A_124 = arith.constant 4 : index
    %get3A_125 = arith.constant 0 : index
    %get3A_126 = arith.constant 0 : index
    %get3A_127 = vector.load %arg4[%get3A_124, %get3A_125, %get3A_126] : memref<5x256x128xf32, #tpu.memory_space<vmem>>, vector<1x256x128xf32>
    %get3A_128 = vector.shape_cast %get3A_127 : vector<1x256x128xf32> to vector<256x128xf32>
    %dot_general3A_129 = arith.constant dense<0.000000e+00> : vector<512x128xf32>
    %dot_general3A_130 = tpu.matmul %concatenate3A, %get3A_128, %dot_general3A_129 {dimension_numbers = #tpu.dot_dimension_numbers<[1], [0], [0], [1], [0, 0, 1, 1], [], []>, transpose_lhs_hint = false} : vector<512x256xf32>, vector<256x128xf32>, vector<512x128xf32> -> vector<512x128xf32>
    %get3A_131 = arith.constant 4 : index
    %get3A_132 = arith.constant 0 : index
    %get3A_133 = vector.load %arg5[%get3A_131, %get3A_132] : memref<5x128xf32, #tpu.memory_space<vmem>>, vector<1x128xf32>
    %get3A_134 = vector.shape_cast %get3A_133 : vector<1x128xf32> to vector<128xf32>
    %broadcast_in_dim3A_135 = vector.shape_cast %get3A_134 : vector<128xf32> to vector<1x128xf32>
    %add3A_136 = vector.broadcast %broadcast_in_dim3A_135 : vector<1x128xf32> to vector<512x128xf32>
    %add3A_137 = arith.addf %dot_general3A_130, %add3A_136 : vector<512x128xf32>
    %eq3A_138 = arith.constant 4.000000e+00 : f32
    %eq3A_139 = vector.broadcast %eq3A_138 : f32 to vector<512x1xf32>
    %eq3A_140 = arith.cmpf oeq, %min3A_28, %eq3A_139 : vector<512x1xf32>
    %jit3A_141 = arith.constant 0.000000e+00 : f32
    %broadcast_in_dim3A_142 = vector.shape_cast %eq3A_140 : vector<512x1xi1> to vector<512x1xi1>
    %broadcast_in_dim3A_143 = vector.broadcast %broadcast_in_dim3A_142 : vector<512x1xi1> to vector<512x128xi1>
    %broadcast_in_dim3A_144 = vector.broadcast %jit3A_141 : f32 to vector<512x128xf32>
    %select_n3A_145 = arith.select %broadcast_in_dim3A_143, %add3A_137, %broadcast_in_dim3A_144 : vector<512x128xi1>, vector<512x128xf32>
    %add3A_146 = arith.addf %add3A_123, %select_n3A_145 : vector<512x128xf32>
    %swap3A = arith.constant 0 : index
    %swap3A_147 = arith.constant 0 : index
    %swap3A_148 = vector.load %arg6[%swap3A, %swap3A_147] : memref<512x128xf32, #tpu.memory_space<vmem>>, vector<512x128xf32>
    tpu.vector_store %arg6[%swap3A, %swap3A_147], %add3A_146 {strides = array<i32>} : memref<512x128xf32, #tpu.memory_space<vmem>>, vector<512x128xf32>,
    return
  }
  func.func @transform_0(%arg0: i32) -> (i32, i32) {
    %c0_i32 = arith.constant 0 : i32
    %c0_i32_0 = arith.constant 0 : i32
    return %arg0, %c0_i32 : i32, i32
  }
  func.func @transform_1(%arg0: i32) -> (i32, i32, i32) {
    %c0_i32 = arith.constant 0 : i32
    %c0_i32_0 = arith.constant 0 : i32
    %c0_i32_1 = arith.constant 0 : i32
    return %c0_i32, %arg0, %c0_i32_0 : i32, i32, i32
  }
  func.func @transform_2(%arg0: i32) -> (i32, i32, i32) {
    %c0_i32 = arith.constant 0 : i32
    %c0_i32_0 = arith.constant 0 : i32
    %c0_i32_1 = arith.constant 0 : i32
    return %c0_i32, %arg0, %c0_i32_0 : i32, i32, i32
  }
  func.func @transform_3(%arg0: i32) -> (i32, i32, i32) {
    %c0_i32 = arith.constant 0 : i32
    %c0_i32_0 = arith.constant 0 : i32
    %c0_i32_1 = arith.constant 0 : i32
    %c0_i32_2 = arith.constant 0 : i32
    return %c0_i32, %c0_i32_0, %c0_i32_1 : i32, i32, i32
  }
  func.func @transform_4(%arg0: i32) -> (i32, i32) {
    %c0_i32 = arith.constant 0 : i32
    %c0_i32_0 = arith.constant 0 : i32
    %c0_i32_1 = arith.constant 0 : i32
    return %c0_i32, %c0_i32_0 : i32, i32
  }
  func.func @transform_5(%arg0: i32) -> (i32, i32) {
    %c0_i32 = arith.constant 0 : i32
    %c0_i32_0 = arith.constant 0 : i32
    return %arg0, %c0_i32 : i32, i32
  }
}

</mosaic_0001>

<sc_bundles>
// kernel: kernel.4.cloned.1.call-start
scs
__scs_entry_jumppad:
0x0: {  	(pc) =	sbr.rel $0x88, $3  }
0x1: {  	(tag) =	ssettag $0x0;
	lr =	simm.s32 $0x1  }
0x2: {  	[smem:$0x3F9B] =	sst lr;
	_ =	strace $0xD0000000  }
0x3: {  	_ = 	snop  }
0x4: {  	_ = 	snop  }
0x5: {  	_ = 	snop  }
0x6: {  	_ = 	snop  }
0x7: {  	_ = 	snop  }
__scs_overlays_trampoline_lowered:
0x8: {  	[smem:$0x3FAA] =	sst s0  }
0x9: {  	[smem:$0x3FAB] =	sst s1  }
0xa: {  	[smem:$0x3FAC] =	sst s2  }
0xb: {  	[smem:$0x3FAD] =	sst s3  }
0xc: {  	[smem:$0x3FAE] =	sst s4  }
0xd: {  	[smem:$0x3FAF] =	sst s5  }
0xe: {  	[smem:$0x3FB0] =	sst s6  }
0xf: {  	[smem:$0x3FB1] =	sst s7  }
0x10: {  	[smem:$0x3FB2] =	sst s8  }
0x11: {  	[smem:$0x3FB3] =	sst s9;
	s0 =	simm.s32 @!p0 $0x0  }
0x12: {  	s1 =	sld [smem:$0x3F99];
	s0 =	simm.s32 @p0 $0x1  }
0x13: {  	[smem:$0x3FB4] =	sst s0;
	s0 =	simm.s32 @!p1 $0x0  }
0x14: {  	s2 =	sld [smem:$0x3F98];
	s0 =	simm.s32 @p1 $0x1  }
0x15: {  	[smem:$0x3FB5] =	sst s0;
	s0 =	simm.s32 @!p2 $0x0  }
0x16: {  	s3 =	sld [smem:$0x3FDB];
	s0 =	simm.s32 @p2 $0x1  }
0x17: {  	s4 =	simm.s32 $0x1BF5;
	[smem:$0x3FB7] =	sst s0  }
0x18: {  	s0 =	sld [smem:$0x3F9A];
	_ =	swait.ge [sflag:s4], $0x0  }
0x19: {  	s7 =	sld [smem:$0x3F9B]  }
0x1a: {  	s8 =	sadd.s32 $0xFFFFE003, lr  }
0x1b: {  	s9 =	sadd.s32 $0xFFFFFEF7, lr;
	s5 =	simm.s32 $0xFFFFFFFF;
	p2 =	slt.u32 s8, $0xFFFFF086  }
0x1c: {  	p1 =	slt.u32 s9, $0xF7A;
	s5 =	simm.s32 @!p2 $0x0  }
0x1d: {  	s5 =	simm.s32 @p1 $0x1;
	p0 =	seq.s32 s7, s2  }
0x1e: {  	s7 =	smul.u32 @!p0 $0xF7A, s2;
	p2 =	seq.s32 @!p0 s5, $0x0  }
0x1f: {  	s9 =	smul.u32 $0xF7A, s1;
	s8 =	simm.s32 @!p0 $0x1BF5;
	p2 =	por !p2, p0  }
0x20: {  	[sflag:s8] =	ssyncset.s32 @!p0 $0xFFFFF086;
	s6 =	sadd.s32 @!p0 s3, s7;
	s7 =	simm.s32 @!p0 $0x108  }
0x21: {  	s3 =	sadd.s32 s3, s9;
	s6 =	sadd.s32 @!p0 $0x88, s6;
	s7 =	simm.s32 @p2 $0x1082  }
0x22: {  	[simem:s7], [sflag:s8] =	dma.local @!p0 [hbm:s6], $0xF7A  }
0x23: {  	s9 =	sor.u32 $0xD0000000, s2;
	s6 =	simm.s32 $0x108;
	_ =	swait.ge @!p0 [sflag:s8], $0x0  }
0x24: {  	s3 =	sadd.s32 $0x88, s3;
	s6 =	simm.s32 @!p1 $0x1082;
	[sflag:s4] =	ssyncset.s32 $0xFFFFF086  }
0x25: {  	[simem:s6], [sflag:s4] =	dma.local [hbm:s3], $0xF7A  }
0x26: {  	[smem:$0x3F9B] =	sst s1;
	(tag) =	ssettag s2;
	_ =	strace s9  }
0x27: {  	s1 =	sld [smem:$0x3FAB]  }
0x28: {  	s2 =	sld [smem:$0x3FAC]  }
0x29: {  	s4 =	sld [smem:$0x3FAE]  }
0x2a: {  	p0 =	seq.s32 s5, $0x0;
	s5 =	sld [smem:$0x3FAF]  }
0x2b: {  	s6 =	sld [smem:$0x3FB0]  }
0x2c: {  	s7 =	sld [smem:$0x3FB1]  }
0x2d: {  	s3 =	simm.s32 $0x108;
	s8 =	sld [smem:$0x3FB2]  }
0x2e: {  	s3 =	simm.s32 @!p0 $0x1082;
	s9 =	sld [smem:$0x3FB3]  }
0x2f: {  	lr =	sadd.s32 s0, s3;
	s0 =	sld [smem:$0x3FAA]  }
0x30: {  	s3 =	sld [smem:$0x3FAD]  }
0x31: {  	[smem:$0x3FB6] =	sst s10  }
0x32: {  	s10 =	sld [smem:$0x3FB4];
	_ =	sdelay $0x3  }
0x33: {  	p0 =	seq.s32 s10, $0x1;
	s10 =	sld [smem:$0x3FB6];
	_ =	sdelay $0x3  }
0x34: {  	[smem:$0x3FB6] =	sst s10  }
0x35: {  	s10 =	sld [smem:$0x3FB5];
	_ =	sdelay $0x3  }
0x36: {  	p1 =	seq.s32 s10, $0x1;
	s10 =	sld [smem:$0x3FB6];
	_ =	sdelay $0x3  }
0x37: {  	[smem:$0x3FB6] =	sst s10  }
0x38: {  	s10 =	sld [smem:$0x3FB7]  }
0x39: {  	_ = 	snop;
	(pc) =	sbr.ind lr, $3  }
0x3a: {  	_ = 	snop  }
0x3b: {  	_ = 	snop  }
0x3c: {  	p2 =	seq.s32 s10, $0x1;
	s10 =	sld [smem:$0x3FB6]  }
0x3d: {  	_ =	shalt  }
0x3e: {  	_ =	shalt  }
0x3f: {  	_ =	shalt  }
0x40: {  	_ =	shalt  }
0x41: {  	_ =	shalt  }
0x42: {  	_ =	shalt  }
0x43: {  	_ =	shalt  }
0x44: {  	_ =	shalt  }
0x45: {  	_ =	shalt  }
0x46: {  	_ =	shalt  }
0x47: {  	_ =	shalt  }
0x48: {  	_ =	shalt  }
0x49: {  	_ =	shalt  }
0x4a: {  	_ =	shalt  }
0x4b: {  	_ =	shalt  }
0x4c: {  	_ =	shalt  }
0x4d: {  	_ =	shalt  }
0x4e: {  	_ =	shalt  }
0x4f: {  	_ =	shalt  }
0x50: {  	_ =	shalt  }
0x51: {  	_ =	shalt  }
0x52: {  	_ =	shalt  }
0x53: {  	_ =	shalt  }
0x54: {  	_ =	shalt  }
0x55: {  	_ =	shalt  }
0x56: {  	_ =	shalt  }
0x57: {  	_ =	shalt  }
0x58: {  	_ =	shalt  }
0x59: {  	_ =	shalt  }
0x5a: {  	_ =	shalt  }
0x5b: {  	_ =	shalt  }
0x5c: {  	_ =	shalt  }
0x5d: {  	_ =	shalt  }
0x5e: {  	_ =	shalt  }
0x5f: {  	_ =	shalt  }
0x60: {  	_ =	shalt  }
0x61: {  	_ =	shalt  }
0x62: {  	_ =	shalt  }
0x63: {  	_ =	shalt  }
0x64: {  	_ =	shalt  }
0x65: {  	_ =	shalt  }
0x66: {  	_ =	shalt  }
0x67: {  	_ =	shalt  }
0x68: {  	_ =	shalt  }
0x69: {  	_ =	shalt  }
0x6a: {  	_ =	shalt  }
0x6b: {  	_ =	shalt  }
0x6c: {  	_ =	shalt  }
0x6d: {  	_ =	shalt  }
0x6e: {  	_ =	shalt  }
0x6f: {  	_ =	shalt  }
0x70: {  	_ =	shalt  }
0x71: {  	_ =	shalt  }
0x72: {  	_ =	shalt  }
0x73: {  	_ =	shalt  }
0x74: {  	_ =	shalt  }
0x75: {  	_ =	shalt  }
0x76: {  	_ =	shalt  }
0x77: {  	_ =	shalt  }
0x78: {  	_ =	shalt  }
0x79: {  	_ =	shalt  }
0x7a: {  	_ =	shalt  }
0x7b: {  	_ =	shalt  }
0x7c: {  	_ =	shalt  }
0x7d: {  	_ =	shalt  }
0x7e: {  	_ =	shalt  }
0x7f: {  	_ =	shalt  }
0x80: {  	_ =	shalt  }
0x81: {  	_ =	shalt  }
0x82: {  	_ =	shalt  }
0x83: {  	_ =	shalt  }
0x84: {  	_ =	shalt  }
0x85: {  	_ =	shalt  }
0x86: {  	_ =	shalt  }
0x87: {  	_ =	shalt  }
.Lfunc_end0:
.L_simem_size_0:
called_computation_lowered:
.L_overlay_start_0:
0x88: {  	s2 =	sld [smem:$0x3FD9]  }
0x89: {  	s3 =	sld [smem:$0x3FFE];
	_ =	sdelay $0x1  }
0x8a: {  	s1 =	srdreg.scid  }
0x8b: {  	s0 =	sand.u32 $0x1, s1  }
0x8c: {  	s17 =	sshll.u32 s0, $0xA;
	s2 =	sadd.s32 s3, s2  }
0x8d: {  	s2 =	sadd.s32 s2, s17  }
0x8e: {  	[smem:$0x3FC2] =	sst s2  }
0x8f: {  	_ = 	snop  }
0x90: {  	s2 =	sld [smem:$0x3FC9]  }
0x91: {  	s18 =	sld [smem:$0x3FD0];
	(tm) =	ssettm $0x1  }
0x92: {  	s4 =	sld [smem:$0x3FFB];
	_ =	sdelay $0x3  }
0x93: {  	_ =	strace s4  }
0x94: {  	s4 =	sld [smem:$0x3FFC];
	_ =	sdelay $0x3  }
0x95: {  	_ =	strace s4  }
0x96: {  	s4 =	sld [smem:$0x3FFD];
	_ =	sdelay $0x3  }
0x97: {  	_ =	strace s4  }
0x98: {  	_ =	strace $0x8FFFFFFF  }
0x99: {  	s19 =	sld [smem:$0x3FDB];
	_ =	sdelay $0x1  }
0x9a: {  	s5 =	simm.s32 $_scs_section_size  }
0x9b: {  	s6 =	simm.s32 $_size__tile_overlayer_lowered;
	s7 =	simm.s32 $_tile_overlayer_lowered  }
0x9c: {  	s22 =	simm.s32 $0x1BFF;
	s21 =	sshll.u32 s7, $0x1;
	s4 =	sadd.s32 s5, s19  }
0x9d: {  	s8 =	simm.s32 $0x0;
	s20 =	sshll.u32 s6, $0x1;
	s6 =	sadd.s32 s21, s4  }
0x9e: {  	[timem:s8], [sflag:s22] =	dma.local [hbm:s6], s20  }
0x9f: {  	_ =	swait.ge [sflag:s22], s20  }
0xa0: {  	s5 =	ssub.s32 $0x0, s20;
	[sflag:s22] =	ssyncset.done $0x0  }
0xa1: {  	[sflag:s22] =	ssyncadd.s32 s5;
	_ =	sdelay $0x1  }
0xa2: {  	s23 =	simm.s32 $0x1B8B  }
0xa3: {  	_ =	swait.ge [sflag:s23], $0x1  }
0xa4: {  	[sflag:s23] =	ssyncset.done $0x0  }
0xa5: {  	s25 =	simm.s32 $0x1B8E;
	s24 =	sld [smem:$0x3FFE];
	[sflag:s23] =	ssyncadd.s32 $0xFFFFFFFF  }
0xa6: {  	s26 =	simm.s32 $execute0_lowered;
	[smem:$0x3FD2] =	sst s25  }
0xa7: {  	s6 =	sshll.u32 s26, $0x1;
	_ =	strace $0x80000046;
	[dreg:$0x1] =	wrdreg $0xFFFFFFFF  }
0xa8: {  	s28 =	simm.s32 $_size_execute0_lowered;
	s4 =	sadd.s32 s4, s6;
	[dreg:$0x0] =	wrdreg $0x0  }
0xa9: {  	s6 =	sshll.u32 s28, $0x1;
	[dreg:$0x2] =	wrdreg s4  }
0xaa: {  	[dreg:$0x3] =	wrdreg s6  }
0xab: {  	[dreg:$0x4] =	wrdreg $0xC0  }
0xac: {  	_ =	task [dreg:s8], $0x5FFFF  }
0xad: {  	[dreg:$0x1] =	wrdreg $0xFFFFFFFF  }
0xae: {  	[dreg:$0x0] =	wrdreg $0x60  }
0xaf: {  	[dreg:$0x2] =	wrdreg s2  }
0xb0: {  	[dreg:$0x3] =	wrdreg s24  }
0xb1: {  	[dreg:$0x4] =	wrdreg s18  }
0xb2: {  	[dreg:$0x5] =	wrdreg $0x0  }
0xb3: {  	[dreg:$0x6] =	wrdreg $0x9  }
0xb4: {  	_ =	task.clear_ibuf [dreg:s8], $0x7FFFF;
	_ =	strace $0x90000046  }
0xb5: {  	s29 =	simm.s32 $0x9;
	_ =	strace $0x80000048  }
0xb6: {  	_ =	swait.ge [sflag:s29], $0x1  }
0xb7: {  	[sflag:s29] =	ssyncadd.s32 $0xFFFFFFFF  }
0xb8: {  	_ =	strace $0x90000048  }
0xb9: {  	_ =	sfence  }
0xba: {  	s30 =	sld [smem:$0x0];
	_ =	sdelay $0x2  }
0xbb: {  	s31 =	sshll.u32 s1, $0xD;
	s1 =	sshrl.u32 s1, $0x2  }
0xbc: {  	s3 =	sand.u32 $0x4000, s31;
	s1 =	sadd.s32 s1, s30  }
0xbd: {  	s0 =	sor.u32 s3, s0;
	s1 =	sshll.u32 s1, $0x11  }
0xbe: {  	s0 =	sor.u32 s1, s0  }
0xbf: {  	s0 =	sadd.s32 $0x8F2B, s0  }
0xc0: {  	[sflag:s0] =	ssyncadd.remote.s32 $0x1  }
0xc1: {  	_ =	sfence.sel $0xFFFF  }
0xc2: {  	[dreg:$0x0] =	wrdreg $0xFFFFFFFF;
	(pc) =	sbr.abs _section_cstart, $3  }
0xc3: {  	[dreg:$0x1] =	wrdreg $0xFFFFFFFF  }
0xc4: {  	_ =	task.clear_ibuf [dreg:s8], $0x2FFFF;
	_ =	strace $0x9FFFFFFF  }
0xc5: {  	(tm) =	ssettm $0x7FFFFFFF  }
tec
execute0_lowered:
.L_overlay_start_1:
0x0: {  	(tag) =	ssettag $0x1  }
0x1: {  	s1 =	rddreg [dreg:$0x0]  }
0x2: {  	s3 =	rddreg [dreg:$0x1]  }
0x3: {  	s0 =	rddreg [dreg:$0x2]  }
0x4: {  	s2 =	rddreg [dreg:$0x3];
	s4 =	simm.s32 $0x0;
	s20 =	srdreg.scid  }
0x5: {  	[smem:$0x7FF] =	sst s4;
	s4 =	sand.u32 $0x1, s20;
	s20 =	stileid.u32  }
0x6: {  	s31 =	simm.s32 $0x20;
	s29 =	simm.s32 $0x1A000;
	s9 =	smul.u32 $0x14000, s20  }
0x7: {  	s5 =	sadd.s32 $0x1400, s3;
	s6 =	sadd.s32 $0xB400, s3;
	s10 =	smul.u32 $0x140000, s4  }
0x8: {  	s3 =	sadd.s32 $0x5B400, s3;
	s7 =	ssub.s32 $0x2, s4;
	s15 =	smul.u32 $0x5000, s4  }
0x9: {  	_ =	strace $0x80000047;
	s16 =	smul.u32 $0x500, s20;
	s8 =	sshrl.u32 s7, $0x1  }
0xa: {  	s21 =	sshll.u32 s4, $0x4;
	s4 =	smul.u32 $0xA0, s4;
	s7 =	ssub.s32 s7, s8  }
0xb: {  	s8 =	sor.u32 s20, s21;
	s11 =	sadd.s32 $0x4000, s9;
	s12 =	sadd.s32 $0x8000, s9  }
0xc: {  	s13 =	sadd.s32 $0xC000, s9;
	s14 =	sadd.s32 s9, s10;
	s9 =	sadd.s32 $0x10000, s9  }
0xd: {  	s22 =	sadd.s32 s15, s0;
	s15 =	sadd.s32 s15, s5;
	s14 =	sshrl.u32 s14, $0x3  }
0xe: {  	s8 =	smul.u32 $0x500, s8;
	s18 =	sadd.s32 s10, s11;
	s19 =	sadd.s32 s10, s12  }
0xf: {  	s24 =	sadd.s32 s10, s13;
	s10 =	sadd.s32 s10, s9;
	s28 =	sadd.s32 s13, s2  }
0x10: {  	s15 =	sadd.s32 s16, s15;
	s30 =	sadd.s32 s9, s2;
	[dreg:$0x19] =	wrdreg s28  }
0x11: {  	s9 =	simm.s32 $0x18000;
	s17 =	sadd.s32 s6, s14;
	[dreg:$0x1a] =	wrdreg s30  }
0x12: {  	s18 =	sshrl.u32 s18, $0x3;
	s26 =	sadd.s32 s3, s14;
	[dreg:$0x8] =	wrdreg s17  }
0x13: {  	s19 =	sshrl.u32 s19, $0x3;
	s21 =	sadd.s32 s6, s18;
	[dreg:$0xd] =	wrdreg s26  }
0x14: {  	s13 =	simm.s32 $0x80;
	s23 =	sadd.s32 s6, s19;
	[dreg:$0x9] =	wrdreg s21  }
0x15: {  	s10 =	sshrl.u32 s10, $0x3;
	s14 =	sadd.s32 s3, s18;
	[dreg:$0xa] =	wrdreg s23  }
0x16: {  	s17 =	sadd.s32 s16, s22;
	s16 =	sadd.s32 s3, s19;
	[dreg:$0xe] =	wrdreg s14  }
0x17: {  	s19 =	sadd.s32 $0x100, s15;
	s22 =	smul.u32 $0x50000, s20;
	[dreg:$0xf] =	wrdreg s16  }
0x18: {  	s26 =	smax.u32 s7, $0x1;
	s17 =	sadd.s32 $0x100, s17;
	[dreg:$0x6] =	wrdreg s19  }
0x19: {  	s21 =	smul.u32 $0xA, s20;
	s23 =	sadd.s32 s5, s8;
	[dreg:$0x1b] =	wrdreg s26  }
0x1a: {  	s20 =	sadd.s32 s0, s8;
	s14 =	simm.s32 $0xA;
	[dreg:$0x5] =	wrdreg s17  }
0x1b: {  	s16 =	simm.s32 $0x8;
	s26 =	simm.s32 $0x19000;
	[dreg:$0x12] =	wrdreg s23  }
0x1c: {  	s17 =	sshrl.u32 s24, $0x3;
	s23 =	sadd.s32 s11, s2;
	[dreg:$0x13] =	wrdreg s20  }
0x1d: {  	s24 =	sor.u32 $0x80, s8;
	s25 =	sadd.s32 s6, s17;
	[dreg:$0x17] =	wrdreg s23  }
0x1e: {  	s8 =	simm.s32 $0x17000;
	s6 =	sadd.s32 s6, s10;
	[dreg:$0xb] =	wrdreg s25  }
0x1f: {  	s11 =	simm.s32 $0x3;
	s18 =	sadd.s32 s3, s17;
	[dreg:$0xc] =	wrdreg s6  }
0x20: {  	s3 =	sadd.s32 s3, s10;
	s4 =	sadd.s32 s21, s4;
	[dreg:$0x10] =	wrdreg s18  }
0x21: {  	s5 =	sadd.s32 s5, s24;
	s21 =	simm.s32 $0x16000;
	[dreg:$0x11] =	wrdreg s3  }
0x22: {  	s10 =	simm.s32 $0x2;
	s17 =	simm.s32 $0x6;
	[dreg:$0x14] =	wrdreg s5  }
0x23: {  	s4 =	sshll.u32 s4, $0x7;
	s25 =	sadd.s32 s0, s24;
	s3 =	sshrl.u32 s22, $0x2  }
0x24: {  	s22 =	simm.s32 $0x15000;
	s6 =	simm.s32 $0x1A000;
	s18 =	simm.s32 $0x1  }
0x25: {  	s24 =	simm.s32 $0x7;
	[dreg:$0x15] =	wrdreg s25;
	s15 =	sadd.s32 s3, s2  }
0x26: {  	s0 =	sadd.s32 s0, s4;
	s25 =	sadd.s32 s12, s2;
	[dreg:$0x16] =	wrdreg s15  }
0x27: {  	s4 =	simm.s32 $0xB;
	s0 =	sadd.s32 $0x100, s0;
	[dreg:$0x18] =	wrdreg s25  }
0x28: {  	v0 =	vimm.f32 $0.0e+00;
	v1 =	vimm.f32 $1.000000000e+00;
	s12 =	simm.s32 $0x4;
	s3 =	simm.s32 $0x0;
	[dreg:$0x1c] =	wrdreg s0  }
.LBB2_1:
0x29: {  	[dreg:$0x1d] =	wrdreg s3;
	s0 =	simm.s32 $0x0;
	s3 =	simm.s32 $0x200  }
.LBB2_2:
0x2a: {  	p0 =	sne.s32 s3, $0xFE00;
	[tilespmem:s0+$0x15070] =	vst v0  }
0x2b: {  	[tilespmem:s0+$0x15000] =	vst v0  }
0x2c: {  	[tilespmem:s0+$0x15010] =	vst v0  }
.Ltmp0:
0x2d: {  	[tilespmem:s0+$0x15020] =	vst v0;
	(pc) =	sbr.rel @p0 .LBB2_2-.Ltmp0, $4  }
0x2e: {  	[tilespmem:s0+$0x15030] =	vst v0  }
0x2f: {  	[tilespmem:s0+$0x15040] =	vst v0  }
0x30: {  	[tilespmem:s0+$0x15050] =	vst v0  }
0x31: {  	[tilespmem:s0+$0x15060] =	vst v0;
	s0 =	sshra.s32 s3, $0x2;
	s3 =	sadd.s32 $0x200, s3  }
0x32: {  	[tilespmem:s0+$0x15070] =	vst v0  }
0x33: {  	[tilespmem:s0+$0x15000] =	vst v0  }
0x34: {  	[tilespmem:s0+$0x15010] =	vst v0  }
0x35: {  	[tilespmem:s0+$0x15020] =	vst v0  }
0x36: {  	[tilespmem:s0+$0x15030] =	vst v0  }
0x37: {  	[tilespmem:s0+$0x15040] =	vst v0  }
0x38: {  	[tilespmem:s0+$0x15050] =	vst v0  }
0x39: {  	[tilespmem:s0+$0x15060] =	vst v0  }
0x3a: {  	[spmem:s15] =	stream.linear.scatter [tilespmem:s22], [sflag:$0xB], $0x4000, $0x38;
	[tilespmem:$0x1D000] =	vst v63  }
0x3b: {  	_ =	swait.ge [sflag:s4], $0x4000  }
0x3c: {  	[sflag:s4] =	ssyncset.done $0x0  }
0x3d: {  	[sflag:s4] =	ssyncadd.s32 $0xFFFFC000  }
0x3e: {  	[spmem:s23] =	stream.linear.scatter [tilespmem:s22], [sflag:$0xB], $0x4000, $0x38;
	[tilespmem:$0x1D000] =	vst v63  }
0x3f: {  	_ =	swait.ge [sflag:s4], $0x4000  }
0x40: {  	[sflag:s4] =	ssyncset.done $0x0  }
0x41: {  	[sflag:s4] =	ssyncadd.s32 $0xFFFFC000  }
0x42: {  	[spmem:s25] =	stream.linear.scatter [tilespmem:s22], [sflag:$0xB], $0x4000, $0x38;
	[tilespmem:$0x1D000] =	vst v63  }
0x43: {  	_ =	swait.ge [sflag:s4], $0x4000  }
0x44: {  	[sflag:s4] =	ssyncset.done $0x0  }
0x45: {  	[sflag:s4] =	ssyncadd.s32 $0xFFFFC000  }
0x46: {  	[spmem:s28] =	stream.linear.scatter [tilespmem:s22], [sflag:$0xB], $0x4000, $0x38;
	[tilespmem:$0x1D000] =	vst v63  }
0x47: {  	_ =	swait.ge [sflag:s4], $0x4000  }
0x48: {  	[sflag:s4] =	ssyncset.done $0x0  }
0x49: {  	[sflag:s4] =	ssyncadd.s32 $0xFFFFC000  }
0x4a: {  	[spmem:s30] =	stream.linear.scatter [tilespmem:s22], [sflag:$0xB], $0x4000, $0x38;
	[tilespmem:$0x1D000] =	vst v63  }
0x4b: {  	_ =	swait.ge [sflag:s4], $0x4000  }
0x4c: {  	[sflag:s4] =	ssyncset.done $0x0  }
0x4d: {  	[sflag:s4] =	ssyncadd.s32 $0xFFFFC000  }
0x4e: {  	[bflag:$0x0] =	sbarrier.arrive $0xFFFF  }
0x4f: {  	s0 =	simm.s32 $0x0;
	s5 =	simm.s32 $0x14000;
	s3 =	rddreg [dreg:$0x12]  }
0x50: {  	[tilespmem:s5], [sflag:$0xB] =	stream.linear.gather [hbm4b:s3+s0], $0x400, $0x38;
	[tilespmem:$0x1D000] =	vst v63  }
0x51: {  	_ =	swait.ge [sflag:s4], $0x400  }
0x52: {  	[sflag:s4] =	ssyncset.done $0x0  }
0x53: {  	s19 =	simm.s32 $0x14800;
	[sflag:s4] =	ssyncadd.s32 $0xFFFFFC00  }
0x54: {  	[tilespmem:s19], [sflag:$0xB] =	stream.linear.gather [hbm4b:s20+s0], $0x400, $0x38;
	[tilespmem:$0x1D000] =	vst v63  }
0x55: {  	_ =	swait.ge [sflag:s4], $0x400  }
0x56: {  	[sflag:s4] =	ssyncset.done $0x0  }
0x57: {  	[sflag:s4] =	ssyncadd.s32 $0xFFFFFC00  }
0x58: {  	[tilespmem:s22], [sflag:$0x1] =	stream.indirect.gather [hbm4b:s1+s31], $0x80, s5, s31, $0xb8;
	[tilespmem:$0x1D000] =	vst v63  }
0x59: {  	s5 =	simm.s32 $0x14020  }
0x5a: {  	[tilespmem:s21], [sflag:$0x2] =	stream.indirect.gather [hbm4b:s1+s31], $0x80, s5, s31, $0xb8;
	[tilespmem:$0x1D000] =	vst v63  }
0x5b: {  	s7 =	simm.s32 $0x14040  }
0x5c: {  	[tilespmem:s8], [sflag:$0x3] =	stream.indirect.gather [hbm4b:s1+s31], $0x80, s7, s31, $0xb8;
	[tilespmem:$0x1D000] =	vst v63  }
0x5d: {  	s15 =	simm.s32 $0x14060  }
0x5e: {  	[tilespmem:s9], [sflag:$0x4] =	stream.indirect.gather [hbm4b:s1+s31], $0x80, s15, s31, $0xb8;
	[tilespmem:$0x1D000] =	vst v63  }
0x5f: {  	s20 =	simm.s32 $0x14080;
	s7 =	simm.s32 $0x19000  }
0x60: {  	[tilespmem:s7], [sflag:$0x5] =	stream.indirect.gather [hbm4b:s1+s31], $0x80, s20, s31, $0xb8;
	[tilespmem:$0x1D000] =	vst v63  }
0x61: {  	s23 =	simm.s32 $0x140A0  }
0x62: {  	[tilespmem:s6], [sflag:$0x6] =	stream.indirect.gather [hbm4b:s1+s31], $0x80, s23, s31, $0xb8;
	[tilespmem:$0x1D000] =	vst v63  }
0x63: {  	s25 =	simm.s32 $0x140C0;
	s20 =	simm.s32 $0x1B000  }
0x64: {  	[tilespmem:s20], [sflag:$0x7] =	stream.indirect.gather [hbm4b:s1+s31], $0x80, s25, s31, $0xb8;
	[tilespmem:$0x1D000] =	vst v63  }
0x65: {  	s28 =	simm.s32 $0x140E0;
	s3 =	simm.s32 $0x1;
	s25 =	simm.s32 $0x1C000  }
0x66: {  	[tilespmem:s25], [sflag:$0x8] =	stream.indirect.gather [hbm4b:s1+s31], $0x80, s28, s31, $0xb8;
	[tilespmem:$0x1D000] =	vst v63  }
0x67: {  	_ =	swait.ge [sflag:s3], $0x1000  }
0x68: {  	[sflag:s3] =	ssyncset.done $0x0  }
0x69: {  	[sflag:s3] =	ssyncadd.s32 $0xFFFFF000  }
0x6a: {  	_ =	swait.ge [sflag:s10], $0x1000  }
0x6b: {  	[sflag:s10] =	ssyncset.done $0x0  }
0x6c: {  	[sflag:s10] =	ssyncadd.s32 $0xFFFFF000  }
0x6d: {  	_ =	swait.ge [sflag:s11], $0x1000  }
0x6e: {  	[sflag:s11] =	ssyncset.done $0x0  }
0x6f: {  	[sflag:s11] =	ssyncadd.s32 $0xFFFFF000  }
0x70: {  	_ =	swait.ge [sflag:s12], $0x1000  }
0x71: {  	[sflag:s12] =	ssyncset.done $0x0  }
0x72: {  	s23 =	simm.s32 $0x9;
	[sflag:s12] =	ssyncadd.s32 $0xFFFFF000  }
0x73: {  	[spmem:s2] =	stream.indirect.scatter.add.f32 [tilespmem:s22], [sflag:$0x9], $0x80, s19, s13, $0xb8;
	[tilespmem:$0x1D000] =	vst v63  }
0x74: {  	_ =	swait.ge [sflag:s23], $0x4000  }
0x75: {  	[sflag:s23] =	ssyncset.done $0x0  }
0x76: {  	s30 =	simm.s32 $0x14100;
	[sflag:s23] =	ssyncadd.s32 $0xFFFFC000  }
0x77: {  	[tilespmem:s22], [sflag:$0x1] =	stream.indirect.gather [hbm4b:s1+s31], $0x80, s30, s31, $0xb8;
	[tilespmem:$0x1D000] =	vst v63  }
0x78: {  	s15 =	simm.s32 $0x14120  }
0x79: {  	[tilespmem:s21], [sflag:$0x2] =	stream.indirect.gather [hbm4b:s1+s31], $0x80, s15, s31, $0xb8;
	[tilespmem:$0x1D000] =	vst v63  }
0x7a: {  	s19 =	simm.s32 $0x14140  }
0x7b: {  	[tilespmem:s8], [sflag:$0x3] =	stream.indirect.gather [hbm4b:s1+s31], $0x80, s19, s31, $0xb8;
	[tilespmem:$0x1D000] =	vst v63  }
0x7c: {  	s28 =	simm.s32 $0x14160;
	s15 =	simm.s32 $0x5  }
0x7d: {  	[tilespmem:s9], [sflag:$0x4] =	stream.indirect.gather [hbm4b:s1+s31], $0x80, s28, s31, $0xb8;
	[tilespmem:$0x1D000] =	vst v63  }
0x7e: {  	_ =	swait.ge [sflag:s15], $0x1000  }
0x7f: {  	[sflag:s15] =	ssyncset.done $0x0  }
0x80: {  	[sflag:s15] =	ssyncadd.s32 $0xFFFFF000  }
0x81: {  	_ =	swait.ge [sflag:s17], $0x1000  }
0x82: {  	[sflag:s17] =	ssyncset.done $0x0  }
0x83: {  	[sflag:s17] =	ssyncadd.s32 $0xFFFFF000  }
0x84: {  	_ =	swait.ge [sflag:s24], $0x1000  }
0x85: {  	[sflag:s24] =	ssyncset.done $0x0  }
0x86: {  	[sflag:s24] =	ssyncadd.s32 $0xFFFFF000  }
0x87: {  	_ =	swait.ge [sflag:s16], $0x1000  }
0x88: {  	[sflag:s16] =	ssyncset.done $0x0  }
0x89: {  	s30 =	simm.s32 $0x14880;
	[sflag:s16] =	ssyncadd.s32 $0xFFFFF000  }
0x8a: {  	[spmem:s2] =	stream.indirect.scatter.add.f32 [tilespmem:s7], [sflag:$0xA], $0x80, s30, s13, $0xb8;
	[tilespmem:$0x1D000] =	vst v63  }
0x8b: {  	_ =	swait.ge [sflag:s14], $0x4000  }
0x8c: {  	[sflag:s14] =	ssyncset.done $0x0  }
0x8d: {  	s19 =	simm.s32 $0x14180;
	[sflag:s14] =	ssyncadd.s32 $0xFFFFC000  }
0x8e: {  	[tilespmem:s7], [sflag:$0x5] =	stream.indirect.gather [hbm4b:s1+s31], $0x80, s19, s31, $0xb8;
	[tilespmem:$0x1D000] =	vst v63  }
0x8f: {  	s28 =	simm.s32 $0x141A0  }
0x90: {  	[tilespmem:s6], [sflag:$0x6] =	stream.indirect.gather [hbm4b:s1+s31], $0x80, s28, s31, $0xb8;
	[tilespmem:$0x1D000] =	vst v63  }
0x91: {  	s30 =	simm.s32 $0x141C0  }
0x92: {  	[tilespmem:s20], [sflag:$0x7] =	stream.indirect.gather [hbm4b:s1+s31], $0x80, s30, s31, $0xb8;
	[tilespmem:$0x1D000] =	vst v63  }
0x93: {  	s19 =	simm.s32 $0x141E0  }
0x94: {  	[tilespmem:s25], [sflag:$0x8] =	stream.indirect.gather [hbm4b:s1+s31], $0x80, s19, s31, $0xb8;
	[tilespmem:$0x1D000] =	vst v63  }
0x95: {  	_ =	swait.ge [sflag:s3], $0x1000  }
0x96: {  	[sflag:s3] =	ssyncset.done $0x0  }
0x97: {  	[sflag:s3] =	ssyncadd.s32 $0xFFFFF000  }
0x98: {  	_ =	swait.ge [sflag:s10], $0x1000  }
0x99: {  	[sflag:s10] =	ssyncset.done $0x0  }
0x9a: {  	[sflag:s10] =	ssyncadd.s32 $0xFFFFF000  }
0x9b: {  	_ =	swait.ge [sflag:s11], $0x1000  }
0x9c: {  	[sflag:s11] =	ssyncset.done $0x0  }
0x9d: {  	[sflag:s11] =	ssyncadd.s32 $0xFFFFF000  }
0x9e: {  	_ =	swait.ge [sflag:s12], $0x1000  }
0x9f: {  	[sflag:s12] =	ssyncset.done $0x0  }
0xa0: {  	s28 =	simm.s32 $0x14900;
	[sflag:s12] =	ssyncadd.s32 $0xFFFFF000  }
0xa1: {  	[spmem:s2] =	stream.indirect.scatter.add.f32 [tilespmem:s22], [sflag:$0x9], $0x80, s28, s13, $0xb8;
	[tilespmem:$0x1D000] =	vst v63  }
0xa2: {  	_ =	swait.ge [sflag:s23], $0x4000  }
0xa3: {  	[sflag:s23] =	ssyncset.done $0x0  }
0xa4: {  	s30 =	simm.s32 $0x14200;
	[sflag:s23] =	ssyncadd.s32 $0xFFFFC000  }
0xa5: {  	[tilespmem:s22], [sflag:$0x1] =	stream.indirect.gather [hbm4b:s1+s31], $0x80, s30, s31, $0xb8;
	[tilespmem:$0x1D000] =	vst v63  }
0xa6: {  	s19 =	simm.s32 $0x14220  }
0xa7: {  	[tilespmem:s21], [sflag:$0x2] =	stream.indirect.gather [hbm4b:s1+s31], $0x80, s19, s31, $0xb8;
	[tilespmem:$0x1D000] =	vst v63  }
0xa8: {  	s28 =	simm.s32 $0x14240  }
0xa9: {  	[tilespmem:s8], [sflag:$0x3] =	stream.indirect.gather [hbm4b:s1+s31], $0x80, s28, s31, $0xb8;
	[tilespmem:$0x1D000] =	vst v63  }
0xaa: {  	s30 =	simm.s32 $0x14260  }
0xab: {  	[tilespmem:s9], [sflag:$0x4] =	stream.indirect.gather [hbm4b:s1+s31], $0x80, s30, s31, $0xb8;
	[tilespmem:$0x1D000] =	vst v63  }
0xac: {  	_ =	swait.ge [sflag:s15], $0x1000  }
0xad: {  	[sflag:s15] =	ssyncset.done $0x0  }
0xae: {  	[sflag:s15] =	ssyncadd.s32 $0xFFFFF000  }
0xaf: {  	_ =	swait.ge [sflag:s17], $0x1000  }
0xb0: {  	[sflag:s17] =	ssyncset.done $0x0  }
0xb1: {  	[sflag:s17] =	ssyncadd.s32 $0xFFFFF000  }
0xb2: {  	_ =	swait.ge [sflag:s24], $0x1000  }
0xb3: {  	[sflag:s24] =	ssyncset.done $0x0  }
0xb4: {  	[sflag:s24] =	ssyncadd.s32 $0xFFFFF000  }
0xb5: {  	_ =	swait.ge [sflag:s16], $0x1000  }
0xb6: {  	[sflag:s16] =	ssyncset.done $0x0  }
0xb7: {  	s19 =	simm.s32 $0x14980;
	[sflag:s16] =	ssyncadd.s32 $0xFFFFF000  }
0xb8: {  	[spmem:s2] =	stream.indirect.scatter.add.f32 [tilespmem:s7], [sflag:$0xA], $0x80, s19, s13, $0xb8;
	[tilespmem:$0x1D000] =	vst v63  }
0xb9: {  	_ =	swait.ge [sflag:s14], $0x4000  }
0xba: {  	[sflag:s14] =	ssyncset.done $0x0  }
0xbb: {  	s28 =	simm.s32 $0x14280;
	[sflag:s14] =	ssyncadd.s32 $0xFFFFC000  }
0xbc: {  	[tilespmem:s7], [sflag:$0x5] =	stream.indirect.gather [hbm4b:s1+s31], $0x80, s28, s31, $0xb8;
	[tilespmem:$0x1D000] =	vst v63  }
0xbd: {  	s30 =	simm.s32 $0x142A0  }
0xbe: {  	[tilespmem:s6], [sflag:$0x6] =	stream.indirect.gather [hbm4b:s1+s31], $0x80, s30, s31, $0xb8;
	[tilespmem:$0x1D000] =	vst v63  }
0xbf: {  	s19 =	simm.s32 $0x142C0  }
0xc0: {  	[tilespmem:s20], [sflag:$0x7] =	stream.indirect.gather [hbm4b:s1+s31], $0x80, s19, s31, $0xb8;
	[tilespmem:$0x1D000] =	vst v63  }
0xc1: {  	s28 =	simm.s32 $0x142E0  }
0xc2: {  	[tilespmem:s25], [sflag:$0x8] =	stream.indirect.gather [hbm4b:s1+s31], $0x80, s28, s31, $0xb8;
	[tilespmem:$0x1D000] =	vst v63  }
0xc3: {  	_ =	swait.ge [sflag:s3], $0x1000  }
0xc4: {  	[sflag:s3] =	ssyncset.done $0x0  }
0xc5: {  	[sflag:s3] =	ssyncadd.s32 $0xFFFFF000  }
0xc6: {  	_ =	swait.ge [sflag:s10], $0x1000  }
0xc7: {  	[sflag:s10] =	ssyncset.done $0x0  }
0xc8: {  	[sflag:s10] =	ssyncadd.s32 $0xFFFFF000  }
0xc9: {  	_ =	swait.ge [sflag:s11], $0x1000  }
0xca: {  	[sflag:s11] =	ssyncset.done $0x0  }
0xcb: {  	[sflag:s11] =	ssyncadd.s32 $0xFFFFF000  }
0xcc: {  	_ =	swait.ge [sflag:s12], $0x1000  }
0xcd: {  	[sflag:s12] =	ssyncset.done $0x0  }
0xce: {  	s30 =	simm.s32 $0x14A00;
	[sflag:s12] =	ssyncadd.s32 $0xFFFFF000  }
0xcf: {  	[spmem:s2] =	stream.indirect.scatter.add.f32 [tilespmem:s22], [sflag:$0x9], $0x80, s30, s13, $0xb8;
	[tilespmem:$0x1D000] =	vst v63  }
0xd0: {  	_ =	swait.ge [sflag:s23], $0x4000  }
0xd1: {  	[sflag:s23] =	ssyncset.done $0x0  }
0xd2: {  	s19 =	simm.s32 $0x14300;
	[sflag:s23] =	ssyncadd.s32 $0xFFFFC000  }
0xd3: {  	[tilespmem:s22], [sflag:$0x1] =	stream.indirect.gather [hbm4b:s1+s31], $0x80, s19, s31, $0xb8;
	[tilespmem:$0x1D000] =	vst v63  }
0xd4: {  	s28 =	simm.s32 $0x14320  }
0xd5: {  	[tilespmem:s21], [sflag:$0x2] =	stream.indirect.gather [hbm4b:s1+s31], $0x80, s28, s31, $0xb8;
	[tilespmem:$0x1D000] =	vst v63  }
0xd6: {  	s30 =	simm.s32 $0x14340  }
0xd7: {  	[tilespmem:s8], [sflag:$0x3] =	stream.indirect.gather [hbm4b:s1+s31], $0x80, s30, s31, $0xb8;
	[tilespmem:$0x1D000] =	vst v63  }
0xd8: {  	s19 =	simm.s32 $0x14360  }
0xd9: {  	[tilespmem:s9], [sflag:$0x4] =	stream.indirect.gather [hbm4b:s1+s31], $0x80, s19, s31, $0xb8;
	[tilespmem:$0x1D000] =	vst v63  }
0xda: {  	_ =	swait.ge [sflag:s15], $0x1000  }
0xdb: {  	[sflag:s15] =	ssyncset.done $0x0  }
0xdc: {  	[sflag:s15] =	ssyncadd.s32 $0xFFFFF000  }
0xdd: {  	_ =	swait.ge [sflag:s17], $0x1000  }
0xde: {  	[sflag:s17] =	ssyncset.done $0x0  }
0xdf: {  	[sflag:s17] =	ssyncadd.s32 $0xFFFFF000  }
0xe0: {  	_ =	swait.ge [sflag:s24], $0x1000  }
0xe1: {  	[sflag:s24] =	ssyncset.done $0x0  }
0xe2: {  	[sflag:s24] =	ssyncadd.s32 $0xFFFFF000  }
0xe3: {  	_ =	swait.ge [sflag:s16], $0x1000  }
0xe4: {  	[sflag:s16] =	ssyncset.done $0x0  }
0xe5: {  	s28 =	simm.s32 $0x14A80;
	[sflag:s16] =	ssyncadd.s32 $0xFFFFF000  }
0xe6: {  	[spmem:s2] =	stream.indirect.scatter.add.f32 [tilespmem:s7], [sflag:$0xA], $0x80, s28, s13, $0xb8;
	[tilespmem:$0x1D000] =	vst v63  }
0xe7: {  	_ =	swait.ge [sflag:s14], $0x4000  }
0xe8: {  	[sflag:s14] =	ssyncset.done $0x0  }
0xe9: {  	s30 =	simm.s32 $0x14380;
	[sflag:s14] =	ssyncadd.s32 $0xFFFFC000  }
0xea: {  	[tilespmem:s7], [sflag:$0x5] =	stream.indirect.gather [hbm4b:s1+s31], $0x80, s30, s31, $0xb8;
	[tilespmem:$0x1D000] =	vst v63  }
0xeb: {  	s19 =	simm.s32 $0x143A0  }
0xec: {  	[tilespmem:s6], [sflag:$0x6] =	stream.indirect.gather [hbm4b:s1+s31], $0x80, s19, s31, $0xb8;
	[tilespmem:$0x1D000] =	vst v63  }
0xed: {  	s28 =	simm.s32 $0x143C0  }
0xee: {  	[tilespmem:s20], [sflag:$0x7] =	stream.indirect.gather [hbm4b:s1+s31], $0x80, s28, s31, $0xb8;
	[tilespmem:$0x1D000] =	vst v63  }
0xef: {  	s30 =	simm.s32 $0x143E0  }
0xf0: {  	[tilespmem:s25], [sflag:$0x8] =	stream.indirect.gather [hbm4b:s1+s31], $0x80, s30, s31, $0xb8;
	[tilespmem:$0x1D000] =	vst v63  }
0xf1: {  	_ =	swait.ge [sflag:s3], $0x1000  }
0xf2: {  	[sflag:s3] =	ssyncset.done $0x0  }
0xf3: {  	[sflag:s3] =	ssyncadd.s32 $0xFFFFF000  }
0xf4: {  	_ =	swait.ge [sflag:s10], $0x1000  }
0xf5: {  	[sflag:s10] =	ssyncset.done $0x0  }
0xf6: {  	[sflag:s10] =	ssyncadd.s32 $0xFFFFF000  }
0xf7: {  	_ =	swait.ge [sflag:s11], $0x1000  }
0xf8: {  	[sflag:s11] =	ssyncset.done $0x0  }
0xf9: {  	[sflag:s11] =	ssyncadd.s32 $0xFFFFF000  }
0xfa: {  	_ =	swait.ge [sflag:s12], $0x1000  }
0xfb: {  	[sflag:s12] =	ssyncset.done $0x0  }
0xfc: {  	s5 =	simm.s32 $0x14B00;
	[sflag:s12] =	ssyncadd.s32 $0xFFFFF000  }
0xfd: {  	[spmem:s2] =	stream.indirect.scatter.add.f32 [tilespmem:s22], [sflag:$0x9], $0x80, s5, s13, $0xb8;
	[tilespmem:$0x1D000] =	vst v63  }
0xfe: {  	_ =	swait.ge [sflag:s23], $0x4000  }
0xff: {  	[sflag:s23] =	ssyncset.done $0x0  }
0x100: {  	s5 =	simm.s32 $0x14400;
	s19 =	rddreg [dreg:$0x14];
	[sflag:s23] =	ssyncadd.s32 $0xFFFFC000  }
0x101: {  	[tilespmem:s5], [sflag:$0xB] =	stream.linear.gather [hbm4b:s19+s0], $0x400, $0x38;
	[tilespmem:$0x1D000] =	vst v63  }
0x102: {  	_ =	swait.ge [sflag:s4], $0x400  }
0x103: {  	[sflag:s4] =	ssyncset.done $0x0  }
0x104: {  	s30 =	simm.s32 $0x14C00;
	s28 =	rddreg [dreg:$0x15];
	[sflag:s4] =	ssyncadd.s32 $0xFFFFFC00  }
0x105: {  	[tilespmem:s30], [sflag:$0xB] =	stream.linear.gather [hbm4b:s28+s0], $0x400, $0x38;
	[tilespmem:$0x1D000] =	vst v63  }
0x106: {  	_ =	swait.ge [sflag:s4], $0x400  }
0x107: {  	[sflag:s4] =	ssyncset.done $0x0  }
0x108: {  	[sflag:s4] =	ssyncadd.s32 $0xFFFFFC00  }
0x109: {  	[tilespmem:s22], [sflag:$0x1] =	stream.indirect.gather [hbm4b:s1+s31], $0x80, s5, s31, $0xb8;
	[tilespmem:$0x1D000] =	vst v63  }
0x10a: {  	s3 =	simm.s32 $0x14420  }
0x10b: {  	[tilespmem:s21], [sflag:$0x2] =	stream.indirect.gather [hbm4b:s1+s31], $0x80, s3, s31, $0xb8;
	[tilespmem:$0x1D000] =	vst v63  }
0x10c: {  	s4 =	simm.s32 $0x14440  }
0x10d: {  	[tilespmem:s8], [sflag:$0x3] =	stream.indirect.gather [hbm4b:s1+s31], $0x80, s4, s31, $0xb8;
	[tilespmem:$0x1D000] =	vst v63  }
0x10e: {  	s5 =	simm.s32 $0x14460  }
0x10f: {  	[tilespmem:s9], [sflag:$0x4] =	stream.indirect.gather [hbm4b:s1+s31], $0x80, s5, s31, $0xb8;
	[tilespmem:$0x1D000] =	vst v63  }
0x110: {  	_ =	swait.ge [sflag:s15], $0x1000  }
0x111: {  	[sflag:s15] =	ssyncset.done $0x0  }
0x112: {  	[sflag:s15] =	ssyncadd.s32 $0xFFFFF000  }
0x113: {  	_ =	swait.ge [sflag:s17], $0x1000  }
0x114: {  	[sflag:s17] =	ssyncset.done $0x0  }
0x115: {  	[sflag:s17] =	ssyncadd.s32 $0xFFFFF000  }
0x116: {  	_ =	swait.ge [sflag:s24], $0x1000  }
0x117: {  	[sflag:s24] =	ssyncset.done $0x0  }
0x118: {  	[sflag:s24] =	ssyncadd.s32 $0xFFFFF000  }
0x119: {  	_ =	swait.ge [sflag:s16], $0x1000  }
0x11a: {  	[sflag:s16] =	ssyncset.done $0x0  }
0x11b: {  	s19 =	simm.s32 $0x14B80;
	[sflag:s16] =	ssyncadd.s32 $0xFFFFF000  }
0x11c: {  	[spmem:s2] =	stream.indirect.scatter.add.f32 [tilespmem:s7], [sflag:$0xA], $0x80, s19, s13, $0xb8;
	[tilespmem:$0x1D000] =	vst v63  }
0x11d: {  	s28 =	simm.s32 $0x400;
	_ =	swait.ge [sflag:s14], $0x4000  }
0x11e: {  	s0 =	sand.u32 $0x400, s28;
	[sflag:s14] =	ssyncset.done $0x0  }
0x11f: {  	s30 =	sor.u32 $0x14080, s0;
	[sflag:s14] =	ssyncadd.s32 $0xFFFFC000  }
0x120: {  	[tilespmem:s7], [sflag:$0x5] =	stream.indirect.gather [hbm4b:s1+s31], $0x80, s30, s31, $0xb8;
	[tilespmem:$0x1D000] =	vst v63  }
0x121: {  	s4 =	sor.u32 $0x140A0, s0  }
0x122: {  	[tilespmem:s6], [sflag:$0x6] =	stream.indirect.gather [hbm4b:s1+s31], $0x80, s4, s31, $0xb8;
	[tilespmem:$0x1D000] =	vst v63  }
0x123: {  	s5 =	sor.u32 $0x140C0, s0  }
0x124: {  	[tilespmem:s20], [sflag:$0x7] =	stream.indirect.gather [hbm4b:s1+s31], $0x80, s5, s31, $0xb8;
	[tilespmem:$0x1D000] =	vst v63  }
0x125: {  	s19 =	sor.u32 $0x140E0, s0  }
0x126: {  	[tilespmem:s25], [sflag:$0x8] =	stream.indirect.gather [hbm4b:s1+s31], $0x80, s19, s31, $0xb8;
	[tilespmem:$0x1D000] =	vst v63  }
0x127: {  	_ =	swait.ge [sflag:s18], $0x1000  }
0x128: {  	[sflag:s18] =	ssyncset.done $0x0  }
0x129: {  	[sflag:s18] =	ssyncadd.s32 $0xFFFFF000  }
0x12a: {  	_ =	swait.ge [sflag:s10], $0x1000  }
0x12b: {  	[sflag:s10] =	ssyncset.done $0x0  }
0x12c: {  	[sflag:s10] =	ssyncadd.s32 $0xFFFFF000  }
0x12d: {  	_ =	swait.ge [sflag:s11], $0x1000  }
0x12e: {  	[sflag:s11] =	ssyncset.done $0x0  }
0x12f: {  	[sflag:s11] =	ssyncadd.s32 $0xFFFFF000  }
0x130: {  	_ =	swait.ge [sflag:s12], $0x1000  }
0x131: {  	[sflag:s12] =	ssyncset.done $0x0  }
0x132: {  	s28 =	sor.u32 $0x14800, s0;
	[sflag:s12] =	ssyncadd.s32 $0xFFFFF000  }
0x133: {  	[spmem:s2] =	stream.indirect.scatter.add.f32 [tilespmem:s22], [sflag:$0x9], $0x80, s28, s13, $0xb8;
	[tilespmem:$0x1D000] =	vst v63  }
0x134: {  	_ =	swait.ge [sflag:s23], $0x4000  }
0x135: {  	[sflag:s23] =	ssyncset.done $0x0  }
0x136: {  	s30 =	sor.u32 $0x14100, s0;
	[sflag:s23] =	ssyncadd.s32 $0xFFFFC000  }
0x137: {  	[tilespmem:s22], [sflag:$0x1] =	stream.indirect.gather [hbm4b:s1+s31], $0x80, s30, s31, $0xb8;
	[tilespmem:$0x1D000] =	vst v63  }
0x138: {  	s4 =	sor.u32 $0x14120, s0  }
0x139: {  	[tilespmem:s21], [sflag:$0x2] =	stream.indirect.gather [hbm4b:s1+s31], $0x80, s4, s31, $0xb8;
	[tilespmem:$0x1D000] =	vst v63  }
0x13a: {  	s5 =	sor.u32 $0x14140, s0  }
0x13b: {  	[tilespmem:s8], [sflag:$0x3] =	stream.indirect.gather [hbm4b:s1+s31], $0x80, s5, s31, $0xb8;
	[tilespmem:$0x1D000] =	vst v63  }
0x13c: {  	s19 =	sor.u32 $0x14160, s0  }
0x13d: {  	[tilespmem:s9], [sflag:$0x4] =	stream.indirect.gather [hbm4b:s1+s31], $0x80, s19, s31, $0xb8;
	[tilespmem:$0x1D000] =	vst v63  }
0x13e: {  	_ =	swait.ge [sflag:s15], $0x1000  }
0x13f: {  	[sflag:s15] =	ssyncset.done $0x0  }
0x140: {  	[sflag:s15] =	ssyncadd.s32 $0xFFFFF000  }
0x141: {  	_ =	swait.ge [sflag:s17], $0x1000  }
0x142: {  	[sflag:s17] =	ssyncset.done $0x0  }
0x143: {  	[sflag:s17] =	ssyncadd.s32 $0xFFFFF000  }
0x144: {  	_ =	swait.ge [sflag:s24], $0x1000  }
0x145: {  	[sflag:s24] =	ssyncset.done $0x0  }
0x146: {  	[sflag:s24] =	ssyncadd.s32 $0xFFFFF000  }
0x147: {  	_ =	swait.ge [sflag:s16], $0x1000  }
0x148: {  	[sflag:s16] =	ssyncset.done $0x0  }
0x149: {  	s28 =	sor.u32 $0x14880, s0;
	[sflag:s16] =	ssyncadd.s32 $0xFFFFF000  }
0x14a: {  	[spmem:s2] =	stream.indirect.scatter.add.f32 [tilespmem:s7], [sflag:$0xA], $0x80, s28, s13, $0xb8;
	[tilespmem:$0x1D000] =	vst v63  }
0x14b: {  	_ =	swait.ge [sflag:s14], $0x4000  }
0x14c: {  	[sflag:s14] =	ssyncset.done $0x0  }
0x14d: {  	s30 =	sor.u32 $0x14180, s0;
	[sflag:s14] =	ssyncadd.s32 $0xFFFFC000  }
0x14e: {  	[tilespmem:s7], [sflag:$0x5] =	stream.indirect.gather [hbm4b:s1+s31], $0x80, s30, s31, $0xb8;
	[tilespmem:$0x1D000] =	vst v63  }
0x14f: {  	s4 =	sor.u32 $0x141A0, s0  }
0x150: {  	[tilespmem:s6], [sflag:$0x6] =	stream.indirect.gather [hbm4b:s1+s31], $0x80, s4, s31, $0xb8;
	[tilespmem:$0x1D000] =	vst v63  }
0x151: {  	s5 =	sor.u32 $0x141C0, s0  }
0x152: {  	[tilespmem:s20], [sflag:$0x7] =	stream.indirect.gather [hbm4b:s1+s31], $0x80, s5, s31, $0xb8;
	[tilespmem:$0x1D000] =	vst v63  }
0x153: {  	s19 =	sor.u32 $0x141E0, s0  }
0x154: {  	[tilespmem:s25], [sflag:$0x8] =	stream.indirect.gather [hbm4b:s1+s31], $0x80, s19, s31, $0xb8;
	[tilespmem:$0x1D000] =	vst v63  }
0x155: {  	_ =	swait.ge [sflag:s18], $0x1000  }
0x156: {  	[sflag:s18] =	ssyncset.done $0x0  }
0x157: {  	[sflag:s18] =	ssyncadd.s32 $0xFFFFF000  }
0x158: {  	_ =	swait.ge [sflag:s10], $0x1000  }
0x159: {  	[sflag:s10] =	ssyncset.done $0x0  }
0x15a: {  	[sflag:s10] =	ssyncadd.s32 $0xFFFFF000  }
0x15b: {  	_ =	swait.ge [sflag:s11], $0x1000  }
0x15c: {  	[sflag:s11] =	ssyncset.done $0x0  }
0x15d: {  	[sflag:s11] =	ssyncadd.s32 $0xFFFFF000  }
0x15e: {  	_ =	swait.ge [sflag:s12], $0x1000  }
0x15f: {  	[sflag:s12] =	ssyncset.done $0x0  }
0x160: {  	s28 =	sor.u32 $0x14900, s0;
	[sflag:s12] =	ssyncadd.s32 $0xFFFFF000  }
0x161: {  	[spmem:s2] =	stream.indirect.scatter.add.f32 [tilespmem:s22], [sflag:$0x9], $0x80, s28, s13, $0xb8;
	[tilespmem:$0x1D000] =	vst v63  }
0x162: {  	_ =	swait.ge [sflag:s23], $0x4000  }
0x163: {  	[sflag:s23] =	ssyncset.done $0x0  }
0x164: {  	s30 =	sor.u32 $0x14200, s0;
	[sflag:s23] =	ssyncadd.s32 $0xFFFFC000  }
0x165: {  	[tilespmem:s22], [sflag:$0x1] =	stream.indirect.gather [hbm4b:s1+s31], $0x80, s30, s31, $0xb8;
	[tilespmem:$0x1D000] =	vst v63  }
0x166: {  	s4 =	sor.u32 $0x14220, s0  }
0x167: {  	[tilespmem:s21], [sflag:$0x2] =	stream.indirect.gather [hbm4b:s1+s31], $0x80, s4, s31, $0xb8;
	[tilespmem:$0x1D000] =	vst v63  }
0x168: {  	s5 =	sor.u32 $0x14240, s0  }
0x169: {  	[tilespmem:s8], [sflag:$0x3] =	stream.indirect.gather [hbm4b:s1+s31], $0x80, s5, s31, $0xb8;
	[tilespmem:$0x1D000] =	vst v63  }
0x16a: {  	s19 =	sor.u32 $0x14260, s0  }
0x16b: {  	[tilespmem:s9], [sflag:$0x4] =	stream.indirect.gather [hbm4b:s1+s31], $0x80, s19, s31, $0xb8;
	[tilespmem:$0x1D000] =	vst v63  }
0x16c: {  	_ =	swait.ge [sflag:s15], $0x1000  }
0x16d: {  	[sflag:s15] =	ssyncset.done $0x0  }
0x16e: {  	[sflag:s15] =	ssyncadd.s32 $0xFFFFF000  }
0x16f: {  	_ =	swait.ge [sflag:s17], $0x1000  }
0x170: {  	[sflag:s17] =	ssyncset.done $0x0  }
0x171: {  	[sflag:s17] =	ssyncadd.s32 $0xFFFFF000  }
0x172: {  	_ =	swait.ge [sflag:s24], $0x1000  }
0x173: {  	[sflag:s24] =	ssyncset.done $0x0  }
0x174: {  	[sflag:s24] =	ssyncadd.s32 $0xFFFFF000  }
0x175: {  	_ =	swait.ge [sflag:s16], $0x1000  }
0x176: {  	[sflag:s16] =	ssyncset.done $0x0  }
0x177: {  	s28 =	sor.u32 $0x14980, s0;
	[sflag:s16] =	ssyncadd.s32 $0xFFFFF000  }
0x178: {  	[spmem:s2] =	stream.indirect.scatter.add.f32 [tilespmem:s7], [sflag:$0xA], $0x80, s28, s13, $0xb8;
	[tilespmem:$0x1D000] =	vst v63  }
0x179: {  	_ =	swait.ge [sflag:s14], $0x4000  }
0x17a: {  	[sflag:s14] =	ssyncset.done $0x0  }
0x17b: {  	s30 =	sor.u32 $0x14280, s0;
	[sflag:s14] =	ssyncadd.s32 $0xFFFFC000  }
0x17c: {  	[tilespmem:s7], [sflag:$0x5] =	stream.indirect.gather [hbm4b:s1+s31], $0x80, s30, s31, $0xb8;
	[tilespmem:$0x1D000] =	vst v63  }
0x17d: {  	s4 =	sor.u32 $0x142A0, s0  }
0x17e: {  	[tilespmem:s6], [sflag:$0x6] =	stream.indirect.gather [hbm4b:s1+s31], $0x80, s4, s31, $0xb8;
	[tilespmem:$0x1D000] =	vst v63  }
0x17f: {  	s5 =	sor.u32 $0x142C0, s0  }
0x180: {  	[tilespmem:s20], [sflag:$0x7] =	stream.indirect.gather [hbm4b:s1+s31], $0x80, s5, s31, $0xb8;
	[tilespmem:$0x1D000] =	vst v63  }
0x181: {  	s19 =	sor.u32 $0x142E0, s0  }
0x182: {  	[tilespmem:s25], [sflag:$0x8] =	stream.indirect.gather [hbm4b:s1+s31], $0x80, s19, s31, $0xb8;
	[tilespmem:$0x1D000] =	vst v63  }
0x183: {  	_ =	swait.ge [sflag:s18], $0x1000  }
0x184: {  	[sflag:s18] =	ssyncset.done $0x0  }
0x185: {  	[sflag:s18] =	ssyncadd.s32 $0xFFFFF000  }
0x186: {  	_ =	swait.ge [sflag:s10], $0x1000  }
0x187: {  	[sflag:s10] =	ssyncset.done $0x0  }
0x188: {  	[sflag:s10] =	ssyncadd.s32 $0xFFFFF000  }
0x189: {  	_ =	swait.ge [sflag:s11], $0x1000  }
0x18a: {  	[sflag:s11] =	ssyncset.done $0x0  }
0x18b: {  	[sflag:s11] =	ssyncadd.s32 $0xFFFFF000  }
0x18c: {  	_ =	swait.ge [sflag:s12], $0x1000  }
0x18d: {  	[sflag:s12] =	ssyncset.done $0x0  }
0x18e: {  	s28 =	sor.u32 $0x14A00, s0;
	[sflag:s12] =	ssyncadd.s32 $0xFFFFF000  }
0x18f: {  	[spmem:s2] =	stream.indirect.scatter.add.f32 [tilespmem:s22], [sflag:$0x9], $0x80, s28, s13, $0xb8;
	[tilespmem:$0x1D000] =	vst v63  }
0x190: {  	_ =	swait.ge [sflag:s23], $0x4000  }
0x191: {  	[sflag:s23] =	ssyncset.done $0x0  }
0x192: {  	s30 =	sor.u32 $0x14300, s0;
	[sflag:s23] =	ssyncadd.s32 $0xFFFFC000  }
0x193: {  	[tilespmem:s22], [sflag:$0x1] =	stream.indirect.gather [hbm4b:s1+s31], $0x80, s30, s31, $0xb8;
	[tilespmem:$0x1D000] =	vst v63  }
0x194: {  	s4 =	sor.u32 $0x14320, s0  }
0x195: {  	[tilespmem:s21], [sflag:$0x2] =	stream.indirect.gather [hbm4b:s1+s31], $0x80, s4, s31, $0xb8;
	[tilespmem:$0x1D000] =	vst v63  }
0x196: {  	s5 =	sor.u32 $0x14340, s0  }
0x197: {  	[tilespmem:s8], [sflag:$0x3] =	stream.indirect.gather [hbm4b:s1+s31], $0x80, s5, s31, $0xb8;
	[tilespmem:$0x1D000] =	vst v63  }
0x198: {  	s8 =	sor.u32 $0x14360, s0  }
0x199: {  	[tilespmem:s9], [sflag:$0x4] =	stream.indirect.gather [hbm4b:s1+s31], $0x80, s8, s31, $0xb8;
	[tilespmem:$0x1D000] =	vst v63  }
0x19a: {  	_ =	swait.ge [sflag:s15], $0x1000  }
0x19b: {  	[sflag:s15] =	ssyncset.done $0x0  }
0x19c: {  	[sflag:s15] =	ssyncadd.s32 $0xFFFFF000  }
0x19d: {  	_ =	swait.ge [sflag:s17], $0x1000  }
0x19e: {  	[sflag:s17] =	ssyncset.done $0x0  }
0x19f: {  	[sflag:s17] =	ssyncadd.s32 $0xFFFFF000  }
0x1a0: {  	_ =	swait.ge [sflag:s24], $0x1000  }
0x1a1: {  	[sflag:s24] =	ssyncset.done $0x0  }
0x1a2: {  	[sflag:s24] =	ssyncadd.s32 $0xFFFFF000  }
0x1a3: {  	_ =	swait.ge [sflag:s16], $0x1000  }
0x1a4: {  	[sflag:s16] =	ssyncset.done $0x0  }
0x1a5: {  	s9 =	sor.u32 $0x14A80, s0;
	[sflag:s16] =	ssyncadd.s32 $0xFFFFF000  }
0x1a6: {  	[spmem:s2] =	stream.indirect.scatter.add.f32 [tilespmem:s7], [sflag:$0xA], $0x80, s9, s13, $0xb8;
	[tilespmem:$0x1D000] =	vst v63  }
0x1a7: {  	_ =	swait.ge [sflag:s14], $0x4000  }
0x1a8: {  	[sflag:s14] =	ssyncset.done $0x0  }
0x1a9: {  	s19 =	sor.u32 $0x14380, s0;
	[sflag:s14] =	ssyncadd.s32 $0xFFFFC000  }
0x1aa: {  	[tilespmem:s7], [sflag:$0x5] =	stream.indirect.gather [hbm4b:s1+s31], $0x80, s19, s31, $0xb8;
	[tilespmem:$0x1D000] =	vst v63  }
0x1ab: {  	s21 =	sor.u32 $0x143A0, s0  }
0x1ac: {  	[tilespmem:s6], [sflag:$0x6] =	stream.indirect.gather [hbm4b:s1+s31], $0x80, s21, s31, $0xb8;
	[tilespmem:$0x1D000] =	vst v63  }
0x1ad: {  	s23 =	sor.u32 $0x143C0, s0  }
0x1ae: {  	[tilespmem:s20], [sflag:$0x7] =	stream.indirect.gather [hbm4b:s1+s31], $0x80, s23, s31, $0xb8;
	[tilespmem:$0x1D000] =	vst v63  }
0x1af: {  	s28 =	sor.u32 $0x143E0, s0  }
0x1b0: {  	[tilespmem:s25], [sflag:$0x8] =	stream.indirect.gather [hbm4b:s1+s31], $0x80, s28, s31, $0xb8;
	[tilespmem:$0x1D000] =	vst v63  }
0x1b1: {  	_ =	swait.ge [sflag:s18], $0x1000  }
0x1b2: {  	[sflag:s18] =	ssyncset.done $0x0  }
0x1b3: {  	[sflag:s18] =	ssyncadd.s32 $0xFFFFF000  }
0x1b4: {  	_ =	swait.ge [sflag:s10], $0x1000  }
0x1b5: {  	[sflag:s10] =	ssyncset.done $0x0  }
0x1b6: {  	[sflag:s10] =	ssyncadd.s32 $0xFFFFF000  }
0x1b7: {  	_ =	swait.ge [sflag:s11], $0x1000  }
0x1b8: {  	[sflag:s11] =	ssyncset.done $0x0  }
0x1b9: {  	[sflag:s11] =	ssyncadd.s32 $0xFFFFF000  }
0x1ba: {  	_ =	swait.ge [sflag:s12], $0x1000  }
0x1bb: {  	p0 =	por $0x0, $0x0;
	[sflag:s12] =	ssyncset.done $0x0  }
0x1bc: {  	s30 =	sor.u32 $0x14B00, s0;
	s6 =	simm.s32 $0x9;
	[sflag:s12] =	ssyncadd.s32 $0xFFFFF000  }
0x1bd: {  	[spmem:s2] =	stream.indirect.scatter.add.f32 [tilespmem:s22], [sflag:$0x9], $0x80, s30, s13, $0xb8;
	[tilespmem:$0x1D000] =	vst v63  }
0x1be: {  	s4 =	sxor.u32 @!p0 $0x400, s0;
	s19 =	simm.s32 @!p0 $0x0;
	_ =	swait.ge [sflag:s6], $0x4000  }
0x1bf: {  	s21 =	sor.u32 @!p0 $0x14000, s4;
	s3 =	rddreg [dreg:$0x6];
	[sflag:s6] =	ssyncset.done $0x0  }
0x1c0: {  	s20 =	simm.s32 @!p0 $0xB;
	[sflag:s6] =	ssyncadd.s32 $0xFFFFC000;
	s3 =	sadd.s32 @!p0 $0x0, s3  }
0x1c1: {  	[tilespmem:s21], [sflag:$0xB] =	stream.linear.gather @!p0 [hbm4b:s3+s19], $0x400, $0x38;
	[tilespmem:$0x1D000] =	vst v63  }
0x1c2: {  	_ =	swait.ge @!p0 [sflag:s20], $0x400  }
0x1c3: {  	s3 =	rddreg [dreg:$0x5];
	[sflag:s20] =	ssyncset.done @!p0 $0x0  }
0x1c4: {  	s5 =	sor.u32 @!p0 $0x14800, s4;
	[sflag:s20] =	ssyncadd.s32 @!p0 $0xFFFFFC00;
	s3 =	sadd.s32 @!p0 $0x0, s3  }
0x1c5: {  	[tilespmem:s5], [sflag:$0xB] =	stream.linear.gather @!p0 [hbm4b:s3+s19], $0x400, $0x38;
	[tilespmem:$0x1D000] =	vst v63  }
0x1c6: {  	_ =	swait.ge @!p0 [sflag:s20], $0x400  }
0x1c7: {  	[sflag:s20] =	ssyncset.done @!p0 $0x0  }
0x1c8: {  	s3 =	simm.s32 @!p0 $0x20;
	s19 =	simm.s32 @!p0 $0x15000;
	[sflag:s20] =	ssyncadd.s32 @!p0 $0xFFFFFC00  }
0x1c9: {  	[tilespmem:s19], [sflag:$0x1] =	stream.indirect.gather @!p0 [hbm4b:s1+s3], $0x80, s21, s3, $0xb8;
	[tilespmem:$0x1D000] =	vst v63  }
0x1ca: {  	s20 =	simm.s32 @!p0 $0x16000;
	s19 =	sadd.s32 @!p0 $0x14020, s4  }
0x1cb: {  	[tilespmem:s20], [sflag:$0x2] =	stream.indirect.gather @!p0 [hbm4b:s1+s3], $0x80, s19, s3, $0xb8;
	[tilespmem:$0x1D000] =	vst v63  }
0x1cc: {  	s19 =	sadd.s32 @!p0 $0x14040, s4;
	s20 =	simm.s32 @!p0 $0x17000  }
0x1cd: {  	[tilespmem:s20], [sflag:$0x3] =	stream.indirect.gather @!p0 [hbm4b:s1+s3], $0x80, s19, s3, $0xb8;
	[tilespmem:$0x1D000] =	vst v63  }
0x1ce: {  	s4 =	sadd.s32 @!p0 $0x14060, s4;
	s19 =	simm.s32 @!p0 $0x18000  }
0x1cf: {  	[tilespmem:s19], [sflag:$0x4] =	stream.indirect.gather @!p0 [hbm4b:s1+s3], $0x80, s4, s3, $0xb8;
	[tilespmem:$0x1D000] =	vst v63  }
0x1d0: {  	_ =	swait.ge [sflag:s15], $0x1000  }
0x1d1: {  	[sflag:s15] =	ssyncset.done $0x0  }
0x1d2: {  	[sflag:s15] =	ssyncadd.s32 $0xFFFFF000  }
0x1d3: {  	_ =	swait.ge [sflag:s17], $0x1000  }
0x1d4: {  	[sflag:s17] =	ssyncset.done $0x0  }
0x1d5: {  	[sflag:s17] =	ssyncadd.s32 $0xFFFFF000  }
0x1d6: {  	_ =	swait.ge [sflag:s24], $0x1000  }
0x1d7: {  	[sflag:s24] =	ssyncset.done $0x0  }
0x1d8: {  	[sflag:s24] =	ssyncadd.s32 $0xFFFFF000  }
0x1d9: {  	s0 =	sor.u32 $0x380, s0;
	_ =	swait.ge [sflag:s16], $0x1000  }
0x1da: {  	s0 =	sor.u32 $0x14800, s0;
	[sflag:s16] =	ssyncset.done $0x0  }
0x1db: {  	s25 =	simm.s32 $0x80;
	s19 =	simm.s32 $0x2;
	[sflag:s16] =	ssyncadd.s32 $0xFFFFF000  }
.LBB2_4:
0x1dc: {  	[spmem:s2] =	stream.indirect.scatter.add.f32 [tilespmem:s26], [sflag:$0xA], $0x80, s0, s13, $0xb8;
	[tilespmem:$0x1D000] =	vst v63  }
0x1dd: {  	s9 =	sshll.u32 s19, $0xA;
	_ =	swait.ge [sflag:s14], $0x4000  }
0x1de: {  	s21 =	smov.u32 s25;
	s0 =	sand.u32 $0x400, s9;
	[sflag:s14] =	ssyncset.done $0x0  }
0x1df: {  	p1 =	seq.s32 s21, $0x400;
	s3 =	sor.u32 $0x14080, s0;
	[sflag:s14] =	ssyncadd.s32 $0xFFFFC000  }
0x1e0: {  	[tilespmem:s26], [sflag:$0x5] =	stream.indirect.gather [hbm4b:s1+s31], $0x80, s3, s31, $0xb8;
	[tilespmem:$0x1D000] =	vst v63  }
0x1e1: {  	s4 =	sxor.u32 @!p1 $0x400, s0;
	s20 =	sor.u32 $0x140A0, s0  }
0x1e2: {  	[tilespmem:s29], [sflag:$0x6] =	stream.indirect.gather [hbm4b:s1+s31], $0x80, s20, s31, $0xb8;
	[tilespmem:$0x1D000] =	vst v63  }
0x1e3: {  	s28 =	simm.s32 $0x1B000;
	s14 =	sor.u32 $0x140C0, s0;
	s5 =	sadd.s32 @!p1 $0x14060, s4  }
0x1e4: {  	[tilespmem:s28], [sflag:$0x7] =	stream.indirect.gather [hbm4b:s1+s31], $0x80, s14, s31, $0xb8;
	[tilespmem:$0x1D000] =	vst v63  }
0x1e5: {  	s8 =	simm.s32 $0x1C000;
	s7 =	sor.u32 $0x140E0, s0;
	[dreg:$0x7] =	wrdreg s5  }
0x1e6: {  	[tilespmem:s8], [sflag:$0x8] =	stream.indirect.gather [hbm4b:s1+s31], $0x80, s7, s31, $0xb8;
	[tilespmem:$0x1D000] =	vst v63  }
0x1e7: {  	_ =	swait.ge [sflag:s18], $0x1000  }
0x1e8: {  	[sflag:s18] =	ssyncset.done $0x0  }
0x1e9: {  	[sflag:s18] =	ssyncadd.s32 $0xFFFFF000  }
0x1ea: {  	_ =	swait.ge [sflag:s10], $0x1000  }
0x1eb: {  	[sflag:s10] =	ssyncset.done $0x0  }
0x1ec: {  	[sflag:s10] =	ssyncadd.s32 $0xFFFFF000  }
0x1ed: {  	_ =	swait.ge [sflag:s11], $0x1000  }
0x1ee: {  	[sflag:s11] =	ssyncset.done $0x0  }
0x1ef: {  	[sflag:s11] =	ssyncadd.s32 $0xFFFFF000  }
0x1f0: {  	_ =	swait.ge [sflag:s12], $0x1000  }
0x1f1: {  	[sflag:s12] =	ssyncset.done $0x0  }
0x1f2: {  	s9 =	sor.u32 $0x14800, s0;
	[sflag:s12] =	ssyncadd.s32 $0xFFFFF000  }
0x1f3: {  	[spmem:s2] =	stream.indirect.scatter.add.f32 [tilespmem:s22], [sflag:$0x9], $0x80, s9, s13, $0xb8;
	[tilespmem:$0x1D000] =	vst v63  }
0x1f4: {  	_ =	swait.ge [sflag:s6], $0x4000  }
0x1f5: {  	[sflag:s6] =	ssyncset.done $0x0  }
0x1f6: {  	s10 =	sor.u32 $0x14100, s0;
	[sflag:s6] =	ssyncadd.s32 $0xFFFFC000  }
0x1f7: {  	[tilespmem:s22], [sflag:$0x1] =	stream.indirect.gather [hbm4b:s1+s31], $0x80, s10, s31, $0xb8;
	[tilespmem:$0x1D000] =	vst v63  }
0x1f8: {  	s11 =	sor.u32 $0x14120, s0;
	s9 =	simm.s32 $0x16000  }
0x1f9: {  	[tilespmem:s9], [sflag:$0x2] =	stream.indirect.gather [hbm4b:s1+s31], $0x80, s11, s31, $0xb8;
	[tilespmem:$0x1D000] =	vst v63  }
0x1fa: {  	s12 =	sor.u32 $0x14140, s0;
	s6 =	simm.s32 $0x17000  }
0x1fb: {  	[tilespmem:s6], [sflag:$0x3] =	stream.indirect.gather [hbm4b:s1+s31], $0x80, s12, s31, $0xb8;
	[tilespmem:$0x1D000] =	vst v63  }
0x1fc: {  	s5 =	sor.u32 $0x14160, s0;
	s10 =	simm.s32 $0x18000  }
0x1fd: {  	[tilespmem:s10], [sflag:$0x4] =	stream.indirect.gather [hbm4b:s1+s31], $0x80, s5, s31, $0xb8;
	[tilespmem:$0x1D000] =	vst v63  }
0x1fe: {  	_ =	swait.ge [sflag:s15], $0x1000  }
0x1ff: {  	[sflag:s15] =	ssyncset.done $0x0  }
0x200: {  	[sflag:s15] =	ssyncadd.s32 $0xFFFFF000  }
0x201: {  	_ =	swait.ge [sflag:s17], $0x1000  }
0x202: {  	[sflag:s17] =	ssyncset.done $0x0  }
0x203: {  	[sflag:s17] =	ssyncadd.s32 $0xFFFFF000  }
0x204: {  	_ =	swait.ge [sflag:s24], $0x1000  }
0x205: {  	[sflag:s24] =	ssyncset.done $0x0  }
0x206: {  	[sflag:s24] =	ssyncadd.s32 $0xFFFFF000  }
0x207: {  	_ =	swait.ge [sflag:s16], $0x1000  }
0x208: {  	[sflag:s16] =	ssyncset.done $0x0  }
0x209: {  	s7 =	simm.s32 $0xA;
	s5 =	sor.u32 $0x14880, s0;
	[sflag:s16] =	ssyncadd.s32 $0xFFFFF000  }
0x20a: {  	[spmem:s2] =	stream.indirect.scatter.add.f32 [tilespmem:s26], [sflag:$0xA], $0x80, s5, s13, $0xb8;
	[tilespmem:$0x1D000] =	vst v63  }
0x20b: {  	_ =	swait.ge [sflag:s7], $0x4000  }
0x20c: {  	[sflag:s7] =	ssyncset.done $0x0  }
0x20d: {  	s5 =	sor.u32 $0x14180, s0;
	[sflag:s7] =	ssyncadd.s32 $0xFFFFC000  }
0x20e: {  	[tilespmem:s26], [sflag:$0x5] =	stream.indirect.gather [hbm4b:s1+s31], $0x80, s5, s31, $0xb8;
	[tilespmem:$0x1D000] =	vst v63  }
0x20f: {  	s5 =	sor.u32 $0x141A0, s0  }
0x210: {  	[tilespmem:s29], [sflag:$0x6] =	stream.indirect.gather [hbm4b:s1+s31], $0x80, s5, s31, $0xb8;
	[tilespmem:$0x1D000] =	vst v63  }
0x211: {  	s5 =	sor.u32 $0x141C0, s0  }
0x212: {  	[tilespmem:s28], [sflag:$0x7] =	stream.indirect.gather [hbm4b:s1+s31], $0x80, s5, s31, $0xb8;
	[tilespmem:$0x1D000] =	vst v63  }
0x213: {  	s5 =	sor.u32 $0x141E0, s0  }
0x214: {  	[tilespmem:s8], [sflag:$0x8] =	stream.indirect.gather [hbm4b:s1+s31], $0x80, s5, s31, $0xb8;
	[tilespmem:$0x1D000] =	vst v63  }
0x215: {  	_ =	swait.ge [sflag:s18], $0x1000  }
0x216: {  	[sflag:s18] =	ssyncset.done $0x0  }
0x217: {  	s11 =	simm.s32 $0x2;
	[sflag:s18] =	ssyncadd.s32 $0xFFFFF000  }
0x218: {  	_ =	swait.ge [sflag:s11], $0x1000  }
0x219: {  	[sflag:s11] =	ssyncset.done $0x0  }
0x21a: {  	s12 =	simm.s32 $0x3;
	[sflag:s11] =	ssyncadd.s32 $0xFFFFF000  }
0x21b: {  	_ =	swait.ge [sflag:s12], $0x1000  }
0x21c: {  	[sflag:s12] =	ssyncset.done $0x0  }
0x21d: {  	[sflag:s12] =	ssyncadd.s32 $0xFFFFF000;
	s12 =	simm.s32 $0x4  }
0x21e: {  	_ =	swait.ge [sflag:s12], $0x1000  }
0x21f: {  	[sflag:s12] =	ssyncset.done $0x0  }
0x220: {  	s14 =	simm.s32 $0x9;
	s5 =	sor.u32 $0x14900, s0;
	[sflag:s12] =	ssyncadd.s32 $0xFFFFF000  }
0x221: {  	[spmem:s2] =	stream.indirect.scatter.add.f32 [tilespmem:s22], [sflag:$0x9], $0x80, s5, s13, $0xb8;
	[tilespmem:$0x1D000] =	vst v63  }
0x222: {  	_ =	swait.ge [sflag:s14], $0x4000  }
0x223: {  	[sflag:s14] =	ssyncset.done $0x0  }
0x224: {  	s5 =	sor.u32 $0x14200, s0;
	[sflag:s14] =	ssyncadd.s32 $0xFFFFC000  }
0x225: {  	[tilespmem:s22], [sflag:$0x1] =	stream.indirect.gather [hbm4b:s1+s31], $0x80, s5, s31, $0xb8;
	[tilespmem:$0x1D000] =	vst v63  }
0x226: {  	s5 =	sor.u32 $0x14220, s0  }
0x227: {  	[tilespmem:s9], [sflag:$0x2] =	stream.indirect.gather [hbm4b:s1+s31], $0x80, s5, s31, $0xb8;
	[tilespmem:$0x1D000] =	vst v63  }
0x228: {  	s5 =	sor.u32 $0x14240, s0  }
0x229: {  	[tilespmem:s6], [sflag:$0x3] =	stream.indirect.gather [hbm4b:s1+s31], $0x80, s5, s31, $0xb8;
	[tilespmem:$0x1D000] =	vst v63  }
0x22a: {  	s5 =	sor.u32 $0x14260, s0  }
0x22b: {  	[tilespmem:s10], [sflag:$0x4] =	stream.indirect.gather [hbm4b:s1+s31], $0x80, s5, s31, $0xb8;
	[tilespmem:$0x1D000] =	vst v63  }
0x22c: {  	_ =	swait.ge [sflag:s15], $0x1000  }
0x22d: {  	[sflag:s15] =	ssyncset.done $0x0  }
0x22e: {  	[sflag:s15] =	ssyncadd.s32 $0xFFFFF000  }
0x22f: {  	_ =	swait.ge [sflag:s17], $0x1000  }
0x230: {  	[sflag:s17] =	ssyncset.done $0x0  }
0x231: {  	[sflag:s17] =	ssyncadd.s32 $0xFFFFF000  }
0x232: {  	_ =	swait.ge [sflag:s24], $0x1000  }
0x233: {  	[sflag:s24] =	ssyncset.done $0x0  }
0x234: {  	[sflag:s24] =	ssyncadd.s32 $0xFFFFF000  }
0x235: {  	_ =	swait.ge [sflag:s16], $0x1000  }
0x236: {  	[sflag:s16] =	ssyncset.done $0x0  }
0x237: {  	s5 =	sor.u32 $0x14980, s0;
	[sflag:s16] =	ssyncadd.s32 $0xFFFFF000  }
0x238: {  	[spmem:s2] =	stream.indirect.scatter.add.f32 [tilespmem:s26], [sflag:$0xA], $0x80, s5, s13, $0xb8;
	[tilespmem:$0x1D000] =	vst v63  }
0x239: {  	_ =	swait.ge [sflag:s7], $0x4000  }
0x23a: {  	[sflag:s7] =	ssyncset.done $0x0  }
0x23b: {  	[sflag:s7] =	ssyncadd.s32 $0xFFFFC000;
	s7 =	sor.u32 $0x14280, s0  }
0x23c: {  	[tilespmem:s26], [sflag:$0x5] =	stream.indirect.gather [hbm4b:s1+s31], $0x80, s7, s31, $0xb8;
	[tilespmem:$0x1D000] =	vst v63  }
0x23d: {  	s7 =	sor.u32 $0x142A0, s0  }
0x23e: {  	[tilespmem:s29], [sflag:$0x6] =	stream.indirect.gather [hbm4b:s1+s31], $0x80, s7, s31, $0xb8;
	[tilespmem:$0x1D000] =	vst v63  }
0x23f: {  	s7 =	sor.u32 $0x142C0, s0  }
0x240: {  	[tilespmem:s28], [sflag:$0x7] =	stream.indirect.gather [hbm4b:s1+s31], $0x80, s7, s31, $0xb8;
	[tilespmem:$0x1D000] =	vst v63  }
0x241: {  	s7 =	sor.u32 $0x142E0, s0  }
0x242: {  	[tilespmem:s8], [sflag:$0x8] =	stream.indirect.gather [hbm4b:s1+s31], $0x80, s7, s31, $0xb8;
	[tilespmem:$0x1D000] =	vst v63  }
0x243: {  	_ =	swait.ge [sflag:s18], $0x1000  }
0x244: {  	[sflag:s18] =	ssyncset.done $0x0  }
0x245: {  	[sflag:s18] =	ssyncadd.s32 $0xFFFFF000  }
0x246: {  	_ =	swait.ge [sflag:s11], $0x1000  }
0x247: {  	[sflag:s11] =	ssyncset.done $0x0  }
0x248: {  	[sflag:s11] =	ssyncadd.s32 $0xFFFFF000;
	s11 =	simm.s32 $0x3  }
0x249: {  	_ =	swait.ge [sflag:s11], $0x1000  }
0x24a: {  	[sflag:s11] =	ssyncset.done $0x0  }
0x24b: {  	[sflag:s11] =	ssyncadd.s32 $0xFFFFF000  }
0x24c: {  	_ =	swait.ge [sflag:s12], $0x1000  }
0x24d: {  	[sflag:s12] =	ssyncset.done $0x0  }
0x24e: {  	s7 =	sor.u32 $0x14A00, s0;
	[sflag:s12] =	ssyncadd.s32 $0xFFFFF000  }
0x24f: {  	[spmem:s2] =	stream.indirect.scatter.add.f32 [tilespmem:s22], [sflag:$0x9], $0x80, s7, s13, $0xb8;
	[tilespmem:$0x1D000] =	vst v63  }
0x250: {  	_ =	swait.ge [sflag:s14], $0x4000  }
0x251: {  	[sflag:s14] =	ssyncset.done $0x0  }
0x252: {  	s7 =	sor.u32 $0x14300, s0;
	[sflag:s14] =	ssyncadd.s32 $0xFFFFC000  }
0x253: {  	[tilespmem:s22], [sflag:$0x1] =	stream.indirect.gather [hbm4b:s1+s31], $0x80, s7, s31, $0xb8;
	[tilespmem:$0x1D000] =	vst v63  }
0x254: {  	s7 =	sor.u32 $0x14320, s0  }
0x255: {  	[tilespmem:s9], [sflag:$0x2] =	stream.indirect.gather [hbm4b:s1+s31], $0x80, s7, s31, $0xb8;
	[tilespmem:$0x1D000] =	vst v63  }
0x256: {  	s7 =	sor.u32 $0x14340, s0  }
0x257: {  	[tilespmem:s6], [sflag:$0x3] =	stream.indirect.gather [hbm4b:s1+s31], $0x80, s7, s31, $0xb8;
	[tilespmem:$0x1D000] =	vst v63  }
0x258: {  	s9 =	sor.u32 $0x14360, s0  }
0x259: {  	[tilespmem:s10], [sflag:$0x4] =	stream.indirect.gather [hbm4b:s1+s31], $0x80, s9, s31, $0xb8;
	[tilespmem:$0x1D000] =	vst v63  }
0x25a: {  	_ =	swait.ge [sflag:s15], $0x1000  }
0x25b: {  	[sflag:s15] =	ssyncset.done $0x0  }
0x25c: {  	[sflag:s15] =	ssyncadd.s32 $0xFFFFF000  }
0x25d: {  	_ =	swait.ge [sflag:s17], $0x1000  }
0x25e: {  	[sflag:s17] =	ssyncset.done $0x0  }
0x25f: {  	[sflag:s17] =	ssyncadd.s32 $0xFFFFF000  }
0x260: {  	_ =	swait.ge [sflag:s24], $0x1000  }
0x261: {  	[sflag:s24] =	ssyncset.done $0x0  }
0x262: {  	[sflag:s24] =	ssyncadd.s32 $0xFFFFF000  }
0x263: {  	_ =	swait.ge [sflag:s16], $0x1000  }
0x264: {  	[sflag:s16] =	ssyncset.done $0x0  }
0x265: {  	s14 =	simm.s32 $0xA;
	s7 =	sor.u32 $0x14A80, s0;
	[sflag:s16] =	ssyncadd.s32 $0xFFFFF000  }
0x266: {  	[spmem:s2] =	stream.indirect.scatter.add.f32 [tilespmem:s26], [sflag:$0xA], $0x80, s7, s13, $0xb8;
	[tilespmem:$0x1D000] =	vst v63  }
0x267: {  	_ =	swait.ge [sflag:s14], $0x4000  }
0x268: {  	[sflag:s14] =	ssyncset.done $0x0  }
0x269: {  	s9 =	sor.u32 $0x14380, s0;
	[sflag:s14] =	ssyncadd.s32 $0xFFFFC000  }
0x26a: {  	[tilespmem:s26], [sflag:$0x5] =	stream.indirect.gather [hbm4b:s1+s31], $0x80, s9, s31, $0xb8;
	[tilespmem:$0x1D000] =	vst v63  }
0x26b: {  	s9 =	sor.u32 $0x143A0, s0  }
0x26c: {  	[tilespmem:s29], [sflag:$0x6] =	stream.indirect.gather [hbm4b:s1+s31], $0x80, s9, s31, $0xb8;
	[tilespmem:$0x1D000] =	vst v63  }
0x26d: {  	s9 =	sor.u32 $0x143C0, s0  }
0x26e: {  	[tilespmem:s28], [sflag:$0x7] =	stream.indirect.gather [hbm4b:s1+s31], $0x80, s9, s31, $0xb8;
	[tilespmem:$0x1D000] =	vst v63  }
0x26f: {  	s28 =	sor.u32 $0x143E0, s0  }
0x270: {  	[tilespmem:s8], [sflag:$0x8] =	stream.indirect.gather [hbm4b:s1+s31], $0x80, s28, s31, $0xb8;
	[tilespmem:$0x1D000] =	vst v63  }
0x271: {  	_ =	swait.ge [sflag:s18], $0x1000  }
0x272: {  	[sflag:s18] =	ssyncset.done $0x0  }
0x273: {  	s10 =	simm.s32 $0x2;
	[sflag:s18] =	ssyncadd.s32 $0xFFFFF000  }
0x274: {  	_ =	swait.ge [sflag:s10], $0x1000  }
0x275: {  	[sflag:s10] =	ssyncset.done $0x0  }
0x276: {  	[sflag:s10] =	ssyncadd.s32 $0xFFFFF000  }
0x277: {  	_ =	swait.ge [sflag:s11], $0x1000  }
0x278: {  	[sflag:s11] =	ssyncset.done $0x0  }
0x279: {  	[sflag:s11] =	ssyncadd.s32 $0xFFFFF000  }
0x27a: {  	s23 =	sadd.s32 @!p1 $0x14020, s4;
	_ =	swait.ge [sflag:s12], $0x1000  }
0x27b: {  	s30 =	sadd.s32 @!p1 $0x14040, s4;
	s20 =	sor.u32 $0x380, s0;
	[sflag:s12] =	ssyncset.done $0x0  }
0x27c: {  	s6 =	simm.s32 $0x9;
	s0 =	sor.u32 $0x14B00, s0;
	[sflag:s12] =	ssyncadd.s32 $0xFFFFF000  }
0x27d: {  	[spmem:s2] =	stream.indirect.scatter.add.f32 [tilespmem:s22], [sflag:$0x9], $0x80, s0, s13, $0xb8;
	[tilespmem:$0x1D000] =	vst v63  }
0x27e: {  	s3 =	sor.u32 @!p1 $0x14800, s4;
	s4 =	sor.u32 @!p1 $0x14000, s4;
	_ =	swait.ge [sflag:s6], $0x4000  }
0x27f: {  	s5 =	simm.s32 @!p1 $0x0;
	s0 =	rddreg [dreg:$0x6];
	[sflag:s6] =	ssyncset.done $0x0  }
0x280: {  	s28 =	simm.s32 @!p1 $0xB;
	[sflag:s6] =	ssyncadd.s32 $0xFFFFC000;
	s0 =	sadd.s32 @!p1 s21, s0  }
0x281: {  	[tilespmem:s4], [sflag:$0xB] =	stream.linear.gather @!p1 [hbm4b:s0+s5], $0x400, $0x38;
	[tilespmem:$0x1D000] =	vst v63  }
0x282: {  	_ =	swait.ge @!p1 [sflag:s28], $0x400  }
0x283: {  	s0 =	rddreg [dreg:$0x5];
	[sflag:s28] =	ssyncset.done @!p1 $0x0  }
0x284: {  	[sflag:s28] =	ssyncadd.s32 @!p1 $0xFFFFFC00;
	s0 =	sadd.s32 @!p1 s21, s0  }
0x285: {  	[tilespmem:s3], [sflag:$0xB] =	stream.linear.gather @!p1 [hbm4b:s0+s5], $0x400, $0x38;
	[tilespmem:$0x1D000] =	vst v63  }
0x286: {  	_ =	swait.ge @!p1 [sflag:s28], $0x400  }
0x287: {  	[sflag:s28] =	ssyncset.done @!p1 $0x0  }
0x288: {  	s0 =	simm.s32 @!p1 $0x20;
	s3 =	simm.s32 @!p1 $0x15000;
	[sflag:s28] =	ssyncadd.s32 @!p1 $0xFFFFFC00  }
0x289: {  	[tilespmem:s3], [sflag:$0x1] =	stream.indirect.gather @!p1 [hbm4b:s1+s0], $0x80, s4, s0, $0xb8;
	[tilespmem:$0x1D000] =	vst v63  }
0x28a: {  	s3 =	simm.s32 @!p1 $0x16000  }
0x28b: {  	[tilespmem:s3], [sflag:$0x2] =	stream.indirect.gather @!p1 [hbm4b:s1+s0], $0x80, s23, s0, $0xb8;
	[tilespmem:$0x1D000] =	vst v63  }
0x28c: {  	s3 =	simm.s32 @!p1 $0x17000  }
0x28d: {  	[tilespmem:s3], [sflag:$0x3] =	stream.indirect.gather @!p1 [hbm4b:s1+s0], $0x80, s30, s0, $0xb8;
	[tilespmem:$0x1D000] =	vst v63  }
0x28e: {  	s4 =	rddreg [dreg:$0x7];
	s3 =	simm.s32 @!p1 $0x18000  }
0x28f: {  	[tilespmem:s3], [sflag:$0x4] =	stream.indirect.gather @!p1 [hbm4b:s1+s0], $0x80, s4, s0, $0xb8;
	[tilespmem:$0x1D000] =	vst v63  }
0x290: {  	_ =	swait.ge [sflag:s15], $0x1000  }
0x291: {  	[sflag:s15] =	ssyncset.done $0x0  }
0x292: {  	[sflag:s15] =	ssyncadd.s32 $0xFFFFF000  }
0x293: {  	_ =	swait.ge [sflag:s17], $0x1000  }
0x294: {  	[sflag:s17] =	ssyncset.done $0x0  }
0x295: {  	s25 =	sadd.s32 $0x80, s25;
	[sflag:s17] =	ssyncadd.s32 $0xFFFFF000  }
0x296: {  	p0 =	sne.s32 s25, $0x480;
	_ =	swait.ge [sflag:s24], $0x1000  }
.Ltmp1:
0x297: {  	[sflag:s24] =	ssyncset.done $0x0;
	(pc) =	sbr.rel @p0 .LBB2_4-.Ltmp1, $4  }
0x298: {  	[sflag:s24] =	ssyncadd.s32 $0xFFFFF000  }
0x299: {  	_ =	swait.ge [sflag:s16], $0x1000  }
0x29a: {  	s19 =	sadd.s32 $0x1, s19;
	[sflag:s16] =	ssyncset.done $0x0  }
0x29b: {  	s7 =	simm.s32 $0x19000;
	s0 =	sor.u32 $0x14800, s20;
	[sflag:s16] =	ssyncadd.s32 $0xFFFFF000  }
0x29c: {  	[spmem:s2] =	stream.indirect.scatter.add.f32 [tilespmem:s7], [sflag:$0xA], $0x80, s0, s13, $0xb8;
	[tilespmem:$0x1D000] =	vst v63  }
0x29d: {  	_ =	swait.ge [sflag:s14], $0x4000  }
0x29e: {  	[sflag:s14] =	ssyncset.done $0x0  }
0x29f: {  	[sflag:s14] =	ssyncadd.s32 $0xFFFFC000  }
0x2a0: {  	[bflag:$0x0] =	sbarrier.arrive $0xFFFF  }
0x2a1: {  	s4 =	simm.s32 $0xB;
	s15 =	rddreg [dreg:$0x16]  }
0x2a2: {  	[tilespmem:s22], [sflag:$0xB] =	stream.linear.gather [spmem:s15], $0x4000, $0x38;
	[tilespmem:$0x1D000] =	vst v63  }
0x2a3: {  	_ =	swait.ge [sflag:s4], $0x4000  }
0x2a4: {  	[sflag:s4] =	ssyncset.done $0x0  }
0x2a5: {  	s8 =	simm.s32 $0x0;
	s3 =	rddreg [dreg:$0x8];
	[sflag:s4] =	ssyncadd.s32 $0xFFFFC000  }
0x2a6: {  	[hbm4b:s3+s8] =	stream.linear.scatter [tilespmem:s22], [sflag:$0xB], $0x4000, $0x38;
	[tilespmem:$0x1D000] =	vst v63  }
0x2a7: {  	_ =	swait.ge [sflag:s4], $0x4000  }
0x2a8: {  	[sflag:s4] =	ssyncset.done $0x0  }
0x2a9: {  	s23 =	rddreg [dreg:$0x17];
	[sflag:s4] =	ssyncadd.s32 $0xFFFFC000  }
0x2aa: {  	[tilespmem:s22], [sflag:$0xB] =	stream.linear.gather [spmem:s23], $0x4000, $0x38;
	[tilespmem:$0x1D000] =	vst v63  }
0x2ab: {  	_ =	swait.ge [sflag:s4], $0x4000  }
0x2ac: {  	[sflag:s4] =	ssyncset.done $0x0  }
0x2ad: {  	s9 =	rddreg [dreg:$0x9];
	[sflag:s4] =	ssyncadd.s32 $0xFFFFC000  }
0x2ae: {  	[hbm4b:s9+s8] =	stream.linear.scatter [tilespmem:s22], [sflag:$0xB], $0x4000, $0x38;
	[tilespmem:$0x1D000] =	vst v63  }
0x2af: {  	_ =	swait.ge [sflag:s4], $0x4000  }
0x2b0: {  	[sflag:s4] =	ssyncset.done $0x0  }
0x2b1: {  	s25 =	rddreg [dreg:$0x18];
	[sflag:s4] =	ssyncadd.s32 $0xFFFFC000  }
0x2b2: {  	[tilespmem:s22], [sflag:$0xB] =	stream.linear.gather [spmem:s25], $0x4000, $0x38;
	[tilespmem:$0x1D000] =	vst v63  }
0x2b3: {  	_ =	swait.ge [sflag:s4], $0x4000  }
0x2b4: {  	[sflag:s4] =	ssyncset.done $0x0  }
0x2b5: {  	s19 =	rddreg [dreg:$0xa];
	[sflag:s4] =	ssyncadd.s32 $0xFFFFC000  }
0x2b6: {  	[hbm4b:s19+s8] =	stream.linear.scatter [tilespmem:s22], [sflag:$0xB], $0x4000, $0x38;
	[tilespmem:$0x1D000] =	vst v63  }
0x2b7: {  	_ =	swait.ge [sflag:s4], $0x4000  }
0x2b8: {  	[sflag:s4] =	ssyncset.done $0x0  }
0x2b9: {  	s28 =	rddreg [dreg:$0x19];
	[sflag:s4] =	ssyncadd.s32 $0xFFFFC000  }
0x2ba: {  	[tilespmem:s22], [sflag:$0xB] =	stream.linear.gather [spmem:s28], $0x4000, $0x38;
	[tilespmem:$0x1D000] =	vst v63  }
0x2bb: {  	_ =	swait.ge [sflag:s4], $0x4000  }
0x2bc: {  	[sflag:s4] =	ssyncset.done $0x0  }
0x2bd: {  	s20 =	rddreg [dreg:$0xb];
	[sflag:s4] =	ssyncadd.s32 $0xFFFFC000  }
0x2be: {  	[hbm4b:s20+s8] =	stream.linear.scatter [tilespmem:s22], [sflag:$0xB], $0x4000, $0x38;
	[tilespmem:$0x1D000] =	vst v63  }
0x2bf: {  	_ =	swait.ge [sflag:s4], $0x4000  }
0x2c0: {  	[sflag:s4] =	ssyncset.done $0x0  }
0x2c1: {  	s30 =	rddreg [dreg:$0x1a];
	[sflag:s4] =	ssyncadd.s32 $0xFFFFC000  }
0x2c2: {  	[tilespmem:s22], [sflag:$0xB] =	stream.linear.gather [spmem:s30], $0x4000, $0x38;
	[tilespmem:$0x1D000] =	vst v63  }
0x2c3: {  	_ =	swait.ge [sflag:s4], $0x4000  }
0x2c4: {  	[sflag:s4] =	ssyncset.done $0x0  }
0x2c5: {  	s21 =	rddreg [dreg:$0xc];
	[sflag:s4] =	ssyncadd.s32 $0xFFFFC000  }
0x2c6: {  	[hbm4b:s21+s8] =	stream.linear.scatter [tilespmem:s22], [sflag:$0xB], $0x4000, $0x38;
	[tilespmem:$0x1D000] =	vst v63  }
0x2c7: {  	_ =	swait.ge [sflag:s4], $0x4000  }
0x2c8: {  	s0 =	simm.s32 $0x0;
	s6 =	simm.s32 $0x19000;
	[sflag:s4] =	ssyncset.done $0x0  }
0x2c9: {  	s3 =	simm.s32 $0x200;
	s19 =	simm.s32 $0x0;
	[sflag:s4] =	ssyncadd.s32 $0xFFFFC000  }
.LBB2_6:
0x2ca: {  	p0 =	sne.s32 s3, $0xFE00;
	[tilespmem:s0+$0x15070] =	vst v0  }
0x2cb: {  	[tilespmem:s0+$0x15000] =	vst v0  }
0x2cc: {  	[tilespmem:s0+$0x15010] =	vst v0  }
.Ltmp2:
0x2cd: {  	[tilespmem:s0+$0x15020] =	vst v0;
	(pc) =	sbr.rel @p0 .LBB2_6-.Ltmp2, $4  }
0x2ce: {  	[tilespmem:s0+$0x15030] =	vst v0  }
0x2cf: {  	[tilespmem:s0+$0x15040] =	vst v0  }
0x2d0: {  	[tilespmem:s0+$0x15050] =	vst v0  }
0x2d1: {  	[tilespmem:s0+$0x15060] =	vst v0;
	s0 =	sshra.s32 s3, $0x2;
	s3 =	sadd.s32 $0x200, s3  }
0x2d2: {  	[tilespmem:s0+$0x15070] =	vst v0  }
0x2d3: {  	[tilespmem:s0+$0x15000] =	vst v0  }
0x2d4: {  	[tilespmem:s0+$0x15010] =	vst v0  }
0x2d5: {  	[tilespmem:s0+$0x15020] =	vst v0  }
0x2d6: {  	[tilespmem:s0+$0x15030] =	vst v0  }
0x2d7: {  	[tilespmem:s0+$0x15040] =	vst v0  }
0x2d8: {  	[tilespmem:s0+$0x15050] =	vst v0  }
0x2d9: {  	[tilespmem:s0+$0x15060] =	vst v0  }
0x2da: {  	[spmem:s15] =	stream.linear.scatter [tilespmem:s22], [sflag:$0xB], $0x4000, $0x38;
	[tilespmem:$0x1D000] =	vst v63  }
0x2db: {  	_ =	swait.ge [sflag:s4], $0x4000  }
0x2dc: {  	[sflag:s4] =	ssyncset.done $0x0  }
0x2dd: {  	[sflag:s4] =	ssyncadd.s32 $0xFFFFC000  }
0x2de: {  	[spmem:s23] =	stream.linear.scatter [tilespmem:s22], [sflag:$0xB], $0x4000, $0x38;
	[tilespmem:$0x1D000] =	vst v63  }
0x2df: {  	_ =	swait.ge [sflag:s4], $0x4000  }
0x2e0: {  	[sflag:s4] =	ssyncset.done $0x0  }
0x2e1: {  	[sflag:s4] =	ssyncadd.s32 $0xFFFFC000  }
0x2e2: {  	[spmem:s25] =	stream.linear.scatter [tilespmem:s22], [sflag:$0xB], $0x4000, $0x38;
	[tilespmem:$0x1D000] =	vst v63  }
0x2e3: {  	_ =	swait.ge [sflag:s4], $0x4000  }
0x2e4: {  	[sflag:s4] =	ssyncset.done $0x0  }
0x2e5: {  	[sflag:s4] =	ssyncadd.s32 $0xFFFFC000  }
0x2e6: {  	[spmem:s28] =	stream.linear.scatter [tilespmem:s22], [sflag:$0xB], $0x4000, $0x38;
	[tilespmem:$0x1D000] =	vst v63  }
0x2e7: {  	_ =	swait.ge [sflag:s4], $0x4000  }
0x2e8: {  	[sflag:s4] =	ssyncset.done $0x0  }
0x2e9: {  	[sflag:s4] =	ssyncadd.s32 $0xFFFFC000  }
0x2ea: {  	[spmem:s30] =	stream.linear.scatter [tilespmem:s22], [sflag:$0xB], $0x4000, $0x38;
	[tilespmem:$0x1D000] =	vst v63  }
0x2eb: {  	_ =	swait.ge [sflag:s4], $0x4000  }
0x2ec: {  	s0 =	simm.s32 $0x0;
	[sflag:s4] =	ssyncset.done $0x0;
	s20 =	rddreg [dreg:$0x13]  }
0x2ed: {  	s3 =	simm.s32 $0x200;
	s5 =	rddreg [dreg:$0x15];
	[sflag:s4] =	ssyncadd.s32 $0xFFFFC000  }
.LBB2_8:
0x2ee: {  	p0 =	sne.s32 s3, $0xFE00;
	[tilespmem:s0+$0x15070] =	vst v1  }
0x2ef: {  	[tilespmem:s0+$0x15000] =	vst v1  }
0x2f0: {  	[tilespmem:s0+$0x15010] =	vst v1  }
.Ltmp3:
0x2f1: {  	[tilespmem:s0+$0x15020] =	vst v1;
	(pc) =	sbr.rel @p0 .LBB2_8-.Ltmp3, $4  }
0x2f2: {  	[tilespmem:s0+$0x15030] =	vst v1  }
0x2f3: {  	[tilespmem:s0+$0x15040] =	vst v1  }
0x2f4: {  	[tilespmem:s0+$0x15050] =	vst v1  }
0x2f5: {  	[tilespmem:s0+$0x15060] =	vst v1;
	s0 =	sshra.s32 s3, $0x2;
	s3 =	sadd.s32 $0x200, s3  }
0x2f6: {  	[tilespmem:s0+$0x15070] =	vst v1  }
0x2f7: {  	[tilespmem:s0+$0x15000] =	vst v1  }
0x2f8: {  	[tilespmem:s0+$0x15010] =	vst v1  }
0x2f9: {  	[tilespmem:s0+$0x15020] =	vst v1  }
0x2fa: {  	[tilespmem:s0+$0x15030] =	vst v1  }
0x2fb: {  	[tilespmem:s0+$0x15040] =	vst v1  }
0x2fc: {  	[tilespmem:s0+$0x15050] =	vst v1  }
0x2fd: {  	[tilespmem:s0+$0x15060] =	vst v1  }
0x2fe: {  	s9 =	simm.s32 $0x14800;
	[bflag:$0x0] =	sbarrier.arrive $0xFFFF  }
0x2ff: {  	[tilespmem:s9], [sflag:$0xB] =	stream.linear.gather [hbm4b:s20+s19], $0x400, $0x38;
	[tilespmem:$0x1D000] =	vst v63  }
0x300: {  	_ =	swait.ge [sflag:s4], $0x400  }
0x301: {  	[sflag:s4] =	ssyncset.done $0x0  }
0x302: {  	[sflag:s4] =	ssyncadd.s32 $0xFFFFFC00  }
0x303: {  	[spmem:s2] =	stream.indirect.scatter.add.f32 [tilespmem:s22], [sflag:$0x1], $0x80, s9, s13, $0xb8;
	[tilespmem:$0x1D000] =	vst v63  }
0x304: {  	s21 =	simm.s32 $0x14880  }
0x305: {  	[spmem:s2] =	stream.indirect.scatter.add.f32 [tilespmem:s22], [sflag:$0x1], $0x80, s21, s13, $0xb8;
	[tilespmem:$0x1D000] =	vst v63  }
0x306: {  	s3 =	simm.s32 $0x14900  }
0x307: {  	[spmem:s2] =	stream.indirect.scatter.add.f32 [tilespmem:s22], [sflag:$0x1], $0x80, s3, s13, $0xb8;
	[tilespmem:$0x1D000] =	vst v63  }
0x308: {  	s7 =	simm.s32 $0x14980  }
0x309: {  	[spmem:s2] =	stream.indirect.scatter.add.f32 [tilespmem:s22], [sflag:$0x1], $0x80, s7, s13, $0xb8;
	[tilespmem:$0x1D000] =	vst v63  }
0x30a: {  	s8 =	simm.s32 $0x14A00  }
0x30b: {  	[spmem:s2] =	stream.indirect.scatter.add.f32 [tilespmem:s22], [sflag:$0x1], $0x80, s8, s13, $0xb8;
	[tilespmem:$0x1D000] =	vst v63  }
0x30c: {  	s9 =	simm.s32 $0x14A80  }
0x30d: {  	[spmem:s2] =	stream.indirect.scatter.add.f32 [tilespmem:s22], [sflag:$0x1], $0x80, s9, s13, $0xb8;
	[tilespmem:$0x1D000] =	vst v63  }
0x30e: {  	s21 =	simm.s32 $0x14B00  }
0x30f: {  	[spmem:s2] =	stream.indirect.scatter.add.f32 [tilespmem:s22], [sflag:$0x1], $0x80, s21, s13, $0xb8;
	[tilespmem:$0x1D000] =	vst v63  }
0x310: {  	s3 =	simm.s32 $0x14B80  }
0x311: {  	[spmem:s2] =	stream.indirect.scatter.add.f32 [tilespmem:s22], [sflag:$0x1], $0x80, s3, s13, $0xb8;
	[tilespmem:$0x1D000] =	vst v63  }
0x312: {  	s7 =	simm.s32 $0x14C00  }
0x313: {  	[tilespmem:s7], [sflag:$0xB] =	stream.linear.gather [hbm4b:s5+s19], $0x400, $0x38;
	[tilespmem:$0x1D000] =	vst v63  }
0x314: {  	_ =	swait.ge [sflag:s4], $0x400  }
0x315: {  	[sflag:s4] =	ssyncset.done $0x0  }
0x316: {  	[sflag:s4] =	ssyncadd.s32 $0xFFFFFC00  }
0x317: {  	[spmem:s2] =	stream.indirect.scatter.add.f32 [tilespmem:s22], [sflag:$0x1], $0x80, s7, s13, $0xb8;
	[tilespmem:$0x1D000] =	vst v63  }
0x318: {  	s8 =	simm.s32 $0x14C80  }
0x319: {  	[spmem:s2] =	stream.indirect.scatter.add.f32 [tilespmem:s22], [sflag:$0x1], $0x80, s8, s13, $0xb8;
	[tilespmem:$0x1D000] =	vst v63  }
0x31a: {  	s9 =	simm.s32 $0x14D00  }
0x31b: {  	[spmem:s2] =	stream.indirect.scatter.add.f32 [tilespmem:s22], [sflag:$0x1], $0x80, s9, s13, $0xb8;
	[tilespmem:$0x1D000] =	vst v63  }
0x31c: {  	s21 =	simm.s32 $0x14D80  }
0x31d: {  	[spmem:s2] =	stream.indirect.scatter.add.f32 [tilespmem:s22], [sflag:$0x1], $0x80, s21, s13, $0xb8;
	[tilespmem:$0x1D000] =	vst v63  }
0x31e: {  	s3 =	simm.s32 $0x14E00  }
0x31f: {  	[spmem:s2] =	stream.indirect.scatter.add.f32 [tilespmem:s22], [sflag:$0x1], $0x80, s3, s13, $0xb8;
	[tilespmem:$0x1D000] =	vst v63  }
0x320: {  	s5 =	simm.s32 $0x14E80  }
0x321: {  	[spmem:s2] =	stream.indirect.scatter.add.f32 [tilespmem:s22], [sflag:$0x1], $0x80, s5, s13, $0xb8;
	[tilespmem:$0x1D000] =	vst v63  }
0x322: {  	s7 =	simm.s32 $0x14F00  }
0x323: {  	[spmem:s2] =	stream.indirect.scatter.add.f32 [tilespmem:s22], [sflag:$0x1], $0x80, s7, s13, $0xb8;
	[tilespmem:$0x1D000] =	vst v63  }
0x324: {  	s8 =	simm.s32 $0x14F80  }
0x325: {  	[spmem:s2] =	stream.indirect.scatter.add.f32 [tilespmem:s22], [sflag:$0x1], $0x80, s8, s13, $0xb8;
	[tilespmem:$0x1D000] =	vst v63  }
0x326: {  	_ =	swait.ge [sflag:s18], $0x4000  }
0x327: {  	[sflag:s18] =	ssyncset.done $0x0  }
0x328: {  	[sflag:s18] =	ssyncadd.s32 $0xFFFFC000  }
0x329: {  	_ =	swait.ge [sflag:s18], $0x4000  }
0x32a: {  	[sflag:s18] =	ssyncset.done $0x0  }
0x32b: {  	[sflag:s18] =	ssyncadd.s32 $0xFFFFC000  }
0x32c: {  	_ =	swait.ge [sflag:s18], $0x4000  }
0x32d: {  	[sflag:s18] =	ssyncset.done $0x0  }
0x32e: {  	[sflag:s18] =	ssyncadd.s32 $0xFFFFC000  }
0x32f: {  	_ =	swait.ge [sflag:s18], $0x4000  }
0x330: {  	[sflag:s18] =	ssyncset.done $0x0  }
0x331: {  	[sflag:s18] =	ssyncadd.s32 $0xFFFFC000  }
0x332: {  	_ =	swait.ge [sflag:s18], $0x4000  }
0x333: {  	[sflag:s18] =	ssyncset.done $0x0  }
0x334: {  	[sflag:s18] =	ssyncadd.s32 $0xFFFFC000  }
0x335: {  	_ =	swait.ge [sflag:s18], $0x4000  }
0x336: {  	[sflag:s18] =	ssyncset.done $0x0  }
0x337: {  	[sflag:s18] =	ssyncadd.s32 $0xFFFFC000  }
0x338: {  	_ =	swait.ge [sflag:s18], $0x4000  }
0x339: {  	[sflag:s18] =	ssyncset.done $0x0  }
0x33a: {  	[sflag:s18] =	ssyncadd.s32 $0xFFFFC000  }
0x33b: {  	s9 =	simm.s32 $0x800;
	_ =	swait.ge [sflag:s18], $0x4000  }
0x33c: {  	s3 =	sand.u32 $0x400, s9;
	[sflag:s18] =	ssyncset.done $0x0  }
0x33d: {  	s0 =	sor.u32 $0x14800, s3;
	s5 =	rddreg [dreg:$0x1c];
	[sflag:s18] =	ssyncadd.s32 $0xFFFFC000  }
0x33e: {  	[tilespmem:s0], [sflag:$0xB] =	stream.linear.gather [hbm4b:s5+s19], $0x400, $0x38;
	[tilespmem:$0x1D000] =	vst v63  }
0x33f: {  	_ =	swait.ge [sflag:s4], $0x400  }
0x340: {  	[sflag:s4] =	ssyncset.done $0x0  }
0x341: {  	[sflag:s4] =	ssyncadd.s32 $0xFFFFFC00  }
0x342: {  	[spmem:s2] =	stream.indirect.scatter.add.f32 [tilespmem:s22], [sflag:$0x1], $0x80, s0, s13, $0xb8;
	[tilespmem:$0x1D000] =	vst v63  }
0x343: {  	s21 =	sor.u32 $0x14880, s3  }
0x344: {  	[spmem:s2] =	stream.indirect.scatter.add.f32 [tilespmem:s22], [sflag:$0x1], $0x80, s21, s13, $0xb8;
	[tilespmem:$0x1D000] =	vst v63  }
0x345: {  	s4 =	sor.u32 $0x14900, s3  }
0x346: {  	[spmem:s2] =	stream.indirect.scatter.add.f32 [tilespmem:s22], [sflag:$0x1], $0x80, s4, s13, $0xb8;
	[tilespmem:$0x1D000] =	vst v63  }
0x347: {  	s7 =	sor.u32 $0x14980, s3  }
0x348: {  	[spmem:s2] =	stream.indirect.scatter.add.f32 [tilespmem:s22], [sflag:$0x1], $0x80, s7, s13, $0xb8;
	[tilespmem:$0x1D000] =	vst v63  }
0x349: {  	s8 =	sor.u32 $0x14A00, s3  }
0x34a: {  	[spmem:s2] =	stream.indirect.scatter.add.f32 [tilespmem:s22], [sflag:$0x1], $0x80, s8, s13, $0xb8;
	[tilespmem:$0x1D000] =	vst v63  }
0x34b: {  	s9 =	sor.u32 $0x14A80, s3  }
0x34c: {  	[spmem:s2] =	stream.indirect.scatter.add.f32 [tilespmem:s22], [sflag:$0x1], $0x80, s9, s13, $0xb8;
	[tilespmem:$0x1D000] =	vst v63  }
0x34d: {  	s0 =	simm.s32 $0x3000;
	s21 =	sor.u32 $0x14B00, s3  }
0x34e: {  	[spmem:s2] =	stream.indirect.scatter.add.f32 [tilespmem:s22], [sflag:$0x1], $0x80, s21, s13, $0xb8;
	[tilespmem:$0x1D000] =	vst v63  }
0x34f: {  	s4 =	sor.u32 $0x14B80, s3;
	s3 =	sadd.s32 $0x80, s5;
	s21 =	simm.s32 $0xB  }
.LBB2_10:
0x350: {  	[spmem:s2] =	stream.indirect.scatter.add.f32 [tilespmem:s22], [sflag:$0x1], $0x80, s4, s13, $0xb8;
	[tilespmem:$0x1D000] =	vst v63  }
0x351: {  	s4 =	smov.u32 s0  }
0x352: {  	p0 =	sne.s32 s0, $0x9000;
	s0 =	sadd.s32 $0x1000, s0;
	_ =	swait.ge [sflag:s18], $0x4000  }
0x353: {  	[sflag:s18] =	ssyncset.done $0x0  }
0x354: {  	[sflag:s18] =	ssyncadd.s32 $0xFFFFC000  }
0x355: {  	_ =	swait.ge [sflag:s18], $0x4000  }
0x356: {  	[sflag:s18] =	ssyncset.done $0x0  }
0x357: {  	[sflag:s18] =	ssyncadd.s32 $0xFFFFC000  }
0x358: {  	_ =	swait.ge [sflag:s18], $0x4000  }
0x359: {  	[sflag:s18] =	ssyncset.done $0x0  }
0x35a: {  	[sflag:s18] =	ssyncadd.s32 $0xFFFFC000  }
0x35b: {  	_ =	swait.ge [sflag:s18], $0x4000  }
0x35c: {  	[sflag:s18] =	ssyncset.done $0x0  }
0x35d: {  	[sflag:s18] =	ssyncadd.s32 $0xFFFFC000  }
0x35e: {  	_ =	swait.ge [sflag:s18], $0x4000  }
0x35f: {  	[sflag:s18] =	ssyncset.done $0x0  }
0x360: {  	[sflag:s18] =	ssyncadd.s32 $0xFFFFC000  }
0x361: {  	_ =	swait.ge [sflag:s18], $0x4000  }
0x362: {  	[sflag:s18] =	ssyncset.done $0x0  }
0x363: {  	[sflag:s18] =	ssyncadd.s32 $0xFFFFC000  }
0x364: {  	_ =	swait.ge [sflag:s18], $0x4000  }
0x365: {  	[sflag:s18] =	ssyncset.done $0x0  }
0x366: {  	[sflag:s18] =	ssyncadd.s32 $0xFFFFC000  }
0x367: {  	s4 =	sshrl.u32 s4, $0x2;
	_ =	swait.ge [sflag:s18], $0x4000  }
0x368: {  	s4 =	sand.u32 $0x400, s4;
	[sflag:s18] =	ssyncset.done $0x0  }
0x369: {  	s5 =	sor.u32 $0x14800, s4;
	[sflag:s18] =	ssyncadd.s32 $0xFFFFC000  }
0x36a: {  	[tilespmem:s5], [sflag:$0xB] =	stream.linear.gather [hbm4b:s3+s19], $0x400, $0x38;
	[tilespmem:$0x1D000] =	vst v63  }
0x36b: {  	_ =	swait.ge [sflag:s21], $0x400  }
0x36c: {  	[sflag:s21] =	ssyncset.done $0x0  }
0x36d: {  	[sflag:s21] =	ssyncadd.s32 $0xFFFFFC00  }
0x36e: {  	[spmem:s2] =	stream.indirect.scatter.add.f32 [tilespmem:s22], [sflag:$0x1], $0x80, s5, s13, $0xb8;
	[tilespmem:$0x1D000] =	vst v63  }
0x36f: {  	s5 =	sor.u32 $0x14880, s4  }
0x370: {  	[spmem:s2] =	stream.indirect.scatter.add.f32 [tilespmem:s22], [sflag:$0x1], $0x80, s5, s13, $0xb8;
	[tilespmem:$0x1D000] =	vst v63  }
0x371: {  	s5 =	sor.u32 $0x14900, s4  }
0x372: {  	[spmem:s2] =	stream.indirect.scatter.add.f32 [tilespmem:s22], [sflag:$0x1], $0x80, s5, s13, $0xb8;
	[tilespmem:$0x1D000] =	vst v63  }
0x373: {  	s5 =	sor.u32 $0x14980, s4  }
0x374: {  	[spmem:s2] =	stream.indirect.scatter.add.f32 [tilespmem:s22], [sflag:$0x1], $0x80, s5, s13, $0xb8;
	[tilespmem:$0x1D000] =	vst v63  }
0x375: {  	s5 =	sor.u32 $0x14A00, s4  }
0x376: {  	[spmem:s2] =	stream.indirect.scatter.add.f32 [tilespmem:s22], [sflag:$0x1], $0x80, s5, s13, $0xb8;
	[tilespmem:$0x1D000] =	vst v63  }
.Ltmp4:
0x377: {  	s5 =	sor.u32 $0x14A80, s4;
	(pc) =	sbr.rel @p0 .LBB2_10-.Ltmp4, $4  }
0x378: {  	[spmem:s2] =	stream.indirect.scatter.add.f32 [tilespmem:s22], [sflag:$0x1], $0x80, s5, s13, $0xb8;
	[tilespmem:$0x1D000] =	vst v63  }
0x379: {  	s5 =	sor.u32 $0x14B00, s4  }
0x37a: {  	[spmem:s2] =	stream.indirect.scatter.add.f32 [tilespmem:s22], [sflag:$0x1], $0x80, s5, s13, $0xb8;
	[tilespmem:$0x1D000] =	vst v63  }
0x37b: {  	s3 =	sadd.s32 $0x80, s3;
	s4 =	sor.u32 $0x14B80, s4  }
0x37c: {  	[spmem:s2] =	stream.indirect.scatter.add.f32 [tilespmem:s22], [sflag:$0x1], $0x80, s4, s13, $0xb8;
	[tilespmem:$0x1D000] =	vst v63  }
0x37d: {  	_ =	swait.ge [sflag:s18], $0x4000  }
0x37e: {  	[sflag:s18] =	ssyncset.done $0x0  }
0x37f: {  	[sflag:s18] =	ssyncadd.s32 $0xFFFFC000  }
0x380: {  	_ =	swait.ge [sflag:s18], $0x4000  }
0x381: {  	[sflag:s18] =	ssyncset.done $0x0  }
0x382: {  	[sflag:s18] =	ssyncadd.s32 $0xFFFFC000  }
0x383: {  	_ =	swait.ge [sflag:s18], $0x4000  }
0x384: {  	[sflag:s18] =	ssyncset.done $0x0  }
0x385: {  	[sflag:s18] =	ssyncadd.s32 $0xFFFFC000  }
0x386: {  	_ =	swait.ge [sflag:s18], $0x4000  }
0x387: {  	[sflag:s18] =	ssyncset.done $0x0  }
0x388: {  	[sflag:s18] =	ssyncadd.s32 $0xFFFFC000  }
0x389: {  	_ =	swait.ge [sflag:s18], $0x4000  }
0x38a: {  	[sflag:s18] =	ssyncset.done $0x0  }
0x38b: {  	[sflag:s18] =	ssyncadd.s32 $0xFFFFC000  }
0x38c: {  	_ =	swait.ge [sflag:s18], $0x4000  }
0x38d: {  	[sflag:s18] =	ssyncset.done $0x0  }
0x38e: {  	[sflag:s18] =	ssyncadd.s32 $0xFFFFC000  }
0x38f: {  	_ =	swait.ge [sflag:s18], $0x4000  }
0x390: {  	[sflag:s18] =	ssyncset.done $0x0  }
0x391: {  	[sflag:s18] =	ssyncadd.s32 $0xFFFFC000  }
0x392: {  	_ =	swait.ge [sflag:s18], $0x4000  }
0x393: {  	[sflag:s18] =	ssyncset.done $0x0  }
0x394: {  	[sflag:s18] =	ssyncadd.s32 $0xFFFFC000  }
0x395: {  	_ =	swait.ge [sflag:s18], $0x4000  }
0x396: {  	[sflag:s18] =	ssyncset.done $0x0  }
0x397: {  	[sflag:s18] =	ssyncadd.s32 $0xFFFFC000  }
0x398: {  	_ =	swait.ge [sflag:s18], $0x4000  }
0x399: {  	[sflag:s18] =	ssyncset.done $0x0  }
0x39a: {  	[sflag:s18] =	ssyncadd.s32 $0xFFFFC000  }
0x39b: {  	_ =	swait.ge [sflag:s18], $0x4000  }
0x39c: {  	[sflag:s18] =	ssyncset.done $0x0  }
0x39d: {  	[sflag:s18] =	ssyncadd.s32 $0xFFFFC000  }
0x39e: {  	_ =	swait.ge [sflag:s18], $0x4000  }
0x39f: {  	[sflag:s18] =	ssyncset.done $0x0  }
0x3a0: {  	[sflag:s18] =	ssyncadd.s32 $0xFFFFC000  }
0x3a1: {  	_ =	swait.ge [sflag:s18], $0x4000  }
0x3a2: {  	[sflag:s18] =	ssyncset.done $0x0  }
0x3a3: {  	[sflag:s18] =	ssyncadd.s32 $0xFFFFC000  }
0x3a4: {  	_ =	swait.ge [sflag:s18], $0x4000  }
0x3a5: {  	[sflag:s18] =	ssyncset.done $0x0  }
0x3a6: {  	[sflag:s18] =	ssyncadd.s32 $0xFFFFC000  }
0x3a7: {  	_ =	swait.ge [sflag:s18], $0x4000  }
0x3a8: {  	[sflag:s18] =	ssyncset.done $0x0  }
0x3a9: {  	[sflag:s18] =	ssyncadd.s32 $0xFFFFC000  }
0x3aa: {  	_ =	swait.ge [sflag:s18], $0x4000  }
0x3ab: {  	[sflag:s18] =	ssyncset.done $0x0  }
0x3ac: {  	[sflag:s18] =	ssyncadd.s32 $0xFFFFC000  }
0x3ad: {  	[bflag:$0x0] =	sbarrier.arrive $0xFFFF  }
0x3ae: {  	[tilespmem:s6], [sflag:$0xB] =	stream.linear.gather [spmem:s15], $0x4000, $0x38;
	[tilespmem:$0x1D000] =	vst v63  }
0x3af: {  	_ =	swait.ge [sflag:s21], $0x4000  }
0x3b0: {  	[sflag:s21] =	ssyncset.done $0x0  }
0x3b1: {  	s0 =	rddreg [dreg:$0xd];
	[sflag:s21] =	ssyncadd.s32 $0xFFFFC000  }
0x3b2: {  	[hbm4b:s0+s19] =	stream.linear.scatter [tilespmem:s6], [sflag:$0xB], $0x4000, $0x38;
	[tilespmem:$0x1D000] =	vst v63  }
0x3b3: {  	_ =	swait.ge [sflag:s21], $0x4000  }
0x3b4: {  	[sflag:s21] =	ssyncset.done $0x0  }
0x3b5: {  	[sflag:s21] =	ssyncadd.s32 $0xFFFFC000  }
0x3b6: {  	[tilespmem:s6], [sflag:$0xB] =	stream.linear.gather [spmem:s23], $0x4000, $0x38;
	[tilespmem:$0x1D000] =	vst v63  }
0x3b7: {  	_ =	swait.ge [sflag:s21], $0x4000  }
0x3b8: {  	[sflag:s21] =	ssyncset.done $0x0  }
0x3b9: {  	s5 =	rddreg [dreg:$0xe];
	[sflag:s21] =	ssyncadd.s32 $0xFFFFC000  }
0x3ba: {  	[hbm4b:s5+s19] =	stream.linear.scatter [tilespmem:s6], [sflag:$0xB], $0x4000, $0x38;
	[tilespmem:$0x1D000] =	vst v63  }
0x3bb: {  	_ =	swait.ge [sflag:s21], $0x4000  }
0x3bc: {  	[sflag:s21] =	ssyncset.done $0x0  }
0x3bd: {  	[sflag:s21] =	ssyncadd.s32 $0xFFFFC000  }
0x3be: {  	[tilespmem:s6], [sflag:$0xB] =	stream.linear.gather [spmem:s25], $0x4000, $0x38;
	[tilespmem:$0x1D000] =	vst v63  }
0x3bf: {  	_ =	swait.ge [sflag:s21], $0x4000  }
0x3c0: {  	[sflag:s21] =	ssyncset.done $0x0  }
0x3c1: {  	s7 =	rddreg [dreg:$0xf];
	[sflag:s21] =	ssyncadd.s32 $0xFFFFC000  }
0x3c2: {  	[hbm4b:s7+s19] =	stream.linear.scatter [tilespmem:s6], [sflag:$0xB], $0x4000, $0x38;
	[tilespmem:$0x1D000] =	vst v63  }
0x3c3: {  	_ =	swait.ge [sflag:s21], $0x4000  }
0x3c4: {  	[sflag:s21] =	ssyncset.done $0x0  }
0x3c5: {  	[sflag:s21] =	ssyncadd.s32 $0xFFFFC000  }
0x3c6: {  	[tilespmem:s6], [sflag:$0xB] =	stream.linear.gather [spmem:s28], $0x4000, $0x38;
	[tilespmem:$0x1D000] =	vst v63  }
0x3c7: {  	_ =	swait.ge [sflag:s21], $0x4000  }
0x3c8: {  	[sflag:s21] =	ssyncset.done $0x0  }
0x3c9: {  	s8 =	rddreg [dreg:$0x10];
	[sflag:s21] =	ssyncadd.s32 $0xFFFFC000  }
0x3ca: {  	[hbm4b:s8+s19] =	stream.linear.scatter [tilespmem:s6], [sflag:$0xB], $0x4000, $0x38;
	[tilespmem:$0x1D000] =	vst v63  }
0x3cb: {  	_ =	swait.ge [sflag:s21], $0x4000  }
0x3cc: {  	[sflag:s21] =	ssyncset.done $0x0  }
0x3cd: {  	[sflag:s21] =	ssyncadd.s32 $0xFFFFC000  }
0x3ce: {  	[tilespmem:s6], [sflag:$0xB] =	stream.linear.gather [spmem:s30], $0x4000, $0x38;
	[tilespmem:$0x1D000] =	vst v63  }
0x3cf: {  	_ =	swait.ge [sflag:s21], $0x4000  }
0x3d0: {  	[sflag:s21] =	ssyncset.done $0x0  }
0x3d1: {  	s9 =	rddreg [dreg:$0x11];
	[sflag:s21] =	ssyncadd.s32 $0xFFFFC000  }
0x3d2: {  	[hbm4b:s9+s19] =	stream.linear.scatter [tilespmem:s6], [sflag:$0xB], $0x4000, $0x38;
	[tilespmem:$0x1D000] =	vst v63  }
0x3d3: {  	_ =	swait.ge [sflag:s21], $0x4000  }
0x3d4: {  	s3 =	rddreg [dreg:$0x1d]  }
0x3d5: {  	s19 =	rddreg [dreg:$0x1b];
	s3 =	sadd.s32 $0x1, s3  }
0x3d6: {  	p0 =	sne.s32 s3, s19  }
.Ltmp5:
0x3d7: {  	_ = 	snop;
	(pc) =	sbr.rel @p0 .LBB2_1-.Ltmp5, $4  }
0x3d8: {  	_ = 	snop  }
0x3d9: {  	s4 =	simm.s32 $0xB  }
0x3da: {  	s8 =	simm.s32 $0x17000;
	s9 =	simm.s32 $0x18000;
	[sflag:s21] =	ssyncset.done $0x0  }
0x3db: {  	s6 =	simm.s32 $0x1A000;
	[sflag:s21] =	ssyncadd.s32 $0xFFFFC000;
	s21 =	simm.s32 $0x16000  }
0x3dc: {  	_ =	sfence.sel $0x180000  }
0x3dd: {  	[bflag:$0x0] =	sbarrier.arrive $0xFFFF  }
0x3de: {  	_ =	strace $0x90000047  }
0x3df: {  	s0 =	stileid.u32;
	[bflag:$0x2] =	sbarrier.arrive $0xFFFF  }
0x3e0: {  	p0 =	sne.s32 s0, $0x0;
	s0 =	rddreg [dreg:$0x4]  }
0x3e1: {  	s0 =	sadd.s32 @!p0 $0x100000, s0  }
0x3e2: {  	[sflag:s0] =	ssyncadd.tile.s32 @!p0 $0x1;
	_ =	shalt  }
.Lfunc_end2:
_tile_overlayer_lowered:
.L_overlay_start_2:
0x3e3: {  	(tag) =	ssettag $0x2  }
0x3e4: {  	s0 =	rddreg [dreg:$0x0];
	s2 =	stileid.u32  }
0x3e5: {  	s1 =	rddreg [dreg:$0x1];
	p0 =	sne.s32 s2, $0x0  }
0x3e6: {  	s3 =	rddreg [dreg:$0x2];
	[bflag:$0x3] =	sbarrier.arrive $0xFFFF;
	s2 =	simm.s32 @!p0 $0x1C0B  }
0x3e7: {  	[timem:s3], [sflag:s2] =	dma.local @!p0 [hbm:s0], s1  }
0x3e8: {  	s0 =	simm.s32 @!p0 $0xB  }
0x3e9: {  	_ =	swait.ge @!p0 [sflag:s0], s1  }
0x3ea: {  	s1 =	ssub.s32 @!p0 $0x0, s1;
	[sflag:s0] =	ssyncset.done @!p0 $0x0  }
0x3eb: {  	[sflag:s0] =	ssyncadd.s32 @!p0 s1  }
0x3ec: {  	[bflag:$0x3] =	sbarrier.arrive $0xFFFF  }
0x3ed: {  	_ =	shalt  }

</sc_bundles>
